<compile_context>
chip_gen: v7x
topology: tpu7x:2x2x1
jax: 0.10.2.dev20260603
libtpu: 0.0.44.dev20260713+nightly
codegen_flags: <defaults>
</compile_context>

<pallas_src>
import functools

import jax
import jax.numpy as jnp
import numpy as np
from jax import lax
from jax.experimental import pallas as pl
from jax.experimental.pallas import tpu as pltpu
from jax.experimental.pallas import tpu_sc as plsc

N = 10000
E = 320000
D = 128
H = 128
C = 40
CP = 40

NW = 32
K = 128
NCHUNK = 80
GK = 8
NG = NCHUNK // GK
EP = NW * NCHUNK * K
EPW = EP // NW
NPAD = 10240
RPT = NPAD // 16
ZR = K


def _agg_body(p_hbm, src_hbm, dst_hbm, zero_hbm, out_hbm,
              accum, src_v, dst_v, buf0, buf1, gsem0, gsem1, isem):
    c = lax.axis_index("c")
    s = lax.axis_index("s")
    w = c * 16 + s
    base = s * RPT
    bufs = (buf0, buf1)
    sems = (gsem0, gsem1)

    pltpu.sync_copy(zero_hbm, buf0)
    for i in range(RPT // ZR):
        pltpu.async_copy(buf0, accum.at[pl.ds(base + i * ZR, ZR)], isem)
    pltpu.sync_copy(src_hbm.at[w, pl.ds(0, GK)], src_v.at[0])
    pltpu.sync_copy(dst_hbm.at[w, pl.ds(0, GK)], dst_v.at[0])
    for i in range(RPT // ZR):
        pltpu.make_async_copy(buf0, accum.at[pl.ds(base + i * ZR, ZR)],
                              isem).wait()
    plsc.subcore_barrier()

    pltpu.async_copy(p_hbm.at[src_v.at[0, 0]], buf0, gsem0)

    def group(g, carry):
        p = lax.rem(g, 2)
        q = 1 - p
        more = g + 1 < NG

        @pl.when(more)
        def _prefetch():
            pltpu.async_copy(src_hbm.at[w, pl.ds((g + 1) * GK, GK)],
                             src_v.at[q], isem)
            pltpu.async_copy(dst_hbm.at[w, pl.ds((g + 1) * GK, GK)],
                             dst_v.at[q], isem)

        for j in range(GK):
            b = j % 2
            nb = 1 - b
            if j + 1 < GK:
                pltpu.async_copy(p_hbm.at[src_v.at[p, j + 1]],
                                 bufs[nb], sems[nb])
            else:
                @pl.when(more)
                def _next_group():
                    pltpu.make_async_copy(
                        src_hbm.at[w, pl.ds((g + 1) * GK, GK)],
                        src_v.at[q], isem).wait()
                    pltpu.make_async_copy(
                        dst_hbm.at[w, pl.ds((g + 1) * GK, GK)],
                        dst_v.at[q], isem).wait()
                    pltpu.async_copy(p_hbm.at[src_v.at[q, 0]],
                                     bufs[nb], sems[nb])
            pltpu.make_async_copy(p_hbm.at[src_v.at[p, j]],
                                  bufs[b], sems[b]).wait()
            pltpu.sync_copy(bufs[b], accum.at[dst_v.at[p, j]], add=True)
        return carry

    lax.fori_loop(0, NG, group, 0)

    plsc.subcore_barrier()
    pltpu.sync_copy(accum.at[pl.ds(base, ZR)], buf0)
    for i in range(RPT // ZR):
        bo = bufs[i % 2]
        bn = bufs[(i + 1) % 2]
        if i + 1 < RPT // ZR:
            pltpu.async_copy(accum.at[pl.ds(base + (i + 1) * ZR, ZR)],
                             bn, isem)
        pltpu.sync_copy(bo, out_hbm.at[pl.ds(c * NPAD + base + i * ZR, ZR)])
        if i + 1 < RPT // ZR:
            pltpu.make_async_copy(accum.at[pl.ds(base + (i + 1) * ZR, ZR)],
                                  bn, isem).wait()


@functools.cache
def _make_agg(dw: int):
    mesh = plsc.VectorSubcoreMesh(core_axis_name="c", subcore_axis_name="s")
    params = None
    if dw != 128:
        params = pltpu.CompilerParams(use_tc_tiling_on_sc=False)
    return pl.kernel(
        _agg_body,
        out_type=jax.ShapeDtypeStruct((2 * NPAD, dw), jnp.float32),
        mesh=mesh,
        compiler_params=params,
        scratch_types=[
            pltpu.VMEM_SHARED((NPAD, dw), jnp.float32),
            pltpu.VMEM((2, GK, K), jnp.int32),
            pltpu.VMEM((2, GK, K), jnp.int32),
            pltpu.VMEM((K, dw), jnp.float32),
            pltpu.VMEM((K, dw), jnp.float32),
            pltpu.SemaphoreType.DMA,
            pltpu.SemaphoreType.DMA,
            pltpu.SemaphoreType.DMA,
        ],
    )


_RB = 1000
_RBP = 1024
_NBP = NPAD // _RBP


def _proj_body(x_ref, w_ref, o_ref):
    o_ref[...] = jnp.dot(x_ref[...], w_ref[...],
                         preferred_element_type=jnp.float32)


def _proj(x, w):
    n, d = x.shape
    dout = w.shape[1]
    return pl.pallas_call(
        _proj_body,
        grid=(n // _RB,),
        in_specs=[pl.BlockSpec((_RB, d), lambda i: (i, 0)),
                  pl.BlockSpec((d, dout), lambda i: (0, 0))],
        out_specs=pl.BlockSpec((_RB, dout), lambda i: (i, 0)),
        out_shape=jax.ShapeDtypeStruct((n, dout), jnp.float32),
    )(x, w)


def _fuse_body(ma_ref, mb_ref, n_ref, b_ref, w_ref, o_ref):
    m = ma_ref[...] + mb_ref[...]
    h = jnp.maximum(m * n_ref[...] + b_ref[...][None, :], 0.0)
    o_ref[...] = jnp.dot(h, w_ref[...], preferred_element_type=jnp.float32)


def _fuse(mm, normp, b, w):
    d = mm.shape[1]
    dout = w.shape[1]
    return pl.pallas_call(
        _fuse_body,
        grid=(_NBP,),
        in_specs=[pl.BlockSpec((_RBP, d), lambda i: (i, 0)),
                  pl.BlockSpec((_RBP, d), lambda i: (_NBP + i, 0)),
                  pl.BlockSpec((_RBP, 1), lambda i: (i, 0)),
                  pl.BlockSpec((d,), lambda i: (0,)),
                  pl.BlockSpec((d, dout), lambda i: (0, 0))],
        out_specs=pl.BlockSpec((_RBP, dout), lambda i: (i, 0)),
        out_shape=jax.ShapeDtypeStruct((NPAD, dout), jnp.float32),
    )(mm, mm, normp, b, w)


def _final_body(ma_ref, mb_ref, n_ref, b_ref, o_ref):
    m = ma_ref[...] + mb_ref[...]
    o_ref[...] = m * n_ref[...] + b_ref[...][None, :]


def _final(mm, normp, b):
    d = mm.shape[1]
    return pl.pallas_call(
        _final_body,
        grid=(_NBP,),
        in_specs=[pl.BlockSpec((_RBP, d), lambda i: (i, 0)),
                  pl.BlockSpec((_RBP, d), lambda i: (_NBP + i, 0)),
                  pl.BlockSpec((_RBP, 1), lambda i: (i, 0)),
                  pl.BlockSpec((d,), lambda i: (0,))],
        out_specs=pl.BlockSpec((_RBP, d), lambda i: (i, 0)),
        out_shape=jax.ShapeDtypeStruct((NPAD, d), jnp.float32),
    )(mm, mm, normp, b)


def kernel(x, edge_index, norm, W0, b0, W1, b1, W2, b2):
    epw_real = E // NW
    pade = EPW - epw_real
    pad_s = jnp.asarray(np.broadcast_to(
        (np.arange(pade, dtype=np.int32) * 41) % N, (NW, pade)))
    pad_d = jnp.asarray(np.broadcast_to(
        N + np.arange(pade, dtype=np.int32) % (NPAD - N), (NW, pade)))
    src = jnp.concatenate(
        [edge_index[0].reshape(NW, epw_real), pad_s], axis=1
    ).reshape(NW, NCHUNK, K)
    dst = jnp.concatenate(
        [edge_index[1].reshape(NW, epw_real), pad_d], axis=1
    ).reshape(NW, NCHUNK, K)
    normp = jnp.pad(norm.reshape(N, 1), ((0, NPAD - N), (0, 0)))
    zero128 = jnp.zeros((ZR, D), jnp.float32)
    zero64 = jnp.zeros((ZR, CP), jnp.float32)
    W2p = W2 if CP == C else jnp.pad(W2, ((0, 0), (0, CP - C)))
    b2p = b2 if CP == C else jnp.pad(b2, (0, CP - C))

    agg_d = _make_agg(D)
    agg_c = _make_agg(CP)

    p0 = _proj(x, W0)
    m0 = agg_d(p0, src, dst, zero128)
    p1 = _fuse(m0, normp, b0, W1)
    m1 = agg_d(p1, src, dst, zero128)
    p2 = _fuse(m1, normp, b1, W2p)
    m2 = agg_c(p2, src, dst, zero64)
    out = _final(m2, normp, b2p)
    return out[:N, :C] if CP != C else out[:N]

# --- scband reference (transcript-rebuilt; emitter-appended) ---
"""Pipeline reference for scband-gcninfer-18141941859039 (READ-ONLY COPY).

The authoritative reference and input builder live on the scoring server;
editing this copy changes nothing except your own understanding.
"""

import jax, jax.numpy as jnp
import numpy as np

N = 10000
E = 320000
D = 128
H = 128
C = 40


def setup_inputs(seed: int = 0) -> dict:
    key = jax.random.key(seed)
    ks = jax.random.split(key, 10)
    x = jax.random.normal(ks[0], (N, D), dtype=jnp.float32)
    edge_index = jax.random.randint(ks[1], (2, E), 0, N, dtype=jnp.int32)
    norm = jax.random.uniform(ks[2], (N, 1), dtype=jnp.float32)
    W0 = jax.random.normal(ks[3], (D, H), dtype=jnp.float32) * 0.05
    b0 = jnp.zeros((H,), dtype=jnp.float32)
    W1 = jax.random.normal(ks[4], (H, H), dtype=jnp.float32) * 0.05
    b1 = jnp.zeros((H,), dtype=jnp.float32)
    W2 = jax.random.normal(ks[5], (H, C), dtype=jnp.float32) * 0.05
    b2 = jnp.zeros((C,), dtype=jnp.float32)
    return {"x": x, "edge_index": edge_index, "norm": norm,
            "W0": W0, "b0": b0, "W1": W1, "b1": b1, "W2": W2, "b2": b2}


def reference(x, edge_index, norm, W0, b0, W1, b1, W2, b2):
    # GCNInfer: 3 blocks of (copy_src -> sum aggregation -> NodeUpdate with test=True)
    # NodeUpdate(test=True): h = (agg * norm) @ W + b, optional relu activation.
    src = edge_index[0]
    dst = edge_index[1]
    h = x
    # layer 0: in_feats -> n_hidden, relu
    m = jax.ops.segment_sum(h[src], dst, num_segments=N)
    h = jnp.maximum((m * norm) @ W0 + b0, 0.0)
    # layer 1: n_hidden -> n_hidden, relu
    m = jax.ops.segment_sum(h[src], dst, num_segments=N)
    h = jnp.maximum((m * norm) @ W1 + b1, 0.0)
    # output layer: n_hidden -> n_classes, no activation
    m = jax.ops.segment_sum(h[src], dst, num_segments=N)
    h = (m * norm) @ W2 + b2
    return h

if __name__ == "__main__":
    import jax
    _d = setup_inputs()
    print(jax.jit(kernel)(*tuple(_d.values())))

</pallas_src>

<mosaic_0001>
#map = affine_map<(d0, d1) -> (0, 0)>
#map1 = affine_map<(d0, d1) -> (0, 0, 0)>
module attributes {stable_mosaic.version = 14 : i64} {
  func.func @_agg_body(%arg0: i32, %arg1: i32, %arg2: memref<10240x40xf32, #tpu.memory_space<hbm>>, %arg3: memref<32x80x128xi32, #tpu.memory_space<hbm>>, %arg4: memref<32x80x128xi32, #tpu.memory_space<hbm>>, %arg5: memref<128x40xf32, #tpu.memory_space<hbm>>, %arg6: memref<20480x40xf32, #tpu.memory_space<hbm>>, %arg7: memref<10240x40xf32, #tpu.memory_space<vmem_shared>>, %arg8: memref<2x8x128xi32, #tpu.memory_space<vmem>>, %arg9: memref<2x8x128xi32, #tpu.memory_space<vmem>>, %arg10: memref<128x40xf32, #tpu.memory_space<vmem>>, %arg11: memref<128x40xf32, #tpu.memory_space<vmem>>, %arg12: memref<!tpu.dma_semaphore, #tpu.memory_space<semaphore_mem>>, %arg13: memref<!tpu.dma_semaphore, #tpu.memory_space<semaphore_mem>>, %arg14: memref<!tpu.dma_semaphore, #tpu.memory_space<semaphore_mem>>) attributes {dimension_semantics = [#tpu.dimension_semantics<core_parallel>, #tpu.dimension_semantics<subcore_parallel>], iteration_bounds = array<i64: 2, 16>, scalar_prefetch = 0 : i64, scratch_operands = 8 : i64, tpu.core_type = #tpu.core_type<sc_vector_subcore>, window_params = [{transform_indices = #map}, {transform_indices = #map1}, {transform_indices = #map1}, {transform_indices = #map}, {transform_indices = #map}]} {
    %mul3A = arith.constant 16 : i32
    %mul3A_0 = arith.muli %arg0, %mul3A : i32
    %add3A = arith.addi %mul3A_0, %arg1 : i32
    %mul3A_1 = arith.constant 640 : i32
    %mul3A_2 = arith.muli %arg1, %mul3A_1 : i32
    "tpu.region"() ({
      %run_scoped3A_149 = tpu.sem_alloc : memref<!tpu.dma_semaphore, #tpu.memory_space<semaphore_mem>>
      tpu.enqueue_dma source(%arg5 : memref<128x40xf32, #tpu.memory_space<hbm>>) target(%arg10 : memref<128x40xf32, #tpu.memory_space<vmem>>) target_semaphore(%run_scoped3A_149 : memref<!tpu.dma_semaphore, #tpu.memory_space<semaphore_mem>>)
      tpu.wait_dma2 semaphore(%run_scoped3A_149 : memref<!tpu.dma_semaphore, #tpu.memory_space<semaphore_mem>>) src(%arg5 : memref<128x40xf32, #tpu.memory_space<hbm>>) dst(%arg10 : memref<128x40xf32, #tpu.memory_space<vmem>>)
      tpu.yield
    }) : () -> ()
    %add3A_3 = arith.constant 0 : i32
    %add3A_4 = arith.addi %mul3A_2, %add3A_3 : i32
    %dma_start3A = arith.constant 0 : i32
    %dma_start3A_5 = tpu.memref_slice %arg7[%add3A_4, %dma_start3A] : memref<10240x40xf32, #tpu.memory_space<vmem_shared>> -> memref<128x40xf32, #tpu.memory_space<vmem_shared>>
    %dma_start3A_6 = arith.constant 0 : i32
    %dma_start3A_7 = tpu.memref_slice %arg7[%add3A_4, %dma_start3A_6] : memref<10240x40xf32, #tpu.memory_space<vmem_shared>> -> memref<128x40xf32, #tpu.memory_space<vmem_shared>>
    tpu.enqueue_dma source(%arg10 : memref<128x40xf32, #tpu.memory_space<vmem>>) target(%dma_start3A_7 : memref<128x40xf32, #tpu.memory_space<vmem_shared>>) target_semaphore(%arg14 : memref<!tpu.dma_semaphore, #tpu.memory_space<semaphore_mem>>)
    %add3A_8 = arith.constant 128 : i32
    %add3A_9 = arith.addi %mul3A_2, %add3A_8 : i32
    %dma_start3A_10 = arith.constant 0 : i32
    %dma_start3A_11 = tpu.memref_slice %arg7[%add3A_9, %dma_start3A_10] : memref<10240x40xf32, #tpu.memory_space<vmem_shared>> -> memref<128x40xf32, #tpu.memory_space<vmem_shared>>
    %dma_start3A_12 = arith.constant 0 : i32
    %dma_start3A_13 = tpu.memref_slice %arg7[%add3A_9, %dma_start3A_12] : memref<10240x40xf32, #tpu.memory_space<vmem_shared>> -> memref<128x40xf32, #tpu.memory_space<vmem_shared>>
    tpu.enqueue_dma source(%arg10 : memref<128x40xf32, #tpu.memory_space<vmem>>) target(%dma_start3A_13 : memref<128x40xf32, #tpu.memory_space<vmem_shared>>) target_semaphore(%arg14 : memref<!tpu.dma_semaphore, #tpu.memory_space<semaphore_mem>>)
    %add3A_14 = arith.constant 256 : i32
    %add3A_15 = arith.addi %mul3A_2, %add3A_14 : i32
    %dma_start3A_16 = arith.constant 0 : i32
    %dma_start3A_17 = tpu.memref_slice %arg7[%add3A_15, %dma_start3A_16] : memref<10240x40xf32, #tpu.memory_space<vmem_shared>> -> memref<128x40xf32, #tpu.memory_space<vmem_shared>>
    %dma_start3A_18 = arith.constant 0 : i32
    %dma_start3A_19 = tpu.memref_slice %arg7[%add3A_15, %dma_start3A_18] : memref<10240x40xf32, #tpu.memory_space<vmem_shared>> -> memref<128x40xf32, #tpu.memory_space<vmem_shared>>
    tpu.enqueue_dma source(%arg10 : memref<128x40xf32, #tpu.memory_space<vmem>>) target(%dma_start3A_19 : memref<128x40xf32, #tpu.memory_space<vmem_shared>>) target_semaphore(%arg14 : memref<!tpu.dma_semaphore, #tpu.memory_space<semaphore_mem>>)
    %add3A_20 = arith.constant 384 : i32
    %add3A_21 = arith.addi %mul3A_2, %add3A_20 : i32
    %dma_start3A_22 = arith.constant 0 : i32
    %dma_start3A_23 = tpu.memref_slice %arg7[%add3A_21, %dma_start3A_22] : memref<10240x40xf32, #tpu.memory_space<vmem_shared>> -> memref<128x40xf32, #tpu.memory_space<vmem_shared>>
    %dma_start3A_24 = arith.constant 0 : i32
    %dma_start3A_25 = tpu.memref_slice %arg7[%add3A_21, %dma_start3A_24] : memref<10240x40xf32, #tpu.memory_space<vmem_shared>> -> memref<128x40xf32, #tpu.memory_space<vmem_shared>>
    tpu.enqueue_dma source(%arg10 : memref<128x40xf32, #tpu.memory_space<vmem>>) target(%dma_start3A_25 : memref<128x40xf32, #tpu.memory_space<vmem_shared>>) target_semaphore(%arg14 : memref<!tpu.dma_semaphore, #tpu.memory_space<semaphore_mem>>)
    %add3A_26 = arith.constant 512 : i32
    %add3A_27 = arith.addi %mul3A_2, %add3A_26 : i32
    %dma_start3A_28 = arith.constant 0 : i32
    %dma_start3A_29 = tpu.memref_slice %arg7[%add3A_27, %dma_start3A_28] : memref<10240x40xf32, #tpu.memory_space<vmem_shared>> -> memref<128x40xf32, #tpu.memory_space<vmem_shared>>
    %dma_start3A_30 = arith.constant 0 : i32
    %dma_start3A_31 = tpu.memref_slice %arg7[%add3A_27, %dma_start3A_30] : memref<10240x40xf32, #tpu.memory_space<vmem_shared>> -> memref<128x40xf32, #tpu.memory_space<vmem_shared>>
    tpu.enqueue_dma source(%arg10 : memref<128x40xf32, #tpu.memory_space<vmem>>) target(%dma_start3A_31 : memref<128x40xf32, #tpu.memory_space<vmem_shared>>) target_semaphore(%arg14 : memref<!tpu.dma_semaphore, #tpu.memory_space<semaphore_mem>>)
    %run_scoped3A = arith.constant 0 : i32
    "tpu.region"() ({
      %run_scoped3A_149 = tpu.sem_alloc : memref<!tpu.dma_semaphore, #tpu.memory_space<semaphore_mem>>
      %dma_start3A_150 = arith.constant 0 : i32
      %dma_start3A_151 = arith.constant 0 : i32
      %dma_start3A_152 = tpu.memref_slice %arg8[%run_scoped3A, %dma_start3A_150, %dma_start3A_151] : memref<2x8x128xi32, #tpu.memory_space<vmem>> -> memref<1x8x128xi32, #tpu.memory_space<vmem>>
      %dma_start3A_153 = tpu.memref_squeeze %dma_start3A_152 : memref<1x8x128xi32, #tpu.memory_space<vmem>> -> memref<8x128xi32, #tpu.memory_space<vmem>>
      %dma_start3A_154 = arith.constant 0 : i32
      %dma_start3A_155 = arith.constant 0 : i32
      %dma_start3A_156 = tpu.memref_slice %arg3[%add3A, %dma_start3A_154, %dma_start3A_155] : memref<32x80x128xi32, #tpu.memory_space<hbm>> -> memref<1x8x128xi32, #tpu.memory_space<hbm>>
      %dma_start3A_157 = tpu.memref_squeeze %dma_start3A_156 : memref<1x8x128xi32, #tpu.memory_space<hbm>> -> memref<8x128xi32, #tpu.memory_space<hbm>>
      %dma_start3A_158 = arith.constant 0 : i32
      %dma_start3A_159 = arith.constant 0 : i32
      %dma_start3A_160 = tpu.memref_slice %arg8[%run_scoped3A, %dma_start3A_158, %dma_start3A_159] : memref<2x8x128xi32, #tpu.memory_space<vmem>> -> memref<1x8x128xi32, #tpu.memory_space<vmem>>
      %dma_start3A_161 = tpu.memref_squeeze %dma_start3A_160 : memref<1x8x128xi32, #tpu.memory_space<vmem>> -> memref<8x128xi32, #tpu.memory_space<vmem>>
      %dma_start3A_162 = arith.constant 0 : i32
      %dma_start3A_163 = arith.constant 0 : i32
      %dma_start3A_164 = tpu.memref_slice %arg3[%add3A, %dma_start3A_162, %dma_start3A_163] : memref<32x80x128xi32, #tpu.memory_space<hbm>> -> memref<1x8x128xi32, #tpu.memory_space<hbm>>
      %dma_start3A_165 = tpu.memref_squeeze %dma_start3A_164 : memref<1x8x128xi32, #tpu.memory_space<hbm>> -> memref<8x128xi32, #tpu.memory_space<hbm>>
      tpu.enqueue_dma source(%dma_start3A_165 : memref<8x128xi32, #tpu.memory_space<hbm>>) target(%dma_start3A_161 : memref<8x128xi32, #tpu.memory_space<vmem>>) target_semaphore(%run_scoped3A_149 : memref<!tpu.dma_semaphore, #tpu.memory_space<semaphore_mem>>)
      %dma_wait3A_166 = arith.constant 0 : i32
      %dma_wait3A_167 = arith.constant 0 : i32
      %dma_wait3A_168 = tpu.memref_slice %arg8[%run_scoped3A, %dma_wait3A_166, %dma_wait3A_167] : memref<2x8x128xi32, #tpu.memory_space<vmem>> -> memref<1x8x128xi32, #tpu.memory_space<vmem>>
      %dma_wait3A_169 = tpu.memref_squeeze %dma_wait3A_168 : memref<1x8x128xi32, #tpu.memory_space<vmem>> -> memref<8x128xi32, #tpu.memory_space<vmem>>
      %dma_wait3A_170 = arith.constant 0 : i32
      %dma_wait3A_171 = arith.constant 0 : i32
      %dma_wait3A_172 = tpu.memref_slice %arg3[%add3A, %dma_wait3A_170, %dma_wait3A_171] : memref<32x80x128xi32, #tpu.memory_space<hbm>> -> memref<1x8x128xi32, #tpu.memory_space<hbm>>
      %dma_wait3A_173 = tpu.memref_squeeze %dma_wait3A_172 : memref<1x8x128xi32, #tpu.memory_space<hbm>> -> memref<8x128xi32, #tpu.memory_space<hbm>>
      %dma_wait3A_174 = arith.constant 0 : i32
      %dma_wait3A_175 = arith.constant 0 : i32
      %dma_wait3A_176 = tpu.memref_slice %arg8[%run_scoped3A, %dma_wait3A_174, %dma_wait3A_175] : memref<2x8x128xi32, #tpu.memory_space<vmem>> -> memref<1x8x128xi32, #tpu.memory_space<vmem>>
      %dma_wait3A_177 = tpu.memref_squeeze %dma_wait3A_176 : memref<1x8x128xi32, #tpu.memory_space<vmem>> -> memref<8x128xi32, #tpu.memory_space<vmem>>
      %dma_wait3A_178 = arith.constant 0 : i32
      %dma_wait3A_179 = arith.constant 0 : i32
      %dma_wait3A_180 = tpu.memref_slice %arg3[%add3A, %dma_wait3A_178, %dma_wait3A_179] : memref<32x80x128xi32, #tpu.memory_space<hbm>> -> memref<1x8x128xi32, #tpu.memory_space<hbm>>
      %dma_wait3A_181 = tpu.memref_squeeze %dma_wait3A_180 : memref<1x8x128xi32, #tpu.memory_space<hbm>> -> memref<8x128xi32, #tpu.memory_space<hbm>>
      tpu.wait_dma2 semaphore(%run_scoped3A_149 : memref<!tpu.dma_semaphore, #tpu.memory_space<semaphore_mem>>) src(%dma_wait3A_181 : memref<8x128xi32, #tpu.memory_space<hbm>>) dst(%dma_wait3A_177 : memref<8x128xi32, #tpu.memory_space<vmem>>)
      tpu.yield
    }) : () -> ()
    %run_scoped3A_32 = arith.constant 0 : i32
    "tpu.region"() ({
      %run_scoped3A_149 = tpu.sem_alloc : memref<!tpu.dma_semaphore, #tpu.memory_space<semaphore_mem>>
      %dma_start3A_150 = arith.constant 0 : i32
      %dma_start3A_151 = arith.constant 0 : i32
      %dma_start3A_152 = tpu.memref_slice %arg9[%run_scoped3A_32, %dma_start3A_150, %dma_start3A_151] : memref<2x8x128xi32, #tpu.memory_space<vmem>> -> memref<1x8x128xi32, #tpu.memory_space<vmem>>
      %dma_start3A_153 = tpu.memref_squeeze %dma_start3A_152 : memref<1x8x128xi32, #tpu.memory_space<vmem>> -> memref<8x128xi32, #tpu.memory_space<vmem>>
      %dma_start3A_154 = arith.constant 0 : i32
      %dma_start3A_155 = arith.constant 0 : i32
      %dma_start3A_156 = tpu.memref_slice %arg4[%add3A, %dma_start3A_154, %dma_start3A_155] : memref<32x80x128xi32, #tpu.memory_space<hbm>> -> memref<1x8x128xi32, #tpu.memory_space<hbm>>
      %dma_start3A_157 = tpu.memref_squeeze %dma_start3A_156 : memref<1x8x128xi32, #tpu.memory_space<hbm>> -> memref<8x128xi32, #tpu.memory_space<hbm>>
      %dma_start3A_158 = arith.constant 0 : i32
      %dma_start3A_159 = arith.constant 0 : i32
      %dma_start3A_160 = tpu.memref_slice %arg9[%run_scoped3A_32, %dma_start3A_158, %dma_start3A_159] : memref<2x8x128xi32, #tpu.memory_space<vmem>> -> memref<1x8x128xi32, #tpu.memory_space<vmem>>
      %dma_start3A_161 = tpu.memref_squeeze %dma_start3A_160 : memref<1x8x128xi32, #tpu.memory_space<vmem>> -> memref<8x128xi32, #tpu.memory_space<vmem>>
      %dma_start3A_162 = arith.constant 0 : i32
      %dma_start3A_163 = arith.constant 0 : i32
      %dma_start3A_164 = tpu.memref_slice %arg4[%add3A, %dma_start3A_162, %dma_start3A_163] : memref<32x80x128xi32, #tpu.memory_space<hbm>> -> memref<1x8x128xi32, #tpu.memory_space<hbm>>
      %dma_start3A_165 = tpu.memref_squeeze %dma_start3A_164 : memref<1x8x128xi32, #tpu.memory_space<hbm>> -> memref<8x128xi32, #tpu.memory_space<hbm>>
      tpu.enqueue_dma source(%dma_start3A_165 : memref<8x128xi32, #tpu.memory_space<hbm>>) target(%dma_start3A_161 : memref<8x128xi32, #tpu.memory_space<vmem>>) target_semaphore(%run_scoped3A_149 : memref<!tpu.dma_semaphore, #tpu.memory_space<semaphore_mem>>)
      %dma_wait3A_166 = arith.constant 0 : i32
      %dma_wait3A_167 = arith.constant 0 : i32
      %dma_wait3A_168 = tpu.memref_slice %arg9[%run_scoped3A_32, %dma_wait3A_166, %dma_wait3A_167] : memref<2x8x128xi32, #tpu.memory_space<vmem>> -> memref<1x8x128xi32, #tpu.memory_space<vmem>>
      %dma_wait3A_169 = tpu.memref_squeeze %dma_wait3A_168 : memref<1x8x128xi32, #tpu.memory_space<vmem>> -> memref<8x128xi32, #tpu.memory_space<vmem>>
      %dma_wait3A_170 = arith.constant 0 : i32
      %dma_wait3A_171 = arith.constant 0 : i32
      %dma_wait3A_172 = tpu.memref_slice %arg4[%add3A, %dma_wait3A_170, %dma_wait3A_171] : memref<32x80x128xi32, #tpu.memory_space<hbm>> -> memref<1x8x128xi32, #tpu.memory_space<hbm>>
      %dma_wait3A_173 = tpu.memref_squeeze %dma_wait3A_172 : memref<1x8x128xi32, #tpu.memory_space<hbm>> -> memref<8x128xi32, #tpu.memory_space<hbm>>
      %dma_wait3A_174 = arith.constant 0 : i32
      %dma_wait3A_175 = arith.constant 0 : i32
      %dma_wait3A_176 = tpu.memref_slice %arg9[%run_scoped3A_32, %dma_wait3A_174, %dma_wait3A_175] : memref<2x8x128xi32, #tpu.memory_space<vmem>> -> memref<1x8x128xi32, #tpu.memory_space<vmem>>
      %dma_wait3A_177 = tpu.memref_squeeze %dma_wait3A_176 : memref<1x8x128xi32, #tpu.memory_space<vmem>> -> memref<8x128xi32, #tpu.memory_space<vmem>>
      %dma_wait3A_178 = arith.constant 0 : i32
      %dma_wait3A_179 = arith.constant 0 : i32
      %dma_wait3A_180 = tpu.memref_slice %arg4[%add3A, %dma_wait3A_178, %dma_wait3A_179] : memref<32x80x128xi32, #tpu.memory_space<hbm>> -> memref<1x8x128xi32, #tpu.memory_space<hbm>>
      %dma_wait3A_181 = tpu.memref_squeeze %dma_wait3A_180 : memref<1x8x128xi32, #tpu.memory_space<hbm>> -> memref<8x128xi32, #tpu.memory_space<hbm>>
      tpu.wait_dma2 semaphore(%run_scoped3A_149 : memref<!tpu.dma_semaphore, #tpu.memory_space<semaphore_mem>>) src(%dma_wait3A_181 : memref<8x128xi32, #tpu.memory_space<hbm>>) dst(%dma_wait3A_177 : memref<8x128xi32, #tpu.memory_space<vmem>>)
      tpu.yield
    }) : () -> ()
    %add3A_33 = arith.constant 0 : i32
    %add3A_34 = arith.addi %mul3A_2, %add3A_33 : i32
    %dma_wait3A = arith.constant 0 : i32
    %dma_wait3A_35 = tpu.memref_slice %arg7[%add3A_34, %dma_wait3A] : memref<10240x40xf32, #tpu.memory_space<vmem_shared>> -> memref<128x40xf32, #tpu.memory_space<vmem_shared>>
    %dma_wait3A_36 = arith.constant 0 : i32
    %dma_wait3A_37 = tpu.memref_slice %arg7[%add3A_34, %dma_wait3A_36] : memref<10240x40xf32, #tpu.memory_space<vmem_shared>> -> memref<128x40xf32, #tpu.memory_space<vmem_shared>>
    tpu.wait_dma2 semaphore(%arg14 : memref<!tpu.dma_semaphore, #tpu.memory_space<semaphore_mem>>) src(%arg10 : memref<128x40xf32, #tpu.memory_space<vmem>>) dst(%dma_wait3A_37 : memref<128x40xf32, #tpu.memory_space<vmem_shared>>)
    %add3A_38 = arith.constant 128 : i32
    %add3A_39 = arith.addi %mul3A_2, %add3A_38 : i32
    %dma_wait3A_40 = arith.constant 0 : i32
    %dma_wait3A_41 = tpu.memref_slice %arg7[%add3A_39, %dma_wait3A_40] : memref<10240x40xf32, #tpu.memory_space<vmem_shared>> -> memref<128x40xf32, #tpu.memory_space<vmem_shared>>
    %dma_wait3A_42 = arith.constant 0 : i32
    %dma_wait3A_43 = tpu.memref_slice %arg7[%add3A_39, %dma_wait3A_42] : memref<10240x40xf32, #tpu.memory_space<vmem_shared>> -> memref<128x40xf32, #tpu.memory_space<vmem_shared>>
    tpu.wait_dma2 semaphore(%arg14 : memref<!tpu.dma_semaphore, #tpu.memory_space<semaphore_mem>>) src(%arg10 : memref<128x40xf32, #tpu.memory_space<vmem>>) dst(%dma_wait3A_43 : memref<128x40xf32, #tpu.memory_space<vmem_shared>>)
    %add3A_44 = arith.constant 256 : i32
    %add3A_45 = arith.addi %mul3A_2, %add3A_44 : i32
    %dma_wait3A_46 = arith.constant 0 : i32
    %dma_wait3A_47 = tpu.memref_slice %arg7[%add3A_45, %dma_wait3A_46] : memref<10240x40xf32, #tpu.memory_space<vmem_shared>> -> memref<128x40xf32, #tpu.memory_space<vmem_shared>>
    %dma_wait3A_48 = arith.constant 0 : i32
    %dma_wait3A_49 = tpu.memref_slice %arg7[%add3A_45, %dma_wait3A_48] : memref<10240x40xf32, #tpu.memory_space<vmem_shared>> -> memref<128x40xf32, #tpu.memory_space<vmem_shared>>
    tpu.wait_dma2 semaphore(%arg14 : memref<!tpu.dma_semaphore, #tpu.memory_space<semaphore_mem>>) src(%arg10 : memref<128x40xf32, #tpu.memory_space<vmem>>) dst(%dma_wait3A_49 : memref<128x40xf32, #tpu.memory_space<vmem_shared>>)
    %add3A_50 = arith.constant 384 : i32
    %add3A_51 = arith.addi %mul3A_2, %add3A_50 : i32
    %dma_wait3A_52 = arith.constant 0 : i32
    %dma_wait3A_53 = tpu.memref_slice %arg7[%add3A_51, %dma_wait3A_52] : memref<10240x40xf32, #tpu.memory_space<vmem_shared>> -> memref<128x40xf32, #tpu.memory_space<vmem_shared>>
    %dma_wait3A_54 = arith.constant 0 : i32
    %dma_wait3A_55 = tpu.memref_slice %arg7[%add3A_51, %dma_wait3A_54] : memref<10240x40xf32, #tpu.memory_space<vmem_shared>> -> memref<128x40xf32, #tpu.memory_space<vmem_shared>>
    tpu.wait_dma2 semaphore(%arg14 : memref<!tpu.dma_semaphore, #tpu.memory_space<semaphore_mem>>) src(%arg10 : memref<128x40xf32, #tpu.memory_space<vmem>>) dst(%dma_wait3A_55 : memref<128x40xf32, #tpu.memory_space<vmem_shared>>)
    %add3A_56 = arith.constant 512 : i32
    %add3A_57 = arith.addi %mul3A_2, %add3A_56 : i32
    %dma_wait3A_58 = arith.constant 0 : i32
    %dma_wait3A_59 = tpu.memref_slice %arg7[%add3A_57, %dma_wait3A_58] : memref<10240x40xf32, #tpu.memory_space<vmem_shared>> -> memref<128x40xf32, #tpu.memory_space<vmem_shared>>
    %dma_wait3A_60 = arith.constant 0 : i32
    %dma_wait3A_61 = tpu.memref_slice %arg7[%add3A_57, %dma_wait3A_60] : memref<10240x40xf32, #tpu.memory_space<vmem_shared>> -> memref<128x40xf32, #tpu.memory_space<vmem_shared>>
    tpu.wait_dma2 semaphore(%arg14 : memref<!tpu.dma_semaphore, #tpu.memory_space<semaphore_mem>>) src(%arg10 : memref<128x40xf32, #tpu.memory_space<vmem>>) dst(%dma_wait3A_61 : memref<128x40xf32, #tpu.memory_space<vmem_shared>>)
    %barrier3A = arith.constant 0 : index
    tpu.barrier barrier_id(%barrier3A)
    %dma_start3A_62 = arith.constant 0 : i32
    %dma_start3A_63 = arith.constant 0 : i32
    %dma_start3A_64 = arith.constant 0 : i32
    %dma_start3A_65 = tpu.memref_slice %arg8[%dma_start3A_62, %dma_start3A_63, %dma_start3A_64] : memref<2x8x128xi32, #tpu.memory_space<vmem>> -> memref<1x1x128xi32, #tpu.memory_space<vmem>>
    %dma_start3A_66 = tpu.memref_squeeze %dma_start3A_65 : memref<1x1x128xi32, #tpu.memory_space<vmem>> -> memref<128xi32, #tpu.memory_space<vmem>>
    %dma_start3A_67 = arith.constant 0 : i32
    %dma_start3A_68 = arith.constant 0 : i32
    %dma_start3A_69 = tpu.memref_slice %arg2[%dma_start3A_67, %dma_start3A_68] : memref<10240x40xf32, #tpu.memory_space<hbm>> -> memref<10240x40xf32, #tpu.memory_space<hbm>>
    tpu.enqueue_indirect_dma source(%dma_start3A_69 : memref<10240x40xf32, #tpu.memory_space<hbm>>) target(%arg10 : memref<128x40xf32, #tpu.memory_space<vmem>>) offsets(%dma_start3A_66 : memref<128xi32, #tpu.memory_space<vmem>>) semaphore(%arg12 : memref<!tpu.dma_semaphore, #tpu.memory_space<semaphore_mem>>)
    %scan3A = arith.constant 0 : i32
    %scan3A_70 = arith.constant 0 : i32
    %scan3A_71 = arith.constant 10 : i32
    %scan3A_72 = arith.addi %scan3A_70, %scan3A_71 : i32
    %scan3A_73 = arith.constant 1 : i32
    scf.for %scan3A_149 = %scan3A_70 to %scan3A_72 step %scan3A_73  : i32 {
      %rem3A = arith.constant 2 : i32
      %rem3A_150 = arith.remsi %scan3A_149, %rem3A : i32
      %sub3A = arith.constant 1 : i32
      %sub3A_151 = arith.subi %sub3A, %rem3A_150 : i32
      %add3A_152 = arith.constant 1 : i32
      %add3A_153 = arith.addi %scan3A_149, %add3A_152 : i32
      %lt3A = arith.constant 10 : i32
      %lt3A_154 = arith.cmpi slt, %add3A_153, %lt3A : i32
      %convert_element_type3A = arith.extui %lt3A_154 : i1 to i32
      %cond3A = arith.constant 0 : i32
      %cond3A_155 = arith.cmpi ne, %convert_element_type3A, %cond3A : i32
      scf.if %cond3A_155 {
        %add3A_272 = arith.constant 1 : i32
        %add3A_273 = arith.addi %scan3A_149, %add3A_272 : i32
        %mul3A_274 = arith.constant 8 : i32
        %mul3A_275 = arith.muli %add3A_273, %mul3A_274 : i32
        %dma_start3A_276 = arith.constant 0 : i32
        %dma_start3A_277 = arith.constant 0 : i32
        %dma_start3A_278 = tpu.memref_slice %arg8[%sub3A_151, %dma_start3A_276, %dma_start3A_277] : memref<2x8x128xi32, #tpu.memory_space<vmem>> -> memref<1x8x128xi32, #tpu.memory_space<vmem>>
        %dma_start3A_279 = tpu.memref_squeeze %dma_start3A_278 : memref<1x8x128xi32, #tpu.memory_space<vmem>> -> memref<8x128xi32, #tpu.memory_space<vmem>>
        %dma_start3A_280 = arith.constant 0 : i32
        %dma_start3A_281 = tpu.memref_slice %arg3[%add3A, %mul3A_275, %dma_start3A_280] : memref<32x80x128xi32, #tpu.memory_space<hbm>> -> memref<1x8x128xi32, #tpu.memory_space<hbm>>
        %dma_start3A_282 = tpu.memref_squeeze %dma_start3A_281 : memref<1x8x128xi32, #tpu.memory_space<hbm>> -> memref<8x128xi32, #tpu.memory_space<hbm>>
        %dma_start3A_283 = arith.constant 0 : i32
        %dma_start3A_284 = arith.constant 0 : i32
        %dma_start3A_285 = tpu.memref_slice %arg8[%sub3A_151, %dma_start3A_283, %dma_start3A_284] : memref<2x8x128xi32, #tpu.memory_space<vmem>> -> memref<1x8x128xi32, #tpu.memory_space<vmem>>
        %dma_start3A_286 = tpu.memref_squeeze %dma_start3A_285 : memref<1x8x128xi32, #tpu.memory_space<vmem>> -> memref<8x128xi32, #tpu.memory_space<vmem>>
        %dma_start3A_287 = arith.constant 0 : i32
        %dma_start3A_288 = tpu.memref_slice %arg3[%add3A, %mul3A_275, %dma_start3A_287] : memref<32x80x128xi32, #tpu.memory_space<hbm>> -> memref<1x8x128xi32, #tpu.memory_space<hbm>>
        %dma_start3A_289 = tpu.memref_squeeze %dma_start3A_288 : memref<1x8x128xi32, #tpu.memory_space<hbm>> -> memref<8x128xi32, #tpu.memory_space<hbm>>
        tpu.enqueue_dma source(%dma_start3A_289 : memref<8x128xi32, #tpu.memory_space<hbm>>) target(%dma_start3A_286 : memref<8x128xi32, #tpu.memory_space<vmem>>) target_semaphore(%arg14 : memref<!tpu.dma_semaphore, #tpu.memory_space<semaphore_mem>>)
        %add3A_290 = arith.constant 1 : i32
        %add3A_291 = arith.addi %scan3A_149, %add3A_290 : i32
        %mul3A_292 = arith.constant 8 : i32
        %mul3A_293 = arith.muli %add3A_291, %mul3A_292 : i32
        %dma_start3A_294 = arith.constant 0 : i32
        %dma_start3A_295 = arith.constant 0 : i32
        %dma_start3A_296 = tpu.memref_slice %arg9[%sub3A_151, %dma_start3A_294, %dma_start3A_295] : memref<2x8x128xi32, #tpu.memory_space<vmem>> -> memref<1x8x128xi32, #tpu.memory_space<vmem>>
        %dma_start3A_297 = tpu.memref_squeeze %dma_start3A_296 : memref<1x8x128xi32, #tpu.memory_space<vmem>> -> memref<8x128xi32, #tpu.memory_space<vmem>>
        %dma_start3A_298 = arith.constant 0 : i32
        %dma_start3A_299 = tpu.memref_slice %arg4[%add3A, %mul3A_293, %dma_start3A_298] : memref<32x80x128xi32, #tpu.memory_space<hbm>> -> memref<1x8x128xi32, #tpu.memory_space<hbm>>
        %dma_start3A_300 = tpu.memref_squeeze %dma_start3A_299 : memref<1x8x128xi32, #tpu.memory_space<hbm>> -> memref<8x128xi32, #tpu.memory_space<hbm>>
        %dma_start3A_301 = arith.constant 0 : i32
        %dma_start3A_302 = arith.constant 0 : i32
        %dma_start3A_303 = tpu.memref_slice %arg9[%sub3A_151, %dma_start3A_301, %dma_start3A_302] : memref<2x8x128xi32, #tpu.memory_space<vmem>> -> memref<1x8x128xi32, #tpu.memory_space<vmem>>
        %dma_start3A_304 = tpu.memref_squeeze %dma_start3A_303 : memref<1x8x128xi32, #tpu.memory_space<vmem>> -> memref<8x128xi32, #tpu.memory_space<vmem>>
        %dma_start3A_305 = arith.constant 0 : i32
        %dma_start3A_306 = tpu.memref_slice %arg4[%add3A, %mul3A_293, %dma_start3A_305] : memref<32x80x128xi32, #tpu.memory_space<hbm>> -> memref<1x8x128xi32, #tpu.memory_space<hbm>>
        %dma_start3A_307 = tpu.memref_squeeze %dma_start3A_306 : memref<1x8x128xi32, #tpu.memory_space<hbm>> -> memref<8x128xi32, #tpu.memory_space<hbm>>
        tpu.enqueue_dma source(%dma_start3A_307 : memref<8x128xi32, #tpu.memory_space<hbm>>) target(%dma_start3A_304 : memref<8x128xi32, #tpu.memory_space<vmem>>) target_semaphore(%arg14 : memref<!tpu.dma_semaphore, #tpu.memory_space<semaphore_mem>>)
      } else {
      }
      %dma_start3A_156 = arith.constant 1 : i32
      %dma_start3A_157 = arith.constant 0 : i32
      %dma_start3A_158 = tpu.memref_slice %arg8[%rem3A_150, %dma_start3A_156, %dma_start3A_157] : memref<2x8x128xi32, #tpu.memory_space<vmem>> -> memref<1x1x128xi32, #tpu.memory_space<vmem>>
      %dma_start3A_159 = tpu.memref_squeeze %dma_start3A_158 : memref<1x1x128xi32, #tpu.memory_space<vmem>> -> memref<128xi32, #tpu.memory_space<vmem>>
      %dma_start3A_160 = arith.constant 0 : i32
      %dma_start3A_161 = arith.constant 0 : i32
      %dma_start3A_162 = tpu.memref_slice %arg2[%dma_start3A_160, %dma_start3A_161] : memref<10240x40xf32, #tpu.memory_space<hbm>> -> memref<10240x40xf32, #tpu.memory_space<hbm>>
      tpu.enqueue_indirect_dma source(%dma_start3A_162 : memref<10240x40xf32, #tpu.memory_space<hbm>>) target(%arg11 : memref<128x40xf32, #tpu.memory_space<vmem>>) offsets(%dma_start3A_159 : memref<128xi32, #tpu.memory_space<vmem>>) semaphore(%arg13 : memref<!tpu.dma_semaphore, #tpu.memory_space<semaphore_mem>>)
      %dma_wait3A_163 = arith.constant 0 : i32
      %dma_wait3A_164 = arith.constant 0 : i32
      %dma_wait3A_165 = tpu.memref_slice %arg8[%rem3A_150, %dma_wait3A_163, %dma_wait3A_164] : memref<2x8x128xi32, #tpu.memory_space<vmem>> -> memref<1x1x128xi32, #tpu.memory_space<vmem>>
      %dma_wait3A_166 = tpu.memref_squeeze %dma_wait3A_165 : memref<1x1x128xi32, #tpu.memory_space<vmem>> -> memref<128xi32, #tpu.memory_space<vmem>>
      %dma_wait3A_167 = arith.constant 0 : i32
      %dma_wait3A_168 = arith.constant 0 : i32
      %dma_wait3A_169 = tpu.memref_slice %arg2[%dma_wait3A_167, %dma_wait3A_168] : memref<10240x40xf32, #tpu.memory_space<hbm>> -> memref<10240x40xf32, #tpu.memory_space<hbm>>
      tpu.wait_indirect_dma semaphore(%arg12 : memref<!tpu.dma_semaphore, #tpu.memory_space<semaphore_mem>>) src(%dma_wait3A_169 : memref<10240x40xf32, #tpu.memory_space<hbm>>) dst(%arg10 : memref<128x40xf32, #tpu.memory_space<vmem>>)
      %run_scoped3A_170 = arith.constant 0 : i32
      "tpu.region"() ({
        %run_scoped3A_272 = tpu.sem_alloc : memref<!tpu.dma_semaphore, #tpu.memory_space<semaphore_mem>>
        %dma_start3A_273 = arith.constant 0 : i32
        %dma_start3A_274 = tpu.memref_slice %arg9[%rem3A_150, %run_scoped3A_170, %dma_start3A_273] : memref<2x8x128xi32, #tpu.memory_space<vmem>> -> memref<1x1x128xi32, #tpu.memory_space<vmem>>
        %dma_start3A_275 = tpu.memref_squeeze %dma_start3A_274 : memref<1x1x128xi32, #tpu.memory_space<vmem>> -> memref<128xi32, #tpu.memory_space<vmem>>
        %dma_start3A_276 = arith.constant 0 : i32
        %dma_start3A_277 = arith.constant 0 : i32
        %dma_start3A_278 = tpu.memref_slice %arg7[%dma_start3A_276, %dma_start3A_277] : memref<10240x40xf32, #tpu.memory_space<vmem_shared>> -> memref<10240x40xf32, #tpu.memory_space<vmem_shared>>
        tpu.enqueue_indirect_dma source(%arg10 : memref<128x40xf32, #tpu.memory_space<vmem>>) target(%dma_start3A_278 : memref<10240x40xf32, #tpu.memory_space<vmem_shared>>) offsets(%dma_start3A_275 : memref<128xi32, #tpu.memory_space<vmem>>) semaphore(%run_scoped3A_272 : memref<!tpu.dma_semaphore, #tpu.memory_space<semaphore_mem>>) {add = true}
        %dma_wait3A_279 = arith.constant 0 : i32
        %dma_wait3A_280 = tpu.memref_slice %arg9[%rem3A_150, %run_scoped3A_170, %dma_wait3A_279] : memref<2x8x128xi32, #tpu.memory_space<vmem>> -> memref<1x1x128xi32, #tpu.memory_space<vmem>>
        %dma_wait3A_281 = tpu.memref_squeeze %dma_wait3A_280 : memref<1x1x128xi32, #tpu.memory_space<vmem>> -> memref<128xi32, #tpu.memory_space<vmem>>
        %dma_wait3A_282 = arith.constant 0 : i32
        %dma_wait3A_283 = arith.constant 0 : i32
        %dma_wait3A_284 = tpu.memref_slice %arg7[%dma_wait3A_282, %dma_wait3A_283] : memref<10240x40xf32, #tpu.memory_space<vmem_shared>> -> memref<10240x40xf32, #tpu.memory_space<vmem_shared>>
        tpu.wait_indirect_dma semaphore(%run_scoped3A_272 : memref<!tpu.dma_semaphore, #tpu.memory_space<semaphore_mem>>) src(%arg10 : memref<128x40xf32, #tpu.memory_space<vmem>>) dst(%dma_wait3A_284 : memref<10240x40xf32, #tpu.memory_space<vmem_shared>>)
        tpu.yield
      }) : () -> ()
      %dma_start3A_171 = arith.constant 2 : i32
      %dma_start3A_172 = arith.constant 0 : i32
      %dma_start3A_173 = tpu.memref_slice %arg8[%rem3A_150, %dma_start3A_171, %dma_start3A_172] : memref<2x8x128xi32, #tpu.memory_space<vmem>> -> memref<1x1x128xi32, #tpu.memory_space<vmem>>
      %dma_start3A_174 = tpu.memref_squeeze %dma_start3A_173 : memref<1x1x128xi32, #tpu.memory_space<vmem>> -> memref<128xi32, #tpu.memory_space<vmem>>
      %dma_start3A_175 = arith.constant 0 : i32
      %dma_start3A_176 = arith.constant 0 : i32
      %dma_start3A_177 = tpu.memref_slice %arg2[%dma_start3A_175, %dma_start3A_176] : memref<10240x40xf32, #tpu.memory_space<hbm>> -> memref<10240x40xf32, #tpu.memory_space<hbm>>
      tpu.enqueue_indirect_dma source(%dma_start3A_177 : memref<10240x40xf32, #tpu.memory_space<hbm>>) target(%arg10 : memref<128x40xf32, #tpu.memory_space<vmem>>) offsets(%dma_start3A_174 : memref<128xi32, #tpu.memory_space<vmem>>) semaphore(%arg12 : memref<!tpu.dma_semaphore, #tpu.memory_space<semaphore_mem>>)
      %dma_wait3A_178 = arith.constant 1 : i32
      %dma_wait3A_179 = arith.constant 0 : i32
      %dma_wait3A_180 = tpu.memref_slice %arg8[%rem3A_150, %dma_wait3A_178, %dma_wait3A_179] : memref<2x8x128xi32, #tpu.memory_space<vmem>> -> memref<1x1x128xi32, #tpu.memory_space<vmem>>
      %dma_wait3A_181 = tpu.memref_squeeze %dma_wait3A_180 : memref<1x1x128xi32, #tpu.memory_space<vmem>> -> memref<128xi32, #tpu.memory_space<vmem>>
      %dma_wait3A_182 = arith.constant 0 : i32
      %dma_wait3A_183 = arith.constant 0 : i32
      %dma_wait3A_184 = tpu.memref_slice %arg2[%dma_wait3A_182, %dma_wait3A_183] : memref<10240x40xf32, #tpu.memory_space<hbm>> -> memref<10240x40xf32, #tpu.memory_space<hbm>>
      tpu.wait_indirect_dma semaphore(%arg13 : memref<!tpu.dma_semaphore, #tpu.memory_space<semaphore_mem>>) src(%dma_wait3A_184 : memref<10240x40xf32, #tpu.memory_space<hbm>>) dst(%arg11 : memref<128x40xf32, #tpu.memory_space<vmem>>)
      %run_scoped3A_185 = arith.constant 1 : i32
      "tpu.region"() ({
        %run_scoped3A_272 = tpu.sem_alloc : memref<!tpu.dma_semaphore, #tpu.memory_space<semaphore_mem>>
        %dma_start3A_273 = arith.constant 0 : i32
        %dma_start3A_274 = tpu.memref_slice %arg9[%rem3A_150, %run_scoped3A_185, %dma_start3A_273] : memref<2x8x128xi32, #tpu.memory_space<vmem>> -> memref<1x1x128xi32, #tpu.memory_space<vmem>>
        %dma_start3A_275 = tpu.memref_squeeze %dma_start3A_274 : memref<1x1x128xi32, #tpu.memory_space<vmem>> -> memref<128xi32, #tpu.memory_space<vmem>>
        %dma_start3A_276 = arith.constant 0 : i32
        %dma_start3A_277 = arith.constant 0 : i32
        %dma_start3A_278 = tpu.memref_slice %arg7[%dma_start3A_276, %dma_start3A_277] : memref<10240x40xf32, #tpu.memory_space<vmem_shared>> -> memref<10240x40xf32, #tpu.memory_space<vmem_shared>>
        tpu.enqueue_indirect_dma source(%arg11 : memref<128x40xf32, #tpu.memory_space<vmem>>) target(%dma_start3A_278 : memref<10240x40xf32, #tpu.memory_space<vmem_shared>>) offsets(%dma_start3A_275 : memref<128xi32, #tpu.memory_space<vmem>>) semaphore(%run_scoped3A_272 : memref<!tpu.dma_semaphore, #tpu.memory_space<semaphore_mem>>) {add = true}
        %dma_wait3A_279 = arith.constant 0 : i32
        %dma_wait3A_280 = tpu.memref_slice %arg9[%rem3A_150, %run_scoped3A_185, %dma_wait3A_279] : memref<2x8x128xi32, #tpu.memory_space<vmem>> -> memref<1x1x128xi32, #tpu.memory_space<vmem>>
        %dma_wait3A_281 = tpu.memref_squeeze %dma_wait3A_280 : memref<1x1x128xi32, #tpu.memory_space<vmem>> -> memref<128xi32, #tpu.memory_space<vmem>>
        %dma_wait3A_282 = arith.constant 0 : i32
        %dma_wait3A_283 = arith.constant 0 : i32
        %dma_wait3A_284 = tpu.memref_slice %arg7[%dma_wait3A_282, %dma_wait3A_283] : memref<10240x40xf32, #tpu.memory_space<vmem_shared>> -> memref<10240x40xf32, #tpu.memory_space<vmem_shared>>
        tpu.wait_indirect_dma semaphore(%run_scoped3A_272 : memref<!tpu.dma_semaphore, #tpu.memory_space<semaphore_mem>>) src(%arg11 : memref<128x40xf32, #tpu.memory_space<vmem>>) dst(%dma_wait3A_284 : memref<10240x40xf32, #tpu.memory_space<vmem_shared>>)
        tpu.yield
      }) : () -> ()
      %dma_start3A_186 = arith.constant 3 : i32
      %dma_start3A_187 = arith.constant 0 : i32
      %dma_start3A_188 = tpu.memref_slice %arg8[%rem3A_150, %dma_start3A_186, %dma_start3A_187] : memref<2x8x128xi32, #tpu.memory_space<vmem>> -> memref<1x1x128xi32, #tpu.memory_space<vmem>>
      %dma_start3A_189 = tpu.memref_squeeze %dma_start3A_188 : memref<1x1x128xi32, #tpu.memory_space<vmem>> -> memref<128xi32, #tpu.memory_space<vmem>>
      %dma_start3A_190 = arith.constant 0 : i32
      %dma_start3A_191 = arith.constant 0 : i32
      %dma_start3A_192 = tpu.memref_slice %arg2[%dma_start3A_190, %dma_start3A_191] : memref<10240x40xf32, #tpu.memory_space<hbm>> -> memref<10240x40xf32, #tpu.memory_space<hbm>>
      tpu.enqueue_indirect_dma source(%dma_start3A_192 : memref<10240x40xf32, #tpu.memory_space<hbm>>) target(%arg11 : memref<128x40xf32, #tpu.memory_space<vmem>>) offsets(%dma_start3A_189 : memref<128xi32, #tpu.memory_space<vmem>>) semaphore(%arg13 : memref<!tpu.dma_semaphore, #tpu.memory_space<semaphore_mem>>)
      %dma_wait3A_193 = arith.constant 2 : i32
      %dma_wait3A_194 = arith.constant 0 : i32
      %dma_wait3A_195 = tpu.memref_slice %arg8[%rem3A_150, %dma_wait3A_193, %dma_wait3A_194] : memref<2x8x128xi32, #tpu.memory_space<vmem>> -> memref<1x1x128xi32, #tpu.memory_space<vmem>>
      %dma_wait3A_196 = tpu.memref_squeeze %dma_wait3A_195 : memref<1x1x128xi32, #tpu.memory_space<vmem>> -> memref<128xi32, #tpu.memory_space<vmem>>
      %dma_wait3A_197 = arith.constant 0 : i32
      %dma_wait3A_198 = arith.constant 0 : i32
      %dma_wait3A_199 = tpu.memref_slice %arg2[%dma_wait3A_197, %dma_wait3A_198] : memref<10240x40xf32, #tpu.memory_space<hbm>> -> memref<10240x40xf32, #tpu.memory_space<hbm>>
      tpu.wait_indirect_dma semaphore(%arg12 : memref<!tpu.dma_semaphore, #tpu.memory_space<semaphore_mem>>) src(%dma_wait3A_199 : memref<10240x40xf32, #tpu.memory_space<hbm>>) dst(%arg10 : memref<128x40xf32, #tpu.memory_space<vmem>>)
      %run_scoped3A_200 = arith.constant 2 : i32
      "tpu.region"() ({
        %run_scoped3A_272 = tpu.sem_alloc : memref<!tpu.dma_semaphore, #tpu.memory_space<semaphore_mem>>
        %dma_start3A_273 = arith.constant 0 : i32
        %dma_start3A_274 = tpu.memref_slice %arg9[%rem3A_150, %run_scoped3A_200, %dma_start3A_273] : memref<2x8x128xi32, #tpu.memory_space<vmem>> -> memref<1x1x128xi32, #tpu.memory_space<vmem>>
        %dma_start3A_275 = tpu.memref_squeeze %dma_start3A_274 : memref<1x1x128xi32, #tpu.memory_space<vmem>> -> memref<128xi32, #tpu.memory_space<vmem>>
        %dma_start3A_276 = arith.constant 0 : i32
        %dma_start3A_277 = arith.constant 0 : i32
        %dma_start3A_278 = tpu.memref_slice %arg7[%dma_start3A_276, %dma_start3A_277] : memref<10240x40xf32, #tpu.memory_space<vmem_shared>> -> memref<10240x40xf32, #tpu.memory_space<vmem_shared>>
        tpu.enqueue_indirect_dma source(%arg10 : memref<128x40xf32, #tpu.memory_space<vmem>>) target(%dma_start3A_278 : memref<10240x40xf32, #tpu.memory_space<vmem_shared>>) offsets(%dma_start3A_275 : memref<128xi32, #tpu.memory_space<vmem>>) semaphore(%run_scoped3A_272 : memref<!tpu.dma_semaphore, #tpu.memory_space<semaphore_mem>>) {add = true}
        %dma_wait3A_279 = arith.constant 0 : i32
        %dma_wait3A_280 = tpu.memref_slice %arg9[%rem3A_150, %run_scoped3A_200, %dma_wait3A_279] : memref<2x8x128xi32, #tpu.memory_space<vmem>> -> memref<1x1x128xi32, #tpu.memory_space<vmem>>
        %dma_wait3A_281 = tpu.memref_squeeze %dma_wait3A_280 : memref<1x1x128xi32, #tpu.memory_space<vmem>> -> memref<128xi32, #tpu.memory_space<vmem>>
        %dma_wait3A_282 = arith.constant 0 : i32
        %dma_wait3A_283 = arith.constant 0 : i32
        %dma_wait3A_284 = tpu.memref_slice %arg7[%dma_wait3A_282, %dma_wait3A_283] : memref<10240x40xf32, #tpu.memory_space<vmem_shared>> -> memref<10240x40xf32, #tpu.memory_space<vmem_shared>>
        tpu.wait_indirect_dma semaphore(%run_scoped3A_272 : memref<!tpu.dma_semaphore, #tpu.memory_space<semaphore_mem>>) src(%arg10 : memref<128x40xf32, #tpu.memory_space<vmem>>) dst(%dma_wait3A_284 : memref<10240x40xf32, #tpu.memory_space<vmem_shared>>)
        tpu.yield
      }) : () -> ()
      %dma_start3A_201 = arith.constant 4 : i32
      %dma_start3A_202 = arith.constant 0 : i32
      %dma_start3A_203 = tpu.memref_slice %arg8[%rem3A_150, %dma_start3A_201, %dma_start3A_202] : memref<2x8x128xi32, #tpu.memory_space<vmem>> -> memref<1x1x128xi32, #tpu.memory_space<vmem>>
      %dma_start3A_204 = tpu.memref_squeeze %dma_start3A_203 : memref<1x1x128xi32, #tpu.memory_space<vmem>> -> memref<128xi32, #tpu.memory_space<vmem>>
      %dma_start3A_205 = arith.constant 0 : i32
      %dma_start3A_206 = arith.constant 0 : i32
      %dma_start3A_207 = tpu.memref_slice %arg2[%dma_start3A_205, %dma_start3A_206] : memref<10240x40xf32, #tpu.memory_space<hbm>> -> memref<10240x40xf32, #tpu.memory_space<hbm>>
      tpu.enqueue_indirect_dma source(%dma_start3A_207 : memref<10240x40xf32, #tpu.memory_space<hbm>>) target(%arg10 : memref<128x40xf32, #tpu.memory_space<vmem>>) offsets(%dma_start3A_204 : memref<128xi32, #tpu.memory_space<vmem>>) semaphore(%arg12 : memref<!tpu.dma_semaphore, #tpu.memory_space<semaphore_mem>>)
      %dma_wait3A_208 = arith.constant 3 : i32
      %dma_wait3A_209 = arith.constant 0 : i32
      %dma_wait3A_210 = tpu.memref_slice %arg8[%rem3A_150, %dma_wait3A_208, %dma_wait3A_209] : memref<2x8x128xi32, #tpu.memory_space<vmem>> -> memref<1x1x128xi32, #tpu.memory_space<vmem>>
      %dma_wait3A_211 = tpu.memref_squeeze %dma_wait3A_210 : memref<1x1x128xi32, #tpu.memory_space<vmem>> -> memref<128xi32, #tpu.memory_space<vmem>>
      %dma_wait3A_212 = arith.constant 0 : i32
      %dma_wait3A_213 = arith.constant 0 : i32
      %dma_wait3A_214 = tpu.memref_slice %arg2[%dma_wait3A_212, %dma_wait3A_213] : memref<10240x40xf32, #tpu.memory_space<hbm>> -> memref<10240x40xf32, #tpu.memory_space<hbm>>
      tpu.wait_indirect_dma semaphore(%arg13 : memref<!tpu.dma_semaphore, #tpu.memory_space<semaphore_mem>>) src(%dma_wait3A_214 : memref<10240x40xf32, #tpu.memory_space<hbm>>) dst(%arg11 : memref<128x40xf32, #tpu.memory_space<vmem>>)
      %run_scoped3A_215 = arith.constant 3 : i32
      "tpu.region"() ({
        %run_scoped3A_272 = tpu.sem_alloc : memref<!tpu.dma_semaphore, #tpu.memory_space<semaphore_mem>>
        %dma_start3A_273 = arith.constant 0 : i32
        %dma_start3A_274 = tpu.memref_slice %arg9[%rem3A_150, %run_scoped3A_215, %dma_start3A_273] : memref<2x8x128xi32, #tpu.memory_space<vmem>> -> memref<1x1x128xi32, #tpu.memory_space<vmem>>
        %dma_start3A_275 = tpu.memref_squeeze %dma_start3A_274 : memref<1x1x128xi32, #tpu.memory_space<vmem>> -> memref<128xi32, #tpu.memory_space<vmem>>
        %dma_start3A_276 = arith.constant 0 : i32
        %dma_start3A_277 = arith.constant 0 : i32
        %dma_start3A_278 = tpu.memref_slice %arg7[%dma_start3A_276, %dma_start3A_277] : memref<10240x40xf32, #tpu.memory_space<vmem_shared>> -> memref<10240x40xf32, #tpu.memory_space<vmem_shared>>
        tpu.enqueue_indirect_dma source(%arg11 : memref<128x40xf32, #tpu.memory_space<vmem>>) target(%dma_start3A_278 : memref<10240x40xf32, #tpu.memory_space<vmem_shared>>) offsets(%dma_start3A_275 : memref<128xi32, #tpu.memory_space<vmem>>) semaphore(%run_scoped3A_272 : memref<!tpu.dma_semaphore, #tpu.memory_space<semaphore_mem>>) {add = true}
        %dma_wait3A_279 = arith.constant 0 : i32
        %dma_wait3A_280 = tpu.memref_slice %arg9[%rem3A_150, %run_scoped3A_215, %dma_wait3A_279] : memref<2x8x128xi32, #tpu.memory_space<vmem>> -> memref<1x1x128xi32, #tpu.memory_space<vmem>>
        %dma_wait3A_281 = tpu.memref_squeeze %dma_wait3A_280 : memref<1x1x128xi32, #tpu.memory_space<vmem>> -> memref<128xi32, #tpu.memory_space<vmem>>
        %dma_wait3A_282 = arith.constant 0 : i32
        %dma_wait3A_283 = arith.constant 0 : i32
        %dma_wait3A_284 = tpu.memref_slice %arg7[%dma_wait3A_282, %dma_wait3A_283] : memref<10240x40xf32, #tpu.memory_space<vmem_shared>> -> memref<10240x40xf32, #tpu.memory_space<vmem_shared>>
        tpu.wait_indirect_dma semaphore(%run_scoped3A_272 : memref<!tpu.dma_semaphore, #tpu.memory_space<semaphore_mem>>) src(%arg11 : memref<128x40xf32, #tpu.memory_space<vmem>>) dst(%dma_wait3A_284 : memref<10240x40xf32, #tpu.memory_space<vmem_shared>>)
        tpu.yield
      }) : () -> ()
      %dma_start3A_216 = arith.constant 5 : i32
      %dma_start3A_217 = arith.constant 0 : i32
      %dma_start3A_218 = tpu.memref_slice %arg8[%rem3A_150, %dma_start3A_216, %dma_start3A_217] : memref<2x8x128xi32, #tpu.memory_space<vmem>> -> memref<1x1x128xi32, #tpu.memory_space<vmem>>
      %dma_start3A_219 = tpu.memref_squeeze %dma_start3A_218 : memref<1x1x128xi32, #tpu.memory_space<vmem>> -> memref<128xi32, #tpu.memory_space<vmem>>
      %dma_start3A_220 = arith.constant 0 : i32
      %dma_start3A_221 = arith.constant 0 : i32
      %dma_start3A_222 = tpu.memref_slice %arg2[%dma_start3A_220, %dma_start3A_221] : memref<10240x40xf32, #tpu.memory_space<hbm>> -> memref<10240x40xf32, #tpu.memory_space<hbm>>
      tpu.enqueue_indirect_dma source(%dma_start3A_222 : memref<10240x40xf32, #tpu.memory_space<hbm>>) target(%arg11 : memref<128x40xf32, #tpu.memory_space<vmem>>) offsets(%dma_start3A_219 : memref<128xi32, #tpu.memory_space<vmem>>) semaphore(%arg13 : memref<!tpu.dma_semaphore, #tpu.memory_space<semaphore_mem>>)
      %dma_wait3A_223 = arith.constant 4 : i32
      %dma_wait3A_224 = arith.constant 0 : i32
      %dma_wait3A_225 = tpu.memref_slice %arg8[%rem3A_150, %dma_wait3A_223, %dma_wait3A_224] : memref<2x8x128xi32, #tpu.memory_space<vmem>> -> memref<1x1x128xi32, #tpu.memory_space<vmem>>
      %dma_wait3A_226 = tpu.memref_squeeze %dma_wait3A_225 : memref<1x1x128xi32, #tpu.memory_space<vmem>> -> memref<128xi32, #tpu.memory_space<vmem>>
      %dma_wait3A_227 = arith.constant 0 : i32
      %dma_wait3A_228 = arith.constant 0 : i32
      %dma_wait3A_229 = tpu.memref_slice %arg2[%dma_wait3A_227, %dma_wait3A_228] : memref<10240x40xf32, #tpu.memory_space<hbm>> -> memref<10240x40xf32, #tpu.memory_space<hbm>>
      tpu.wait_indirect_dma semaphore(%arg12 : memref<!tpu.dma_semaphore, #tpu.memory_space<semaphore_mem>>) src(%dma_wait3A_229 : memref<10240x40xf32, #tpu.memory_space<hbm>>) dst(%arg10 : memref<128x40xf32, #tpu.memory_space<vmem>>)
      %run_scoped3A_230 = arith.constant 4 : i32
      "tpu.region"() ({
        %run_scoped3A_272 = tpu.sem_alloc : memref<!tpu.dma_semaphore, #tpu.memory_space<semaphore_mem>>
        %dma_start3A_273 = arith.constant 0 : i32
        %dma_start3A_274 = tpu.memref_slice %arg9[%rem3A_150, %run_scoped3A_230, %dma_start3A_273] : memref<2x8x128xi32, #tpu.memory_space<vmem>> -> memref<1x1x128xi32, #tpu.memory_space<vmem>>
        %dma_start3A_275 = tpu.memref_squeeze %dma_start3A_274 : memref<1x1x128xi32, #tpu.memory_space<vmem>> -> memref<128xi32, #tpu.memory_space<vmem>>
        %dma_start3A_276 = arith.constant 0 : i32
        %dma_start3A_277 = arith.constant 0 : i32
        %dma_start3A_278 = tpu.memref_slice %arg7[%dma_start3A_276, %dma_start3A_277] : memref<10240x40xf32, #tpu.memory_space<vmem_shared>> -> memref<10240x40xf32, #tpu.memory_space<vmem_shared>>
        tpu.enqueue_indirect_dma source(%arg10 : memref<128x40xf32, #tpu.memory_space<vmem>>) target(%dma_start3A_278 : memref<10240x40xf32, #tpu.memory_space<vmem_shared>>) offsets(%dma_start3A_275 : memref<128xi32, #tpu.memory_space<vmem>>) semaphore(%run_scoped3A_272 : memref<!tpu.dma_semaphore, #tpu.memory_space<semaphore_mem>>) {add = true}
        %dma_wait3A_279 = arith.constant 0 : i32
        %dma_wait3A_280 = tpu.memref_slice %arg9[%rem3A_150, %run_scoped3A_230, %dma_wait3A_279] : memref<2x8x128xi32, #tpu.memory_space<vmem>> -> memref<1x1x128xi32, #tpu.memory_space<vmem>>
        %dma_wait3A_281 = tpu.memref_squeeze %dma_wait3A_280 : memref<1x1x128xi32, #tpu.memory_space<vmem>> -> memref<128xi32, #tpu.memory_space<vmem>>
        %dma_wait3A_282 = arith.constant 0 : i32
        %dma_wait3A_283 = arith.constant 0 : i32
        %dma_wait3A_284 = tpu.memref_slice %arg7[%dma_wait3A_282, %dma_wait3A_283] : memref<10240x40xf32, #tpu.memory_space<vmem_shared>> -> memref<10240x40xf32, #tpu.memory_space<vmem_shared>>
        tpu.wait_indirect_dma semaphore(%run_scoped3A_272 : memref<!tpu.dma_semaphore, #tpu.memory_space<semaphore_mem>>) src(%arg10 : memref<128x40xf32, #tpu.memory_space<vmem>>) dst(%dma_wait3A_284 : memref<10240x40xf32, #tpu.memory_space<vmem_shared>>)
        tpu.yield
      }) : () -> ()
      %dma_start3A_231 = arith.constant 6 : i32
      %dma_start3A_232 = arith.constant 0 : i32
      %dma_start3A_233 = tpu.memref_slice %arg8[%rem3A_150, %dma_start3A_231, %dma_start3A_232] : memref<2x8x128xi32, #tpu.memory_space<vmem>> -> memref<1x1x128xi32, #tpu.memory_space<vmem>>
      %dma_start3A_234 = tpu.memref_squeeze %dma_start3A_233 : memref<1x1x128xi32, #tpu.memory_space<vmem>> -> memref<128xi32, #tpu.memory_space<vmem>>
      %dma_start3A_235 = arith.constant 0 : i32
      %dma_start3A_236 = arith.constant 0 : i32
      %dma_start3A_237 = tpu.memref_slice %arg2[%dma_start3A_235, %dma_start3A_236] : memref<10240x40xf32, #tpu.memory_space<hbm>> -> memref<10240x40xf32, #tpu.memory_space<hbm>>
      tpu.enqueue_indirect_dma source(%dma_start3A_237 : memref<10240x40xf32, #tpu.memory_space<hbm>>) target(%arg10 : memref<128x40xf32, #tpu.memory_space<vmem>>) offsets(%dma_start3A_234 : memref<128xi32, #tpu.memory_space<vmem>>) semaphore(%arg12 : memref<!tpu.dma_semaphore, #tpu.memory_space<semaphore_mem>>)
      %dma_wait3A_238 = arith.constant 5 : i32
      %dma_wait3A_239 = arith.constant 0 : i32
      %dma_wait3A_240 = tpu.memref_slice %arg8[%rem3A_150, %dma_wait3A_238, %dma_wait3A_239] : memref<2x8x128xi32, #tpu.memory_space<vmem>> -> memref<1x1x128xi32, #tpu.memory_space<vmem>>
      %dma_wait3A_241 = tpu.memref_squeeze %dma_wait3A_240 : memref<1x1x128xi32, #tpu.memory_space<vmem>> -> memref<128xi32, #tpu.memory_space<vmem>>
      %dma_wait3A_242 = arith.constant 0 : i32
      %dma_wait3A_243 = arith.constant 0 : i32
      %dma_wait3A_244 = tpu.memref_slice %arg2[%dma_wait3A_242, %dma_wait3A_243] : memref<10240x40xf32, #tpu.memory_space<hbm>> -> memref<10240x40xf32, #tpu.memory_space<hbm>>
      tpu.wait_indirect_dma semaphore(%arg13 : memref<!tpu.dma_semaphore, #tpu.memory_space<semaphore_mem>>) src(%dma_wait3A_244 : memref<10240x40xf32, #tpu.memory_space<hbm>>) dst(%arg11 : memref<128x40xf32, #tpu.memory_space<vmem>>)
      %run_scoped3A_245 = arith.constant 5 : i32
      "tpu.region"() ({
        %run_scoped3A_272 = tpu.sem_alloc : memref<!tpu.dma_semaphore, #tpu.memory_space<semaphore_mem>>
        %dma_start3A_273 = arith.constant 0 : i32
        %dma_start3A_274 = tpu.memref_slice %arg9[%rem3A_150, %run_scoped3A_245, %dma_start3A_273] : memref<2x8x128xi32, #tpu.memory_space<vmem>> -> memref<1x1x128xi32, #tpu.memory_space<vmem>>
        %dma_start3A_275 = tpu.memref_squeeze %dma_start3A_274 : memref<1x1x128xi32, #tpu.memory_space<vmem>> -> memref<128xi32, #tpu.memory_space<vmem>>
        %dma_start3A_276 = arith.constant 0 : i32
        %dma_start3A_277 = arith.constant 0 : i32
        %dma_start3A_278 = tpu.memref_slice %arg7[%dma_start3A_276, %dma_start3A_277] : memref<10240x40xf32, #tpu.memory_space<vmem_shared>> -> memref<10240x40xf32, #tpu.memory_space<vmem_shared>>
        tpu.enqueue_indirect_dma source(%arg11 : memref<128x40xf32, #tpu.memory_space<vmem>>) target(%dma_start3A_278 : memref<10240x40xf32, #tpu.memory_space<vmem_shared>>) offsets(%dma_start3A_275 : memref<128xi32, #tpu.memory_space<vmem>>) semaphore(%run_scoped3A_272 : memref<!tpu.dma_semaphore, #tpu.memory_space<semaphore_mem>>) {add = true}
        %dma_wait3A_279 = arith.constant 0 : i32
        %dma_wait3A_280 = tpu.memref_slice %arg9[%rem3A_150, %run_scoped3A_245, %dma_wait3A_279] : memref<2x8x128xi32, #tpu.memory_space<vmem>> -> memref<1x1x128xi32, #tpu.memory_space<vmem>>
        %dma_wait3A_281 = tpu.memref_squeeze %dma_wait3A_280 : memref<1x1x128xi32, #tpu.memory_space<vmem>> -> memref<128xi32, #tpu.memory_space<vmem>>
        %dma_wait3A_282 = arith.constant 0 : i32
        %dma_wait3A_283 = arith.constant 0 : i32
        %dma_wait3A_284 = tpu.memref_slice %arg7[%dma_wait3A_282, %dma_wait3A_283] : memref<10240x40xf32, #tpu.memory_space<vmem_shared>> -> memref<10240x40xf32, #tpu.memory_space<vmem_shared>>
        tpu.wait_indirect_dma semaphore(%run_scoped3A_272 : memref<!tpu.dma_semaphore, #tpu.memory_space<semaphore_mem>>) src(%arg11 : memref<128x40xf32, #tpu.memory_space<vmem>>) dst(%dma_wait3A_284 : memref<10240x40xf32, #tpu.memory_space<vmem_shared>>)
        tpu.yield
      }) : () -> ()
      %dma_start3A_246 = arith.constant 7 : i32
      %dma_start3A_247 = arith.constant 0 : i32
      %dma_start3A_248 = tpu.memref_slice %arg8[%rem3A_150, %dma_start3A_246, %dma_start3A_247] : memref<2x8x128xi32, #tpu.memory_space<vmem>> -> memref<1x1x128xi32, #tpu.memory_space<vmem>>
      %dma_start3A_249 = tpu.memref_squeeze %dma_start3A_248 : memref<1x1x128xi32, #tpu.memory_space<vmem>> -> memref<128xi32, #tpu.memory_space<vmem>>
      %dma_start3A_250 = arith.constant 0 : i32
      %dma_start3A_251 = arith.constant 0 : i32
      %dma_start3A_252 = tpu.memref_slice %arg2[%dma_start3A_250, %dma_start3A_251] : memref<10240x40xf32, #tpu.memory_space<hbm>> -> memref<10240x40xf32, #tpu.memory_space<hbm>>
      tpu.enqueue_indirect_dma source(%dma_start3A_252 : memref<10240x40xf32, #tpu.memory_space<hbm>>) target(%arg11 : memref<128x40xf32, #tpu.memory_space<vmem>>) offsets(%dma_start3A_249 : memref<128xi32, #tpu.memory_space<vmem>>) semaphore(%arg13 : memref<!tpu.dma_semaphore, #tpu.memory_space<semaphore_mem>>)
      %dma_wait3A_253 = arith.constant 6 : i32
      %dma_wait3A_254 = arith.constant 0 : i32
      %dma_wait3A_255 = tpu.memref_slice %arg8[%rem3A_150, %dma_wait3A_253, %dma_wait3A_254] : memref<2x8x128xi32, #tpu.memory_space<vmem>> -> memref<1x1x128xi32, #tpu.memory_space<vmem>>
      %dma_wait3A_256 = tpu.memref_squeeze %dma_wait3A_255 : memref<1x1x128xi32, #tpu.memory_space<vmem>> -> memref<128xi32, #tpu.memory_space<vmem>>
      %dma_wait3A_257 = arith.constant 0 : i32
      %dma_wait3A_258 = arith.constant 0 : i32
      %dma_wait3A_259 = tpu.memref_slice %arg2[%dma_wait3A_257, %dma_wait3A_258] : memref<10240x40xf32, #tpu.memory_space<hbm>> -> memref<10240x40xf32, #tpu.memory_space<hbm>>
      tpu.wait_indirect_dma semaphore(%arg12 : memref<!tpu.dma_semaphore, #tpu.memory_space<semaphore_mem>>) src(%dma_wait3A_259 : memref<10240x40xf32, #tpu.memory_space<hbm>>) dst(%arg10 : memref<128x40xf32, #tpu.memory_space<vmem>>)
      %run_scoped3A_260 = arith.constant 6 : i32
      "tpu.region"() ({
        %run_scoped3A_272 = tpu.sem_alloc : memref<!tpu.dma_semaphore, #tpu.memory_space<semaphore_mem>>
        %dma_start3A_273 = arith.constant 0 : i32
        %dma_start3A_274 = tpu.memref_slice %arg9[%rem3A_150, %run_scoped3A_260, %dma_start3A_273] : memref<2x8x128xi32, #tpu.memory_space<vmem>> -> memref<1x1x128xi32, #tpu.memory_space<vmem>>
        %dma_start3A_275 = tpu.memref_squeeze %dma_start3A_274 : memref<1x1x128xi32, #tpu.memory_space<vmem>> -> memref<128xi32, #tpu.memory_space<vmem>>
        %dma_start3A_276 = arith.constant 0 : i32
        %dma_start3A_277 = arith.constant 0 : i32
        %dma_start3A_278 = tpu.memref_slice %arg7[%dma_start3A_276, %dma_start3A_277] : memref<10240x40xf32, #tpu.memory_space<vmem_shared>> -> memref<10240x40xf32, #tpu.memory_space<vmem_shared>>
        tpu.enqueue_indirect_dma source(%arg10 : memref<128x40xf32, #tpu.memory_space<vmem>>) target(%dma_start3A_278 : memref<10240x40xf32, #tpu.memory_space<vmem_shared>>) offsets(%dma_start3A_275 : memref<128xi32, #tpu.memory_space<vmem>>) semaphore(%run_scoped3A_272 : memref<!tpu.dma_semaphore, #tpu.memory_space<semaphore_mem>>) {add = true}
        %dma_wait3A_279 = arith.constant 0 : i32
        %dma_wait3A_280 = tpu.memref_slice %arg9[%rem3A_150, %run_scoped3A_260, %dma_wait3A_279] : memref<2x8x128xi32, #tpu.memory_space<vmem>> -> memref<1x1x128xi32, #tpu.memory_space<vmem>>
        %dma_wait3A_281 = tpu.memref_squeeze %dma_wait3A_280 : memref<1x1x128xi32, #tpu.memory_space<vmem>> -> memref<128xi32, #tpu.memory_space<vmem>>
        %dma_wait3A_282 = arith.constant 0 : i32
        %dma_wait3A_283 = arith.constant 0 : i32
        %dma_wait3A_284 = tpu.memref_slice %arg7[%dma_wait3A_282, %dma_wait3A_283] : memref<10240x40xf32, #tpu.memory_space<vmem_shared>> -> memref<10240x40xf32, #tpu.memory_space<vmem_shared>>
        tpu.wait_indirect_dma semaphore(%run_scoped3A_272 : memref<!tpu.dma_semaphore, #tpu.memory_space<semaphore_mem>>) src(%arg10 : memref<128x40xf32, #tpu.memory_space<vmem>>) dst(%dma_wait3A_284 : memref<10240x40xf32, #tpu.memory_space<vmem_shared>>)
        tpu.yield
      }) : () -> ()
      %convert_element_type3A_261 = arith.extui %lt3A_154 : i1 to i32
      %cond3A_262 = arith.constant 0 : i32
      %cond3A_263 = arith.cmpi ne, %convert_element_type3A_261, %cond3A_262 : i32
      scf.if %cond3A_263 {
        %add3A_272 = arith.constant 1 : i32
        %add3A_273 = arith.addi %scan3A_149, %add3A_272 : i32
        %mul3A_274 = arith.constant 8 : i32
        %mul3A_275 = arith.muli %add3A_273, %mul3A_274 : i32
        %dma_wait3A_276 = arith.constant 0 : i32
        %dma_wait3A_277 = arith.constant 0 : i32
        %dma_wait3A_278 = tpu.memref_slice %arg8[%sub3A_151, %dma_wait3A_276, %dma_wait3A_277] : memref<2x8x128xi32, #tpu.memory_space<vmem>> -> memref<1x8x128xi32, #tpu.memory_space<vmem>>
        %dma_wait3A_279 = tpu.memref_squeeze %dma_wait3A_278 : memref<1x8x128xi32, #tpu.memory_space<vmem>> -> memref<8x128xi32, #tpu.memory_space<vmem>>
        %dma_wait3A_280 = arith.constant 0 : i32
        %dma_wait3A_281 = tpu.memref_slice %arg3[%add3A, %mul3A_275, %dma_wait3A_280] : memref<32x80x128xi32, #tpu.memory_space<hbm>> -> memref<1x8x128xi32, #tpu.memory_space<hbm>>
        %dma_wait3A_282 = tpu.memref_squeeze %dma_wait3A_281 : memref<1x8x128xi32, #tpu.memory_space<hbm>> -> memref<8x128xi32, #tpu.memory_space<hbm>>
        %dma_wait3A_283 = arith.constant 0 : i32
        %dma_wait3A_284 = arith.constant 0 : i32
        %dma_wait3A_285 = tpu.memref_slice %arg8[%sub3A_151, %dma_wait3A_283, %dma_wait3A_284] : memref<2x8x128xi32, #tpu.memory_space<vmem>> -> memref<1x8x128xi32, #tpu.memory_space<vmem>>
        %dma_wait3A_286 = tpu.memref_squeeze %dma_wait3A_285 : memref<1x8x128xi32, #tpu.memory_space<vmem>> -> memref<8x128xi32, #tpu.memory_space<vmem>>
        %dma_wait3A_287 = arith.constant 0 : i32
        %dma_wait3A_288 = tpu.memref_slice %arg3[%add3A, %mul3A_275, %dma_wait3A_287] : memref<32x80x128xi32, #tpu.memory_space<hbm>> -> memref<1x8x128xi32, #tpu.memory_space<hbm>>
        %dma_wait3A_289 = tpu.memref_squeeze %dma_wait3A_288 : memref<1x8x128xi32, #tpu.memory_space<hbm>> -> memref<8x128xi32, #tpu.memory_space<hbm>>
        tpu.wait_dma2 semaphore(%arg14 : memref<!tpu.dma_semaphore, #tpu.memory_space<semaphore_mem>>) src(%dma_wait3A_289 : memref<8x128xi32, #tpu.memory_space<hbm>>) dst(%dma_wait3A_286 : memref<8x128xi32, #tpu.memory_space<vmem>>)
        %add3A_290 = arith.constant 1 : i32
        %add3A_291 = arith.addi %scan3A_149, %add3A_290 : i32
        %mul3A_292 = arith.constant 8 : i32
        %mul3A_293 = arith.muli %add3A_291, %mul3A_292 : i32
        %dma_wait3A_294 = arith.constant 0 : i32
        %dma_wait3A_295 = arith.constant 0 : i32
        %dma_wait3A_296 = tpu.memref_slice %arg9[%sub3A_151, %dma_wait3A_294, %dma_wait3A_295] : memref<2x8x128xi32, #tpu.memory_space<vmem>> -> memref<1x8x128xi32, #tpu.memory_space<vmem>>
        %dma_wait3A_297 = tpu.memref_squeeze %dma_wait3A_296 : memref<1x8x128xi32, #tpu.memory_space<vmem>> -> memref<8x128xi32, #tpu.memory_space<vmem>>
        %dma_wait3A_298 = arith.constant 0 : i32
        %dma_wait3A_299 = tpu.memref_slice %arg4[%add3A, %mul3A_293, %dma_wait3A_298] : memref<32x80x128xi32, #tpu.memory_space<hbm>> -> memref<1x8x128xi32, #tpu.memory_space<hbm>>
        %dma_wait3A_300 = tpu.memref_squeeze %dma_wait3A_299 : memref<1x8x128xi32, #tpu.memory_space<hbm>> -> memref<8x128xi32, #tpu.memory_space<hbm>>
        %dma_wait3A_301 = arith.constant 0 : i32
        %dma_wait3A_302 = arith.constant 0 : i32
        %dma_wait3A_303 = tpu.memref_slice %arg9[%sub3A_151, %dma_wait3A_301, %dma_wait3A_302] : memref<2x8x128xi32, #tpu.memory_space<vmem>> -> memref<1x8x128xi32, #tpu.memory_space<vmem>>
        %dma_wait3A_304 = tpu.memref_squeeze %dma_wait3A_303 : memref<1x8x128xi32, #tpu.memory_space<vmem>> -> memref<8x128xi32, #tpu.memory_space<vmem>>
        %dma_wait3A_305 = arith.constant 0 : i32
        %dma_wait3A_306 = tpu.memref_slice %arg4[%add3A, %mul3A_293, %dma_wait3A_305] : memref<32x80x128xi32, #tpu.memory_space<hbm>> -> memref<1x8x128xi32, #tpu.memory_space<hbm>>
        %dma_wait3A_307 = tpu.memref_squeeze %dma_wait3A_306 : memref<1x8x128xi32, #tpu.memory_space<hbm>> -> memref<8x128xi32, #tpu.memory_space<hbm>>
        tpu.wait_dma2 semaphore(%arg14 : memref<!tpu.dma_semaphore, #tpu.memory_space<semaphore_mem>>) src(%dma_wait3A_307 : memref<8x128xi32, #tpu.memory_space<hbm>>) dst(%dma_wait3A_304 : memref<8x128xi32, #tpu.memory_space<vmem>>)
        %dma_start3A_308 = arith.constant 0 : i32
        %dma_start3A_309 = arith.constant 0 : i32
        %dma_start3A_310 = tpu.memref_slice %arg8[%sub3A_151, %dma_start3A_308, %dma_start3A_309] : memref<2x8x128xi32, #tpu.memory_space<vmem>> -> memref<1x1x128xi32, #tpu.memory_space<vmem>>
        %dma_start3A_311 = tpu.memref_squeeze %dma_start3A_310 : memref<1x1x128xi32, #tpu.memory_space<vmem>> -> memref<128xi32, #tpu.memory_space<vmem>>
        %dma_start3A_312 = arith.constant 0 : i32
        %dma_start3A_313 = arith.constant 0 : i32
        %dma_start3A_314 = tpu.memref_slice %arg2[%dma_start3A_312, %dma_start3A_313] : memref<10240x40xf32, #tpu.memory_space<hbm>> -> memref<10240x40xf32, #tpu.memory_space<hbm>>
        tpu.enqueue_indirect_dma source(%dma_start3A_314 : memref<10240x40xf32, #tpu.memory_space<hbm>>) target(%arg10 : memref<128x40xf32, #tpu.memory_space<vmem>>) offsets(%dma_start3A_311 : memref<128xi32, #tpu.memory_space<vmem>>) semaphore(%arg12 : memref<!tpu.dma_semaphore, #tpu.memory_space<semaphore_mem>>)
      } else {
      }
      %dma_wait3A_264 = arith.constant 7 : i32
      %dma_wait3A_265 = arith.constant 0 : i32
      %dma_wait3A_266 = tpu.memref_slice %arg8[%rem3A_150, %dma_wait3A_264, %dma_wait3A_265] : memref<2x8x128xi32, #tpu.memory_space<vmem>> -> memref<1x1x128xi32, #tpu.memory_space<vmem>>
      %dma_wait3A_267 = tpu.memref_squeeze %dma_wait3A_266 : memref<1x1x128xi32, #tpu.memory_space<vmem>> -> memref<128xi32, #tpu.memory_space<vmem>>
      %dma_wait3A_268 = arith.constant 0 : i32
      %dma_wait3A_269 = arith.constant 0 : i32
      %dma_wait3A_270 = tpu.memref_slice %arg2[%dma_wait3A_268, %dma_wait3A_269] : memref<10240x40xf32, #tpu.memory_space<hbm>> -> memref<10240x40xf32, #tpu.memory_space<hbm>>
      tpu.wait_indirect_dma semaphore(%arg13 : memref<!tpu.dma_semaphore, #tpu.memory_space<semaphore_mem>>) src(%dma_wait3A_270 : memref<10240x40xf32, #tpu.memory_space<hbm>>) dst(%arg11 : memref<128x40xf32, #tpu.memory_space<vmem>>)
      %run_scoped3A_271 = arith.constant 7 : i32
      "tpu.region"() ({
        %run_scoped3A_272 = tpu.sem_alloc : memref<!tpu.dma_semaphore, #tpu.memory_space<semaphore_mem>>
        %dma_start3A_273 = arith.constant 0 : i32
        %dma_start3A_274 = tpu.memref_slice %arg9[%rem3A_150, %run_scoped3A_271, %dma_start3A_273] : memref<2x8x128xi32, #tpu.memory_space<vmem>> -> memref<1x1x128xi32, #tpu.memory_space<vmem>>
        %dma_start3A_275 = tpu.memref_squeeze %dma_start3A_274 : memref<1x1x128xi32, #tpu.memory_space<vmem>> -> memref<128xi32, #tpu.memory_space<vmem>>
        %dma_start3A_276 = arith.constant 0 : i32
        %dma_start3A_277 = arith.constant 0 : i32
        %dma_start3A_278 = tpu.memref_slice %arg7[%dma_start3A_276, %dma_start3A_277] : memref<10240x40xf32, #tpu.memory_space<vmem_shared>> -> memref<10240x40xf32, #tpu.memory_space<vmem_shared>>
        tpu.enqueue_indirect_dma source(%arg11 : memref<128x40xf32, #tpu.memory_space<vmem>>) target(%dma_start3A_278 : memref<10240x40xf32, #tpu.memory_space<vmem_shared>>) offsets(%dma_start3A_275 : memref<128xi32, #tpu.memory_space<vmem>>) semaphore(%run_scoped3A_272 : memref<!tpu.dma_semaphore, #tpu.memory_space<semaphore_mem>>) {add = true}
        %dma_wait3A_279 = arith.constant 0 : i32
        %dma_wait3A_280 = tpu.memref_slice %arg9[%rem3A_150, %run_scoped3A_271, %dma_wait3A_279] : memref<2x8x128xi32, #tpu.memory_space<vmem>> -> memref<1x1x128xi32, #tpu.memory_space<vmem>>
        %dma_wait3A_281 = tpu.memref_squeeze %dma_wait3A_280 : memref<1x1x128xi32, #tpu.memory_space<vmem>> -> memref<128xi32, #tpu.memory_space<vmem>>
        %dma_wait3A_282 = arith.constant 0 : i32
        %dma_wait3A_283 = arith.constant 0 : i32
        %dma_wait3A_284 = tpu.memref_slice %arg7[%dma_wait3A_282, %dma_wait3A_283] : memref<10240x40xf32, #tpu.memory_space<vmem_shared>> -> memref<10240x40xf32, #tpu.memory_space<vmem_shared>>
        tpu.wait_indirect_dma semaphore(%run_scoped3A_272 : memref<!tpu.dma_semaphore, #tpu.memory_space<semaphore_mem>>) src(%arg11 : memref<128x40xf32, #tpu.memory_space<vmem>>) dst(%dma_wait3A_284 : memref<10240x40xf32, #tpu.memory_space<vmem_shared>>)
        tpu.yield
      }) : () -> ()
    }
    %scan3A_74 = arith.constant 10 : i32
    %barrier3A_75 = arith.constant 0 : index
    tpu.barrier barrier_id(%barrier3A_75)
    "tpu.region"() ({
      %run_scoped3A_149 = tpu.sem_alloc : memref<!tpu.dma_semaphore, #tpu.memory_space<semaphore_mem>>
      %dma_start3A_150 = arith.constant 0 : i32
      %dma_start3A_151 = tpu.memref_slice %arg7[%mul3A_2, %dma_start3A_150] : memref<10240x40xf32, #tpu.memory_space<vmem_shared>> -> memref<128x40xf32, #tpu.memory_space<vmem_shared>>
      %dma_start3A_152 = arith.constant 0 : i32
      %dma_start3A_153 = tpu.memref_slice %arg7[%mul3A_2, %dma_start3A_152] : memref<10240x40xf32, #tpu.memory_space<vmem_shared>> -> memref<128x40xf32, #tpu.memory_space<vmem_shared>>
      tpu.enqueue_dma source(%dma_start3A_153 : memref<128x40xf32, #tpu.memory_space<vmem_shared>>) target(%arg10 : memref<128x40xf32, #tpu.memory_space<vmem>>) target_semaphore(%run_scoped3A_149 : memref<!tpu.dma_semaphore, #tpu.memory_space<semaphore_mem>>)
      %dma_wait3A_154 = arith.constant 0 : i32
      %dma_wait3A_155 = tpu.memref_slice %arg7[%mul3A_2, %dma_wait3A_154] : memref<10240x40xf32, #tpu.memory_space<vmem_shared>> -> memref<128x40xf32, #tpu.memory_space<vmem_shared>>
      %dma_wait3A_156 = arith.constant 0 : i32
      %dma_wait3A_157 = tpu.memref_slice %arg7[%mul3A_2, %dma_wait3A_156] : memref<10240x40xf32, #tpu.memory_space<vmem_shared>> -> memref<128x40xf32, #tpu.memory_space<vmem_shared>>
      tpu.wait_dma2 semaphore(%run_scoped3A_149 : memref<!tpu.dma_semaphore, #tpu.memory_space<semaphore_mem>>) src(%dma_wait3A_157 : memref<128x40xf32, #tpu.memory_space<vmem_shared>>) dst(%arg10 : memref<128x40xf32, #tpu.memory_space<vmem>>)
      tpu.yield
    }) : () -> ()
    %add3A_76 = arith.constant 128 : i32
    %add3A_77 = arith.addi %mul3A_2, %add3A_76 : i32
    %dma_start3A_78 = arith.constant 0 : i32
    %dma_start3A_79 = tpu.memref_slice %arg7[%add3A_77, %dma_start3A_78] : memref<10240x40xf32, #tpu.memory_space<vmem_shared>> -> memref<128x40xf32, #tpu.memory_space<vmem_shared>>
    %dma_start3A_80 = arith.constant 0 : i32
    %dma_start3A_81 = tpu.memref_slice %arg7[%add3A_77, %dma_start3A_80] : memref<10240x40xf32, #tpu.memory_space<vmem_shared>> -> memref<128x40xf32, #tpu.memory_space<vmem_shared>>
    tpu.enqueue_dma source(%dma_start3A_81 : memref<128x40xf32, #tpu.memory_space<vmem_shared>>) target(%arg11 : memref<128x40xf32, #tpu.memory_space<vmem>>) target_semaphore(%arg14 : memref<!tpu.dma_semaphore, #tpu.memory_space<semaphore_mem>>)
    %mul3A_82 = arith.constant 10240 : i32
    %mul3A_83 = arith.muli %arg0, %mul3A_82 : i32
    %add3A_84 = arith.addi %mul3A_83, %mul3A_2 : i32
    %add3A_85 = arith.constant 0 : i32
    %add3A_86 = arith.addi %add3A_84, %add3A_85 : i32
    "tpu.region"() ({
      %run_scoped3A_149 = tpu.sem_alloc : memref<!tpu.dma_semaphore, #tpu.memory_space<semaphore_mem>>
      %dma_start3A_150 = arith.constant 0 : i32
      %dma_start3A_151 = tpu.memref_slice %arg6[%add3A_86, %dma_start3A_150] : memref<20480x40xf32, #tpu.memory_space<hbm>> -> memref<128x40xf32, #tpu.memory_space<hbm>>
      %dma_start3A_152 = arith.constant 0 : i32
      %dma_start3A_153 = tpu.memref_slice %arg6[%add3A_86, %dma_start3A_152] : memref<20480x40xf32, #tpu.memory_space<hbm>> -> memref<128x40xf32, #tpu.memory_space<hbm>>
      tpu.enqueue_dma source(%arg10 : memref<128x40xf32, #tpu.memory_space<vmem>>) target(%dma_start3A_153 : memref<128x40xf32, #tpu.memory_space<hbm>>) target_semaphore(%run_scoped3A_149 : memref<!tpu.dma_semaphore, #tpu.memory_space<semaphore_mem>>)
      %dma_wait3A_154 = arith.constant 0 : i32
      %dma_wait3A_155 = tpu.memref_slice %arg6[%add3A_86, %dma_wait3A_154] : memref<20480x40xf32, #tpu.memory_space<hbm>> -> memref<128x40xf32, #tpu.memory_space<hbm>>
      %dma_wait3A_156 = arith.constant 0 : i32
      %dma_wait3A_157 = tpu.memref_slice %arg6[%add3A_86, %dma_wait3A_156] : memref<20480x40xf32, #tpu.memory_space<hbm>> -> memref<128x40xf32, #tpu.memory_space<hbm>>
      tpu.wait_dma2 semaphore(%run_scoped3A_149 : memref<!tpu.dma_semaphore, #tpu.memory_space<semaphore_mem>>) src(%arg10 : memref<128x40xf32, #tpu.memory_space<vmem>>) dst(%dma_wait3A_157 : memref<128x40xf32, #tpu.memory_space<hbm>>)
      tpu.yield
    }) : () -> ()
    %add3A_87 = arith.constant 128 : i32
    %add3A_88 = arith.addi %mul3A_2, %add3A_87 : i32
    %dma_wait3A_89 = arith.constant 0 : i32
    %dma_wait3A_90 = tpu.memref_slice %arg7[%add3A_88, %dma_wait3A_89] : memref<10240x40xf32, #tpu.memory_space<vmem_shared>> -> memref<128x40xf32, #tpu.memory_space<vmem_shared>>
    %dma_wait3A_91 = arith.constant 0 : i32
    %dma_wait3A_92 = tpu.memref_slice %arg7[%add3A_88, %dma_wait3A_91] : memref<10240x40xf32, #tpu.memory_space<vmem_shared>> -> memref<128x40xf32, #tpu.memory_space<vmem_shared>>
    tpu.wait_dma2 semaphore(%arg14 : memref<!tpu.dma_semaphore, #tpu.memory_space<semaphore_mem>>) src(%dma_wait3A_92 : memref<128x40xf32, #tpu.memory_space<vmem_shared>>) dst(%arg11 : memref<128x40xf32, #tpu.memory_space<vmem>>)
    %add3A_93 = arith.constant 256 : i32
    %add3A_94 = arith.addi %mul3A_2, %add3A_93 : i32
    %dma_start3A_95 = arith.constant 0 : i32
    %dma_start3A_96 = tpu.memref_slice %arg7[%add3A_94, %dma_start3A_95] : memref<10240x40xf32, #tpu.memory_space<vmem_shared>> -> memref<128x40xf32, #tpu.memory_space<vmem_shared>>
    %dma_start3A_97 = arith.constant 0 : i32
    %dma_start3A_98 = tpu.memref_slice %arg7[%add3A_94, %dma_start3A_97] : memref<10240x40xf32, #tpu.memory_space<vmem_shared>> -> memref<128x40xf32, #tpu.memory_space<vmem_shared>>
    tpu.enqueue_dma source(%dma_start3A_98 : memref<128x40xf32, #tpu.memory_space<vmem_shared>>) target(%arg10 : memref<128x40xf32, #tpu.memory_space<vmem>>) target_semaphore(%arg14 : memref<!tpu.dma_semaphore, #tpu.memory_space<semaphore_mem>>)
    %mul3A_99 = arith.constant 10240 : i32
    %mul3A_100 = arith.muli %arg0, %mul3A_99 : i32
    %add3A_101 = arith.addi %mul3A_100, %mul3A_2 : i32
    %add3A_102 = arith.constant 128 : i32
    %add3A_103 = arith.addi %add3A_101, %add3A_102 : i32
    "tpu.region"() ({
      %run_scoped3A_149 = tpu.sem_alloc : memref<!tpu.dma_semaphore, #tpu.memory_space<semaphore_mem>>
      %dma_start3A_150 = arith.constant 0 : i32
      %dma_start3A_151 = tpu.memref_slice %arg6[%add3A_103, %dma_start3A_150] : memref<20480x40xf32, #tpu.memory_space<hbm>> -> memref<128x40xf32, #tpu.memory_space<hbm>>
      %dma_start3A_152 = arith.constant 0 : i32
      %dma_start3A_153 = tpu.memref_slice %arg6[%add3A_103, %dma_start3A_152] : memref<20480x40xf32, #tpu.memory_space<hbm>> -> memref<128x40xf32, #tpu.memory_space<hbm>>
      tpu.enqueue_dma source(%arg11 : memref<128x40xf32, #tpu.memory_space<vmem>>) target(%dma_start3A_153 : memref<128x40xf32, #tpu.memory_space<hbm>>) target_semaphore(%run_scoped3A_149 : memref<!tpu.dma_semaphore, #tpu.memory_space<semaphore_mem>>)
      %dma_wait3A_154 = arith.constant 0 : i32
      %dma_wait3A_155 = tpu.memref_slice %arg6[%add3A_103, %dma_wait3A_154] : memref<20480x40xf32, #tpu.memory_space<hbm>> -> memref<128x40xf32, #tpu.memory_space<hbm>>
      %dma_wait3A_156 = arith.constant 0 : i32
      %dma_wait3A_157 = tpu.memref_slice %arg6[%add3A_103, %dma_wait3A_156] : memref<20480x40xf32, #tpu.memory_space<hbm>> -> memref<128x40xf32, #tpu.memory_space<hbm>>
      tpu.wait_dma2 semaphore(%run_scoped3A_149 : memref<!tpu.dma_semaphore, #tpu.memory_space<semaphore_mem>>) src(%arg11 : memref<128x40xf32, #tpu.memory_space<vmem>>) dst(%dma_wait3A_157 : memref<128x40xf32, #tpu.memory_space<hbm>>)
      tpu.yield
    }) : () -> ()
    %add3A_104 = arith.constant 256 : i32
    %add3A_105 = arith.addi %mul3A_2, %add3A_104 : i32
    %dma_wait3A_106 = arith.constant 0 : i32
    %dma_wait3A_107 = tpu.memref_slice %arg7[%add3A_105, %dma_wait3A_106] : memref<10240x40xf32, #tpu.memory_space<vmem_shared>> -> memref<128x40xf32, #tpu.memory_space<vmem_shared>>
    %dma_wait3A_108 = arith.constant 0 : i32
    %dma_wait3A_109 = tpu.memref_slice %arg7[%add3A_105, %dma_wait3A_108] : memref<10240x40xf32, #tpu.memory_space<vmem_shared>> -> memref<128x40xf32, #tpu.memory_space<vmem_shared>>
    tpu.wait_dma2 semaphore(%arg14 : memref<!tpu.dma_semaphore, #tpu.memory_space<semaphore_mem>>) src(%dma_wait3A_109 : memref<128x40xf32, #tpu.memory_space<vmem_shared>>) dst(%arg10 : memref<128x40xf32, #tpu.memory_space<vmem>>)
    %add3A_110 = arith.constant 384 : i32
    %add3A_111 = arith.addi %mul3A_2, %add3A_110 : i32
    %dma_start3A_112 = arith.constant 0 : i32
    %dma_start3A_113 = tpu.memref_slice %arg7[%add3A_111, %dma_start3A_112] : memref<10240x40xf32, #tpu.memory_space<vmem_shared>> -> memref<128x40xf32, #tpu.memory_space<vmem_shared>>
    %dma_start3A_114 = arith.constant 0 : i32
    %dma_start3A_115 = tpu.memref_slice %arg7[%add3A_111, %dma_start3A_114] : memref<10240x40xf32, #tpu.memory_space<vmem_shared>> -> memref<128x40xf32, #tpu.memory_space<vmem_shared>>
    tpu.enqueue_dma source(%dma_start3A_115 : memref<128x40xf32, #tpu.memory_space<vmem_shared>>) target(%arg11 : memref<128x40xf32, #tpu.memory_space<vmem>>) target_semaphore(%arg14 : memref<!tpu.dma_semaphore, #tpu.memory_space<semaphore_mem>>)
    %mul3A_116 = arith.constant 10240 : i32
    %mul3A_117 = arith.muli %arg0, %mul3A_116 : i32
    %add3A_118 = arith.addi %mul3A_117, %mul3A_2 : i32
    %add3A_119 = arith.constant 256 : i32
    %add3A_120 = arith.addi %add3A_118, %add3A_119 : i32
    "tpu.region"() ({
      %run_scoped3A_149 = tpu.sem_alloc : memref<!tpu.dma_semaphore, #tpu.memory_space<semaphore_mem>>
      %dma_start3A_150 = arith.constant 0 : i32
      %dma_start3A_151 = tpu.memref_slice %arg6[%add3A_120, %dma_start3A_150] : memref<20480x40xf32, #tpu.memory_space<hbm>> -> memref<128x40xf32, #tpu.memory_space<hbm>>
      %dma_start3A_152 = arith.constant 0 : i32
      %dma_start3A_153 = tpu.memref_slice %arg6[%add3A_120, %dma_start3A_152] : memref<20480x40xf32, #tpu.memory_space<hbm>> -> memref<128x40xf32, #tpu.memory_space<hbm>>
      tpu.enqueue_dma source(%arg10 : memref<128x40xf32, #tpu.memory_space<vmem>>) target(%dma_start3A_153 : memref<128x40xf32, #tpu.memory_space<hbm>>) target_semaphore(%run_scoped3A_149 : memref<!tpu.dma_semaphore, #tpu.memory_space<semaphore_mem>>)
      %dma_wait3A_154 = arith.constant 0 : i32
      %dma_wait3A_155 = tpu.memref_slice %arg6[%add3A_120, %dma_wait3A_154] : memref<20480x40xf32, #tpu.memory_space<hbm>> -> memref<128x40xf32, #tpu.memory_space<hbm>>
      %dma_wait3A_156 = arith.constant 0 : i32
      %dma_wait3A_157 = tpu.memref_slice %arg6[%add3A_120, %dma_wait3A_156] : memref<20480x40xf32, #tpu.memory_space<hbm>> -> memref<128x40xf32, #tpu.memory_space<hbm>>
      tpu.wait_dma2 semaphore(%run_scoped3A_149 : memref<!tpu.dma_semaphore, #tpu.memory_space<semaphore_mem>>) src(%arg10 : memref<128x40xf32, #tpu.memory_space<vmem>>) dst(%dma_wait3A_157 : memref<128x40xf32, #tpu.memory_space<hbm>>)
      tpu.yield
    }) : () -> ()
    %add3A_121 = arith.constant 384 : i32
    %add3A_122 = arith.addi %mul3A_2, %add3A_121 : i32
    %dma_wait3A_123 = arith.constant 0 : i32
    %dma_wait3A_124 = tpu.memref_slice %arg7[%add3A_122, %dma_wait3A_123] : memref<10240x40xf32, #tpu.memory_space<vmem_shared>> -> memref<128x40xf32, #tpu.memory_space<vmem_shared>>
    %dma_wait3A_125 = arith.constant 0 : i32
    %dma_wait3A_126 = tpu.memref_slice %arg7[%add3A_122, %dma_wait3A_125] : memref<10240x40xf32, #tpu.memory_space<vmem_shared>> -> memref<128x40xf32, #tpu.memory_space<vmem_shared>>
    tpu.wait_dma2 semaphore(%arg14 : memref<!tpu.dma_semaphore, #tpu.memory_space<semaphore_mem>>) src(%dma_wait3A_126 : memref<128x40xf32, #tpu.memory_space<vmem_shared>>) dst(%arg11 : memref<128x40xf32, #tpu.memory_space<vmem>>)
    %add3A_127 = arith.constant 512 : i32
    %add3A_128 = arith.addi %mul3A_2, %add3A_127 : i32
    %dma_start3A_129 = arith.constant 0 : i32
    %dma_start3A_130 = tpu.memref_slice %arg7[%add3A_128, %dma_start3A_129] : memref<10240x40xf32, #tpu.memory_space<vmem_shared>> -> memref<128x40xf32, #tpu.memory_space<vmem_shared>>
    %dma_start3A_131 = arith.constant 0 : i32
    %dma_start3A_132 = tpu.memref_slice %arg7[%add3A_128, %dma_start3A_131] : memref<10240x40xf32, #tpu.memory_space<vmem_shared>> -> memref<128x40xf32, #tpu.memory_space<vmem_shared>>
    tpu.enqueue_dma source(%dma_start3A_132 : memref<128x40xf32, #tpu.memory_space<vmem_shared>>) target(%arg10 : memref<128x40xf32, #tpu.memory_space<vmem>>) target_semaphore(%arg14 : memref<!tpu.dma_semaphore, #tpu.memory_space<semaphore_mem>>)
    %mul3A_133 = arith.constant 10240 : i32
    %mul3A_134 = arith.muli %arg0, %mul3A_133 : i32
    %add3A_135 = arith.addi %mul3A_134, %mul3A_2 : i32
    %add3A_136 = arith.constant 384 : i32
    %add3A_137 = arith.addi %add3A_135, %add3A_136 : i32
    "tpu.region"() ({
      %run_scoped3A_149 = tpu.sem_alloc : memref<!tpu.dma_semaphore, #tpu.memory_space<semaphore_mem>>
      %dma_start3A_150 = arith.constant 0 : i32
      %dma_start3A_151 = tpu.memref_slice %arg6[%add3A_137, %dma_start3A_150] : memref<20480x40xf32, #tpu.memory_space<hbm>> -> memref<128x40xf32, #tpu.memory_space<hbm>>
      %dma_start3A_152 = arith.constant 0 : i32
      %dma_start3A_153 = tpu.memref_slice %arg6[%add3A_137, %dma_start3A_152] : memref<20480x40xf32, #tpu.memory_space<hbm>> -> memref<128x40xf32, #tpu.memory_space<hbm>>
      tpu.enqueue_dma source(%arg11 : memref<128x40xf32, #tpu.memory_space<vmem>>) target(%dma_start3A_153 : memref<128x40xf32, #tpu.memory_space<hbm>>) target_semaphore(%run_scoped3A_149 : memref<!tpu.dma_semaphore, #tpu.memory_space<semaphore_mem>>)
      %dma_wait3A_154 = arith.constant 0 : i32
      %dma_wait3A_155 = tpu.memref_slice %arg6[%add3A_137, %dma_wait3A_154] : memref<20480x40xf32, #tpu.memory_space<hbm>> -> memref<128x40xf32, #tpu.memory_space<hbm>>
      %dma_wait3A_156 = arith.constant 0 : i32
      %dma_wait3A_157 = tpu.memref_slice %arg6[%add3A_137, %dma_wait3A_156] : memref<20480x40xf32, #tpu.memory_space<hbm>> -> memref<128x40xf32, #tpu.memory_space<hbm>>
      tpu.wait_dma2 semaphore(%run_scoped3A_149 : memref<!tpu.dma_semaphore, #tpu.memory_space<semaphore_mem>>) src(%arg11 : memref<128x40xf32, #tpu.memory_space<vmem>>) dst(%dma_wait3A_157 : memref<128x40xf32, #tpu.memory_space<hbm>>)
      tpu.yield
    }) : () -> ()
    %add3A_138 = arith.constant 512 : i32
    %add3A_139 = arith.addi %mul3A_2, %add3A_138 : i32
    %dma_wait3A_140 = arith.constant 0 : i32
    %dma_wait3A_141 = tpu.memref_slice %arg7[%add3A_139, %dma_wait3A_140] : memref<10240x40xf32, #tpu.memory_space<vmem_shared>> -> memref<128x40xf32, #tpu.memory_space<vmem_shared>>
    %dma_wait3A_142 = arith.constant 0 : i32
    %dma_wait3A_143 = tpu.memref_slice %arg7[%add3A_139, %dma_wait3A_142] : memref<10240x40xf32, #tpu.memory_space<vmem_shared>> -> memref<128x40xf32, #tpu.memory_space<vmem_shared>>
    tpu.wait_dma2 semaphore(%arg14 : memref<!tpu.dma_semaphore, #tpu.memory_space<semaphore_mem>>) src(%dma_wait3A_143 : memref<128x40xf32, #tpu.memory_space<vmem_shared>>) dst(%arg10 : memref<128x40xf32, #tpu.memory_space<vmem>>)
    %mul3A_144 = arith.constant 10240 : i32
    %mul3A_145 = arith.muli %arg0, %mul3A_144 : i32
    %add3A_146 = arith.addi %mul3A_145, %mul3A_2 : i32
    %add3A_147 = arith.constant 512 : i32
    %add3A_148 = arith.addi %add3A_146, %add3A_147 : i32
    "tpu.region"() ({
      %run_scoped3A_149 = tpu.sem_alloc : memref<!tpu.dma_semaphore, #tpu.memory_space<semaphore_mem>>
      %dma_start3A_150 = arith.constant 0 : i32
      %dma_start3A_151 = tpu.memref_slice %arg6[%add3A_148, %dma_start3A_150] : memref<20480x40xf32, #tpu.memory_space<hbm>> -> memref<128x40xf32, #tpu.memory_space<hbm>>
      %dma_start3A_152 = arith.constant 0 : i32
      %dma_start3A_153 = tpu.memref_slice %arg6[%add3A_148, %dma_start3A_152] : memref<20480x40xf32, #tpu.memory_space<hbm>> -> memref<128x40xf32, #tpu.memory_space<hbm>>
      tpu.enqueue_dma source(%arg10 : memref<128x40xf32, #tpu.memory_space<vmem>>) target(%dma_start3A_153 : memref<128x40xf32, #tpu.memory_space<hbm>>) target_semaphore(%run_scoped3A_149 : memref<!tpu.dma_semaphore, #tpu.memory_space<semaphore_mem>>)
      %dma_wait3A_154 = arith.constant 0 : i32
      %dma_wait3A_155 = tpu.memref_slice %arg6[%add3A_148, %dma_wait3A_154] : memref<20480x40xf32, #tpu.memory_space<hbm>> -> memref<128x40xf32, #tpu.memory_space<hbm>>
      %dma_wait3A_156 = arith.constant 0 : i32
      %dma_wait3A_157 = tpu.memref_slice %arg6[%add3A_148, %dma_wait3A_156] : memref<20480x40xf32, #tpu.memory_space<hbm>> -> memref<128x40xf32, #tpu.memory_space<hbm>>
      tpu.wait_dma2 semaphore(%run_scoped3A_149 : memref<!tpu.dma_semaphore, #tpu.memory_space<semaphore_mem>>) src(%arg10 : memref<128x40xf32, #tpu.memory_space<vmem>>) dst(%dma_wait3A_157 : memref<128x40xf32, #tpu.memory_space<hbm>>)
      tpu.yield
    }) : () -> ()
    return
  }
}

#map = affine_map<(d0, d1) -> (0, 0)>
#map1 = affine_map<(d0, d1) -> (0, 0, 0)>
module attributes {stable_mosaic.version = 14 : i64} {
  func.func @_agg_body(%arg0: i32, %arg1: i32, %arg2: memref<10000x128xf32, #tpu.memory_space<hbm>>, %arg3: memref<32x80x128xi32, #tpu.memory_space<hbm>>, %arg4: memref<32x80x128xi32, #tpu.memory_space<hbm>>, %arg5: memref<128x128xf32, #tpu.memory_space<hbm>>, %arg6: memref<20480x128xf32, #tpu.memory_space<hbm>>, %arg7: memref<10240x128xf32, #tpu.memory_space<vmem_shared>>, %arg8: memref<2x8x128xi32, #tpu.memory_space<vmem>>, %arg9: memref<2x8x128xi32, #tpu.memory_space<vmem>>, %arg10: memref<128x128xf32, #tpu.memory_space<vmem>>, %arg11: memref<128x128xf32, #tpu.memory_space<vmem>>, %arg12: memref<!tpu.dma_semaphore, #tpu.memory_space<semaphore_mem>>, %arg13: memref<!tpu.dma_semaphore, #tpu.memory_space<semaphore_mem>>, %arg14: memref<!tpu.dma_semaphore, #tpu.memory_space<semaphore_mem>>) attributes {dimension_semantics = [#tpu.dimension_semantics<core_parallel>, #tpu.dimension_semantics<subcore_parallel>], iteration_bounds = array<i64: 2, 16>, scalar_prefetch = 0 : i64, scratch_operands = 8 : i64, tpu.core_type = #tpu.core_type<sc_vector_subcore>, window_params = [{transform_indices = #map}, {transform_indices = #map1}, {transform_indices = #map1}, {transform_indices = #map}, {transform_indices = #map}]} {
    %mul3A = arith.constant 16 : i32
    %mul3A_0 = arith.muli %arg0, %mul3A : i32
    %add3A = arith.addi %mul3A_0, %arg1 : i32
    %mul3A_1 = arith.constant 640 : i32
    %mul3A_2 = arith.muli %arg1, %mul3A_1 : i32
    "tpu.region"() ({
      %run_scoped3A_149 = tpu.sem_alloc : memref<!tpu.dma_semaphore, #tpu.memory_space<semaphore_mem>>
      tpu.enqueue_dma source(%arg5 : memref<128x128xf32, #tpu.memory_space<hbm>>) target(%arg10 : memref<128x128xf32, #tpu.memory_space<vmem>>) target_semaphore(%run_scoped3A_149 : memref<!tpu.dma_semaphore, #tpu.memory_space<semaphore_mem>>)
      tpu.wait_dma2 semaphore(%run_scoped3A_149 : memref<!tpu.dma_semaphore, #tpu.memory_space<semaphore_mem>>) src(%arg5 : memref<128x128xf32, #tpu.memory_space<hbm>>) dst(%arg10 : memref<128x128xf32, #tpu.memory_space<vmem>>)
      tpu.yield
    }) : () -> ()
    %add3A_3 = arith.constant 0 : i32
    %add3A_4 = arith.addi %mul3A_2, %add3A_3 : i32
    %dma_start3A = arith.constant 0 : i32
    %dma_start3A_5 = tpu.memref_slice %arg7[%add3A_4, %dma_start3A] : memref<10240x128xf32, #tpu.memory_space<vmem_shared>> -> memref<128x128xf32, #tpu.memory_space<vmem_shared>>
    %dma_start3A_6 = arith.constant 0 : i32
    %dma_start3A_7 = tpu.memref_slice %arg7[%add3A_4, %dma_start3A_6] : memref<10240x128xf32, #tpu.memory_space<vmem_shared>> -> memref<128x128xf32, #tpu.memory_space<vmem_shared>>
    tpu.enqueue_dma source(%arg10 : memref<128x128xf32, #tpu.memory_space<vmem>>) target(%dma_start3A_7 : memref<128x128xf32, #tpu.memory_space<vmem_shared>>) target_semaphore(%arg14 : memref<!tpu.dma_semaphore, #tpu.memory_space<semaphore_mem>>)
    %add3A_8 = arith.constant 128 : i32
    %add3A_9 = arith.addi %mul3A_2, %add3A_8 : i32
    %dma_start3A_10 = arith.constant 0 : i32
    %dma_start3A_11 = tpu.memref_slice %arg7[%add3A_9, %dma_start3A_10] : memref<10240x128xf32, #tpu.memory_space<vmem_shared>> -> memref<128x128xf32, #tpu.memory_space<vmem_shared>>
    %dma_start3A_12 = arith.constant 0 : i32
    %dma_start3A_13 = tpu.memref_slice %arg7[%add3A_9, %dma_start3A_12] : memref<10240x128xf32, #tpu.memory_space<vmem_shared>> -> memref<128x128xf32, #tpu.memory_space<vmem_shared>>
    tpu.enqueue_dma source(%arg10 : memref<128x128xf32, #tpu.memory_space<vmem>>) target(%dma_start3A_13 : memref<128x128xf32, #tpu.memory_space<vmem_shared>>) target_semaphore(%arg14 : memref<!tpu.dma_semaphore, #tpu.memory_space<semaphore_mem>>)
    %add3A_14 = arith.constant 256 : i32
    %add3A_15 = arith.addi %mul3A_2, %add3A_14 : i32
    %dma_start3A_16 = arith.constant 0 : i32
    %dma_start3A_17 = tpu.memref_slice %arg7[%add3A_15, %dma_start3A_16] : memref<10240x128xf32, #tpu.memory_space<vmem_shared>> -> memref<128x128xf32, #tpu.memory_space<vmem_shared>>
    %dma_start3A_18 = arith.constant 0 : i32
    %dma_start3A_19 = tpu.memref_slice %arg7[%add3A_15, %dma_start3A_18] : memref<10240x128xf32, #tpu.memory_space<vmem_shared>> -> memref<128x128xf32, #tpu.memory_space<vmem_shared>>
    tpu.enqueue_dma source(%arg10 : memref<128x128xf32, #tpu.memory_space<vmem>>) target(%dma_start3A_19 : memref<128x128xf32, #tpu.memory_space<vmem_shared>>) target_semaphore(%arg14 : memref<!tpu.dma_semaphore, #tpu.memory_space<semaphore_mem>>)
    %add3A_20 = arith.constant 384 : i32
    %add3A_21 = arith.addi %mul3A_2, %add3A_20 : i32
    %dma_start3A_22 = arith.constant 0 : i32
    %dma_start3A_23 = tpu.memref_slice %arg7[%add3A_21, %dma_start3A_22] : memref<10240x128xf32, #tpu.memory_space<vmem_shared>> -> memref<128x128xf32, #tpu.memory_space<vmem_shared>>
    %dma_start3A_24 = arith.constant 0 : i32
    %dma_start3A_25 = tpu.memref_slice %arg7[%add3A_21, %dma_start3A_24] : memref<10240x128xf32, #tpu.memory_space<vmem_shared>> -> memref<128x128xf32, #tpu.memory_space<vmem_shared>>
    tpu.enqueue_dma source(%arg10 : memref<128x128xf32, #tpu.memory_space<vmem>>) target(%dma_start3A_25 : memref<128x128xf32, #tpu.memory_space<vmem_shared>>) target_semaphore(%arg14 : memref<!tpu.dma_semaphore, #tpu.memory_space<semaphore_mem>>)
    %add3A_26 = arith.constant 512 : i32
    %add3A_27 = arith.addi %mul3A_2, %add3A_26 : i32
    %dma_start3A_28 = arith.constant 0 : i32
    %dma_start3A_29 = tpu.memref_slice %arg7[%add3A_27, %dma_start3A_28] : memref<10240x128xf32, #tpu.memory_space<vmem_shared>> -> memref<128x128xf32, #tpu.memory_space<vmem_shared>>
    %dma_start3A_30 = arith.constant 0 : i32
    %dma_start3A_31 = tpu.memref_slice %arg7[%add3A_27, %dma_start3A_30] : memref<10240x128xf32, #tpu.memory_space<vmem_shared>> -> memref<128x128xf32, #tpu.memory_space<vmem_shared>>
    tpu.enqueue_dma source(%arg10 : memref<128x128xf32, #tpu.memory_space<vmem>>) target(%dma_start3A_31 : memref<128x128xf32, #tpu.memory_space<vmem_shared>>) target_semaphore(%arg14 : memref<!tpu.dma_semaphore, #tpu.memory_space<semaphore_mem>>)
    %run_scoped3A = arith.constant 0 : i32
    "tpu.region"() ({
      %run_scoped3A_149 = tpu.sem_alloc : memref<!tpu.dma_semaphore, #tpu.memory_space<semaphore_mem>>
      %dma_start3A_150 = arith.constant 0 : i32
      %dma_start3A_151 = arith.constant 0 : i32
      %dma_start3A_152 = tpu.memref_slice %arg8[%run_scoped3A, %dma_start3A_150, %dma_start3A_151] : memref<2x8x128xi32, #tpu.memory_space<vmem>> -> memref<1x8x128xi32, #tpu.memory_space<vmem>>
      %dma_start3A_153 = tpu.memref_squeeze %dma_start3A_152 : memref<1x8x128xi32, #tpu.memory_space<vmem>> -> memref<8x128xi32, #tpu.memory_space<vmem>>
      %dma_start3A_154 = arith.constant 0 : i32
      %dma_start3A_155 = arith.constant 0 : i32
      %dma_start3A_156 = tpu.memref_slice %arg3[%add3A, %dma_start3A_154, %dma_start3A_155] : memref<32x80x128xi32, #tpu.memory_space<hbm>> -> memref<1x8x128xi32, #tpu.memory_space<hbm>>
      %dma_start3A_157 = tpu.memref_squeeze %dma_start3A_156 : memref<1x8x128xi32, #tpu.memory_space<hbm>> -> memref<8x128xi32, #tpu.memory_space<hbm>>
      %dma_start3A_158 = arith.constant 0 : i32
      %dma_start3A_159 = arith.constant 0 : i32
      %dma_start3A_160 = tpu.memref_slice %arg8[%run_scoped3A, %dma_start3A_158, %dma_start3A_159] : memref<2x8x128xi32, #tpu.memory_space<vmem>> -> memref<1x8x128xi32, #tpu.memory_space<vmem>>
      %dma_start3A_161 = tpu.memref_squeeze %dma_start3A_160 : memref<1x8x128xi32, #tpu.memory_space<vmem>> -> memref<8x128xi32, #tpu.memory_space<vmem>>
      %dma_start3A_162 = arith.constant 0 : i32
      %dma_start3A_163 = arith.constant 0 : i32
      %dma_start3A_164 = tpu.memref_slice %arg3[%add3A, %dma_start3A_162, %dma_start3A_163] : memref<32x80x128xi32, #tpu.memory_space<hbm>> -> memref<1x8x128xi32, #tpu.memory_space<hbm>>
      %dma_start3A_165 = tpu.memref_squeeze %dma_start3A_164 : memref<1x8x128xi32, #tpu.memory_space<hbm>> -> memref<8x128xi32, #tpu.memory_space<hbm>>
      tpu.enqueue_dma source(%dma_start3A_165 : memref<8x128xi32, #tpu.memory_space<hbm>>) target(%dma_start3A_161 : memref<8x128xi32, #tpu.memory_space<vmem>>) target_semaphore(%run_scoped3A_149 : memref<!tpu.dma_semaphore, #tpu.memory_space<semaphore_mem>>)
      %dma_wait3A_166 = arith.constant 0 : i32
      %dma_wait3A_167 = arith.constant 0 : i32
      %dma_wait3A_168 = tpu.memref_slice %arg8[%run_scoped3A, %dma_wait3A_166, %dma_wait3A_167] : memref<2x8x128xi32, #tpu.memory_space<vmem>> -> memref<1x8x128xi32, #tpu.memory_space<vmem>>
      %dma_wait3A_169 = tpu.memref_squeeze %dma_wait3A_168 : memref<1x8x128xi32, #tpu.memory_space<vmem>> -> memref<8x128xi32, #tpu.memory_space<vmem>>
      %dma_wait3A_170 = arith.constant 0 : i32
      %dma_wait3A_171 = arith.constant 0 : i32
      %dma_wait3A_172 = tpu.memref_slice %arg3[%add3A, %dma_wait3A_170, %dma_wait3A_171] : memref<32x80x128xi32, #tpu.memory_space<hbm>> -> memref<1x8x128xi32, #tpu.memory_space<hbm>>
      %dma_wait3A_173 = tpu.memref_squeeze %dma_wait3A_172 : memref<1x8x128xi32, #tpu.memory_space<hbm>> -> memref<8x128xi32, #tpu.memory_space<hbm>>
      %dma_wait3A_174 = arith.constant 0 : i32
      %dma_wait3A_175 = arith.constant 0 : i32
      %dma_wait3A_176 = tpu.memref_slice %arg8[%run_scoped3A, %dma_wait3A_174, %dma_wait3A_175] : memref<2x8x128xi32, #tpu.memory_space<vmem>> -> memref<1x8x128xi32, #tpu.memory_space<vmem>>
      %dma_wait3A_177 = tpu.memref_squeeze %dma_wait3A_176 : memref<1x8x128xi32, #tpu.memory_space<vmem>> -> memref<8x128xi32, #tpu.memory_space<vmem>>
      %dma_wait3A_178 = arith.constant 0 : i32
      %dma_wait3A_179 = arith.constant 0 : i32
      %dma_wait3A_180 = tpu.memref_slice %arg3[%add3A, %dma_wait3A_178, %dma_wait3A_179] : memref<32x80x128xi32, #tpu.memory_space<hbm>> -> memref<1x8x128xi32, #tpu.memory_space<hbm>>
      %dma_wait3A_181 = tpu.memref_squeeze %dma_wait3A_180 : memref<1x8x128xi32, #tpu.memory_space<hbm>> -> memref<8x128xi32, #tpu.memory_space<hbm>>
      tpu.wait_dma2 semaphore(%run_scoped3A_149 : memref<!tpu.dma_semaphore, #tpu.memory_space<semaphore_mem>>) src(%dma_wait3A_181 : memref<8x128xi32, #tpu.memory_space<hbm>>) dst(%dma_wait3A_177 : memref<8x128xi32, #tpu.memory_space<vmem>>)
      tpu.yield
    }) : () -> ()
    %run_scoped3A_32 = arith.constant 0 : i32
    "tpu.region"() ({
      %run_scoped3A_149 = tpu.sem_alloc : memref<!tpu.dma_semaphore, #tpu.memory_space<semaphore_mem>>
      %dma_start3A_150 = arith.constant 0 : i32
      %dma_start3A_151 = arith.constant 0 : i32
      %dma_start3A_152 = tpu.memref_slice %arg9[%run_scoped3A_32, %dma_start3A_150, %dma_start3A_151] : memref<2x8x128xi32, #tpu.memory_space<vmem>> -> memref<1x8x128xi32, #tpu.memory_space<vmem>>
      %dma_start3A_153 = tpu.memref_squeeze %dma_start3A_152 : memref<1x8x128xi32, #tpu.memory_space<vmem>> -> memref<8x128xi32, #tpu.memory_space<vmem>>
      %dma_start3A_154 = arith.constant 0 : i32
      %dma_start3A_155 = arith.constant 0 : i32
      %dma_start3A_156 = tpu.memref_slice %arg4[%add3A, %dma_start3A_154, %dma_start3A_155] : memref<32x80x128xi32, #tpu.memory_space<hbm>> -> memref<1x8x128xi32, #tpu.memory_space<hbm>>
      %dma_start3A_157 = tpu.memref_squeeze %dma_start3A_156 : memref<1x8x128xi32, #tpu.memory_space<hbm>> -> memref<8x128xi32, #tpu.memory_space<hbm>>
      %dma_start3A_158 = arith.constant 0 : i32
      %dma_start3A_159 = arith.constant 0 : i32
      %dma_start3A_160 = tpu.memref_slice %arg9[%run_scoped3A_32, %dma_start3A_158, %dma_start3A_159] : memref<2x8x128xi32, #tpu.memory_space<vmem>> -> memref<1x8x128xi32, #tpu.memory_space<vmem>>
      %dma_start3A_161 = tpu.memref_squeeze %dma_start3A_160 : memref<1x8x128xi32, #tpu.memory_space<vmem>> -> memref<8x128xi32, #tpu.memory_space<vmem>>
      %dma_start3A_162 = arith.constant 0 : i32
      %dma_start3A_163 = arith.constant 0 : i32
      %dma_start3A_164 = tpu.memref_slice %arg4[%add3A, %dma_start3A_162, %dma_start3A_163] : memref<32x80x128xi32, #tpu.memory_space<hbm>> -> memref<1x8x128xi32, #tpu.memory_space<hbm>>
      %dma_start3A_165 = tpu.memref_squeeze %dma_start3A_164 : memref<1x8x128xi32, #tpu.memory_space<hbm>> -> memref<8x128xi32, #tpu.memory_space<hbm>>
      tpu.enqueue_dma source(%dma_start3A_165 : memref<8x128xi32, #tpu.memory_space<hbm>>) target(%dma_start3A_161 : memref<8x128xi32, #tpu.memory_space<vmem>>) target_semaphore(%run_scoped3A_149 : memref<!tpu.dma_semaphore, #tpu.memory_space<semaphore_mem>>)
      %dma_wait3A_166 = arith.constant 0 : i32
      %dma_wait3A_167 = arith.constant 0 : i32
      %dma_wait3A_168 = tpu.memref_slice %arg9[%run_scoped3A_32, %dma_wait3A_166, %dma_wait3A_167] : memref<2x8x128xi32, #tpu.memory_space<vmem>> -> memref<1x8x128xi32, #tpu.memory_space<vmem>>
      %dma_wait3A_169 = tpu.memref_squeeze %dma_wait3A_168 : memref<1x8x128xi32, #tpu.memory_space<vmem>> -> memref<8x128xi32, #tpu.memory_space<vmem>>
      %dma_wait3A_170 = arith.constant 0 : i32
      %dma_wait3A_171 = arith.constant 0 : i32
      %dma_wait3A_172 = tpu.memref_slice %arg4[%add3A, %dma_wait3A_170, %dma_wait3A_171] : memref<32x80x128xi32, #tpu.memory_space<hbm>> -> memref<1x8x128xi32, #tpu.memory_space<hbm>>
      %dma_wait3A_173 = tpu.memref_squeeze %dma_wait3A_172 : memref<1x8x128xi32, #tpu.memory_space<hbm>> -> memref<8x128xi32, #tpu.memory_space<hbm>>
      %dma_wait3A_174 = arith.constant 0 : i32
      %dma_wait3A_175 = arith.constant 0 : i32
      %dma_wait3A_176 = tpu.memref_slice %arg9[%run_scoped3A_32, %dma_wait3A_174, %dma_wait3A_175] : memref<2x8x128xi32, #tpu.memory_space<vmem>> -> memref<1x8x128xi32, #tpu.memory_space<vmem>>
      %dma_wait3A_177 = tpu.memref_squeeze %dma_wait3A_176 : memref<1x8x128xi32, #tpu.memory_space<vmem>> -> memref<8x128xi32, #tpu.memory_space<vmem>>
      %dma_wait3A_178 = arith.constant 0 : i32
      %dma_wait3A_179 = arith.constant 0 : i32
      %dma_wait3A_180 = tpu.memref_slice %arg4[%add3A, %dma_wait3A_178, %dma_wait3A_179] : memref<32x80x128xi32, #tpu.memory_space<hbm>> -> memref<1x8x128xi32, #tpu.memory_space<hbm>>
      %dma_wait3A_181 = tpu.memref_squeeze %dma_wait3A_180 : memref<1x8x128xi32, #tpu.memory_space<hbm>> -> memref<8x128xi32, #tpu.memory_space<hbm>>
      tpu.wait_dma2 semaphore(%run_scoped3A_149 : memref<!tpu.dma_semaphore, #tpu.memory_space<semaphore_mem>>) src(%dma_wait3A_181 : memref<8x128xi32, #tpu.memory_space<hbm>>) dst(%dma_wait3A_177 : memref<8x128xi32, #tpu.memory_space<vmem>>)
      tpu.yield
    }) : () -> ()
    %add3A_33 = arith.constant 0 : i32
    %add3A_34 = arith.addi %mul3A_2, %add3A_33 : i32
    %dma_wait3A = arith.constant 0 : i32
    %dma_wait3A_35 = tpu.memref_slice %arg7[%add3A_34, %dma_wait3A] : memref<10240x128xf32, #tpu.memory_space<vmem_shared>> -> memref<128x128xf32, #tpu.memory_space<vmem_shared>>
    %dma_wait3A_36 = arith.constant 0 : i32
    %dma_wait3A_37 = tpu.memref_slice %arg7[%add3A_34, %dma_wait3A_36] : memref<10240x128xf32, #tpu.memory_space<vmem_shared>> -> memref<128x128xf32, #tpu.memory_space<vmem_shared>>
    tpu.wait_dma2 semaphore(%arg14 : memref<!tpu.dma_semaphore, #tpu.memory_space<semaphore_mem>>) src(%arg10 : memref<128x128xf32, #tpu.memory_space<vmem>>) dst(%dma_wait3A_37 : memref<128x128xf32, #tpu.memory_space<vmem_shared>>)
    %add3A_38 = arith.constant 128 : i32
    %add3A_39 = arith.addi %mul3A_2, %add3A_38 : i32
    %dma_wait3A_40 = arith.constant 0 : i32
    %dma_wait3A_41 = tpu.memref_slice %arg7[%add3A_39, %dma_wait3A_40] : memref<10240x128xf32, #tpu.memory_space<vmem_shared>> -> memref<128x128xf32, #tpu.memory_space<vmem_shared>>
    %dma_wait3A_42 = arith.constant 0 : i32
    %dma_wait3A_43 = tpu.memref_slice %arg7[%add3A_39, %dma_wait3A_42] : memref<10240x128xf32, #tpu.memory_space<vmem_shared>> -> memref<128x128xf32, #tpu.memory_space<vmem_shared>>
    tpu.wait_dma2 semaphore(%arg14 : memref<!tpu.dma_semaphore, #tpu.memory_space<semaphore_mem>>) src(%arg10 : memref<128x128xf32, #tpu.memory_space<vmem>>) dst(%dma_wait3A_43 : memref<128x128xf32, #tpu.memory_space<vmem_shared>>)
    %add3A_44 = arith.constant 256 : i32
    %add3A_45 = arith.addi %mul3A_2, %add3A_44 : i32
    %dma_wait3A_46 = arith.constant 0 : i32
    %dma_wait3A_47 = tpu.memref_slice %arg7[%add3A_45, %dma_wait3A_46] : memref<10240x128xf32, #tpu.memory_space<vmem_shared>> -> memref<128x128xf32, #tpu.memory_space<vmem_shared>>
    %dma_wait3A_48 = arith.constant 0 : i32
    %dma_wait3A_49 = tpu.memref_slice %arg7[%add3A_45, %dma_wait3A_48] : memref<10240x128xf32, #tpu.memory_space<vmem_shared>> -> memref<128x128xf32, #tpu.memory_space<vmem_shared>>
    tpu.wait_dma2 semaphore(%arg14 : memref<!tpu.dma_semaphore, #tpu.memory_space<semaphore_mem>>) src(%arg10 : memref<128x128xf32, #tpu.memory_space<vmem>>) dst(%dma_wait3A_49 : memref<128x128xf32, #tpu.memory_space<vmem_shared>>)
    %add3A_50 = arith.constant 384 : i32
    %add3A_51 = arith.addi %mul3A_2, %add3A_50 : i32
    %dma_wait3A_52 = arith.constant 0 : i32
    %dma_wait3A_53 = tpu.memref_slice %arg7[%add3A_51, %dma_wait3A_52] : memref<10240x128xf32, #tpu.memory_space<vmem_shared>> -> memref<128x128xf32, #tpu.memory_space<vmem_shared>>
    %dma_wait3A_54 = arith.constant 0 : i32
    %dma_wait3A_55 = tpu.memref_slice %arg7[%add3A_51, %dma_wait3A_54] : memref<10240x128xf32, #tpu.memory_space<vmem_shared>> -> memref<128x128xf32, #tpu.memory_space<vmem_shared>>
    tpu.wait_dma2 semaphore(%arg14 : memref<!tpu.dma_semaphore, #tpu.memory_space<semaphore_mem>>) src(%arg10 : memref<128x128xf32, #tpu.memory_space<vmem>>) dst(%dma_wait3A_55 : memref<128x128xf32, #tpu.memory_space<vmem_shared>>)
    %add3A_56 = arith.constant 512 : i32
    %add3A_57 = arith.addi %mul3A_2, %add3A_56 : i32
    %dma_wait3A_58 = arith.constant 0 : i32
    %dma_wait3A_59 = tpu.memref_slice %arg7[%add3A_57, %dma_wait3A_58] : memref<10240x128xf32, #tpu.memory_space<vmem_shared>> -> memref<128x128xf32, #tpu.memory_space<vmem_shared>>
    %dma_wait3A_60 = arith.constant 0 : i32
    %dma_wait3A_61 = tpu.memref_slice %arg7[%add3A_57, %dma_wait3A_60] : memref<10240x128xf32, #tpu.memory_space<vmem_shared>> -> memref<128x128xf32, #tpu.memory_space<vmem_shared>>
    tpu.wait_dma2 semaphore(%arg14 : memref<!tpu.dma_semaphore, #tpu.memory_space<semaphore_mem>>) src(%arg10 : memref<128x128xf32, #tpu.memory_space<vmem>>) dst(%dma_wait3A_61 : memref<128x128xf32, #tpu.memory_space<vmem_shared>>)
    %barrier3A = arith.constant 0 : index
    tpu.barrier barrier_id(%barrier3A)
    %dma_start3A_62 = arith.constant 0 : i32
    %dma_start3A_63 = arith.constant 0 : i32
    %dma_start3A_64 = arith.constant 0 : i32
    %dma_start3A_65 = tpu.memref_slice %arg8[%dma_start3A_62, %dma_start3A_63, %dma_start3A_64] : memref<2x8x128xi32, #tpu.memory_space<vmem>> -> memref<1x1x128xi32, #tpu.memory_space<vmem>>
    %dma_start3A_66 = tpu.memref_squeeze %dma_start3A_65 : memref<1x1x128xi32, #tpu.memory_space<vmem>> -> memref<128xi32, #tpu.memory_space<vmem>>
    %dma_start3A_67 = arith.constant 0 : i32
    %dma_start3A_68 = arith.constant 0 : i32
    %dma_start3A_69 = tpu.memref_slice %arg2[%dma_start3A_67, %dma_start3A_68] : memref<10000x128xf32, #tpu.memory_space<hbm>> -> memref<10000x128xf32, #tpu.memory_space<hbm>>
    tpu.enqueue_indirect_dma source(%dma_start3A_69 : memref<10000x128xf32, #tpu.memory_space<hbm>>) target(%arg10 : memref<128x128xf32, #tpu.memory_space<vmem>>) offsets(%dma_start3A_66 : memref<128xi32, #tpu.memory_space<vmem>>) semaphore(%arg12 : memref<!tpu.dma_semaphore, #tpu.memory_space<semaphore_mem>>)
    %scan3A = arith.constant 0 : i32
    %scan3A_70 = arith.constant 0 : i32
    %scan3A_71 = arith.constant 10 : i32
    %scan3A_72 = arith.addi %scan3A_70, %scan3A_71 : i32
    %scan3A_73 = arith.constant 1 : i32
    scf.for %scan3A_149 = %scan3A_70 to %scan3A_72 step %scan3A_73  : i32 {
      %rem3A = arith.constant 2 : i32
      %rem3A_150 = arith.remsi %scan3A_149, %rem3A : i32
      %sub3A = arith.constant 1 : i32
      %sub3A_151 = arith.subi %sub3A, %rem3A_150 : i32
      %add3A_152 = arith.constant 1 : i32
      %add3A_153 = arith.addi %scan3A_149, %add3A_152 : i32
      %lt3A = arith.constant 10 : i32
      %lt3A_154 = arith.cmpi slt, %add3A_153, %lt3A : i32
      %convert_element_type3A = arith.extui %lt3A_154 : i1 to i32
      %cond3A = arith.constant 0 : i32
      %cond3A_155 = arith.cmpi ne, %convert_element_type3A, %cond3A : i32
      scf.if %cond3A_155 {
        %add3A_272 = arith.constant 1 : i32
        %add3A_273 = arith.addi %scan3A_149, %add3A_272 : i32
        %mul3A_274 = arith.constant 8 : i32
        %mul3A_275 = arith.muli %add3A_273, %mul3A_274 : i32
        %dma_start3A_276 = arith.constant 0 : i32
        %dma_start3A_277 = arith.constant 0 : i32
        %dma_start3A_278 = tpu.memref_slice %arg8[%sub3A_151, %dma_start3A_276, %dma_start3A_277] : memref<2x8x128xi32, #tpu.memory_space<vmem>> -> memref<1x8x128xi32, #tpu.memory_space<vmem>>
        %dma_start3A_279 = tpu.memref_squeeze %dma_start3A_278 : memref<1x8x128xi32, #tpu.memory_space<vmem>> -> memref<8x128xi32, #tpu.memory_space<vmem>>
        %dma_start3A_280 = arith.constant 0 : i32
        %dma_start3A_281 = tpu.memref_slice %arg3[%add3A, %mul3A_275, %dma_start3A_280] : memref<32x80x128xi32, #tpu.memory_space<hbm>> -> memref<1x8x128xi32, #tpu.memory_space<hbm>>
        %dma_start3A_282 = tpu.memref_squeeze %dma_start3A_281 : memref<1x8x128xi32, #tpu.memory_space<hbm>> -> memref<8x128xi32, #tpu.memory_space<hbm>>
        %dma_start3A_283 = arith.constant 0 : i32
        %dma_start3A_284 = arith.constant 0 : i32
        %dma_start3A_285 = tpu.memref_slice %arg8[%sub3A_151, %dma_start3A_283, %dma_start3A_284] : memref<2x8x128xi32, #tpu.memory_space<vmem>> -> memref<1x8x128xi32, #tpu.memory_space<vmem>>
        %dma_start3A_286 = tpu.memref_squeeze %dma_start3A_285 : memref<1x8x128xi32, #tpu.memory_space<vmem>> -> memref<8x128xi32, #tpu.memory_space<vmem>>
        %dma_start3A_287 = arith.constant 0 : i32
        %dma_start3A_288 = tpu.memref_slice %arg3[%add3A, %mul3A_275, %dma_start3A_287] : memref<32x80x128xi32, #tpu.memory_space<hbm>> -> memref<1x8x128xi32, #tpu.memory_space<hbm>>
        %dma_start3A_289 = tpu.memref_squeeze %dma_start3A_288 : memref<1x8x128xi32, #tpu.memory_space<hbm>> -> memref<8x128xi32, #tpu.memory_space<hbm>>
        tpu.enqueue_dma source(%dma_start3A_289 : memref<8x128xi32, #tpu.memory_space<hbm>>) target(%dma_start3A_286 : memref<8x128xi32, #tpu.memory_space<vmem>>) target_semaphore(%arg14 : memref<!tpu.dma_semaphore, #tpu.memory_space<semaphore_mem>>)
        %add3A_290 = arith.constant 1 : i32
        %add3A_291 = arith.addi %scan3A_149, %add3A_290 : i32
        %mul3A_292 = arith.constant 8 : i32
        %mul3A_293 = arith.muli %add3A_291, %mul3A_292 : i32
        %dma_start3A_294 = arith.constant 0 : i32
        %dma_start3A_295 = arith.constant 0 : i32
        %dma_start3A_296 = tpu.memref_slice %arg9[%sub3A_151, %dma_start3A_294, %dma_start3A_295] : memref<2x8x128xi32, #tpu.memory_space<vmem>> -> memref<1x8x128xi32, #tpu.memory_space<vmem>>
        %dma_start3A_297 = tpu.memref_squeeze %dma_start3A_296 : memref<1x8x128xi32, #tpu.memory_space<vmem>> -> memref<8x128xi32, #tpu.memory_space<vmem>>
        %dma_start3A_298 = arith.constant 0 : i32
        %dma_start3A_299 = tpu.memref_slice %arg4[%add3A, %mul3A_293, %dma_start3A_298] : memref<32x80x128xi32, #tpu.memory_space<hbm>> -> memref<1x8x128xi32, #tpu.memory_space<hbm>>
        %dma_start3A_300 = tpu.memref_squeeze %dma_start3A_299 : memref<1x8x128xi32, #tpu.memory_space<hbm>> -> memref<8x128xi32, #tpu.memory_space<hbm>>
        %dma_start3A_301 = arith.constant 0 : i32
        %dma_start3A_302 = arith.constant 0 : i32
        %dma_start3A_303 = tpu.memref_slice %arg9[%sub3A_151, %dma_start3A_301, %dma_start3A_302] : memref<2x8x128xi32, #tpu.memory_space<vmem>> -> memref<1x8x128xi32, #tpu.memory_space<vmem>>
        %dma_start3A_304 = tpu.memref_squeeze %dma_start3A_303 : memref<1x8x128xi32, #tpu.memory_space<vmem>> -> memref<8x128xi32, #tpu.memory_space<vmem>>
        %dma_start3A_305 = arith.constant 0 : i32
        %dma_start3A_306 = tpu.memref_slice %arg4[%add3A, %mul3A_293, %dma_start3A_305] : memref<32x80x128xi32, #tpu.memory_space<hbm>> -> memref<1x8x128xi32, #tpu.memory_space<hbm>>
        %dma_start3A_307 = tpu.memref_squeeze %dma_start3A_306 : memref<1x8x128xi32, #tpu.memory_space<hbm>> -> memref<8x128xi32, #tpu.memory_space<hbm>>
        tpu.enqueue_dma source(%dma_start3A_307 : memref<8x128xi32, #tpu.memory_space<hbm>>) target(%dma_start3A_304 : memref<8x128xi32, #tpu.memory_space<vmem>>) target_semaphore(%arg14 : memref<!tpu.dma_semaphore, #tpu.memory_space<semaphore_mem>>)
      } else {
      }
      %dma_start3A_156 = arith.constant 1 : i32
      %dma_start3A_157 = arith.constant 0 : i32
      %dma_start3A_158 = tpu.memref_slice %arg8[%rem3A_150, %dma_start3A_156, %dma_start3A_157] : memref<2x8x128xi32, #tpu.memory_space<vmem>> -> memref<1x1x128xi32, #tpu.memory_space<vmem>>
      %dma_start3A_159 = tpu.memref_squeeze %dma_start3A_158 : memref<1x1x128xi32, #tpu.memory_space<vmem>> -> memref<128xi32, #tpu.memory_space<vmem>>
      %dma_start3A_160 = arith.constant 0 : i32
      %dma_start3A_161 = arith.constant 0 : i32
      %dma_start3A_162 = tpu.memref_slice %arg2[%dma_start3A_160, %dma_start3A_161] : memref<10000x128xf32, #tpu.memory_space<hbm>> -> memref<10000x128xf32, #tpu.memory_space<hbm>>
      tpu.enqueue_indirect_dma source(%dma_start3A_162 : memref<10000x128xf32, #tpu.memory_space<hbm>>) target(%arg11 : memref<128x128xf32, #tpu.memory_space<vmem>>) offsets(%dma_start3A_159 : memref<128xi32, #tpu.memory_space<vmem>>) semaphore(%arg13 : memref<!tpu.dma_semaphore, #tpu.memory_space<semaphore_mem>>)
      %dma_wait3A_163 = arith.constant 0 : i32
      %dma_wait3A_164 = arith.constant 0 : i32
      %dma_wait3A_165 = tpu.memref_slice %arg8[%rem3A_150, %dma_wait3A_163, %dma_wait3A_164] : memref<2x8x128xi32, #tpu.memory_space<vmem>> -> memref<1x1x128xi32, #tpu.memory_space<vmem>>
      %dma_wait3A_166 = tpu.memref_squeeze %dma_wait3A_165 : memref<1x1x128xi32, #tpu.memory_space<vmem>> -> memref<128xi32, #tpu.memory_space<vmem>>
      %dma_wait3A_167 = arith.constant 0 : i32
      %dma_wait3A_168 = arith.constant 0 : i32
      %dma_wait3A_169 = tpu.memref_slice %arg2[%dma_wait3A_167, %dma_wait3A_168] : memref<10000x128xf32, #tpu.memory_space<hbm>> -> memref<10000x128xf32, #tpu.memory_space<hbm>>
      tpu.wait_indirect_dma semaphore(%arg12 : memref<!tpu.dma_semaphore, #tpu.memory_space<semaphore_mem>>) src(%dma_wait3A_169 : memref<10000x128xf32, #tpu.memory_space<hbm>>) dst(%arg10 : memref<128x128xf32, #tpu.memory_space<vmem>>)
      %run_scoped3A_170 = arith.constant 0 : i32
      "tpu.region"() ({
        %run_scoped3A_272 = tpu.sem_alloc : memref<!tpu.dma_semaphore, #tpu.memory_space<semaphore_mem>>
        %dma_start3A_273 = arith.constant 0 : i32
        %dma_start3A_274 = tpu.memref_slice %arg9[%rem3A_150, %run_scoped3A_170, %dma_start3A_273] : memref<2x8x128xi32, #tpu.memory_space<vmem>> -> memref<1x1x128xi32, #tpu.memory_space<vmem>>
        %dma_start3A_275 = tpu.memref_squeeze %dma_start3A_274 : memref<1x1x128xi32, #tpu.memory_space<vmem>> -> memref<128xi32, #tpu.memory_space<vmem>>
        %dma_start3A_276 = arith.constant 0 : i32
        %dma_start3A_277 = arith.constant 0 : i32
        %dma_start3A_278 = tpu.memref_slice %arg7[%dma_start3A_276, %dma_start3A_277] : memref<10240x128xf32, #tpu.memory_space<vmem_shared>> -> memref<10240x128xf32, #tpu.memory_space<vmem_shared>>
        tpu.enqueue_indirect_dma source(%arg10 : memref<128x128xf32, #tpu.memory_space<vmem>>) target(%dma_start3A_278 : memref<10240x128xf32, #tpu.memory_space<vmem_shared>>) offsets(%dma_start3A_275 : memref<128xi32, #tpu.memory_space<vmem>>) semaphore(%run_scoped3A_272 : memref<!tpu.dma_semaphore, #tpu.memory_space<semaphore_mem>>) {add = true}
        %dma_wait3A_279 = arith.constant 0 : i32
        %dma_wait3A_280 = tpu.memref_slice %arg9[%rem3A_150, %run_scoped3A_170, %dma_wait3A_279] : memref<2x8x128xi32, #tpu.memory_space<vmem>> -> memref<1x1x128xi32, #tpu.memory_space<vmem>>
        %dma_wait3A_281 = tpu.memref_squeeze %dma_wait3A_280 : memref<1x1x128xi32, #tpu.memory_space<vmem>> -> memref<128xi32, #tpu.memory_space<vmem>>
        %dma_wait3A_282 = arith.constant 0 : i32
        %dma_wait3A_283 = arith.constant 0 : i32
        %dma_wait3A_284 = tpu.memref_slice %arg7[%dma_wait3A_282, %dma_wait3A_283] : memref<10240x128xf32, #tpu.memory_space<vmem_shared>> -> memref<10240x128xf32, #tpu.memory_space<vmem_shared>>
        tpu.wait_indirect_dma semaphore(%run_scoped3A_272 : memref<!tpu.dma_semaphore, #tpu.memory_space<semaphore_mem>>) src(%arg10 : memref<128x128xf32, #tpu.memory_space<vmem>>) dst(%dma_wait3A_284 : memref<10240x128xf32, #tpu.memory_space<vmem_shared>>)
        tpu.yield
      }) : () -> ()
      %dma_start3A_171 = arith.constant 2 : i32
      %dma_start3A_172 = arith.constant 0 : i32
      %dma_start3A_173 = tpu.memref_slice %arg8[%rem3A_150, %dma_start3A_171, %dma_start3A_172] : memref<2x8x128xi32, #tpu.memory_space<vmem>> -> memref<1x1x128xi32, #tpu.memory_space<vmem>>
      %dma_start3A_174 = tpu.memref_squeeze %dma_start3A_173 : memref<1x1x128xi32, #tpu.memory_space<vmem>> -> memref<128xi32, #tpu.memory_space<vmem>>
      %dma_start3A_175 = arith.constant 0 : i32
      %dma_start3A_176 = arith.constant 0 : i32
      %dma_start3A_177 = tpu.memref_slice %arg2[%dma_start3A_175, %dma_start3A_176] : memref<10000x128xf32, #tpu.memory_space<hbm>> -> memref<10000x128xf32, #tpu.memory_space<hbm>>
      tpu.enqueue_indirect_dma source(%dma_start3A_177 : memref<10000x128xf32, #tpu.memory_space<hbm>>) target(%arg10 : memref<128x128xf32, #tpu.memory_space<vmem>>) offsets(%dma_start3A_174 : memref<128xi32, #tpu.memory_space<vmem>>) semaphore(%arg12 : memref<!tpu.dma_semaphore, #tpu.memory_space<semaphore_mem>>)
      %dma_wait3A_178 = arith.constant 1 : i32
      %dma_wait3A_179 = arith.constant 0 : i32
      %dma_wait3A_180 = tpu.memref_slice %arg8[%rem3A_150, %dma_wait3A_178, %dma_wait3A_179] : memref<2x8x128xi32, #tpu.memory_space<vmem>> -> memref<1x1x128xi32, #tpu.memory_space<vmem>>
      %dma_wait3A_181 = tpu.memref_squeeze %dma_wait3A_180 : memref<1x1x128xi32, #tpu.memory_space<vmem>> -> memref<128xi32, #tpu.memory_space<vmem>>
      %dma_wait3A_182 = arith.constant 0 : i32
      %dma_wait3A_183 = arith.constant 0 : i32
      %dma_wait3A_184 = tpu.memref_slice %arg2[%dma_wait3A_182, %dma_wait3A_183] : memref<10000x128xf32, #tpu.memory_space<hbm>> -> memref<10000x128xf32, #tpu.memory_space<hbm>>
      tpu.wait_indirect_dma semaphore(%arg13 : memref<!tpu.dma_semaphore, #tpu.memory_space<semaphore_mem>>) src(%dma_wait3A_184 : memref<10000x128xf32, #tpu.memory_space<hbm>>) dst(%arg11 : memref<128x128xf32, #tpu.memory_space<vmem>>)
      %run_scoped3A_185 = arith.constant 1 : i32
      "tpu.region"() ({
        %run_scoped3A_272 = tpu.sem_alloc : memref<!tpu.dma_semaphore, #tpu.memory_space<semaphore_mem>>
        %dma_start3A_273 = arith.constant 0 : i32
        %dma_start3A_274 = tpu.memref_slice %arg9[%rem3A_150, %run_scoped3A_185, %dma_start3A_273] : memref<2x8x128xi32, #tpu.memory_space<vmem>> -> memref<1x1x128xi32, #tpu.memory_space<vmem>>
        %dma_start3A_275 = tpu.memref_squeeze %dma_start3A_274 : memref<1x1x128xi32, #tpu.memory_space<vmem>> -> memref<128xi32, #tpu.memory_space<vmem>>
        %dma_start3A_276 = arith.constant 0 : i32
        %dma_start3A_277 = arith.constant 0 : i32
        %dma_start3A_278 = tpu.memref_slice %arg7[%dma_start3A_276, %dma_start3A_277] : memref<10240x128xf32, #tpu.memory_space<vmem_shared>> -> memref<10240x128xf32, #tpu.memory_space<vmem_shared>>
        tpu.enqueue_indirect_dma source(%arg11 : memref<128x128xf32, #tpu.memory_space<vmem>>) target(%dma_start3A_278 : memref<10240x128xf32, #tpu.memory_space<vmem_shared>>) offsets(%dma_start3A_275 : memref<128xi32, #tpu.memory_space<vmem>>) semaphore(%run_scoped3A_272 : memref<!tpu.dma_semaphore, #tpu.memory_space<semaphore_mem>>) {add = true}
        %dma_wait3A_279 = arith.constant 0 : i32
        %dma_wait3A_280 = tpu.memref_slice %arg9[%rem3A_150, %run_scoped3A_185, %dma_wait3A_279] : memref<2x8x128xi32, #tpu.memory_space<vmem>> -> memref<1x1x128xi32, #tpu.memory_space<vmem>>
        %dma_wait3A_281 = tpu.memref_squeeze %dma_wait3A_280 : memref<1x1x128xi32, #tpu.memory_space<vmem>> -> memref<128xi32, #tpu.memory_space<vmem>>
        %dma_wait3A_282 = arith.constant 0 : i32
        %dma_wait3A_283 = arith.constant 0 : i32
        %dma_wait3A_284 = tpu.memref_slice %arg7[%dma_wait3A_282, %dma_wait3A_283] : memref<10240x128xf32, #tpu.memory_space<vmem_shared>> -> memref<10240x128xf32, #tpu.memory_space<vmem_shared>>
        tpu.wait_indirect_dma semaphore(%run_scoped3A_272 : memref<!tpu.dma_semaphore, #tpu.memory_space<semaphore_mem>>) src(%arg11 : memref<128x128xf32, #tpu.memory_space<vmem>>) dst(%dma_wait3A_284 : memref<10240x128xf32, #tpu.memory_space<vmem_shared>>)
        tpu.yield
      }) : () -> ()
      %dma_start3A_186 = arith.constant 3 : i32
      %dma_start3A_187 = arith.constant 0 : i32
      %dma_start3A_188 = tpu.memref_slice %arg8[%rem3A_150, %dma_start3A_186, %dma_start3A_187] : memref<2x8x128xi32, #tpu.memory_space<vmem>> -> memref<1x1x128xi32, #tpu.memory_space<vmem>>
      %dma_start3A_189 = tpu.memref_squeeze %dma_start3A_188 : memref<1x1x128xi32, #tpu.memory_space<vmem>> -> memref<128xi32, #tpu.memory_space<vmem>>
      %dma_start3A_190 = arith.constant 0 : i32
      %dma_start3A_191 = arith.constant 0 : i32
      %dma_start3A_192 = tpu.memref_slice %arg2[%dma_start3A_190, %dma_start3A_191] : memref<10000x128xf32, #tpu.memory_space<hbm>> -> memref<10000x128xf32, #tpu.memory_space<hbm>>
      tpu.enqueue_indirect_dma source(%dma_start3A_192 : memref<10000x128xf32, #tpu.memory_space<hbm>>) target(%arg11 : memref<128x128xf32, #tpu.memory_space<vmem>>) offsets(%dma_start3A_189 : memref<128xi32, #tpu.memory_space<vmem>>) semaphore(%arg13 : memref<!tpu.dma_semaphore, #tpu.memory_space<semaphore_mem>>)
      %dma_wait3A_193 = arith.constant 2 : i32
      %dma_wait3A_194 = arith.constant 0 : i32
      %dma_wait3A_195 = tpu.memref_slice %arg8[%rem3A_150, %dma_wait3A_193, %dma_wait3A_194] : memref<2x8x128xi32, #tpu.memory_space<vmem>> -> memref<1x1x128xi32, #tpu.memory_space<vmem>>
      %dma_wait3A_196 = tpu.memref_squeeze %dma_wait3A_195 : memref<1x1x128xi32, #tpu.memory_space<vmem>> -> memref<128xi32, #tpu.memory_space<vmem>>
      %dma_wait3A_197 = arith.constant 0 : i32
      %dma_wait3A_198 = arith.constant 0 : i32
      %dma_wait3A_199 = tpu.memref_slice %arg2[%dma_wait3A_197, %dma_wait3A_198] : memref<10000x128xf32, #tpu.memory_space<hbm>> -> memref<10000x128xf32, #tpu.memory_space<hbm>>
      tpu.wait_indirect_dma semaphore(%arg12 : memref<!tpu.dma_semaphore, #tpu.memory_space<semaphore_mem>>) src(%dma_wait3A_199 : memref<10000x128xf32, #tpu.memory_space<hbm>>) dst(%arg10 : memref<128x128xf32, #tpu.memory_space<vmem>>)
      %run_scoped3A_200 = arith.constant 2 : i32
      "tpu.region"() ({
        %run_scoped3A_272 = tpu.sem_alloc : memref<!tpu.dma_semaphore, #tpu.memory_space<semaphore_mem>>
        %dma_start3A_273 = arith.constant 0 : i32
        %dma_start3A_274 = tpu.memref_slice %arg9[%rem3A_150, %run_scoped3A_200, %dma_start3A_273] : memref<2x8x128xi32, #tpu.memory_space<vmem>> -> memref<1x1x128xi32, #tpu.memory_space<vmem>>
        %dma_start3A_275 = tpu.memref_squeeze %dma_start3A_274 : memref<1x1x128xi32, #tpu.memory_space<vmem>> -> memref<128xi32, #tpu.memory_space<vmem>>
        %dma_start3A_276 = arith.constant 0 : i32
        %dma_start3A_277 = arith.constant 0 : i32
        %dma_start3A_278 = tpu.memref_slice %arg7[%dma_start3A_276, %dma_start3A_277] : memref<10240x128xf32, #tpu.memory_space<vmem_shared>> -> memref<10240x128xf32, #tpu.memory_space<vmem_shared>>
        tpu.enqueue_indirect_dma source(%arg10 : memref<128x128xf32, #tpu.memory_space<vmem>>) target(%dma_start3A_278 : memref<10240x128xf32, #tpu.memory_space<vmem_shared>>) offsets(%dma_start3A_275 : memref<128xi32, #tpu.memory_space<vmem>>) semaphore(%run_scoped3A_272 : memref<!tpu.dma_semaphore, #tpu.memory_space<semaphore_mem>>) {add = true}
        %dma_wait3A_279 = arith.constant 0 : i32
        %dma_wait3A_280 = tpu.memref_slice %arg9[%rem3A_150, %run_scoped3A_200, %dma_wait3A_279] : memref<2x8x128xi32, #tpu.memory_space<vmem>> -> memref<1x1x128xi32, #tpu.memory_space<vmem>>
        %dma_wait3A_281 = tpu.memref_squeeze %dma_wait3A_280 : memref<1x1x128xi32, #tpu.memory_space<vmem>> -> memref<128xi32, #tpu.memory_space<vmem>>
        %dma_wait3A_282 = arith.constant 0 : i32
        %dma_wait3A_283 = arith.constant 0 : i32
        %dma_wait3A_284 = tpu.memref_slice %arg7[%dma_wait3A_282, %dma_wait3A_283] : memref<10240x128xf32, #tpu.memory_space<vmem_shared>> -> memref<10240x128xf32, #tpu.memory_space<vmem_shared>>
        tpu.wait_indirect_dma semaphore(%run_scoped3A_272 : memref<!tpu.dma_semaphore, #tpu.memory_space<semaphore_mem>>) src(%arg10 : memref<128x128xf32, #tpu.memory_space<vmem>>) dst(%dma_wait3A_284 : memref<10240x128xf32, #tpu.memory_space<vmem_shared>>)
        tpu.yield
      }) : () -> ()
      %dma_start3A_201 = arith.constant 4 : i32
      %dma_start3A_202 = arith.constant 0 : i32
      %dma_start3A_203 = tpu.memref_slice %arg8[%rem3A_150, %dma_start3A_201, %dma_start3A_202] : memref<2x8x128xi32, #tpu.memory_space<vmem>> -> memref<1x1x128xi32, #tpu.memory_space<vmem>>
      %dma_start3A_204 = tpu.memref_squeeze %dma_start3A_203 : memref<1x1x128xi32, #tpu.memory_space<vmem>> -> memref<128xi32, #tpu.memory_space<vmem>>
      %dma_start3A_205 = arith.constant 0 : i32
      %dma_start3A_206 = arith.constant 0 : i32
      %dma_start3A_207 = tpu.memref_slice %arg2[%dma_start3A_205, %dma_start3A_206] : memref<10000x128xf32, #tpu.memory_space<hbm>> -> memref<10000x128xf32, #tpu.memory_space<hbm>>
      tpu.enqueue_indirect_dma source(%dma_start3A_207 : memref<10000x128xf32, #tpu.memory_space<hbm>>) target(%arg10 : memref<128x128xf32, #tpu.memory_space<vmem>>) offsets(%dma_start3A_204 : memref<128xi32, #tpu.memory_space<vmem>>) semaphore(%arg12 : memref<!tpu.dma_semaphore, #tpu.memory_space<semaphore_mem>>)
      %dma_wait3A_208 = arith.constant 3 : i32
      %dma_wait3A_209 = arith.constant 0 : i32
      %dma_wait3A_210 = tpu.memref_slice %arg8[%rem3A_150, %dma_wait3A_208, %dma_wait3A_209] : memref<2x8x128xi32, #tpu.memory_space<vmem>> -> memref<1x1x128xi32, #tpu.memory_space<vmem>>
      %dma_wait3A_211 = tpu.memref_squeeze %dma_wait3A_210 : memref<1x1x128xi32, #tpu.memory_space<vmem>> -> memref<128xi32, #tpu.memory_space<vmem>>
      %dma_wait3A_212 = arith.constant 0 : i32
      %dma_wait3A_213 = arith.constant 0 : i32
      %dma_wait3A_214 = tpu.memref_slice %arg2[%dma_wait3A_212, %dma_wait3A_213] : memref<10000x128xf32, #tpu.memory_space<hbm>> -> memref<10000x128xf32, #tpu.memory_space<hbm>>
      tpu.wait_indirect_dma semaphore(%arg13 : memref<!tpu.dma_semaphore, #tpu.memory_space<semaphore_mem>>) src(%dma_wait3A_214 : memref<10000x128xf32, #tpu.memory_space<hbm>>) dst(%arg11 : memref<128x128xf32, #tpu.memory_space<vmem>>)
      %run_scoped3A_215 = arith.constant 3 : i32
      "tpu.region"() ({
        %run_scoped3A_272 = tpu.sem_alloc : memref<!tpu.dma_semaphore, #tpu.memory_space<semaphore_mem>>
        %dma_start3A_273 = arith.constant 0 : i32
        %dma_start3A_274 = tpu.memref_slice %arg9[%rem3A_150, %run_scoped3A_215, %dma_start3A_273] : memref<2x8x128xi32, #tpu.memory_space<vmem>> -> memref<1x1x128xi32, #tpu.memory_space<vmem>>
        %dma_start3A_275 = tpu.memref_squeeze %dma_start3A_274 : memref<1x1x128xi32, #tpu.memory_space<vmem>> -> memref<128xi32, #tpu.memory_space<vmem>>
        %dma_start3A_276 = arith.constant 0 : i32
        %dma_start3A_277 = arith.constant 0 : i32
        %dma_start3A_278 = tpu.memref_slice %arg7[%dma_start3A_276, %dma_start3A_277] : memref<10240x128xf32, #tpu.memory_space<vmem_shared>> -> memref<10240x128xf32, #tpu.memory_space<vmem_shared>>
        tpu.enqueue_indirect_dma source(%arg11 : memref<128x128xf32, #tpu.memory_space<vmem>>) target(%dma_start3A_278 : memref<10240x128xf32, #tpu.memory_space<vmem_shared>>) offsets(%dma_start3A_275 : memref<128xi32, #tpu.memory_space<vmem>>) semaphore(%run_scoped3A_272 : memref<!tpu.dma_semaphore, #tpu.memory_space<semaphore_mem>>) {add = true}
        %dma_wait3A_279 = arith.constant 0 : i32
        %dma_wait3A_280 = tpu.memref_slice %arg9[%rem3A_150, %run_scoped3A_215, %dma_wait3A_279] : memref<2x8x128xi32, #tpu.memory_space<vmem>> -> memref<1x1x128xi32, #tpu.memory_space<vmem>>
        %dma_wait3A_281 = tpu.memref_squeeze %dma_wait3A_280 : memref<1x1x128xi32, #tpu.memory_space<vmem>> -> memref<128xi32, #tpu.memory_space<vmem>>
        %dma_wait3A_282 = arith.constant 0 : i32
        %dma_wait3A_283 = arith.constant 0 : i32
        %dma_wait3A_284 = tpu.memref_slice %arg7[%dma_wait3A_282, %dma_wait3A_283] : memref<10240x128xf32, #tpu.memory_space<vmem_shared>> -> memref<10240x128xf32, #tpu.memory_space<vmem_shared>>
        tpu.wait_indirect_dma semaphore(%run_scoped3A_272 : memref<!tpu.dma_semaphore, #tpu.memory_space<semaphore_mem>>) src(%arg11 : memref<128x128xf32, #tpu.memory_space<vmem>>) dst(%dma_wait3A_284 : memref<10240x128xf32, #tpu.memory_space<vmem_shared>>)
        tpu.yield
      }) : () -> ()
      %dma_start3A_216 = arith.constant 5 : i32
      %dma_start3A_217 = arith.constant 0 : i32
      %dma_start3A_218 = tpu.memref_slice %arg8[%rem3A_150, %dma_start3A_216, %dma_start3A_217] : memref<2x8x128xi32, #tpu.memory_space<vmem>> -> memref<1x1x128xi32, #tpu.memory_space<vmem>>
      %dma_start3A_219 = tpu.memref_squeeze %dma_start3A_218 : memref<1x1x128xi32, #tpu.memory_space<vmem>> -> memref<128xi32, #tpu.memory_space<vmem>>
      %dma_start3A_220 = arith.constant 0 : i32
      %dma_start3A_221 = arith.constant 0 : i32
      %dma_start3A_222 = tpu.memref_slice %arg2[%dma_start3A_220, %dma_start3A_221] : memref<10000x128xf32, #tpu.memory_space<hbm>> -> memref<10000x128xf32, #tpu.memory_space<hbm>>
      tpu.enqueue_indirect_dma source(%dma_start3A_222 : memref<10000x128xf32, #tpu.memory_space<hbm>>) target(%arg11 : memref<128x128xf32, #tpu.memory_space<vmem>>) offsets(%dma_start3A_219 : memref<128xi32, #tpu.memory_space<vmem>>) semaphore(%arg13 : memref<!tpu.dma_semaphore, #tpu.memory_space<semaphore_mem>>)
      %dma_wait3A_223 = arith.constant 4 : i32
      %dma_wait3A_224 = arith.constant 0 : i32
      %dma_wait3A_225 = tpu.memref_slice %arg8[%rem3A_150, %dma_wait3A_223, %dma_wait3A_224] : memref<2x8x128xi32, #tpu.memory_space<vmem>> -> memref<1x1x128xi32, #tpu.memory_space<vmem>>
      %dma_wait3A_226 = tpu.memref_squeeze %dma_wait3A_225 : memref<1x1x128xi32, #tpu.memory_space<vmem>> -> memref<128xi32, #tpu.memory_space<vmem>>
      %dma_wait3A_227 = arith.constant 0 : i32
      %dma_wait3A_228 = arith.constant 0 : i32
      %dma_wait3A_229 = tpu.memref_slice %arg2[%dma_wait3A_227, %dma_wait3A_228] : memref<10000x128xf32, #tpu.memory_space<hbm>> -> memref<10000x128xf32, #tpu.memory_space<hbm>>
      tpu.wait_indirect_dma semaphore(%arg12 : memref<!tpu.dma_semaphore, #tpu.memory_space<semaphore_mem>>) src(%dma_wait3A_229 : memref<10000x128xf32, #tpu.memory_space<hbm>>) dst(%arg10 : memref<128x128xf32, #tpu.memory_space<vmem>>)
      %run_scoped3A_230 = arith.constant 4 : i32
      "tpu.region"() ({
        %run_scoped3A_272 = tpu.sem_alloc : memref<!tpu.dma_semaphore, #tpu.memory_space<semaphore_mem>>
        %dma_start3A_273 = arith.constant 0 : i32
        %dma_start3A_274 = tpu.memref_slice %arg9[%rem3A_150, %run_scoped3A_230, %dma_start3A_273] : memref<2x8x128xi32, #tpu.memory_space<vmem>> -> memref<1x1x128xi32, #tpu.memory_space<vmem>>
        %dma_start3A_275 = tpu.memref_squeeze %dma_start3A_274 : memref<1x1x128xi32, #tpu.memory_space<vmem>> -> memref<128xi32, #tpu.memory_space<vmem>>
        %dma_start3A_276 = arith.constant 0 : i32
        %dma_start3A_277 = arith.constant 0 : i32
        %dma_start3A_278 = tpu.memref_slice %arg7[%dma_start3A_276, %dma_start3A_277] : memref<10240x128xf32, #tpu.memory_space<vmem_shared>> -> memref<10240x128xf32, #tpu.memory_space<vmem_shared>>
        tpu.enqueue_indirect_dma source(%arg10 : memref<128x128xf32, #tpu.memory_space<vmem>>) target(%dma_start3A_278 : memref<10240x128xf32, #tpu.memory_space<vmem_shared>>) offsets(%dma_start3A_275 : memref<128xi32, #tpu.memory_space<vmem>>) semaphore(%run_scoped3A_272 : memref<!tpu.dma_semaphore, #tpu.memory_space<semaphore_mem>>) {add = true}
        %dma_wait3A_279 = arith.constant 0 : i32
        %dma_wait3A_280 = tpu.memref_slice %arg9[%rem3A_150, %run_scoped3A_230, %dma_wait3A_279] : memref<2x8x128xi32, #tpu.memory_space<vmem>> -> memref<1x1x128xi32, #tpu.memory_space<vmem>>
        %dma_wait3A_281 = tpu.memref_squeeze %dma_wait3A_280 : memref<1x1x128xi32, #tpu.memory_space<vmem>> -> memref<128xi32, #tpu.memory_space<vmem>>
        %dma_wait3A_282 = arith.constant 0 : i32
        %dma_wait3A_283 = arith.constant 0 : i32
        %dma_wait3A_284 = tpu.memref_slice %arg7[%dma_wait3A_282, %dma_wait3A_283] : memref<10240x128xf32, #tpu.memory_space<vmem_shared>> -> memref<10240x128xf32, #tpu.memory_space<vmem_shared>>
        tpu.wait_indirect_dma semaphore(%run_scoped3A_272 : memref<!tpu.dma_semaphore, #tpu.memory_space<semaphore_mem>>) src(%arg10 : memref<128x128xf32, #tpu.memory_space<vmem>>) dst(%dma_wait3A_284 : memref<10240x128xf32, #tpu.memory_space<vmem_shared>>)
        tpu.yield
      }) : () -> ()
      %dma_start3A_231 = arith.constant 6 : i32
      %dma_start3A_232 = arith.constant 0 : i32
      %dma_start3A_233 = tpu.memref_slice %arg8[%rem3A_150, %dma_start3A_231, %dma_start3A_232] : memref<2x8x128xi32, #tpu.memory_space<vmem>> -> memref<1x1x128xi32, #tpu.memory_space<vmem>>
      %dma_start3A_234 = tpu.memref_squeeze %dma_start3A_233 : memref<1x1x128xi32, #tpu.memory_space<vmem>> -> memref<128xi32, #tpu.memory_space<vmem>>
      %dma_start3A_235 = arith.constant 0 : i32
      %dma_start3A_236 = arith.constant 0 : i32
      %dma_start3A_237 = tpu.memref_slice %arg2[%dma_start3A_235, %dma_start3A_236] : memref<10000x128xf32, #tpu.memory_space<hbm>> -> memref<10000x128xf32, #tpu.memory_space<hbm>>
      tpu.enqueue_indirect_dma source(%dma_start3A_237 : memref<10000x128xf32, #tpu.memory_space<hbm>>) target(%arg10 : memref<128x128xf32, #tpu.memory_space<vmem>>) offsets(%dma_start3A_234 : memref<128xi32, #tpu.memory_space<vmem>>) semaphore(%arg12 : memref<!tpu.dma_semaphore, #tpu.memory_space<semaphore_mem>>)
      %dma_wait3A_238 = arith.constant 5 : i32
      %dma_wait3A_239 = arith.constant 0 : i32
      %dma_wait3A_240 = tpu.memref_slice %arg8[%rem3A_150, %dma_wait3A_238, %dma_wait3A_239] : memref<2x8x128xi32, #tpu.memory_space<vmem>> -> memref<1x1x128xi32, #tpu.memory_space<vmem>>
      %dma_wait3A_241 = tpu.memref_squeeze %dma_wait3A_240 : memref<1x1x128xi32, #tpu.memory_space<vmem>> -> memref<128xi32, #tpu.memory_space<vmem>>
      %dma_wait3A_242 = arith.constant 0 : i32
      %dma_wait3A_243 = arith.constant 0 : i32
      %dma_wait3A_244 = tpu.memref_slice %arg2[%dma_wait3A_242, %dma_wait3A_243] : memref<10000x128xf32, #tpu.memory_space<hbm>> -> memref<10000x128xf32, #tpu.memory_space<hbm>>
      tpu.wait_indirect_dma semaphore(%arg13 : memref<!tpu.dma_semaphore, #tpu.memory_space<semaphore_mem>>) src(%dma_wait3A_244 : memref<10000x128xf32, #tpu.memory_space<hbm>>) dst(%arg11 : memref<128x128xf32, #tpu.memory_space<vmem>>)
      %run_scoped3A_245 = arith.constant 5 : i32
      "tpu.region"() ({
        %run_scoped3A_272 = tpu.sem_alloc : memref<!tpu.dma_semaphore, #tpu.memory_space<semaphore_mem>>
        %dma_start3A_273 = arith.constant 0 : i32
        %dma_start3A_274 = tpu.memref_slice %arg9[%rem3A_150, %run_scoped3A_245, %dma_start3A_273] : memref<2x8x128xi32, #tpu.memory_space<vmem>> -> memref<1x1x128xi32, #tpu.memory_space<vmem>>
        %dma_start3A_275 = tpu.memref_squeeze %dma_start3A_274 : memref<1x1x128xi32, #tpu.memory_space<vmem>> -> memref<128xi32, #tpu.memory_space<vmem>>
        %dma_start3A_276 = arith.constant 0 : i32
        %dma_start3A_277 = arith.constant 0 : i32
        %dma_start3A_278 = tpu.memref_slice %arg7[%dma_start3A_276, %dma_start3A_277] : memref<10240x128xf32, #tpu.memory_space<vmem_shared>> -> memref<10240x128xf32, #tpu.memory_space<vmem_shared>>
        tpu.enqueue_indirect_dma source(%arg11 : memref<128x128xf32, #tpu.memory_space<vmem>>) target(%dma_start3A_278 : memref<10240x128xf32, #tpu.memory_space<vmem_shared>>) offsets(%dma_start3A_275 : memref<128xi32, #tpu.memory_space<vmem>>) semaphore(%run_scoped3A_272 : memref<!tpu.dma_semaphore, #tpu.memory_space<semaphore_mem>>) {add = true}
        %dma_wait3A_279 = arith.constant 0 : i32
        %dma_wait3A_280 = tpu.memref_slice %arg9[%rem3A_150, %run_scoped3A_245, %dma_wait3A_279] : memref<2x8x128xi32, #tpu.memory_space<vmem>> -> memref<1x1x128xi32, #tpu.memory_space<vmem>>
        %dma_wait3A_281 = tpu.memref_squeeze %dma_wait3A_280 : memref<1x1x128xi32, #tpu.memory_space<vmem>> -> memref<128xi32, #tpu.memory_space<vmem>>
        %dma_wait3A_282 = arith.constant 0 : i32
        %dma_wait3A_283 = arith.constant 0 : i32
        %dma_wait3A_284 = tpu.memref_slice %arg7[%dma_wait3A_282, %dma_wait3A_283] : memref<10240x128xf32, #tpu.memory_space<vmem_shared>> -> memref<10240x128xf32, #tpu.memory_space<vmem_shared>>
        tpu.wait_indirect_dma semaphore(%run_scoped3A_272 : memref<!tpu.dma_semaphore, #tpu.memory_space<semaphore_mem>>) src(%arg11 : memref<128x128xf32, #tpu.memory_space<vmem>>) dst(%dma_wait3A_284 : memref<10240x128xf32, #tpu.memory_space<vmem_shared>>)
        tpu.yield
      }) : () -> ()
      %dma_start3A_246 = arith.constant 7 : i32
      %dma_start3A_247 = arith.constant 0 : i32
      %dma_start3A_248 = tpu.memref_slice %arg8[%rem3A_150, %dma_start3A_246, %dma_start3A_247] : memref<2x8x128xi32, #tpu.memory_space<vmem>> -> memref<1x1x128xi32, #tpu.memory_space<vmem>>
      %dma_start3A_249 = tpu.memref_squeeze %dma_start3A_248 : memref<1x1x128xi32, #tpu.memory_space<vmem>> -> memref<128xi32, #tpu.memory_space<vmem>>
      %dma_start3A_250 = arith.constant 0 : i32
      %dma_start3A_251 = arith.constant 0 : i32
      %dma_start3A_252 = tpu.memref_slice %arg2[%dma_start3A_250, %dma_start3A_251] : memref<10000x128xf32, #tpu.memory_space<hbm>> -> memref<10000x128xf32, #tpu.memory_space<hbm>>
      tpu.enqueue_indirect_dma source(%dma_start3A_252 : memref<10000x128xf32, #tpu.memory_space<hbm>>) target(%arg11 : memref<128x128xf32, #tpu.memory_space<vmem>>) offsets(%dma_start3A_249 : memref<128xi32, #tpu.memory_space<vmem>>) semaphore(%arg13 : memref<!tpu.dma_semaphore, #tpu.memory_space<semaphore_mem>>)
      %dma_wait3A_253 = arith.constant 6 : i32
      %dma_wait3A_254 = arith.constant 0 : i32
      %dma_wait3A_255 = tpu.memref_slice %arg8[%rem3A_150, %dma_wait3A_253, %dma_wait3A_254] : memref<2x8x128xi32, #tpu.memory_space<vmem>> -> memref<1x1x128xi32, #tpu.memory_space<vmem>>
      %dma_wait3A_256 = tpu.memref_squeeze %dma_wait3A_255 : memref<1x1x128xi32, #tpu.memory_space<vmem>> -> memref<128xi32, #tpu.memory_space<vmem>>
      %dma_wait3A_257 = arith.constant 0 : i32
      %dma_wait3A_258 = arith.constant 0 : i32
      %dma_wait3A_259 = tpu.memref_slice %arg2[%dma_wait3A_257, %dma_wait3A_258] : memref<10000x128xf32, #tpu.memory_space<hbm>> -> memref<10000x128xf32, #tpu.memory_space<hbm>>
      tpu.wait_indirect_dma semaphore(%arg12 : memref<!tpu.dma_semaphore, #tpu.memory_space<semaphore_mem>>) src(%dma_wait3A_259 : memref<10000x128xf32, #tpu.memory_space<hbm>>) dst(%arg10 : memref<128x128xf32, #tpu.memory_space<vmem>>)
      %run_scoped3A_260 = arith.constant 6 : i32
      "tpu.region"() ({
        %run_scoped3A_272 = tpu.sem_alloc : memref<!tpu.dma_semaphore, #tpu.memory_space<semaphore_mem>>
        %dma_start3A_273 = arith.constant 0 : i32
        %dma_start3A_274 = tpu.memref_slice %arg9[%rem3A_150, %run_scoped3A_260, %dma_start3A_273] : memref<2x8x128xi32, #tpu.memory_space<vmem>> -> memref<1x1x128xi32, #tpu.memory_space<vmem>>
        %dma_start3A_275 = tpu.memref_squeeze %dma_start3A_274 : memref<1x1x128xi32, #tpu.memory_space<vmem>> -> memref<128xi32, #tpu.memory_space<vmem>>
        %dma_start3A_276 = arith.constant 0 : i32
        %dma_start3A_277 = arith.constant 0 : i32
        %dma_start3A_278 = tpu.memref_slice %arg7[%dma_start3A_276, %dma_start3A_277] : memref<10240x128xf32, #tpu.memory_space<vmem_shared>> -> memref<10240x128xf32, #tpu.memory_space<vmem_shared>>
        tpu.enqueue_indirect_dma source(%arg10 : memref<128x128xf32, #tpu.memory_space<vmem>>) target(%dma_start3A_278 : memref<10240x128xf32, #tpu.memory_space<vmem_shared>>) offsets(%dma_start3A_275 : memref<128xi32, #tpu.memory_space<vmem>>) semaphore(%run_scoped3A_272 : memref<!tpu.dma_semaphore, #tpu.memory_space<semaphore_mem>>) {add = true}
        %dma_wait3A_279 = arith.constant 0 : i32
        %dma_wait3A_280 = tpu.memref_slice %arg9[%rem3A_150, %run_scoped3A_260, %dma_wait3A_279] : memref<2x8x128xi32, #tpu.memory_space<vmem>> -> memref<1x1x128xi32, #tpu.memory_space<vmem>>
        %dma_wait3A_281 = tpu.memref_squeeze %dma_wait3A_280 : memref<1x1x128xi32, #tpu.memory_space<vmem>> -> memref<128xi32, #tpu.memory_space<vmem>>
        %dma_wait3A_282 = arith.constant 0 : i32
        %dma_wait3A_283 = arith.constant 0 : i32
        %dma_wait3A_284 = tpu.memref_slice %arg7[%dma_wait3A_282, %dma_wait3A_283] : memref<10240x128xf32, #tpu.memory_space<vmem_shared>> -> memref<10240x128xf32, #tpu.memory_space<vmem_shared>>
        tpu.wait_indirect_dma semaphore(%run_scoped3A_272 : memref<!tpu.dma_semaphore, #tpu.memory_space<semaphore_mem>>) src(%arg10 : memref<128x128xf32, #tpu.memory_space<vmem>>) dst(%dma_wait3A_284 : memref<10240x128xf32, #tpu.memory_space<vmem_shared>>)
        tpu.yield
      }) : () -> ()
      %convert_element_type3A_261 = arith.extui %lt3A_154 : i1 to i32
      %cond3A_262 = arith.constant 0 : i32
      %cond3A_263 = arith.cmpi ne, %convert_element_type3A_261, %cond3A_262 : i32
      scf.if %cond3A_263 {
        %add3A_272 = arith.constant 1 : i32
        %add3A_273 = arith.addi %scan3A_149, %add3A_272 : i32
        %mul3A_274 = arith.constant 8 : i32
        %mul3A_275 = arith.muli %add3A_273, %mul3A_274 : i32
        %dma_wait3A_276 = arith.constant 0 : i32
        %dma_wait3A_277 = arith.constant 0 : i32
        %dma_wait3A_278 = tpu.memref_slice %arg8[%sub3A_151, %dma_wait3A_276, %dma_wait3A_277] : memref<2x8x128xi32, #tpu.memory_space<vmem>> -> memref<1x8x128xi32, #tpu.memory_space<vmem>>
        %dma_wait3A_279 = tpu.memref_squeeze %dma_wait3A_278 : memref<1x8x128xi32, #tpu.memory_space<vmem>> -> memref<8x128xi32, #tpu.memory_space<vmem>>
        %dma_wait3A_280 = arith.constant 0 : i32
        %dma_wait3A_281 = tpu.memref_slice %arg3[%add3A, %mul3A_275, %dma_wait3A_280] : memref<32x80x128xi32, #tpu.memory_space<hbm>> -> memref<1x8x128xi32, #tpu.memory_space<hbm>>
        %dma_wait3A_282 = tpu.memref_squeeze %dma_wait3A_281 : memref<1x8x128xi32, #tpu.memory_space<hbm>> -> memref<8x128xi32, #tpu.memory_space<hbm>>
        %dma_wait3A_283 = arith.constant 0 : i32
        %dma_wait3A_284 = arith.constant 0 : i32
        %dma_wait3A_285 = tpu.memref_slice %arg8[%sub3A_151, %dma_wait3A_283, %dma_wait3A_284] : memref<2x8x128xi32, #tpu.memory_space<vmem>> -> memref<1x8x128xi32, #tpu.memory_space<vmem>>
        %dma_wait3A_286 = tpu.memref_squeeze %dma_wait3A_285 : memref<1x8x128xi32, #tpu.memory_space<vmem>> -> memref<8x128xi32, #tpu.memory_space<vmem>>
        %dma_wait3A_287 = arith.constant 0 : i32
        %dma_wait3A_288 = tpu.memref_slice %arg3[%add3A, %mul3A_275, %dma_wait3A_287] : memref<32x80x128xi32, #tpu.memory_space<hbm>> -> memref<1x8x128xi32, #tpu.memory_space<hbm>>
        %dma_wait3A_289 = tpu.memref_squeeze %dma_wait3A_288 : memref<1x8x128xi32, #tpu.memory_space<hbm>> -> memref<8x128xi32, #tpu.memory_space<hbm>>
        tpu.wait_dma2 semaphore(%arg14 : memref<!tpu.dma_semaphore, #tpu.memory_space<semaphore_mem>>) src(%dma_wait3A_289 : memref<8x128xi32, #tpu.memory_space<hbm>>) dst(%dma_wait3A_286 : memref<8x128xi32, #tpu.memory_space<vmem>>)
        %add3A_290 = arith.constant 1 : i32
        %add3A_291 = arith.addi %scan3A_149, %add3A_290 : i32
        %mul3A_292 = arith.constant 8 : i32
        %mul3A_293 = arith.muli %add3A_291, %mul3A_292 : i32
        %dma_wait3A_294 = arith.constant 0 : i32
        %dma_wait3A_295 = arith.constant 0 : i32
        %dma_wait3A_296 = tpu.memref_slice %arg9[%sub3A_151, %dma_wait3A_294, %dma_wait3A_295] : memref<2x8x128xi32, #tpu.memory_space<vmem>> -> memref<1x8x128xi32, #tpu.memory_space<vmem>>
        %dma_wait3A_297 = tpu.memref_squeeze %dma_wait3A_296 : memref<1x8x128xi32, #tpu.memory_space<vmem>> -> memref<8x128xi32, #tpu.memory_space<vmem>>
        %dma_wait3A_298 = arith.constant 0 : i32
        %dma_wait3A_299 = tpu.memref_slice %arg4[%add3A, %mul3A_293, %dma_wait3A_298] : memref<32x80x128xi32, #tpu.memory_space<hbm>> -> memref<1x8x128xi32, #tpu.memory_space<hbm>>
        %dma_wait3A_300 = tpu.memref_squeeze %dma_wait3A_299 : memref<1x8x128xi32, #tpu.memory_space<hbm>> -> memref<8x128xi32, #tpu.memory_space<hbm>>
        %dma_wait3A_301 = arith.constant 0 : i32
        %dma_wait3A_302 = arith.constant 0 : i32
        %dma_wait3A_303 = tpu.memref_slice %arg9[%sub3A_151, %dma_wait3A_301, %dma_wait3A_302] : memref<2x8x128xi32, #tpu.memory_space<vmem>> -> memref<1x8x128xi32, #tpu.memory_space<vmem>>
        %dma_wait3A_304 = tpu.memref_squeeze %dma_wait3A_303 : memref<1x8x128xi32, #tpu.memory_space<vmem>> -> memref<8x128xi32, #tpu.memory_space<vmem>>
        %dma_wait3A_305 = arith.constant 0 : i32
        %dma_wait3A_306 = tpu.memref_slice %arg4[%add3A, %mul3A_293, %dma_wait3A_305] : memref<32x80x128xi32, #tpu.memory_space<hbm>> -> memref<1x8x128xi32, #tpu.memory_space<hbm>>
        %dma_wait3A_307 = tpu.memref_squeeze %dma_wait3A_306 : memref<1x8x128xi32, #tpu.memory_space<hbm>> -> memref<8x128xi32, #tpu.memory_space<hbm>>
        tpu.wait_dma2 semaphore(%arg14 : memref<!tpu.dma_semaphore, #tpu.memory_space<semaphore_mem>>) src(%dma_wait3A_307 : memref<8x128xi32, #tpu.memory_space<hbm>>) dst(%dma_wait3A_304 : memref<8x128xi32, #tpu.memory_space<vmem>>)
        %dma_start3A_308 = arith.constant 0 : i32
        %dma_start3A_309 = arith.constant 0 : i32
        %dma_start3A_310 = tpu.memref_slice %arg8[%sub3A_151, %dma_start3A_308, %dma_start3A_309] : memref<2x8x128xi32, #tpu.memory_space<vmem>> -> memref<1x1x128xi32, #tpu.memory_space<vmem>>
        %dma_start3A_311 = tpu.memref_squeeze %dma_start3A_310 : memref<1x1x128xi32, #tpu.memory_space<vmem>> -> memref<128xi32, #tpu.memory_space<vmem>>
        %dma_start3A_312 = arith.constant 0 : i32
        %dma_start3A_313 = arith.constant 0 : i32
        %dma_start3A_314 = tpu.memref_slice %arg2[%dma_start3A_312, %dma_start3A_313] : memref<10000x128xf32, #tpu.memory_space<hbm>> -> memref<10000x128xf32, #tpu.memory_space<hbm>>
        tpu.enqueue_indirect_dma source(%dma_start3A_314 : memref<10000x128xf32, #tpu.memory_space<hbm>>) target(%arg10 : memref<128x128xf32, #tpu.memory_space<vmem>>) offsets(%dma_start3A_311 : memref<128xi32, #tpu.memory_space<vmem>>) semaphore(%arg12 : memref<!tpu.dma_semaphore, #tpu.memory_space<semaphore_mem>>)
      } else {
      }
      %dma_wait3A_264 = arith.constant 7 : i32
      %dma_wait3A_265 = arith.constant 0 : i32
      %dma_wait3A_266 = tpu.memref_slice %arg8[%rem3A_150, %dma_wait3A_264, %dma_wait3A_265] : memref<2x8x128xi32, #tpu.memory_space<vmem>> -> memref<1x1x128xi32, #tpu.memory_space<vmem>>
      %dma_wait3A_267 = tpu.memref_squeeze %dma_wait3A_266 : memref<1x1x128xi32, #tpu.memory_space<vmem>> -> memref<128xi32, #tpu.memory_space<vmem>>
      %dma_wait3A_268 = arith.constant 0 : i32
      %dma_wait3A_269 = arith.constant 0 : i32
      %dma_wait3A_270 = tpu.memref_slice %arg2[%dma_wait3A_268, %dma_wait3A_269] : memref<10000x128xf32, #tpu.memory_space<hbm>> -> memref<10000x128xf32, #tpu.memory_space<hbm>>
      tpu.wait_indirect_dma semaphore(%arg13 : memref<!tpu.dma_semaphore, #tpu.memory_space<semaphore_mem>>) src(%dma_wait3A_270 : memref<10000x128xf32, #tpu.memory_space<hbm>>) dst(%arg11 : memref<128x128xf32, #tpu.memory_space<vmem>>)
      %run_scoped3A_271 = arith.constant 7 : i32
      "tpu.region"() ({
        %run_scoped3A_272 = tpu.sem_alloc : memref<!tpu.dma_semaphore, #tpu.memory_space<semaphore_mem>>
        %dma_start3A_273 = arith.constant 0 : i32
        %dma_start3A_274 = tpu.memref_slice %arg9[%rem3A_150, %run_scoped3A_271, %dma_start3A_273] : memref<2x8x128xi32, #tpu.memory_space<vmem>> -> memref<1x1x128xi32, #tpu.memory_space<vmem>>
        %dma_start3A_275 = tpu.memref_squeeze %dma_start3A_274 : memref<1x1x128xi32, #tpu.memory_space<vmem>> -> memref<128xi32, #tpu.memory_space<vmem>>
        %dma_start3A_276 = arith.constant 0 : i32
        %dma_start3A_277 = arith.constant 0 : i32
        %dma_start3A_278 = tpu.memref_slice %arg7[%dma_start3A_276, %dma_start3A_277] : memref<10240x128xf32, #tpu.memory_space<vmem_shared>> -> memref<10240x128xf32, #tpu.memory_space<vmem_shared>>
        tpu.enqueue_indirect_dma source(%arg11 : memref<128x128xf32, #tpu.memory_space<vmem>>) target(%dma_start3A_278 : memref<10240x128xf32, #tpu.memory_space<vmem_shared>>) offsets(%dma_start3A_275 : memref<128xi32, #tpu.memory_space<vmem>>) semaphore(%run_scoped3A_272 : memref<!tpu.dma_semaphore, #tpu.memory_space<semaphore_mem>>) {add = true}
        %dma_wait3A_279 = arith.constant 0 : i32
        %dma_wait3A_280 = tpu.memref_slice %arg9[%rem3A_150, %run_scoped3A_271, %dma_wait3A_279] : memref<2x8x128xi32, #tpu.memory_space<vmem>> -> memref<1x1x128xi32, #tpu.memory_space<vmem>>
        %dma_wait3A_281 = tpu.memref_squeeze %dma_wait3A_280 : memref<1x1x128xi32, #tpu.memory_space<vmem>> -> memref<128xi32, #tpu.memory_space<vmem>>
        %dma_wait3A_282 = arith.constant 0 : i32
        %dma_wait3A_283 = arith.constant 0 : i32
        %dma_wait3A_284 = tpu.memref_slice %arg7[%dma_wait3A_282, %dma_wait3A_283] : memref<10240x128xf32, #tpu.memory_space<vmem_shared>> -> memref<10240x128xf32, #tpu.memory_space<vmem_shared>>
        tpu.wait_indirect_dma semaphore(%run_scoped3A_272 : memref<!tpu.dma_semaphore, #tpu.memory_space<semaphore_mem>>) src(%arg11 : memref<128x128xf32, #tpu.memory_space<vmem>>) dst(%dma_wait3A_284 : memref<10240x128xf32, #tpu.memory_space<vmem_shared>>)
        tpu.yield
      }) : () -> ()
    }
    %scan3A_74 = arith.constant 10 : i32
    %barrier3A_75 = arith.constant 0 : index
    tpu.barrier barrier_id(%barrier3A_75)
    "tpu.region"() ({
      %run_scoped3A_149 = tpu.sem_alloc : memref<!tpu.dma_semaphore, #tpu.memory_space<semaphore_mem>>
      %dma_start3A_150 = arith.constant 0 : i32
      %dma_start3A_151 = tpu.memref_slice %arg7[%mul3A_2, %dma_start3A_150] : memref<10240x128xf32, #tpu.memory_space<vmem_shared>> -> memref<128x128xf32, #tpu.memory_space<vmem_shared>>
      %dma_start3A_152 = arith.constant 0 : i32
      %dma_start3A_153 = tpu.memref_slice %arg7[%mul3A_2, %dma_start3A_152] : memref<10240x128xf32, #tpu.memory_space<vmem_shared>> -> memref<128x128xf32, #tpu.memory_space<vmem_shared>>
      tpu.enqueue_dma source(%dma_start3A_153 : memref<128x128xf32, #tpu.memory_space<vmem_shared>>) target(%arg10 : memref<128x128xf32, #tpu.memory_space<vmem>>) target_semaphore(%run_scoped3A_149 : memref<!tpu.dma_semaphore, #tpu.memory_space<semaphore_mem>>)
      %dma_wait3A_154 = arith.constant 0 : i32
      %dma_wait3A_155 = tpu.memref_slice %arg7[%mul3A_2, %dma_wait3A_154] : memref<10240x128xf32, #tpu.memory_space<vmem_shared>> -> memref<128x128xf32, #tpu.memory_space<vmem_shared>>
      %dma_wait3A_156 = arith.constant 0 : i32
      %dma_wait3A_157 = tpu.memref_slice %arg7[%mul3A_2, %dma_wait3A_156] : memref<10240x128xf32, #tpu.memory_space<vmem_shared>> -> memref<128x128xf32, #tpu.memory_space<vmem_shared>>
      tpu.wait_dma2 semaphore(%run_scoped3A_149 : memref<!tpu.dma_semaphore, #tpu.memory_space<semaphore_mem>>) src(%dma_wait3A_157 : memref<128x128xf32, #tpu.memory_space<vmem_shared>>) dst(%arg10 : memref<128x128xf32, #tpu.memory_space<vmem>>)
      tpu.yield
    }) : () -> ()
    %add3A_76 = arith.constant 128 : i32
    %add3A_77 = arith.addi %mul3A_2, %add3A_76 : i32
    %dma_start3A_78 = arith.constant 0 : i32
    %dma_start3A_79 = tpu.memref_slice %arg7[%add3A_77, %dma_start3A_78] : memref<10240x128xf32, #tpu.memory_space<vmem_shared>> -> memref<128x128xf32, #tpu.memory_space<vmem_shared>>
    %dma_start3A_80 = arith.constant 0 : i32
    %dma_start3A_81 = tpu.memref_slice %arg7[%add3A_77, %dma_start3A_80] : memref<10240x128xf32, #tpu.memory_space<vmem_shared>> -> memref<128x128xf32, #tpu.memory_space<vmem_shared>>
    tpu.enqueue_dma source(%dma_start3A_81 : memref<128x128xf32, #tpu.memory_space<vmem_shared>>) target(%arg11 : memref<128x128xf32, #tpu.memory_space<vmem>>) target_semaphore(%arg14 : memref<!tpu.dma_semaphore, #tpu.memory_space<semaphore_mem>>)
    %mul3A_82 = arith.constant 10240 : i32
    %mul3A_83 = arith.muli %arg0, %mul3A_82 : i32
    %add3A_84 = arith.addi %mul3A_83, %mul3A_2 : i32
    %add3A_85 = arith.constant 0 : i32
    %add3A_86 = arith.addi %add3A_84, %add3A_85 : i32
    "tpu.region"() ({
      %run_scoped3A_149 = tpu.sem_alloc : memref<!tpu.dma_semaphore, #tpu.memory_space<semaphore_mem>>
      %dma_start3A_150 = arith.constant 0 : i32
      %dma_start3A_151 = tpu.memref_slice %arg6[%add3A_86, %dma_start3A_150] : memref<20480x128xf32, #tpu.memory_space<hbm>> -> memref<128x128xf32, #tpu.memory_space<hbm>>
      %dma_start3A_152 = arith.constant 0 : i32
      %dma_start3A_153 = tpu.memref_slice %arg6[%add3A_86, %dma_start3A_152] : memref<20480x128xf32, #tpu.memory_space<hbm>> -> memref<128x128xf32, #tpu.memory_space<hbm>>
      tpu.enqueue_dma source(%arg10 : memref<128x128xf32, #tpu.memory_space<vmem>>) target(%dma_start3A_153 : memref<128x128xf32, #tpu.memory_space<hbm>>) target_semaphore(%run_scoped3A_149 : memref<!tpu.dma_semaphore, #tpu.memory_space<semaphore_mem>>)
      %dma_wait3A_154 = arith.constant 0 : i32
      %dma_wait3A_155 = tpu.memref_slice %arg6[%add3A_86, %dma_wait3A_154] : memref<20480x128xf32, #tpu.memory_space<hbm>> -> memref<128x128xf32, #tpu.memory_space<hbm>>
      %dma_wait3A_156 = arith.constant 0 : i32
      %dma_wait3A_157 = tpu.memref_slice %arg6[%add3A_86, %dma_wait3A_156] : memref<20480x128xf32, #tpu.memory_space<hbm>> -> memref<128x128xf32, #tpu.memory_space<hbm>>
      tpu.wait_dma2 semaphore(%run_scoped3A_149 : memref<!tpu.dma_semaphore, #tpu.memory_space<semaphore_mem>>) src(%arg10 : memref<128x128xf32, #tpu.memory_space<vmem>>) dst(%dma_wait3A_157 : memref<128x128xf32, #tpu.memory_space<hbm>>)
      tpu.yield
    }) : () -> ()
    %add3A_87 = arith.constant 128 : i32
    %add3A_88 = arith.addi %mul3A_2, %add3A_87 : i32
    %dma_wait3A_89 = arith.constant 0 : i32
    %dma_wait3A_90 = tpu.memref_slice %arg7[%add3A_88, %dma_wait3A_89] : memref<10240x128xf32, #tpu.memory_space<vmem_shared>> -> memref<128x128xf32, #tpu.memory_space<vmem_shared>>
    %dma_wait3A_91 = arith.constant 0 : i32
    %dma_wait3A_92 = tpu.memref_slice %arg7[%add3A_88, %dma_wait3A_91] : memref<10240x128xf32, #tpu.memory_space<vmem_shared>> -> memref<128x128xf32, #tpu.memory_space<vmem_shared>>
    tpu.wait_dma2 semaphore(%arg14 : memref<!tpu.dma_semaphore, #tpu.memory_space<semaphore_mem>>) src(%dma_wait3A_92 : memref<128x128xf32, #tpu.memory_space<vmem_shared>>) dst(%arg11 : memref<128x128xf32, #tpu.memory_space<vmem>>)
    %add3A_93 = arith.constant 256 : i32
    %add3A_94 = arith.addi %mul3A_2, %add3A_93 : i32
    %dma_start3A_95 = arith.constant 0 : i32
    %dma_start3A_96 = tpu.memref_slice %arg7[%add3A_94, %dma_start3A_95] : memref<10240x128xf32, #tpu.memory_space<vmem_shared>> -> memref<128x128xf32, #tpu.memory_space<vmem_shared>>
    %dma_start3A_97 = arith.constant 0 : i32
    %dma_start3A_98 = tpu.memref_slice %arg7[%add3A_94, %dma_start3A_97] : memref<10240x128xf32, #tpu.memory_space<vmem_shared>> -> memref<128x128xf32, #tpu.memory_space<vmem_shared>>
    tpu.enqueue_dma source(%dma_start3A_98 : memref<128x128xf32, #tpu.memory_space<vmem_shared>>) target(%arg10 : memref<128x128xf32, #tpu.memory_space<vmem>>) target_semaphore(%arg14 : memref<!tpu.dma_semaphore, #tpu.memory_space<semaphore_mem>>)
    %mul3A_99 = arith.constant 10240 : i32
    %mul3A_100 = arith.muli %arg0, %mul3A_99 : i32
    %add3A_101 = arith.addi %mul3A_100, %mul3A_2 : i32
    %add3A_102 = arith.constant 128 : i32
    %add3A_103 = arith.addi %add3A_101, %add3A_102 : i32
    "tpu.region"() ({
      %run_scoped3A_149 = tpu.sem_alloc : memref<!tpu.dma_semaphore, #tpu.memory_space<semaphore_mem>>
      %dma_start3A_150 = arith.constant 0 : i32
      %dma_start3A_151 = tpu.memref_slice %arg6[%add3A_103, %dma_start3A_150] : memref<20480x128xf32, #tpu.memory_space<hbm>> -> memref<128x128xf32, #tpu.memory_space<hbm>>
      %dma_start3A_152 = arith.constant 0 : i32
      %dma_start3A_153 = tpu.memref_slice %arg6[%add3A_103, %dma_start3A_152] : memref<20480x128xf32, #tpu.memory_space<hbm>> -> memref<128x128xf32, #tpu.memory_space<hbm>>
      tpu.enqueue_dma source(%arg11 : memref<128x128xf32, #tpu.memory_space<vmem>>) target(%dma_start3A_153 : memref<128x128xf32, #tpu.memory_space<hbm>>) target_semaphore(%run_scoped3A_149 : memref<!tpu.dma_semaphore, #tpu.memory_space<semaphore_mem>>)
      %dma_wait3A_154 = arith.constant 0 : i32
      %dma_wait3A_155 = tpu.memref_slice %arg6[%add3A_103, %dma_wait3A_154] : memref<20480x128xf32, #tpu.memory_space<hbm>> -> memref<128x128xf32, #tpu.memory_space<hbm>>
      %dma_wait3A_156 = arith.constant 0 : i32
      %dma_wait3A_157 = tpu.memref_slice %arg6[%add3A_103, %dma_wait3A_156] : memref<20480x128xf32, #tpu.memory_space<hbm>> -> memref<128x128xf32, #tpu.memory_space<hbm>>
      tpu.wait_dma2 semaphore(%run_scoped3A_149 : memref<!tpu.dma_semaphore, #tpu.memory_space<semaphore_mem>>) src(%arg11 : memref<128x128xf32, #tpu.memory_space<vmem>>) dst(%dma_wait3A_157 : memref<128x128xf32, #tpu.memory_space<hbm>>)
      tpu.yield
    }) : () -> ()
    %add3A_104 = arith.constant 256 : i32
    %add3A_105 = arith.addi %mul3A_2, %add3A_104 : i32
    %dma_wait3A_106 = arith.constant 0 : i32
    %dma_wait3A_107 = tpu.memref_slice %arg7[%add3A_105, %dma_wait3A_106] : memref<10240x128xf32, #tpu.memory_space<vmem_shared>> -> memref<128x128xf32, #tpu.memory_space<vmem_shared>>
    %dma_wait3A_108 = arith.constant 0 : i32
    %dma_wait3A_109 = tpu.memref_slice %arg7[%add3A_105, %dma_wait3A_108] : memref<10240x128xf32, #tpu.memory_space<vmem_shared>> -> memref<128x128xf32, #tpu.memory_space<vmem_shared>>
    tpu.wait_dma2 semaphore(%arg14 : memref<!tpu.dma_semaphore, #tpu.memory_space<semaphore_mem>>) src(%dma_wait3A_109 : memref<128x128xf32, #tpu.memory_space<vmem_shared>>) dst(%arg10 : memref<128x128xf32, #tpu.memory_space<vmem>>)
    %add3A_110 = arith.constant 384 : i32
    %add3A_111 = arith.addi %mul3A_2, %add3A_110 : i32
    %dma_start3A_112 = arith.constant 0 : i32
    %dma_start3A_113 = tpu.memref_slice %arg7[%add3A_111, %dma_start3A_112] : memref<10240x128xf32, #tpu.memory_space<vmem_shared>> -> memref<128x128xf32, #tpu.memory_space<vmem_shared>>
    %dma_start3A_114 = arith.constant 0 : i32
    %dma_start3A_115 = tpu.memref_slice %arg7[%add3A_111, %dma_start3A_114] : memref<10240x128xf32, #tpu.memory_space<vmem_shared>> -> memref<128x128xf32, #tpu.memory_space<vmem_shared>>
    tpu.enqueue_dma source(%dma_start3A_115 : memref<128x128xf32, #tpu.memory_space<vmem_shared>>) target(%arg11 : memref<128x128xf32, #tpu.memory_space<vmem>>) target_semaphore(%arg14 : memref<!tpu.dma_semaphore, #tpu.memory_space<semaphore_mem>>)
    %mul3A_116 = arith.constant 10240 : i32
    %mul3A_117 = arith.muli %arg0, %mul3A_116 : i32
    %add3A_118 = arith.addi %mul3A_117, %mul3A_2 : i32
    %add3A_119 = arith.constant 256 : i32
    %add3A_120 = arith.addi %add3A_118, %add3A_119 : i32
    "tpu.region"() ({
      %run_scoped3A_149 = tpu.sem_alloc : memref<!tpu.dma_semaphore, #tpu.memory_space<semaphore_mem>>
      %dma_start3A_150 = arith.constant 0 : i32
      %dma_start3A_151 = tpu.memref_slice %arg6[%add3A_120, %dma_start3A_150] : memref<20480x128xf32, #tpu.memory_space<hbm>> -> memref<128x128xf32, #tpu.memory_space<hbm>>
      %dma_start3A_152 = arith.constant 0 : i32
      %dma_start3A_153 = tpu.memref_slice %arg6[%add3A_120, %dma_start3A_152] : memref<20480x128xf32, #tpu.memory_space<hbm>> -> memref<128x128xf32, #tpu.memory_space<hbm>>
      tpu.enqueue_dma source(%arg10 : memref<128x128xf32, #tpu.memory_space<vmem>>) target(%dma_start3A_153 : memref<128x128xf32, #tpu.memory_space<hbm>>) target_semaphore(%run_scoped3A_149 : memref<!tpu.dma_semaphore, #tpu.memory_space<semaphore_mem>>)
      %dma_wait3A_154 = arith.constant 0 : i32
      %dma_wait3A_155 = tpu.memref_slice %arg6[%add3A_120, %dma_wait3A_154] : memref<20480x128xf32, #tpu.memory_space<hbm>> -> memref<128x128xf32, #tpu.memory_space<hbm>>
      %dma_wait3A_156 = arith.constant 0 : i32
      %dma_wait3A_157 = tpu.memref_slice %arg6[%add3A_120, %dma_wait3A_156] : memref<20480x128xf32, #tpu.memory_space<hbm>> -> memref<128x128xf32, #tpu.memory_space<hbm>>
      tpu.wait_dma2 semaphore(%run_scoped3A_149 : memref<!tpu.dma_semaphore, #tpu.memory_space<semaphore_mem>>) src(%arg10 : memref<128x128xf32, #tpu.memory_space<vmem>>) dst(%dma_wait3A_157 : memref<128x128xf32, #tpu.memory_space<hbm>>)
      tpu.yield
    }) : () -> ()
    %add3A_121 = arith.constant 384 : i32
    %add3A_122 = arith.addi %mul3A_2, %add3A_121 : i32
    %dma_wait3A_123 = arith.constant 0 : i32
    %dma_wait3A_124 = tpu.memref_slice %arg7[%add3A_122, %dma_wait3A_123] : memref<10240x128xf32, #tpu.memory_space<vmem_shared>> -> memref<128x128xf32, #tpu.memory_space<vmem_shared>>
    %dma_wait3A_125 = arith.constant 0 : i32
    %dma_wait3A_126 = tpu.memref_slice %arg7[%add3A_122, %dma_wait3A_125] : memref<10240x128xf32, #tpu.memory_space<vmem_shared>> -> memref<128x128xf32, #tpu.memory_space<vmem_shared>>
    tpu.wait_dma2 semaphore(%arg14 : memref<!tpu.dma_semaphore, #tpu.memory_space<semaphore_mem>>) src(%dma_wait3A_126 : memref<128x128xf32, #tpu.memory_space<vmem_shared>>) dst(%arg11 : memref<128x128xf32, #tpu.memory_space<vmem>>)
    %add3A_127 = arith.constant 512 : i32
    %add3A_128 = arith.addi %mul3A_2, %add3A_127 : i32
    %dma_start3A_129 = arith.constant 0 : i32
    %dma_start3A_130 = tpu.memref_slice %arg7[%add3A_128, %dma_start3A_129] : memref<10240x128xf32, #tpu.memory_space<vmem_shared>> -> memref<128x128xf32, #tpu.memory_space<vmem_shared>>
    %dma_start3A_131 = arith.constant 0 : i32
    %dma_start3A_132 = tpu.memref_slice %arg7[%add3A_128, %dma_start3A_131] : memref<10240x128xf32, #tpu.memory_space<vmem_shared>> -> memref<128x128xf32, #tpu.memory_space<vmem_shared>>
    tpu.enqueue_dma source(%dma_start3A_132 : memref<128x128xf32, #tpu.memory_space<vmem_shared>>) target(%arg10 : memref<128x128xf32, #tpu.memory_space<vmem>>) target_semaphore(%arg14 : memref<!tpu.dma_semaphore, #tpu.memory_space<semaphore_mem>>)
    %mul3A_133 = arith.constant 10240 : i32
    %mul3A_134 = arith.muli %arg0, %mul3A_133 : i32
    %add3A_135 = arith.addi %mul3A_134, %mul3A_2 : i32
    %add3A_136 = arith.constant 384 : i32
    %add3A_137 = arith.addi %add3A_135, %add3A_136 : i32
    "tpu.region"() ({
      %run_scoped3A_149 = tpu.sem_alloc : memref<!tpu.dma_semaphore, #tpu.memory_space<semaphore_mem>>
      %dma_start3A_150 = arith.constant 0 : i32
      %dma_start3A_151 = tpu.memref_slice %arg6[%add3A_137, %dma_start3A_150] : memref<20480x128xf32, #tpu.memory_space<hbm>> -> memref<128x128xf32, #tpu.memory_space<hbm>>
      %dma_start3A_152 = arith.constant 0 : i32
      %dma_start3A_153 = tpu.memref_slice %arg6[%add3A_137, %dma_start3A_152] : memref<20480x128xf32, #tpu.memory_space<hbm>> -> memref<128x128xf32, #tpu.memory_space<hbm>>
      tpu.enqueue_dma source(%arg11 : memref<128x128xf32, #tpu.memory_space<vmem>>) target(%dma_start3A_153 : memref<128x128xf32, #tpu.memory_space<hbm>>) target_semaphore(%run_scoped3A_149 : memref<!tpu.dma_semaphore, #tpu.memory_space<semaphore_mem>>)
      %dma_wait3A_154 = arith.constant 0 : i32
      %dma_wait3A_155 = tpu.memref_slice %arg6[%add3A_137, %dma_wait3A_154] : memref<20480x128xf32, #tpu.memory_space<hbm>> -> memref<128x128xf32, #tpu.memory_space<hbm>>
      %dma_wait3A_156 = arith.constant 0 : i32
      %dma_wait3A_157 = tpu.memref_slice %arg6[%add3A_137, %dma_wait3A_156] : memref<20480x128xf32, #tpu.memory_space<hbm>> -> memref<128x128xf32, #tpu.memory_space<hbm>>
      tpu.wait_dma2 semaphore(%run_scoped3A_149 : memref<!tpu.dma_semaphore, #tpu.memory_space<semaphore_mem>>) src(%arg11 : memref<128x128xf32, #tpu.memory_space<vmem>>) dst(%dma_wait3A_157 : memref<128x128xf32, #tpu.memory_space<hbm>>)
      tpu.yield
    }) : () -> ()
    %add3A_138 = arith.constant 512 : i32
    %add3A_139 = arith.addi %mul3A_2, %add3A_138 : i32
    %dma_wait3A_140 = arith.constant 0 : i32
    %dma_wait3A_141 = tpu.memref_slice %arg7[%add3A_139, %dma_wait3A_140] : memref<10240x128xf32, #tpu.memory_space<vmem_shared>> -> memref<128x128xf32, #tpu.memory_space<vmem_shared>>
    %dma_wait3A_142 = arith.constant 0 : i32
    %dma_wait3A_143 = tpu.memref_slice %arg7[%add3A_139, %dma_wait3A_142] : memref<10240x128xf32, #tpu.memory_space<vmem_shared>> -> memref<128x128xf32, #tpu.memory_space<vmem_shared>>
    tpu.wait_dma2 semaphore(%arg14 : memref<!tpu.dma_semaphore, #tpu.memory_space<semaphore_mem>>) src(%dma_wait3A_143 : memref<128x128xf32, #tpu.memory_space<vmem_shared>>) dst(%arg10 : memref<128x128xf32, #tpu.memory_space<vmem>>)
    %mul3A_144 = arith.constant 10240 : i32
    %mul3A_145 = arith.muli %arg0, %mul3A_144 : i32
    %add3A_146 = arith.addi %mul3A_145, %mul3A_2 : i32
    %add3A_147 = arith.constant 512 : i32
    %add3A_148 = arith.addi %add3A_146, %add3A_147 : i32
    "tpu.region"() ({
      %run_scoped3A_149 = tpu.sem_alloc : memref<!tpu.dma_semaphore, #tpu.memory_space<semaphore_mem>>
      %dma_start3A_150 = arith.constant 0 : i32
      %dma_start3A_151 = tpu.memref_slice %arg6[%add3A_148, %dma_start3A_150] : memref<20480x128xf32, #tpu.memory_space<hbm>> -> memref<128x128xf32, #tpu.memory_space<hbm>>
      %dma_start3A_152 = arith.constant 0 : i32
      %dma_start3A_153 = tpu.memref_slice %arg6[%add3A_148, %dma_start3A_152] : memref<20480x128xf32, #tpu.memory_space<hbm>> -> memref<128x128xf32, #tpu.memory_space<hbm>>
      tpu.enqueue_dma source(%arg10 : memref<128x128xf32, #tpu.memory_space<vmem>>) target(%dma_start3A_153 : memref<128x128xf32, #tpu.memory_space<hbm>>) target_semaphore(%run_scoped3A_149 : memref<!tpu.dma_semaphore, #tpu.memory_space<semaphore_mem>>)
      %dma_wait3A_154 = arith.constant 0 : i32
      %dma_wait3A_155 = tpu.memref_slice %arg6[%add3A_148, %dma_wait3A_154] : memref<20480x128xf32, #tpu.memory_space<hbm>> -> memref<128x128xf32, #tpu.memory_space<hbm>>
      %dma_wait3A_156 = arith.constant 0 : i32
      %dma_wait3A_157 = tpu.memref_slice %arg6[%add3A_148, %dma_wait3A_156] : memref<20480x128xf32, #tpu.memory_space<hbm>> -> memref<128x128xf32, #tpu.memory_space<hbm>>
      tpu.wait_dma2 semaphore(%run_scoped3A_149 : memref<!tpu.dma_semaphore, #tpu.memory_space<semaphore_mem>>) src(%arg10 : memref<128x128xf32, #tpu.memory_space<vmem>>) dst(%dma_wait3A_157 : memref<128x128xf32, #tpu.memory_space<hbm>>)
      tpu.yield
    }) : () -> ()
    return
  }
}

#map = affine_map<(d0, d1) -> (0, 0)>
#map1 = affine_map<(d0, d1) -> (0, 0, 0)>
module attributes {stable_mosaic.version = 14 : i64} {
  func.func @_agg_body(%arg0: i32, %arg1: i32, %arg2: memref<10240x128xf32, #tpu.memory_space<hbm>>, %arg3: memref<32x80x128xi32, #tpu.memory_space<hbm>>, %arg4: memref<32x80x128xi32, #tpu.memory_space<hbm>>, %arg5: memref<128x128xf32, #tpu.memory_space<hbm>>, %arg6: memref<20480x128xf32, #tpu.memory_space<hbm>>, %arg7: memref<10240x128xf32, #tpu.memory_space<vmem_shared>>, %arg8: memref<2x8x128xi32, #tpu.memory_space<vmem>>, %arg9: memref<2x8x128xi32, #tpu.memory_space<vmem>>, %arg10: memref<128x128xf32, #tpu.memory_space<vmem>>, %arg11: memref<128x128xf32, #tpu.memory_space<vmem>>, %arg12: memref<!tpu.dma_semaphore, #tpu.memory_space<semaphore_mem>>, %arg13: memref<!tpu.dma_semaphore, #tpu.memory_space<semaphore_mem>>, %arg14: memref<!tpu.dma_semaphore, #tpu.memory_space<semaphore_mem>>) attributes {dimension_semantics = [#tpu.dimension_semantics<core_parallel>, #tpu.dimension_semantics<subcore_parallel>], iteration_bounds = array<i64: 2, 16>, scalar_prefetch = 0 : i64, scratch_operands = 8 : i64, tpu.core_type = #tpu.core_type<sc_vector_subcore>, window_params = [{transform_indices = #map}, {transform_indices = #map1}, {transform_indices = #map1}, {transform_indices = #map}, {transform_indices = #map}]} {
    %mul3A = arith.constant 16 : i32
    %mul3A_0 = arith.muli %arg0, %mul3A : i32
    %add3A = arith.addi %mul3A_0, %arg1 : i32
    %mul3A_1 = arith.constant 640 : i32
    %mul3A_2 = arith.muli %arg1, %mul3A_1 : i32
    "tpu.region"() ({
      %run_scoped3A_149 = tpu.sem_alloc : memref<!tpu.dma_semaphore, #tpu.memory_space<semaphore_mem>>
      tpu.enqueue_dma source(%arg5 : memref<128x128xf32, #tpu.memory_space<hbm>>) target(%arg10 : memref<128x128xf32, #tpu.memory_space<vmem>>) target_semaphore(%run_scoped3A_149 : memref<!tpu.dma_semaphore, #tpu.memory_space<semaphore_mem>>)
      tpu.wait_dma2 semaphore(%run_scoped3A_149 : memref<!tpu.dma_semaphore, #tpu.memory_space<semaphore_mem>>) src(%arg5 : memref<128x128xf32, #tpu.memory_space<hbm>>) dst(%arg10 : memref<128x128xf32, #tpu.memory_space<vmem>>)
      tpu.yield
    }) : () -> ()
    %add3A_3 = arith.constant 0 : i32
    %add3A_4 = arith.addi %mul3A_2, %add3A_3 : i32
    %dma_start3A = arith.constant 0 : i32
    %dma_start3A_5 = tpu.memref_slice %arg7[%add3A_4, %dma_start3A] : memref<10240x128xf32, #tpu.memory_space<vmem_shared>> -> memref<128x128xf32, #tpu.memory_space<vmem_shared>>
    %dma_start3A_6 = arith.constant 0 : i32
    %dma_start3A_7 = tpu.memref_slice %arg7[%add3A_4, %dma_start3A_6] : memref<10240x128xf32, #tpu.memory_space<vmem_shared>> -> memref<128x128xf32, #tpu.memory_space<vmem_shared>>
    tpu.enqueue_dma source(%arg10 : memref<128x128xf32, #tpu.memory_space<vmem>>) target(%dma_start3A_7 : memref<128x128xf32, #tpu.memory_space<vmem_shared>>) target_semaphore(%arg14 : memref<!tpu.dma_semaphore, #tpu.memory_space<semaphore_mem>>)
    %add3A_8 = arith.constant 128 : i32
    %add3A_9 = arith.addi %mul3A_2, %add3A_8 : i32
    %dma_start3A_10 = arith.constant 0 : i32
    %dma_start3A_11 = tpu.memref_slice %arg7[%add3A_9, %dma_start3A_10] : memref<10240x128xf32, #tpu.memory_space<vmem_shared>> -> memref<128x128xf32, #tpu.memory_space<vmem_shared>>
    %dma_start3A_12 = arith.constant 0 : i32
    %dma_start3A_13 = tpu.memref_slice %arg7[%add3A_9, %dma_start3A_12] : memref<10240x128xf32, #tpu.memory_space<vmem_shared>> -> memref<128x128xf32, #tpu.memory_space<vmem_shared>>
    tpu.enqueue_dma source(%arg10 : memref<128x128xf32, #tpu.memory_space<vmem>>) target(%dma_start3A_13 : memref<128x128xf32, #tpu.memory_space<vmem_shared>>) target_semaphore(%arg14 : memref<!tpu.dma_semaphore, #tpu.memory_space<semaphore_mem>>)
    %add3A_14 = arith.constant 256 : i32
    %add3A_15 = arith.addi %mul3A_2, %add3A_14 : i32
    %dma_start3A_16 = arith.constant 0 : i32
    %dma_start3A_17 = tpu.memref_slice %arg7[%add3A_15, %dma_start3A_16] : memref<10240x128xf32, #tpu.memory_space<vmem_shared>> -> memref<128x128xf32, #tpu.memory_space<vmem_shared>>
    %dma_start3A_18 = arith.constant 0 : i32
    %dma_start3A_19 = tpu.memref_slice %arg7[%add3A_15, %dma_start3A_18] : memref<10240x128xf32, #tpu.memory_space<vmem_shared>> -> memref<128x128xf32, #tpu.memory_space<vmem_shared>>
    tpu.enqueue_dma source(%arg10 : memref<128x128xf32, #tpu.memory_space<vmem>>) target(%dma_start3A_19 : memref<128x128xf32, #tpu.memory_space<vmem_shared>>) target_semaphore(%arg14 : memref<!tpu.dma_semaphore, #tpu.memory_space<semaphore_mem>>)
    %add3A_20 = arith.constant 384 : i32
    %add3A_21 = arith.addi %mul3A_2, %add3A_20 : i32
    %dma_start3A_22 = arith.constant 0 : i32
    %dma_start3A_23 = tpu.memref_slice %arg7[%add3A_21, %dma_start3A_22] : memref<10240x128xf32, #tpu.memory_space<vmem_shared>> -> memref<128x128xf32, #tpu.memory_space<vmem_shared>>
    %dma_start3A_24 = arith.constant 0 : i32
    %dma_start3A_25 = tpu.memref_slice %arg7[%add3A_21, %dma_start3A_24] : memref<10240x128xf32, #tpu.memory_space<vmem_shared>> -> memref<128x128xf32, #tpu.memory_space<vmem_shared>>
    tpu.enqueue_dma source(%arg10 : memref<128x128xf32, #tpu.memory_space<vmem>>) target(%dma_start3A_25 : memref<128x128xf32, #tpu.memory_space<vmem_shared>>) target_semaphore(%arg14 : memref<!tpu.dma_semaphore, #tpu.memory_space<semaphore_mem>>)
    %add3A_26 = arith.constant 512 : i32
    %add3A_27 = arith.addi %mul3A_2, %add3A_26 : i32
    %dma_start3A_28 = arith.constant 0 : i32
    %dma_start3A_29 = tpu.memref_slice %arg7[%add3A_27, %dma_start3A_28] : memref<10240x128xf32, #tpu.memory_space<vmem_shared>> -> memref<128x128xf32, #tpu.memory_space<vmem_shared>>
    %dma_start3A_30 = arith.constant 0 : i32
    %dma_start3A_31 = tpu.memref_slice %arg7[%add3A_27, %dma_start3A_30] : memref<10240x128xf32, #tpu.memory_space<vmem_shared>> -> memref<128x128xf32, #tpu.memory_space<vmem_shared>>
    tpu.enqueue_dma source(%arg10 : memref<128x128xf32, #tpu.memory_space<vmem>>) target(%dma_start3A_31 : memref<128x128xf32, #tpu.memory_space<vmem_shared>>) target_semaphore(%arg14 : memref<!tpu.dma_semaphore, #tpu.memory_space<semaphore_mem>>)
    %run_scoped3A = arith.constant 0 : i32
    "tpu.region"() ({
      %run_scoped3A_149 = tpu.sem_alloc : memref<!tpu.dma_semaphore, #tpu.memory_space<semaphore_mem>>
      %dma_start3A_150 = arith.constant 0 : i32
      %dma_start3A_151 = arith.constant 0 : i32
      %dma_start3A_152 = tpu.memref_slice %arg8[%run_scoped3A, %dma_start3A_150, %dma_start3A_151] : memref<2x8x128xi32, #tpu.memory_space<vmem>> -> memref<1x8x128xi32, #tpu.memory_space<vmem>>
      %dma_start3A_153 = tpu.memref_squeeze %dma_start3A_152 : memref<1x8x128xi32, #tpu.memory_space<vmem>> -> memref<8x128xi32, #tpu.memory_space<vmem>>
      %dma_start3A_154 = arith.constant 0 : i32
      %dma_start3A_155 = arith.constant 0 : i32
      %dma_start3A_156 = tpu.memref_slice %arg3[%add3A, %dma_start3A_154, %dma_start3A_155] : memref<32x80x128xi32, #tpu.memory_space<hbm>> -> memref<1x8x128xi32, #tpu.memory_space<hbm>>
      %dma_start3A_157 = tpu.memref_squeeze %dma_start3A_156 : memref<1x8x128xi32, #tpu.memory_space<hbm>> -> memref<8x128xi32, #tpu.memory_space<hbm>>
      %dma_start3A_158 = arith.constant 0 : i32
      %dma_start3A_159 = arith.constant 0 : i32
      %dma_start3A_160 = tpu.memref_slice %arg8[%run_scoped3A, %dma_start3A_158, %dma_start3A_159] : memref<2x8x128xi32, #tpu.memory_space<vmem>> -> memref<1x8x128xi32, #tpu.memory_space<vmem>>
      %dma_start3A_161 = tpu.memref_squeeze %dma_start3A_160 : memref<1x8x128xi32, #tpu.memory_space<vmem>> -> memref<8x128xi32, #tpu.memory_space<vmem>>
      %dma_start3A_162 = arith.constant 0 : i32
      %dma_start3A_163 = arith.constant 0 : i32
      %dma_start3A_164 = tpu.memref_slice %arg3[%add3A, %dma_start3A_162, %dma_start3A_163] : memref<32x80x128xi32, #tpu.memory_space<hbm>> -> memref<1x8x128xi32, #tpu.memory_space<hbm>>
      %dma_start3A_165 = tpu.memref_squeeze %dma_start3A_164 : memref<1x8x128xi32, #tpu.memory_space<hbm>> -> memref<8x128xi32, #tpu.memory_space<hbm>>
      tpu.enqueue_dma source(%dma_start3A_165 : memref<8x128xi32, #tpu.memory_space<hbm>>) target(%dma_start3A_161 : memref<8x128xi32, #tpu.memory_space<vmem>>) target_semaphore(%run_scoped3A_149 : memref<!tpu.dma_semaphore, #tpu.memory_space<semaphore_mem>>)
      %dma_wait3A_166 = arith.constant 0 : i32
      %dma_wait3A_167 = arith.constant 0 : i32
      %dma_wait3A_168 = tpu.memref_slice %arg8[%run_scoped3A, %dma_wait3A_166, %dma_wait3A_167] : memref<2x8x128xi32, #tpu.memory_space<vmem>> -> memref<1x8x128xi32, #tpu.memory_space<vmem>>
      %dma_wait3A_169 = tpu.memref_squeeze %dma_wait3A_168 : memref<1x8x128xi32, #tpu.memory_space<vmem>> -> memref<8x128xi32, #tpu.memory_space<vmem>>
      %dma_wait3A_170 = arith.constant 0 : i32
      %dma_wait3A_171 = arith.constant 0 : i32
      %dma_wait3A_172 = tpu.memref_slice %arg3[%add3A, %dma_wait3A_170, %dma_wait3A_171] : memref<32x80x128xi32, #tpu.memory_space<hbm>> -> memref<1x8x128xi32, #tpu.memory_space<hbm>>
      %dma_wait3A_173 = tpu.memref_squeeze %dma_wait3A_172 : memref<1x8x128xi32, #tpu.memory_space<hbm>> -> memref<8x128xi32, #tpu.memory_space<hbm>>
      %dma_wait3A_174 = arith.constant 0 : i32
      %dma_wait3A_175 = arith.constant 0 : i32
      %dma_wait3A_176 = tpu.memref_slice %arg8[%run_scoped3A, %dma_wait3A_174, %dma_wait3A_175] : memref<2x8x128xi32, #tpu.memory_space<vmem>> -> memref<1x8x128xi32, #tpu.memory_space<vmem>>
      %dma_wait3A_177 = tpu.memref_squeeze %dma_wait3A_176 : memref<1x8x128xi32, #tpu.memory_space<vmem>> -> memref<8x128xi32, #tpu.memory_space<vmem>>
      %dma_wait3A_178 = arith.constant 0 : i32
      %dma_wait3A_179 = arith.constant 0 : i32
      %dma_wait3A_180 = tpu.memref_slice %arg3[%add3A, %dma_wait3A_178, %dma_wait3A_179] : memref<32x80x128xi32, #tpu.memory_space<hbm>> -> memref<1x8x128xi32, #tpu.memory_space<hbm>>
      %dma_wait3A_181 = tpu.memref_squeeze %dma_wait3A_180 : memref<1x8x128xi32, #tpu.memory_space<hbm>> -> memref<8x128xi32, #tpu.memory_space<hbm>>
      tpu.wait_dma2 semaphore(%run_scoped3A_149 : memref<!tpu.dma_semaphore, #tpu.memory_space<semaphore_mem>>) src(%dma_wait3A_181 : memref<8x128xi32, #tpu.memory_space<hbm>>) dst(%dma_wait3A_177 : memref<8x128xi32, #tpu.memory_space<vmem>>)
      tpu.yield
    }) : () -> ()
    %run_scoped3A_32 = arith.constant 0 : i32
    "tpu.region"() ({
      %run_scoped3A_149 = tpu.sem_alloc : memref<!tpu.dma_semaphore, #tpu.memory_space<semaphore_mem>>
      %dma_start3A_150 = arith.constant 0 : i32
      %dma_start3A_151 = arith.constant 0 : i32
      %dma_start3A_152 = tpu.memref_slice %arg9[%run_scoped3A_32, %dma_start3A_150, %dma_start3A_151] : memref<2x8x128xi32, #tpu.memory_space<vmem>> -> memref<1x8x128xi32, #tpu.memory_space<vmem>>
      %dma_start3A_153 = tpu.memref_squeeze %dma_start3A_152 : memref<1x8x128xi32, #tpu.memory_space<vmem>> -> memref<8x128xi32, #tpu.memory_space<vmem>>
      %dma_start3A_154 = arith.constant 0 : i32
      %dma_start3A_155 = arith.constant 0 : i32
      %dma_start3A_156 = tpu.memref_slice %arg4[%add3A, %dma_start3A_154, %dma_start3A_155] : memref<32x80x128xi32, #tpu.memory_space<hbm>> -> memref<1x8x128xi32, #tpu.memory_space<hbm>>
      %dma_start3A_157 = tpu.memref_squeeze %dma_start3A_156 : memref<1x8x128xi32, #tpu.memory_space<hbm>> -> memref<8x128xi32, #tpu.memory_space<hbm>>
      %dma_start3A_158 = arith.constant 0 : i32
      %dma_start3A_159 = arith.constant 0 : i32
      %dma_start3A_160 = tpu.memref_slice %arg9[%run_scoped3A_32, %dma_start3A_158, %dma_start3A_159] : memref<2x8x128xi32, #tpu.memory_space<vmem>> -> memref<1x8x128xi32, #tpu.memory_space<vmem>>
      %dma_start3A_161 = tpu.memref_squeeze %dma_start3A_160 : memref<1x8x128xi32, #tpu.memory_space<vmem>> -> memref<8x128xi32, #tpu.memory_space<vmem>>
      %dma_start3A_162 = arith.constant 0 : i32
      %dma_start3A_163 = arith.constant 0 : i32
      %dma_start3A_164 = tpu.memref_slice %arg4[%add3A, %dma_start3A_162, %dma_start3A_163] : memref<32x80x128xi32, #tpu.memory_space<hbm>> -> memref<1x8x128xi32, #tpu.memory_space<hbm>>
      %dma_start3A_165 = tpu.memref_squeeze %dma_start3A_164 : memref<1x8x128xi32, #tpu.memory_space<hbm>> -> memref<8x128xi32, #tpu.memory_space<hbm>>
      tpu.enqueue_dma source(%dma_start3A_165 : memref<8x128xi32, #tpu.memory_space<hbm>>) target(%dma_start3A_161 : memref<8x128xi32, #tpu.memory_space<vmem>>) target_semaphore(%run_scoped3A_149 : memref<!tpu.dma_semaphore, #tpu.memory_space<semaphore_mem>>)
      %dma_wait3A_166 = arith.constant 0 : i32
      %dma_wait3A_167 = arith.constant 0 : i32
      %dma_wait3A_168 = tpu.memref_slice %arg9[%run_scoped3A_32, %dma_wait3A_166, %dma_wait3A_167] : memref<2x8x128xi32, #tpu.memory_space<vmem>> -> memref<1x8x128xi32, #tpu.memory_space<vmem>>
      %dma_wait3A_169 = tpu.memref_squeeze %dma_wait3A_168 : memref<1x8x128xi32, #tpu.memory_space<vmem>> -> memref<8x128xi32, #tpu.memory_space<vmem>>
      %dma_wait3A_170 = arith.constant 0 : i32
      %dma_wait3A_171 = arith.constant 0 : i32
      %dma_wait3A_172 = tpu.memref_slice %arg4[%add3A, %dma_wait3A_170, %dma_wait3A_171] : memref<32x80x128xi32, #tpu.memory_space<hbm>> -> memref<1x8x128xi32, #tpu.memory_space<hbm>>
      %dma_wait3A_173 = tpu.memref_squeeze %dma_wait3A_172 : memref<1x8x128xi32, #tpu.memory_space<hbm>> -> memref<8x128xi32, #tpu.memory_space<hbm>>
      %dma_wait3A_174 = arith.constant 0 : i32
      %dma_wait3A_175 = arith.constant 0 : i32
      %dma_wait3A_176 = tpu.memref_slice %arg9[%run_scoped3A_32, %dma_wait3A_174, %dma_wait3A_175] : memref<2x8x128xi32, #tpu.memory_space<vmem>> -> memref<1x8x128xi32, #tpu.memory_space<vmem>>
      %dma_wait3A_177 = tpu.memref_squeeze %dma_wait3A_176 : memref<1x8x128xi32, #tpu.memory_space<vmem>> -> memref<8x128xi32, #tpu.memory_space<vmem>>
      %dma_wait3A_178 = arith.constant 0 : i32
      %dma_wait3A_179 = arith.constant 0 : i32
      %dma_wait3A_180 = tpu.memref_slice %arg4[%add3A, %dma_wait3A_178, %dma_wait3A_179] : memref<32x80x128xi32, #tpu.memory_space<hbm>> -> memref<1x8x128xi32, #tpu.memory_space<hbm>>
      %dma_wait3A_181 = tpu.memref_squeeze %dma_wait3A_180 : memref<1x8x128xi32, #tpu.memory_space<hbm>> -> memref<8x128xi32, #tpu.memory_space<hbm>>
      tpu.wait_dma2 semaphore(%run_scoped3A_149 : memref<!tpu.dma_semaphore, #tpu.memory_space<semaphore_mem>>) src(%dma_wait3A_181 : memref<8x128xi32, #tpu.memory_space<hbm>>) dst(%dma_wait3A_177 : memref<8x128xi32, #tpu.memory_space<vmem>>)
      tpu.yield
    }) : () -> ()
    %add3A_33 = arith.constant 0 : i32
    %add3A_34 = arith.addi %mul3A_2, %add3A_33 : i32
    %dma_wait3A = arith.constant 0 : i32
    %dma_wait3A_35 = tpu.memref_slice %arg7[%add3A_34, %dma_wait3A] : memref<10240x128xf32, #tpu.memory_space<vmem_shared>> -> memref<128x128xf32, #tpu.memory_space<vmem_shared>>
    %dma_wait3A_36 = arith.constant 0 : i32
    %dma_wait3A_37 = tpu.memref_slice %arg7[%add3A_34, %dma_wait3A_36] : memref<10240x128xf32, #tpu.memory_space<vmem_shared>> -> memref<128x128xf32, #tpu.memory_space<vmem_shared>>
    tpu.wait_dma2 semaphore(%arg14 : memref<!tpu.dma_semaphore, #tpu.memory_space<semaphore_mem>>) src(%arg10 : memref<128x128xf32, #tpu.memory_space<vmem>>) dst(%dma_wait3A_37 : memref<128x128xf32, #tpu.memory_space<vmem_shared>>)
    %add3A_38 = arith.constant 128 : i32
    %add3A_39 = arith.addi %mul3A_2, %add3A_38 : i32
    %dma_wait3A_40 = arith.constant 0 : i32
    %dma_wait3A_41 = tpu.memref_slice %arg7[%add3A_39, %dma_wait3A_40] : memref<10240x128xf32, #tpu.memory_space<vmem_shared>> -> memref<128x128xf32, #tpu.memory_space<vmem_shared>>
    %dma_wait3A_42 = arith.constant 0 : i32
    %dma_wait3A_43 = tpu.memref_slice %arg7[%add3A_39, %dma_wait3A_42] : memref<10240x128xf32, #tpu.memory_space<vmem_shared>> -> memref<128x128xf32, #tpu.memory_space<vmem_shared>>
    tpu.wait_dma2 semaphore(%arg14 : memref<!tpu.dma_semaphore, #tpu.memory_space<semaphore_mem>>) src(%arg10 : memref<128x128xf32, #tpu.memory_space<vmem>>) dst(%dma_wait3A_43 : memref<128x128xf32, #tpu.memory_space<vmem_shared>>)
    %add3A_44 = arith.constant 256 : i32
    %add3A_45 = arith.addi %mul3A_2, %add3A_44 : i32
    %dma_wait3A_46 = arith.constant 0 : i32
    %dma_wait3A_47 = tpu.memref_slice %arg7[%add3A_45, %dma_wait3A_46] : memref<10240x128xf32, #tpu.memory_space<vmem_shared>> -> memref<128x128xf32, #tpu.memory_space<vmem_shared>>
    %dma_wait3A_48 = arith.constant 0 : i32
    %dma_wait3A_49 = tpu.memref_slice %arg7[%add3A_45, %dma_wait3A_48] : memref<10240x128xf32, #tpu.memory_space<vmem_shared>> -> memref<128x128xf32, #tpu.memory_space<vmem_shared>>
    tpu.wait_dma2 semaphore(%arg14 : memref<!tpu.dma_semaphore, #tpu.memory_space<semaphore_mem>>) src(%arg10 : memref<128x128xf32, #tpu.memory_space<vmem>>) dst(%dma_wait3A_49 : memref<128x128xf32, #tpu.memory_space<vmem_shared>>)
    %add3A_50 = arith.constant 384 : i32
    %add3A_51 = arith.addi %mul3A_2, %add3A_50 : i32
    %dma_wait3A_52 = arith.constant 0 : i32
    %dma_wait3A_53 = tpu.memref_slice %arg7[%add3A_51, %dma_wait3A_52] : memref<10240x128xf32, #tpu.memory_space<vmem_shared>> -> memref<128x128xf32, #tpu.memory_space<vmem_shared>>
    %dma_wait3A_54 = arith.constant 0 : i32
    %dma_wait3A_55 = tpu.memref_slice %arg7[%add3A_51, %dma_wait3A_54] : memref<10240x128xf32, #tpu.memory_space<vmem_shared>> -> memref<128x128xf32, #tpu.memory_space<vmem_shared>>
    tpu.wait_dma2 semaphore(%arg14 : memref<!tpu.dma_semaphore, #tpu.memory_space<semaphore_mem>>) src(%arg10 : memref<128x128xf32, #tpu.memory_space<vmem>>) dst(%dma_wait3A_55 : memref<128x128xf32, #tpu.memory_space<vmem_shared>>)
    %add3A_56 = arith.constant 512 : i32
    %add3A_57 = arith.addi %mul3A_2, %add3A_56 : i32
    %dma_wait3A_58 = arith.constant 0 : i32
    %dma_wait3A_59 = tpu.memref_slice %arg7[%add3A_57, %dma_wait3A_58] : memref<10240x128xf32, #tpu.memory_space<vmem_shared>> -> memref<128x128xf32, #tpu.memory_space<vmem_shared>>
    %dma_wait3A_60 = arith.constant 0 : i32
    %dma_wait3A_61 = tpu.memref_slice %arg7[%add3A_57, %dma_wait3A_60] : memref<10240x128xf32, #tpu.memory_space<vmem_shared>> -> memref<128x128xf32, #tpu.memory_space<vmem_shared>>
    tpu.wait_dma2 semaphore(%arg14 : memref<!tpu.dma_semaphore, #tpu.memory_space<semaphore_mem>>) src(%arg10 : memref<128x128xf32, #tpu.memory_space<vmem>>) dst(%dma_wait3A_61 : memref<128x128xf32, #tpu.memory_space<vmem_shared>>)
    %barrier3A = arith.constant 0 : index
    tpu.barrier barrier_id(%barrier3A)
    %dma_start3A_62 = arith.constant 0 : i32
    %dma_start3A_63 = arith.constant 0 : i32
    %dma_start3A_64 = arith.constant 0 : i32
    %dma_start3A_65 = tpu.memref_slice %arg8[%dma_start3A_62, %dma_start3A_63, %dma_start3A_64] : memref<2x8x128xi32, #tpu.memory_space<vmem>> -> memref<1x1x128xi32, #tpu.memory_space<vmem>>
    %dma_start3A_66 = tpu.memref_squeeze %dma_start3A_65 : memref<1x1x128xi32, #tpu.memory_space<vmem>> -> memref<128xi32, #tpu.memory_space<vmem>>
    %dma_start3A_67 = arith.constant 0 : i32
    %dma_start3A_68 = arith.constant 0 : i32
    %dma_start3A_69 = tpu.memref_slice %arg2[%dma_start3A_67, %dma_start3A_68] : memref<10240x128xf32, #tpu.memory_space<hbm>> -> memref<10240x128xf32, #tpu.memory_space<hbm>>
    tpu.enqueue_indirect_dma source(%dma_start3A_69 : memref<10240x128xf32, #tpu.memory_space<hbm>>) target(%arg10 : memref<128x128xf32, #tpu.memory_space<vmem>>) offsets(%dma_start3A_66 : memref<128xi32, #tpu.memory_space<vmem>>) semaphore(%arg12 : memref<!tpu.dma_semaphore, #tpu.memory_space<semaphore_mem>>)
    %scan3A = arith.constant 0 : i32
    %scan3A_70 = arith.constant 0 : i32
    %scan3A_71 = arith.constant 10 : i32
    %scan3A_72 = arith.addi %scan3A_70, %scan3A_71 : i32
    %scan3A_73 = arith.constant 1 : i32
    scf.for %scan3A_149 = %scan3A_70 to %scan3A_72 step %scan3A_73  : i32 {
      %rem3A = arith.constant 2 : i32
      %rem3A_150 = arith.remsi %scan3A_149, %rem3A : i32
      %sub3A = arith.constant 1 : i32
      %sub3A_151 = arith.subi %sub3A, %rem3A_150 : i32
      %add3A_152 = arith.constant 1 : i32
      %add3A_153 = arith.addi %scan3A_149, %add3A_152 : i32
      %lt3A = arith.constant 10 : i32
      %lt3A_154 = arith.cmpi slt, %add3A_153, %lt3A : i32
      %convert_element_type3A = arith.extui %lt3A_154 : i1 to i32
      %cond3A = arith.constant 0 : i32
      %cond3A_155 = arith.cmpi ne, %convert_element_type3A, %cond3A : i32
      scf.if %cond3A_155 {
        %add3A_272 = arith.constant 1 : i32
        %add3A_273 = arith.addi %scan3A_149, %add3A_272 : i32
        %mul3A_274 = arith.constant 8 : i32
        %mul3A_275 = arith.muli %add3A_273, %mul3A_274 : i32
        %dma_start3A_276 = arith.constant 0 : i32
        %dma_start3A_277 = arith.constant 0 : i32
        %dma_start3A_278 = tpu.memref_slice %arg8[%sub3A_151, %dma_start3A_276, %dma_start3A_277] : memref<2x8x128xi32, #tpu.memory_space<vmem>> -> memref<1x8x128xi32, #tpu.memory_space<vmem>>
        %dma_start3A_279 = tpu.memref_squeeze %dma_start3A_278 : memref<1x8x128xi32, #tpu.memory_space<vmem>> -> memref<8x128xi32, #tpu.memory_space<vmem>>
        %dma_start3A_280 = arith.constant 0 : i32
        %dma_start3A_281 = tpu.memref_slice %arg3[%add3A, %mul3A_275, %dma_start3A_280] : memref<32x80x128xi32, #tpu.memory_space<hbm>> -> memref<1x8x128xi32, #tpu.memory_space<hbm>>
        %dma_start3A_282 = tpu.memref_squeeze %dma_start3A_281 : memref<1x8x128xi32, #tpu.memory_space<hbm>> -> memref<8x128xi32, #tpu.memory_space<hbm>>
        %dma_start3A_283 = arith.constant 0 : i32
        %dma_start3A_284 = arith.constant 0 : i32
        %dma_start3A_285 = tpu.memref_slice %arg8[%sub3A_151, %dma_start3A_283, %dma_start3A_284] : memref<2x8x128xi32, #tpu.memory_space<vmem>> -> memref<1x8x128xi32, #tpu.memory_space<vmem>>
        %dma_start3A_286 = tpu.memref_squeeze %dma_start3A_285 : memref<1x8x128xi32, #tpu.memory_space<vmem>> -> memref<8x128xi32, #tpu.memory_space<vmem>>
        %dma_start3A_287 = arith.constant 0 : i32
        %dma_start3A_288 = tpu.memref_slice %arg3[%add3A, %mul3A_275, %dma_start3A_287] : memref<32x80x128xi32, #tpu.memory_space<hbm>> -> memref<1x8x128xi32, #tpu.memory_space<hbm>>
        %dma_start3A_289 = tpu.memref_squeeze %dma_start3A_288 : memref<1x8x128xi32, #tpu.memory_space<hbm>> -> memref<8x128xi32, #tpu.memory_space<hbm>>
        tpu.enqueue_dma source(%dma_start3A_289 : memref<8x128xi32, #tpu.memory_space<hbm>>) target(%dma_start3A_286 : memref<8x128xi32, #tpu.memory_space<vmem>>) target_semaphore(%arg14 : memref<!tpu.dma_semaphore, #tpu.memory_space<semaphore_mem>>)
        %add3A_290 = arith.constant 1 : i32
        %add3A_291 = arith.addi %scan3A_149, %add3A_290 : i32
        %mul3A_292 = arith.constant 8 : i32
        %mul3A_293 = arith.muli %add3A_291, %mul3A_292 : i32
        %dma_start3A_294 = arith.constant 0 : i32
        %dma_start3A_295 = arith.constant 0 : i32
        %dma_start3A_296 = tpu.memref_slice %arg9[%sub3A_151, %dma_start3A_294, %dma_start3A_295] : memref<2x8x128xi32, #tpu.memory_space<vmem>> -> memref<1x8x128xi32, #tpu.memory_space<vmem>>
        %dma_start3A_297 = tpu.memref_squeeze %dma_start3A_296 : memref<1x8x128xi32, #tpu.memory_space<vmem>> -> memref<8x128xi32, #tpu.memory_space<vmem>>
        %dma_start3A_298 = arith.constant 0 : i32
        %dma_start3A_299 = tpu.memref_slice %arg4[%add3A, %mul3A_293, %dma_start3A_298] : memref<32x80x128xi32, #tpu.memory_space<hbm>> -> memref<1x8x128xi32, #tpu.memory_space<hbm>>
        %dma_start3A_300 = tpu.memref_squeeze %dma_start3A_299 : memref<1x8x128xi32, #tpu.memory_space<hbm>> -> memref<8x128xi32, #tpu.memory_space<hbm>>
        %dma_start3A_301 = arith.constant 0 : i32
        %dma_start3A_302 = arith.constant 0 : i32
        %dma_start3A_303 = tpu.memref_slice %arg9[%sub3A_151, %dma_start3A_301, %dma_start3A_302] : memref<2x8x128xi32, #tpu.memory_space<vmem>> -> memref<1x8x128xi32, #tpu.memory_space<vmem>>
        %dma_start3A_304 = tpu.memref_squeeze %dma_start3A_303 : memref<1x8x128xi32, #tpu.memory_space<vmem>> -> memref<8x128xi32, #tpu.memory_space<vmem>>
        %dma_start3A_305 = arith.constant 0 : i32
        %dma_start3A_306 = tpu.memref_slice %arg4[%add3A, %mul3A_293, %dma_start3A_305] : memref<32x80x128xi32, #tpu.memory_space<hbm>> -> memref<1x8x128xi32, #tpu.memory_space<hbm>>
        %dma_start3A_307 = tpu.memref_squeeze %dma_start3A_306 : memref<1x8x128xi32, #tpu.memory_space<hbm>> -> memref<8x128xi32, #tpu.memory_space<hbm>>
        tpu.enqueue_dma source(%dma_start3A_307 : memref<8x128xi32, #tpu.memory_space<hbm>>) target(%dma_start3A_304 : memref<8x128xi32, #tpu.memory_space<vmem>>) target_semaphore(%arg14 : memref<!tpu.dma_semaphore, #tpu.memory_space<semaphore_mem>>)
      } else {
      }
      %dma_start3A_156 = arith.constant 1 : i32
      %dma_start3A_157 = arith.constant 0 : i32
      %dma_start3A_158 = tpu.memref_slice %arg8[%rem3A_150, %dma_start3A_156, %dma_start3A_157] : memref<2x8x128xi32, #tpu.memory_space<vmem>> -> memref<1x1x128xi32, #tpu.memory_space<vmem>>
      %dma_start3A_159 = tpu.memref_squeeze %dma_start3A_158 : memref<1x1x128xi32, #tpu.memory_space<vmem>> -> memref<128xi32, #tpu.memory_space<vmem>>
      %dma_start3A_160 = arith.constant 0 : i32
      %dma_start3A_161 = arith.constant 0 : i32
      %dma_start3A_162 = tpu.memref_slice %arg2[%dma_start3A_160, %dma_start3A_161] : memref<10240x128xf32, #tpu.memory_space<hbm>> -> memref<10240x128xf32, #tpu.memory_space<hbm>>
      tpu.enqueue_indirect_dma source(%dma_start3A_162 : memref<10240x128xf32, #tpu.memory_space<hbm>>) target(%arg11 : memref<128x128xf32, #tpu.memory_space<vmem>>) offsets(%dma_start3A_159 : memref<128xi32, #tpu.memory_space<vmem>>) semaphore(%arg13 : memref<!tpu.dma_semaphore, #tpu.memory_space<semaphore_mem>>)
      %dma_wait3A_163 = arith.constant 0 : i32
      %dma_wait3A_164 = arith.constant 0 : i32
      %dma_wait3A_165 = tpu.memref_slice %arg8[%rem3A_150, %dma_wait3A_163, %dma_wait3A_164] : memref<2x8x128xi32, #tpu.memory_space<vmem>> -> memref<1x1x128xi32, #tpu.memory_space<vmem>>
      %dma_wait3A_166 = tpu.memref_squeeze %dma_wait3A_165 : memref<1x1x128xi32, #tpu.memory_space<vmem>> -> memref<128xi32, #tpu.memory_space<vmem>>
      %dma_wait3A_167 = arith.constant 0 : i32
      %dma_wait3A_168 = arith.constant 0 : i32
      %dma_wait3A_169 = tpu.memref_slice %arg2[%dma_wait3A_167, %dma_wait3A_168] : memref<10240x128xf32, #tpu.memory_space<hbm>> -> memref<10240x128xf32, #tpu.memory_space<hbm>>
      tpu.wait_indirect_dma semaphore(%arg12 : memref<!tpu.dma_semaphore, #tpu.memory_space<semaphore_mem>>) src(%dma_wait3A_169 : memref<10240x128xf32, #tpu.memory_space<hbm>>) dst(%arg10 : memref<128x128xf32, #tpu.memory_space<vmem>>)
      %run_scoped3A_170 = arith.constant 0 : i32
      "tpu.region"() ({
        %run_scoped3A_272 = tpu.sem_alloc : memref<!tpu.dma_semaphore, #tpu.memory_space<semaphore_mem>>
        %dma_start3A_273 = arith.constant 0 : i32
        %dma_start3A_274 = tpu.memref_slice %arg9[%rem3A_150, %run_scoped3A_170, %dma_start3A_273] : memref<2x8x128xi32, #tpu.memory_space<vmem>> -> memref<1x1x128xi32, #tpu.memory_space<vmem>>
        %dma_start3A_275 = tpu.memref_squeeze %dma_start3A_274 : memref<1x1x128xi32, #tpu.memory_space<vmem>> -> memref<128xi32, #tpu.memory_space<vmem>>
        %dma_start3A_276 = arith.constant 0 : i32
        %dma_start3A_277 = arith.constant 0 : i32
        %dma_start3A_278 = tpu.memref_slice %arg7[%dma_start3A_276, %dma_start3A_277] : memref<10240x128xf32, #tpu.memory_space<vmem_shared>> -> memref<10240x128xf32, #tpu.memory_space<vmem_shared>>
        tpu.enqueue_indirect_dma source(%arg10 : memref<128x128xf32, #tpu.memory_space<vmem>>) target(%dma_start3A_278 : memref<10240x128xf32, #tpu.memory_space<vmem_shared>>) offsets(%dma_start3A_275 : memref<128xi32, #tpu.memory_space<vmem>>) semaphore(%run_scoped3A_272 : memref<!tpu.dma_semaphore, #tpu.memory_space<semaphore_mem>>) {add = true}
        %dma_wait3A_279 = arith.constant 0 : i32
        %dma_wait3A_280 = tpu.memref_slice %arg9[%rem3A_150, %run_scoped3A_170, %dma_wait3A_279] : memref<2x8x128xi32, #tpu.memory_space<vmem>> -> memref<1x1x128xi32, #tpu.memory_space<vmem>>
        %dma_wait3A_281 = tpu.memref_squeeze %dma_wait3A_280 : memref<1x1x128xi32, #tpu.memory_space<vmem>> -> memref<128xi32, #tpu.memory_space<vmem>>
        %dma_wait3A_282 = arith.constant 0 : i32
        %dma_wait3A_283 = arith.constant 0 : i32
        %dma_wait3A_284 = tpu.memref_slice %arg7[%dma_wait3A_282, %dma_wait3A_283] : memref<10240x128xf32, #tpu.memory_space<vmem_shared>> -> memref<10240x128xf32, #tpu.memory_space<vmem_shared>>
        tpu.wait_indirect_dma semaphore(%run_scoped3A_272 : memref<!tpu.dma_semaphore, #tpu.memory_space<semaphore_mem>>) src(%arg10 : memref<128x128xf32, #tpu.memory_space<vmem>>) dst(%dma_wait3A_284 : memref<10240x128xf32, #tpu.memory_space<vmem_shared>>)
        tpu.yield
      }) : () -> ()
      %dma_start3A_171 = arith.constant 2 : i32
      %dma_start3A_172 = arith.constant 0 : i32
      %dma_start3A_173 = tpu.memref_slice %arg8[%rem3A_150, %dma_start3A_171, %dma_start3A_172] : memref<2x8x128xi32, #tpu.memory_space<vmem>> -> memref<1x1x128xi32, #tpu.memory_space<vmem>>
      %dma_start3A_174 = tpu.memref_squeeze %dma_start3A_173 : memref<1x1x128xi32, #tpu.memory_space<vmem>> -> memref<128xi32, #tpu.memory_space<vmem>>
      %dma_start3A_175 = arith.constant 0 : i32
      %dma_start3A_176 = arith.constant 0 : i32
      %dma_start3A_177 = tpu.memref_slice %arg2[%dma_start3A_175, %dma_start3A_176] : memref<10240x128xf32, #tpu.memory_space<hbm>> -> memref<10240x128xf32, #tpu.memory_space<hbm>>
      tpu.enqueue_indirect_dma source(%dma_start3A_177 : memref<10240x128xf32, #tpu.memory_space<hbm>>) target(%arg10 : memref<128x128xf32, #tpu.memory_space<vmem>>) offsets(%dma_start3A_174 : memref<128xi32, #tpu.memory_space<vmem>>) semaphore(%arg12 : memref<!tpu.dma_semaphore, #tpu.memory_space<semaphore_mem>>)
      %dma_wait3A_178 = arith.constant 1 : i32
      %dma_wait3A_179 = arith.constant 0 : i32
      %dma_wait3A_180 = tpu.memref_slice %arg8[%rem3A_150, %dma_wait3A_178, %dma_wait3A_179] : memref<2x8x128xi32, #tpu.memory_space<vmem>> -> memref<1x1x128xi32, #tpu.memory_space<vmem>>
      %dma_wait3A_181 = tpu.memref_squeeze %dma_wait3A_180 : memref<1x1x128xi32, #tpu.memory_space<vmem>> -> memref<128xi32, #tpu.memory_space<vmem>>
      %dma_wait3A_182 = arith.constant 0 : i32
      %dma_wait3A_183 = arith.constant 0 : i32
      %dma_wait3A_184 = tpu.memref_slice %arg2[%dma_wait3A_182, %dma_wait3A_183] : memref<10240x128xf32, #tpu.memory_space<hbm>> -> memref<10240x128xf32, #tpu.memory_space<hbm>>
      tpu.wait_indirect_dma semaphore(%arg13 : memref<!tpu.dma_semaphore, #tpu.memory_space<semaphore_mem>>) src(%dma_wait3A_184 : memref<10240x128xf32, #tpu.memory_space<hbm>>) dst(%arg11 : memref<128x128xf32, #tpu.memory_space<vmem>>)
      %run_scoped3A_185 = arith.constant 1 : i32
      "tpu.region"() ({
        %run_scoped3A_272 = tpu.sem_alloc : memref<!tpu.dma_semaphore, #tpu.memory_space<semaphore_mem>>
        %dma_start3A_273 = arith.constant 0 : i32
        %dma_start3A_274 = tpu.memref_slice %arg9[%rem3A_150, %run_scoped3A_185, %dma_start3A_273] : memref<2x8x128xi32, #tpu.memory_space<vmem>> -> memref<1x1x128xi32, #tpu.memory_space<vmem>>
        %dma_start3A_275 = tpu.memref_squeeze %dma_start3A_274 : memref<1x1x128xi32, #tpu.memory_space<vmem>> -> memref<128xi32, #tpu.memory_space<vmem>>
        %dma_start3A_276 = arith.constant 0 : i32
        %dma_start3A_277 = arith.constant 0 : i32
        %dma_start3A_278 = tpu.memref_slice %arg7[%dma_start3A_276, %dma_start3A_277] : memref<10240x128xf32, #tpu.memory_space<vmem_shared>> -> memref<10240x128xf32, #tpu.memory_space<vmem_shared>>
        tpu.enqueue_indirect_dma source(%arg11 : memref<128x128xf32, #tpu.memory_space<vmem>>) target(%dma_start3A_278 : memref<10240x128xf32, #tpu.memory_space<vmem_shared>>) offsets(%dma_start3A_275 : memref<128xi32, #tpu.memory_space<vmem>>) semaphore(%run_scoped3A_272 : memref<!tpu.dma_semaphore, #tpu.memory_space<semaphore_mem>>) {add = true}
        %dma_wait3A_279 = arith.constant 0 : i32
        %dma_wait3A_280 = tpu.memref_slice %arg9[%rem3A_150, %run_scoped3A_185, %dma_wait3A_279] : memref<2x8x128xi32, #tpu.memory_space<vmem>> -> memref<1x1x128xi32, #tpu.memory_space<vmem>>
        %dma_wait3A_281 = tpu.memref_squeeze %dma_wait3A_280 : memref<1x1x128xi32, #tpu.memory_space<vmem>> -> memref<128xi32, #tpu.memory_space<vmem>>
        %dma_wait3A_282 = arith.constant 0 : i32
        %dma_wait3A_283 = arith.constant 0 : i32
        %dma_wait3A_284 = tpu.memref_slice %arg7[%dma_wait3A_282, %dma_wait3A_283] : memref<10240x128xf32, #tpu.memory_space<vmem_shared>> -> memref<10240x128xf32, #tpu.memory_space<vmem_shared>>
        tpu.wait_indirect_dma semaphore(%run_scoped3A_272 : memref<!tpu.dma_semaphore, #tpu.memory_space<semaphore_mem>>) src(%arg11 : memref<128x128xf32, #tpu.memory_space<vmem>>) dst(%dma_wait3A_284 : memref<10240x128xf32, #tpu.memory_space<vmem_shared>>)
        tpu.yield
      }) : () -> ()
      %dma_start3A_186 = arith.constant 3 : i32
      %dma_start3A_187 = arith.constant 0 : i32
      %dma_start3A_188 = tpu.memref_slice %arg8[%rem3A_150, %dma_start3A_186, %dma_start3A_187] : memref<2x8x128xi32, #tpu.memory_space<vmem>> -> memref<1x1x128xi32, #tpu.memory_space<vmem>>
      %dma_start3A_189 = tpu.memref_squeeze %dma_start3A_188 : memref<1x1x128xi32, #tpu.memory_space<vmem>> -> memref<128xi32, #tpu.memory_space<vmem>>
      %dma_start3A_190 = arith.constant 0 : i32
      %dma_start3A_191 = arith.constant 0 : i32
      %dma_start3A_192 = tpu.memref_slice %arg2[%dma_start3A_190, %dma_start3A_191] : memref<10240x128xf32, #tpu.memory_space<hbm>> -> memref<10240x128xf32, #tpu.memory_space<hbm>>
      tpu.enqueue_indirect_dma source(%dma_start3A_192 : memref<10240x128xf32, #tpu.memory_space<hbm>>) target(%arg11 : memref<128x128xf32, #tpu.memory_space<vmem>>) offsets(%dma_start3A_189 : memref<128xi32, #tpu.memory_space<vmem>>) semaphore(%arg13 : memref<!tpu.dma_semaphore, #tpu.memory_space<semaphore_mem>>)
      %dma_wait3A_193 = arith.constant 2 : i32
      %dma_wait3A_194 = arith.constant 0 : i32
      %dma_wait3A_195 = tpu.memref_slice %arg8[%rem3A_150, %dma_wait3A_193, %dma_wait3A_194] : memref<2x8x128xi32, #tpu.memory_space<vmem>> -> memref<1x1x128xi32, #tpu.memory_space<vmem>>
      %dma_wait3A_196 = tpu.memref_squeeze %dma_wait3A_195 : memref<1x1x128xi32, #tpu.memory_space<vmem>> -> memref<128xi32, #tpu.memory_space<vmem>>
      %dma_wait3A_197 = arith.constant 0 : i32
      %dma_wait3A_198 = arith.constant 0 : i32
      %dma_wait3A_199 = tpu.memref_slice %arg2[%dma_wait3A_197, %dma_wait3A_198] : memref<10240x128xf32, #tpu.memory_space<hbm>> -> memref<10240x128xf32, #tpu.memory_space<hbm>>
      tpu.wait_indirect_dma semaphore(%arg12 : memref<!tpu.dma_semaphore, #tpu.memory_space<semaphore_mem>>) src(%dma_wait3A_199 : memref<10240x128xf32, #tpu.memory_space<hbm>>) dst(%arg10 : memref<128x128xf32, #tpu.memory_space<vmem>>)
      %run_scoped3A_200 = arith.constant 2 : i32
      "tpu.region"() ({
        %run_scoped3A_272 = tpu.sem_alloc : memref<!tpu.dma_semaphore, #tpu.memory_space<semaphore_mem>>
        %dma_start3A_273 = arith.constant 0 : i32
        %dma_start3A_274 = tpu.memref_slice %arg9[%rem3A_150, %run_scoped3A_200, %dma_start3A_273] : memref<2x8x128xi32, #tpu.memory_space<vmem>> -> memref<1x1x128xi32, #tpu.memory_space<vmem>>
        %dma_start3A_275 = tpu.memref_squeeze %dma_start3A_274 : memref<1x1x128xi32, #tpu.memory_space<vmem>> -> memref<128xi32, #tpu.memory_space<vmem>>
        %dma_start3A_276 = arith.constant 0 : i32
        %dma_start3A_277 = arith.constant 0 : i32
        %dma_start3A_278 = tpu.memref_slice %arg7[%dma_start3A_276, %dma_start3A_277] : memref<10240x128xf32, #tpu.memory_space<vmem_shared>> -> memref<10240x128xf32, #tpu.memory_space<vmem_shared>>
        tpu.enqueue_indirect_dma source(%arg10 : memref<128x128xf32, #tpu.memory_space<vmem>>) target(%dma_start3A_278 : memref<10240x128xf32, #tpu.memory_space<vmem_shared>>) offsets(%dma_start3A_275 : memref<128xi32, #tpu.memory_space<vmem>>) semaphore(%run_scoped3A_272 : memref<!tpu.dma_semaphore, #tpu.memory_space<semaphore_mem>>) {add = true}
        %dma_wait3A_279 = arith.constant 0 : i32
        %dma_wait3A_280 = tpu.memref_slice %arg9[%rem3A_150, %run_scoped3A_200, %dma_wait3A_279] : memref<2x8x128xi32, #tpu.memory_space<vmem>> -> memref<1x1x128xi32, #tpu.memory_space<vmem>>
        %dma_wait3A_281 = tpu.memref_squeeze %dma_wait3A_280 : memref<1x1x128xi32, #tpu.memory_space<vmem>> -> memref<128xi32, #tpu.memory_space<vmem>>
        %dma_wait3A_282 = arith.constant 0 : i32
        %dma_wait3A_283 = arith.constant 0 : i32
        %dma_wait3A_284 = tpu.memref_slice %arg7[%dma_wait3A_282, %dma_wait3A_283] : memref<10240x128xf32, #tpu.memory_space<vmem_shared>> -> memref<10240x128xf32, #tpu.memory_space<vmem_shared>>
        tpu.wait_indirect_dma semaphore(%run_scoped3A_272 : memref<!tpu.dma_semaphore, #tpu.memory_space<semaphore_mem>>) src(%arg10 : memref<128x128xf32, #tpu.memory_space<vmem>>) dst(%dma_wait3A_284 : memref<10240x128xf32, #tpu.memory_space<vmem_shared>>)
        tpu.yield
      }) : () -> ()
      %dma_start3A_201 = arith.constant 4 : i32
      %dma_start3A_202 = arith.constant 0 : i32
      %dma_start3A_203 = tpu.memref_slice %arg8[%rem3A_150, %dma_start3A_201, %dma_start3A_202] : memref<2x8x128xi32, #tpu.memory_space<vmem>> -> memref<1x1x128xi32, #tpu.memory_space<vmem>>
      %dma_start3A_204 = tpu.memref_squeeze %dma_start3A_203 : memref<1x1x128xi32, #tpu.memory_space<vmem>> -> memref<128xi32, #tpu.memory_space<vmem>>
      %dma_start3A_205 = arith.constant 0 : i32
      %dma_start3A_206 = arith.constant 0 : i32
      %dma_start3A_207 = tpu.memref_slice %arg2[%dma_start3A_205, %dma_start3A_206] : memref<10240x128xf32, #tpu.memory_space<hbm>> -> memref<10240x128xf32, #tpu.memory_space<hbm>>
      tpu.enqueue_indirect_dma source(%dma_start3A_207 : memref<10240x128xf32, #tpu.memory_space<hbm>>) target(%arg10 : memref<128x128xf32, #tpu.memory_space<vmem>>) offsets(%dma_start3A_204 : memref<128xi32, #tpu.memory_space<vmem>>) semaphore(%arg12 : memref<!tpu.dma_semaphore, #tpu.memory_space<semaphore_mem>>)
      %dma_wait3A_208 = arith.constant 3 : i32
      %dma_wait3A_209 = arith.constant 0 : i32
      %dma_wait3A_210 = tpu.memref_slice %arg8[%rem3A_150, %dma_wait3A_208, %dma_wait3A_209] : memref<2x8x128xi32, #tpu.memory_space<vmem>> -> memref<1x1x128xi32, #tpu.memory_space<vmem>>
      %dma_wait3A_211 = tpu.memref_squeeze %dma_wait3A_210 : memref<1x1x128xi32, #tpu.memory_space<vmem>> -> memref<128xi32, #tpu.memory_space<vmem>>
      %dma_wait3A_212 = arith.constant 0 : i32
      %dma_wait3A_213 = arith.constant 0 : i32
      %dma_wait3A_214 = tpu.memref_slice %arg2[%dma_wait3A_212, %dma_wait3A_213] : memref<10240x128xf32, #tpu.memory_space<hbm>> -> memref<10240x128xf32, #tpu.memory_space<hbm>>
      tpu.wait_indirect_dma semaphore(%arg13 : memref<!tpu.dma_semaphore, #tpu.memory_space<semaphore_mem>>) src(%dma_wait3A_214 : memref<10240x128xf32, #tpu.memory_space<hbm>>) dst(%arg11 : memref<128x128xf32, #tpu.memory_space<vmem>>)
      %run_scoped3A_215 = arith.constant 3 : i32
      "tpu.region"() ({
        %run_scoped3A_272 = tpu.sem_alloc : memref<!tpu.dma_semaphore, #tpu.memory_space<semaphore_mem>>
        %dma_start3A_273 = arith.constant 0 : i32
        %dma_start3A_274 = tpu.memref_slice %arg9[%rem3A_150, %run_scoped3A_215, %dma_start3A_273] : memref<2x8x128xi32, #tpu.memory_space<vmem>> -> memref<1x1x128xi32, #tpu.memory_space<vmem>>
        %dma_start3A_275 = tpu.memref_squeeze %dma_start3A_274 : memref<1x1x128xi32, #tpu.memory_space<vmem>> -> memref<128xi32, #tpu.memory_space<vmem>>
        %dma_start3A_276 = arith.constant 0 : i32
        %dma_start3A_277 = arith.constant 0 : i32
        %dma_start3A_278 = tpu.memref_slice %arg7[%dma_start3A_276, %dma_start3A_277] : memref<10240x128xf32, #tpu.memory_space<vmem_shared>> -> memref<10240x128xf32, #tpu.memory_space<vmem_shared>>
        tpu.enqueue_indirect_dma source(%arg11 : memref<128x128xf32, #tpu.memory_space<vmem>>) target(%dma_start3A_278 : memref<10240x128xf32, #tpu.memory_space<vmem_shared>>) offsets(%dma_start3A_275 : memref<128xi32, #tpu.memory_space<vmem>>) semaphore(%run_scoped3A_272 : memref<!tpu.dma_semaphore, #tpu.memory_space<semaphore_mem>>) {add = true}
        %dma_wait3A_279 = arith.constant 0 : i32
        %dma_wait3A_280 = tpu.memref_slice %arg9[%rem3A_150, %run_scoped3A_215, %dma_wait3A_279] : memref<2x8x128xi32, #tpu.memory_space<vmem>> -> memref<1x1x128xi32, #tpu.memory_space<vmem>>
        %dma_wait3A_281 = tpu.memref_squeeze %dma_wait3A_280 : memref<1x1x128xi32, #tpu.memory_space<vmem>> -> memref<128xi32, #tpu.memory_space<vmem>>
        %dma_wait3A_282 = arith.constant 0 : i32
        %dma_wait3A_283 = arith.constant 0 : i32
        %dma_wait3A_284 = tpu.memref_slice %arg7[%dma_wait3A_282, %dma_wait3A_283] : memref<10240x128xf32, #tpu.memory_space<vmem_shared>> -> memref<10240x128xf32, #tpu.memory_space<vmem_shared>>
        tpu.wait_indirect_dma semaphore(%run_scoped3A_272 : memref<!tpu.dma_semaphore, #tpu.memory_space<semaphore_mem>>) src(%arg11 : memref<128x128xf32, #tpu.memory_space<vmem>>) dst(%dma_wait3A_284 : memref<10240x128xf32, #tpu.memory_space<vmem_shared>>)
        tpu.yield
      }) : () -> ()
      %dma_start3A_216 = arith.constant 5 : i32
      %dma_start3A_217 = arith.constant 0 : i32
      %dma_start3A_218 = tpu.memref_slice %arg8[%rem3A_150, %dma_start3A_216, %dma_start3A_217] : memref<2x8x128xi32, #tpu.memory_space<vmem>> -> memref<1x1x128xi32, #tpu.memory_space<vmem>>
      %dma_start3A_219 = tpu.memref_squeeze %dma_start3A_218 : memref<1x1x128xi32, #tpu.memory_space<vmem>> -> memref<128xi32, #tpu.memory_space<vmem>>
      %dma_start3A_220 = arith.constant 0 : i32
      %dma_start3A_221 = arith.constant 0 : i32
      %dma_start3A_222 = tpu.memref_slice %arg2[%dma_start3A_220, %dma_start3A_221] : memref<10240x128xf32, #tpu.memory_space<hbm>> -> memref<10240x128xf32, #tpu.memory_space<hbm>>
      tpu.enqueue_indirect_dma source(%dma_start3A_222 : memref<10240x128xf32, #tpu.memory_space<hbm>>) target(%arg11 : memref<128x128xf32, #tpu.memory_space<vmem>>) offsets(%dma_start3A_219 : memref<128xi32, #tpu.memory_space<vmem>>) semaphore(%arg13 : memref<!tpu.dma_semaphore, #tpu.memory_space<semaphore_mem>>)
      %dma_wait3A_223 = arith.constant 4 : i32
      %dma_wait3A_224 = arith.constant 0 : i32
      %dma_wait3A_225 = tpu.memref_slice %arg8[%rem3A_150, %dma_wait3A_223, %dma_wait3A_224] : memref<2x8x128xi32, #tpu.memory_space<vmem>> -> memref<1x1x128xi32, #tpu.memory_space<vmem>>
      %dma_wait3A_226 = tpu.memref_squeeze %dma_wait3A_225 : memref<1x1x128xi32, #tpu.memory_space<vmem>> -> memref<128xi32, #tpu.memory_space<vmem>>
      %dma_wait3A_227 = arith.constant 0 : i32
      %dma_wait3A_228 = arith.constant 0 : i32
      %dma_wait3A_229 = tpu.memref_slice %arg2[%dma_wait3A_227, %dma_wait3A_228] : memref<10240x128xf32, #tpu.memory_space<hbm>> -> memref<10240x128xf32, #tpu.memory_space<hbm>>
      tpu.wait_indirect_dma semaphore(%arg12 : memref<!tpu.dma_semaphore, #tpu.memory_space<semaphore_mem>>) src(%dma_wait3A_229 : memref<10240x128xf32, #tpu.memory_space<hbm>>) dst(%arg10 : memref<128x128xf32, #tpu.memory_space<vmem>>)
      %run_scoped3A_230 = arith.constant 4 : i32
      "tpu.region"() ({
        %run_scoped3A_272 = tpu.sem_alloc : memref<!tpu.dma_semaphore, #tpu.memory_space<semaphore_mem>>
        %dma_start3A_273 = arith.constant 0 : i32
        %dma_start3A_274 = tpu.memref_slice %arg9[%rem3A_150, %run_scoped3A_230, %dma_start3A_273] : memref<2x8x128xi32, #tpu.memory_space<vmem>> -> memref<1x1x128xi32, #tpu.memory_space<vmem>>
        %dma_start3A_275 = tpu.memref_squeeze %dma_start3A_274 : memref<1x1x128xi32, #tpu.memory_space<vmem>> -> memref<128xi32, #tpu.memory_space<vmem>>
        %dma_start3A_276 = arith.constant 0 : i32
        %dma_start3A_277 = arith.constant 0 : i32
        %dma_start3A_278 = tpu.memref_slice %arg7[%dma_start3A_276, %dma_start3A_277] : memref<10240x128xf32, #tpu.memory_space<vmem_shared>> -> memref<10240x128xf32, #tpu.memory_space<vmem_shared>>
        tpu.enqueue_indirect_dma source(%arg10 : memref<128x128xf32, #tpu.memory_space<vmem>>) target(%dma_start3A_278 : memref<10240x128xf32, #tpu.memory_space<vmem_shared>>) offsets(%dma_start3A_275 : memref<128xi32, #tpu.memory_space<vmem>>) semaphore(%run_scoped3A_272 : memref<!tpu.dma_semaphore, #tpu.memory_space<semaphore_mem>>) {add = true}
        %dma_wait3A_279 = arith.constant 0 : i32
        %dma_wait3A_280 = tpu.memref_slice %arg9[%rem3A_150, %run_scoped3A_230, %dma_wait3A_279] : memref<2x8x128xi32, #tpu.memory_space<vmem>> -> memref<1x1x128xi32, #tpu.memory_space<vmem>>
        %dma_wait3A_281 = tpu.memref_squeeze %dma_wait3A_280 : memref<1x1x128xi32, #tpu.memory_space<vmem>> -> memref<128xi32, #tpu.memory_space<vmem>>
        %dma_wait3A_282 = arith.constant 0 : i32
        %dma_wait3A_283 = arith.constant 0 : i32
        %dma_wait3A_284 = tpu.memref_slice %arg7[%dma_wait3A_282, %dma_wait3A_283] : memref<10240x128xf32, #tpu.memory_space<vmem_shared>> -> memref<10240x128xf32, #tpu.memory_space<vmem_shared>>
        tpu.wait_indirect_dma semaphore(%run_scoped3A_272 : memref<!tpu.dma_semaphore, #tpu.memory_space<semaphore_mem>>) src(%arg10 : memref<128x128xf32, #tpu.memory_space<vmem>>) dst(%dma_wait3A_284 : memref<10240x128xf32, #tpu.memory_space<vmem_shared>>)
        tpu.yield
      }) : () -> ()
      %dma_start3A_231 = arith.constant 6 : i32
      %dma_start3A_232 = arith.constant 0 : i32
      %dma_start3A_233 = tpu.memref_slice %arg8[%rem3A_150, %dma_start3A_231, %dma_start3A_232] : memref<2x8x128xi32, #tpu.memory_space<vmem>> -> memref<1x1x128xi32, #tpu.memory_space<vmem>>
      %dma_start3A_234 = tpu.memref_squeeze %dma_start3A_233 : memref<1x1x128xi32, #tpu.memory_space<vmem>> -> memref<128xi32, #tpu.memory_space<vmem>>
      %dma_start3A_235 = arith.constant 0 : i32
      %dma_start3A_236 = arith.constant 0 : i32
      %dma_start3A_237 = tpu.memref_slice %arg2[%dma_start3A_235, %dma_start3A_236] : memref<10240x128xf32, #tpu.memory_space<hbm>> -> memref<10240x128xf32, #tpu.memory_space<hbm>>
      tpu.enqueue_indirect_dma source(%dma_start3A_237 : memref<10240x128xf32, #tpu.memory_space<hbm>>) target(%arg10 : memref<128x128xf32, #tpu.memory_space<vmem>>) offsets(%dma_start3A_234 : memref<128xi32, #tpu.memory_space<vmem>>) semaphore(%arg12 : memref<!tpu.dma_semaphore, #tpu.memory_space<semaphore_mem>>)
      %dma_wait3A_238 = arith.constant 5 : i32
      %dma_wait3A_239 = arith.constant 0 : i32
      %dma_wait3A_240 = tpu.memref_slice %arg8[%rem3A_150, %dma_wait3A_238, %dma_wait3A_239] : memref<2x8x128xi32, #tpu.memory_space<vmem>> -> memref<1x1x128xi32, #tpu.memory_space<vmem>>
      %dma_wait3A_241 = tpu.memref_squeeze %dma_wait3A_240 : memref<1x1x128xi32, #tpu.memory_space<vmem>> -> memref<128xi32, #tpu.memory_space<vmem>>
      %dma_wait3A_242 = arith.constant 0 : i32
      %dma_wait3A_243 = arith.constant 0 : i32
      %dma_wait3A_244 = tpu.memref_slice %arg2[%dma_wait3A_242, %dma_wait3A_243] : memref<10240x128xf32, #tpu.memory_space<hbm>> -> memref<10240x128xf32, #tpu.memory_space<hbm>>
      tpu.wait_indirect_dma semaphore(%arg13 : memref<!tpu.dma_semaphore, #tpu.memory_space<semaphore_mem>>) src(%dma_wait3A_244 : memref<10240x128xf32, #tpu.memory_space<hbm>>) dst(%arg11 : memref<128x128xf32, #tpu.memory_space<vmem>>)
      %run_scoped3A_245 = arith.constant 5 : i32
      "tpu.region"() ({
        %run_scoped3A_272 = tpu.sem_alloc : memref<!tpu.dma_semaphore, #tpu.memory_space<semaphore_mem>>
        %dma_start3A_273 = arith.constant 0 : i32
        %dma_start3A_274 = tpu.memref_slice %arg9[%rem3A_150, %run_scoped3A_245, %dma_start3A_273] : memref<2x8x128xi32, #tpu.memory_space<vmem>> -> memref<1x1x128xi32, #tpu.memory_space<vmem>>
        %dma_start3A_275 = tpu.memref_squeeze %dma_start3A_274 : memref<1x1x128xi32, #tpu.memory_space<vmem>> -> memref<128xi32, #tpu.memory_space<vmem>>
        %dma_start3A_276 = arith.constant 0 : i32
        %dma_start3A_277 = arith.constant 0 : i32
        %dma_start3A_278 = tpu.memref_slice %arg7[%dma_start3A_276, %dma_start3A_277] : memref<10240x128xf32, #tpu.memory_space<vmem_shared>> -> memref<10240x128xf32, #tpu.memory_space<vmem_shared>>
        tpu.enqueue_indirect_dma source(%arg11 : memref<128x128xf32, #tpu.memory_space<vmem>>) target(%dma_start3A_278 : memref<10240x128xf32, #tpu.memory_space<vmem_shared>>) offsets(%dma_start3A_275 : memref<128xi32, #tpu.memory_space<vmem>>) semaphore(%run_scoped3A_272 : memref<!tpu.dma_semaphore, #tpu.memory_space<semaphore_mem>>) {add = true}
        %dma_wait3A_279 = arith.constant 0 : i32
        %dma_wait3A_280 = tpu.memref_slice %arg9[%rem3A_150, %run_scoped3A_245, %dma_wait3A_279] : memref<2x8x128xi32, #tpu.memory_space<vmem>> -> memref<1x1x128xi32, #tpu.memory_space<vmem>>
        %dma_wait3A_281 = tpu.memref_squeeze %dma_wait3A_280 : memref<1x1x128xi32, #tpu.memory_space<vmem>> -> memref<128xi32, #tpu.memory_space<vmem>>
        %dma_wait3A_282 = arith.constant 0 : i32
        %dma_wait3A_283 = arith.constant 0 : i32
        %dma_wait3A_284 = tpu.memref_slice %arg7[%dma_wait3A_282, %dma_wait3A_283] : memref<10240x128xf32, #tpu.memory_space<vmem_shared>> -> memref<10240x128xf32, #tpu.memory_space<vmem_shared>>
        tpu.wait_indirect_dma semaphore(%run_scoped3A_272 : memref<!tpu.dma_semaphore, #tpu.memory_space<semaphore_mem>>) src(%arg11 : memref<128x128xf32, #tpu.memory_space<vmem>>) dst(%dma_wait3A_284 : memref<10240x128xf32, #tpu.memory_space<vmem_shared>>)
        tpu.yield
      }) : () -> ()
      %dma_start3A_246 = arith.constant 7 : i32
      %dma_start3A_247 = arith.constant 0 : i32
      %dma_start3A_248 = tpu.memref_slice %arg8[%rem3A_150, %dma_start3A_246, %dma_start3A_247] : memref<2x8x128xi32, #tpu.memory_space<vmem>> -> memref<1x1x128xi32, #tpu.memory_space<vmem>>
      %dma_start3A_249 = tpu.memref_squeeze %dma_start3A_248 : memref<1x1x128xi32, #tpu.memory_space<vmem>> -> memref<128xi32, #tpu.memory_space<vmem>>
      %dma_start3A_250 = arith.constant 0 : i32
      %dma_start3A_251 = arith.constant 0 : i32
      %dma_start3A_252 = tpu.memref_slice %arg2[%dma_start3A_250, %dma_start3A_251] : memref<10240x128xf32, #tpu.memory_space<hbm>> -> memref<10240x128xf32, #tpu.memory_space<hbm>>
      tpu.enqueue_indirect_dma source(%dma_start3A_252 : memref<10240x128xf32, #tpu.memory_space<hbm>>) target(%arg11 : memref<128x128xf32, #tpu.memory_space<vmem>>) offsets(%dma_start3A_249 : memref<128xi32, #tpu.memory_space<vmem>>) semaphore(%arg13 : memref<!tpu.dma_semaphore, #tpu.memory_space<semaphore_mem>>)
      %dma_wait3A_253 = arith.constant 6 : i32
      %dma_wait3A_254 = arith.constant 0 : i32
      %dma_wait3A_255 = tpu.memref_slice %arg8[%rem3A_150, %dma_wait3A_253, %dma_wait3A_254] : memref<2x8x128xi32, #tpu.memory_space<vmem>> -> memref<1x1x128xi32, #tpu.memory_space<vmem>>
      %dma_wait3A_256 = tpu.memref_squeeze %dma_wait3A_255 : memref<1x1x128xi32, #tpu.memory_space<vmem>> -> memref<128xi32, #tpu.memory_space<vmem>>
      %dma_wait3A_257 = arith.constant 0 : i32
      %dma_wait3A_258 = arith.constant 0 : i32
      %dma_wait3A_259 = tpu.memref_slice %arg2[%dma_wait3A_257, %dma_wait3A_258] : memref<10240x128xf32, #tpu.memory_space<hbm>> -> memref<10240x128xf32, #tpu.memory_space<hbm>>
      tpu.wait_indirect_dma semaphore(%arg12 : memref<!tpu.dma_semaphore, #tpu.memory_space<semaphore_mem>>) src(%dma_wait3A_259 : memref<10240x128xf32, #tpu.memory_space<hbm>>) dst(%arg10 : memref<128x128xf32, #tpu.memory_space<vmem>>)
      %run_scoped3A_260 = arith.constant 6 : i32
      "tpu.region"() ({
        %run_scoped3A_272 = tpu.sem_alloc : memref<!tpu.dma_semaphore, #tpu.memory_space<semaphore_mem>>
        %dma_start3A_273 = arith.constant 0 : i32
        %dma_start3A_274 = tpu.memref_slice %arg9[%rem3A_150, %run_scoped3A_260, %dma_start3A_273] : memref<2x8x128xi32, #tpu.memory_space<vmem>> -> memref<1x1x128xi32, #tpu.memory_space<vmem>>
        %dma_start3A_275 = tpu.memref_squeeze %dma_start3A_274 : memref<1x1x128xi32, #tpu.memory_space<vmem>> -> memref<128xi32, #tpu.memory_space<vmem>>
        %dma_start3A_276 = arith.constant 0 : i32
        %dma_start3A_277 = arith.constant 0 : i32
        %dma_start3A_278 = tpu.memref_slice %arg7[%dma_start3A_276, %dma_start3A_277] : memref<10240x128xf32, #tpu.memory_space<vmem_shared>> -> memref<10240x128xf32, #tpu.memory_space<vmem_shared>>
        tpu.enqueue_indirect_dma source(%arg10 : memref<128x128xf32, #tpu.memory_space<vmem>>) target(%dma_start3A_278 : memref<10240x128xf32, #tpu.memory_space<vmem_shared>>) offsets(%dma_start3A_275 : memref<128xi32, #tpu.memory_space<vmem>>) semaphore(%run_scoped3A_272 : memref<!tpu.dma_semaphore, #tpu.memory_space<semaphore_mem>>) {add = true}
        %dma_wait3A_279 = arith.constant 0 : i32
        %dma_wait3A_280 = tpu.memref_slice %arg9[%rem3A_150, %run_scoped3A_260, %dma_wait3A_279] : memref<2x8x128xi32, #tpu.memory_space<vmem>> -> memref<1x1x128xi32, #tpu.memory_space<vmem>>
        %dma_wait3A_281 = tpu.memref_squeeze %dma_wait3A_280 : memref<1x1x128xi32, #tpu.memory_space<vmem>> -> memref<128xi32, #tpu.memory_space<vmem>>
        %dma_wait3A_282 = arith.constant 0 : i32
        %dma_wait3A_283 = arith.constant 0 : i32
        %dma_wait3A_284 = tpu.memref_slice %arg7[%dma_wait3A_282, %dma_wait3A_283] : memref<10240x128xf32, #tpu.memory_space<vmem_shared>> -> memref<10240x128xf32, #tpu.memory_space<vmem_shared>>
        tpu.wait_indirect_dma semaphore(%run_scoped3A_272 : memref<!tpu.dma_semaphore, #tpu.memory_space<semaphore_mem>>) src(%arg10 : memref<128x128xf32, #tpu.memory_space<vmem>>) dst(%dma_wait3A_284 : memref<10240x128xf32, #tpu.memory_space<vmem_shared>>)
        tpu.yield
      }) : () -> ()
      %convert_element_type3A_261 = arith.extui %lt3A_154 : i1 to i32
      %cond3A_262 = arith.constant 0 : i32
      %cond3A_263 = arith.cmpi ne, %convert_element_type3A_261, %cond3A_262 : i32
      scf.if %cond3A_263 {
        %add3A_272 = arith.constant 1 : i32
        %add3A_273 = arith.addi %scan3A_149, %add3A_272 : i32
        %mul3A_274 = arith.constant 8 : i32
        %mul3A_275 = arith.muli %add3A_273, %mul3A_274 : i32
        %dma_wait3A_276 = arith.constant 0 : i32
        %dma_wait3A_277 = arith.constant 0 : i32
        %dma_wait3A_278 = tpu.memref_slice %arg8[%sub3A_151, %dma_wait3A_276, %dma_wait3A_277] : memref<2x8x128xi32, #tpu.memory_space<vmem>> -> memref<1x8x128xi32, #tpu.memory_space<vmem>>
        %dma_wait3A_279 = tpu.memref_squeeze %dma_wait3A_278 : memref<1x8x128xi32, #tpu.memory_space<vmem>> -> memref<8x128xi32, #tpu.memory_space<vmem>>
        %dma_wait3A_280 = arith.constant 0 : i32
        %dma_wait3A_281 = tpu.memref_slice %arg3[%add3A, %mul3A_275, %dma_wait3A_280] : memref<32x80x128xi32, #tpu.memory_space<hbm>> -> memref<1x8x128xi32, #tpu.memory_space<hbm>>
        %dma_wait3A_282 = tpu.memref_squeeze %dma_wait3A_281 : memref<1x8x128xi32, #tpu.memory_space<hbm>> -> memref<8x128xi32, #tpu.memory_space<hbm>>
        %dma_wait3A_283 = arith.constant 0 : i32
        %dma_wait3A_284 = arith.constant 0 : i32
        %dma_wait3A_285 = tpu.memref_slice %arg8[%sub3A_151, %dma_wait3A_283, %dma_wait3A_284] : memref<2x8x128xi32, #tpu.memory_space<vmem>> -> memref<1x8x128xi32, #tpu.memory_space<vmem>>
        %dma_wait3A_286 = tpu.memref_squeeze %dma_wait3A_285 : memref<1x8x128xi32, #tpu.memory_space<vmem>> -> memref<8x128xi32, #tpu.memory_space<vmem>>
        %dma_wait3A_287 = arith.constant 0 : i32
        %dma_wait3A_288 = tpu.memref_slice %arg3[%add3A, %mul3A_275, %dma_wait3A_287] : memref<32x80x128xi32, #tpu.memory_space<hbm>> -> memref<1x8x128xi32, #tpu.memory_space<hbm>>
        %dma_wait3A_289 = tpu.memref_squeeze %dma_wait3A_288 : memref<1x8x128xi32, #tpu.memory_space<hbm>> -> memref<8x128xi32, #tpu.memory_space<hbm>>
        tpu.wait_dma2 semaphore(%arg14 : memref<!tpu.dma_semaphore, #tpu.memory_space<semaphore_mem>>) src(%dma_wait3A_289 : memref<8x128xi32, #tpu.memory_space<hbm>>) dst(%dma_wait3A_286 : memref<8x128xi32, #tpu.memory_space<vmem>>)
        %add3A_290 = arith.constant 1 : i32
        %add3A_291 = arith.addi %scan3A_149, %add3A_290 : i32
        %mul3A_292 = arith.constant 8 : i32
        %mul3A_293 = arith.muli %add3A_291, %mul3A_292 : i32
        %dma_wait3A_294 = arith.constant 0 : i32
        %dma_wait3A_295 = arith.constant 0 : i32
        %dma_wait3A_296 = tpu.memref_slice %arg9[%sub3A_151, %dma_wait3A_294, %dma_wait3A_295] : memref<2x8x128xi32, #tpu.memory_space<vmem>> -> memref<1x8x128xi32, #tpu.memory_space<vmem>>
        %dma_wait3A_297 = tpu.memref_squeeze %dma_wait3A_296 : memref<1x8x128xi32, #tpu.memory_space<vmem>> -> memref<8x128xi32, #tpu.memory_space<vmem>>
        %dma_wait3A_298 = arith.constant 0 : i32
        %dma_wait3A_299 = tpu.memref_slice %arg4[%add3A, %mul3A_293, %dma_wait3A_298] : memref<32x80x128xi32, #tpu.memory_space<hbm>> -> memref<1x8x128xi32, #tpu.memory_space<hbm>>
        %dma_wait3A_300 = tpu.memref_squeeze %dma_wait3A_299 : memref<1x8x128xi32, #tpu.memory_space<hbm>> -> memref<8x128xi32, #tpu.memory_space<hbm>>
        %dma_wait3A_301 = arith.constant 0 : i32
        %dma_wait3A_302 = arith.constant 0 : i32
        %dma_wait3A_303 = tpu.memref_slice %arg9[%sub3A_151, %dma_wait3A_301, %dma_wait3A_302] : memref<2x8x128xi32, #tpu.memory_space<vmem>> -> memref<1x8x128xi32, #tpu.memory_space<vmem>>
        %dma_wait3A_304 = tpu.memref_squeeze %dma_wait3A_303 : memref<1x8x128xi32, #tpu.memory_space<vmem>> -> memref<8x128xi32, #tpu.memory_space<vmem>>
        %dma_wait3A_305 = arith.constant 0 : i32
        %dma_wait3A_306 = tpu.memref_slice %arg4[%add3A, %mul3A_293, %dma_wait3A_305] : memref<32x80x128xi32, #tpu.memory_space<hbm>> -> memref<1x8x128xi32, #tpu.memory_space<hbm>>
        %dma_wait3A_307 = tpu.memref_squeeze %dma_wait3A_306 : memref<1x8x128xi32, #tpu.memory_space<hbm>> -> memref<8x128xi32, #tpu.memory_space<hbm>>
        tpu.wait_dma2 semaphore(%arg14 : memref<!tpu.dma_semaphore, #tpu.memory_space<semaphore_mem>>) src(%dma_wait3A_307 : memref<8x128xi32, #tpu.memory_space<hbm>>) dst(%dma_wait3A_304 : memref<8x128xi32, #tpu.memory_space<vmem>>)
        %dma_start3A_308 = arith.constant 0 : i32
        %dma_start3A_309 = arith.constant 0 : i32
        %dma_start3A_310 = tpu.memref_slice %arg8[%sub3A_151, %dma_start3A_308, %dma_start3A_309] : memref<2x8x128xi32, #tpu.memory_space<vmem>> -> memref<1x1x128xi32, #tpu.memory_space<vmem>>
        %dma_start3A_311 = tpu.memref_squeeze %dma_start3A_310 : memref<1x1x128xi32, #tpu.memory_space<vmem>> -> memref<128xi32, #tpu.memory_space<vmem>>
        %dma_start3A_312 = arith.constant 0 : i32
        %dma_start3A_313 = arith.constant 0 : i32
        %dma_start3A_314 = tpu.memref_slice %arg2[%dma_start3A_312, %dma_start3A_313] : memref<10240x128xf32, #tpu.memory_space<hbm>> -> memref<10240x128xf32, #tpu.memory_space<hbm>>
        tpu.enqueue_indirect_dma source(%dma_start3A_314 : memref<10240x128xf32, #tpu.memory_space<hbm>>) target(%arg10 : memref<128x128xf32, #tpu.memory_space<vmem>>) offsets(%dma_start3A_311 : memref<128xi32, #tpu.memory_space<vmem>>) semaphore(%arg12 : memref<!tpu.dma_semaphore, #tpu.memory_space<semaphore_mem>>)
      } else {
      }
      %dma_wait3A_264 = arith.constant 7 : i32
      %dma_wait3A_265 = arith.constant 0 : i32
      %dma_wait3A_266 = tpu.memref_slice %arg8[%rem3A_150, %dma_wait3A_264, %dma_wait3A_265] : memref<2x8x128xi32, #tpu.memory_space<vmem>> -> memref<1x1x128xi32, #tpu.memory_space<vmem>>
      %dma_wait3A_267 = tpu.memref_squeeze %dma_wait3A_266 : memref<1x1x128xi32, #tpu.memory_space<vmem>> -> memref<128xi32, #tpu.memory_space<vmem>>
      %dma_wait3A_268 = arith.constant 0 : i32
      %dma_wait3A_269 = arith.constant 0 : i32
      %dma_wait3A_270 = tpu.memref_slice %arg2[%dma_wait3A_268, %dma_wait3A_269] : memref<10240x128xf32, #tpu.memory_space<hbm>> -> memref<10240x128xf32, #tpu.memory_space<hbm>>
      tpu.wait_indirect_dma semaphore(%arg13 : memref<!tpu.dma_semaphore, #tpu.memory_space<semaphore_mem>>) src(%dma_wait3A_270 : memref<10240x128xf32, #tpu.memory_space<hbm>>) dst(%arg11 : memref<128x128xf32, #tpu.memory_space<vmem>>)
      %run_scoped3A_271 = arith.constant 7 : i32
      "tpu.region"() ({
        %run_scoped3A_272 = tpu.sem_alloc : memref<!tpu.dma_semaphore, #tpu.memory_space<semaphore_mem>>
        %dma_start3A_273 = arith.constant 0 : i32
        %dma_start3A_274 = tpu.memref_slice %arg9[%rem3A_150, %run_scoped3A_271, %dma_start3A_273] : memref<2x8x128xi32, #tpu.memory_space<vmem>> -> memref<1x1x128xi32, #tpu.memory_space<vmem>>
        %dma_start3A_275 = tpu.memref_squeeze %dma_start3A_274 : memref<1x1x128xi32, #tpu.memory_space<vmem>> -> memref<128xi32, #tpu.memory_space<vmem>>
        %dma_start3A_276 = arith.constant 0 : i32
        %dma_start3A_277 = arith.constant 0 : i32
        %dma_start3A_278 = tpu.memref_slice %arg7[%dma_start3A_276, %dma_start3A_277] : memref<10240x128xf32, #tpu.memory_space<vmem_shared>> -> memref<10240x128xf32, #tpu.memory_space<vmem_shared>>
        tpu.enqueue_indirect_dma source(%arg11 : memref<128x128xf32, #tpu.memory_space<vmem>>) target(%dma_start3A_278 : memref<10240x128xf32, #tpu.memory_space<vmem_shared>>) offsets(%dma_start3A_275 : memref<128xi32, #tpu.memory_space<vmem>>) semaphore(%run_scoped3A_272 : memref<!tpu.dma_semaphore, #tpu.memory_space<semaphore_mem>>) {add = true}
        %dma_wait3A_279 = arith.constant 0 : i32
        %dma_wait3A_280 = tpu.memref_slice %arg9[%rem3A_150, %run_scoped3A_271, %dma_wait3A_279] : memref<2x8x128xi32, #tpu.memory_space<vmem>> -> memref<1x1x128xi32, #tpu.memory_space<vmem>>
        %dma_wait3A_281 = tpu.memref_squeeze %dma_wait3A_280 : memref<1x1x128xi32, #tpu.memory_space<vmem>> -> memref<128xi32, #tpu.memory_space<vmem>>
        %dma_wait3A_282 = arith.constant 0 : i32
        %dma_wait3A_283 = arith.constant 0 : i32
        %dma_wait3A_284 = tpu.memref_slice %arg7[%dma_wait3A_282, %dma_wait3A_283] : memref<10240x128xf32, #tpu.memory_space<vmem_shared>> -> memref<10240x128xf32, #tpu.memory_space<vmem_shared>>
        tpu.wait_indirect_dma semaphore(%run_scoped3A_272 : memref<!tpu.dma_semaphore, #tpu.memory_space<semaphore_mem>>) src(%arg11 : memref<128x128xf32, #tpu.memory_space<vmem>>) dst(%dma_wait3A_284 : memref<10240x128xf32, #tpu.memory_space<vmem_shared>>)
        tpu.yield
      }) : () -> ()
    }
    %scan3A_74 = arith.constant 10 : i32
    %barrier3A_75 = arith.constant 0 : index
    tpu.barrier barrier_id(%barrier3A_75)
    "tpu.region"() ({
      %run_scoped3A_149 = tpu.sem_alloc : memref<!tpu.dma_semaphore, #tpu.memory_space<semaphore_mem>>
      %dma_start3A_150 = arith.constant 0 : i32
      %dma_start3A_151 = tpu.memref_slice %arg7[%mul3A_2, %dma_start3A_150] : memref<10240x128xf32, #tpu.memory_space<vmem_shared>> -> memref<128x128xf32, #tpu.memory_space<vmem_shared>>
      %dma_start3A_152 = arith.constant 0 : i32
      %dma_start3A_153 = tpu.memref_slice %arg7[%mul3A_2, %dma_start3A_152] : memref<10240x128xf32, #tpu.memory_space<vmem_shared>> -> memref<128x128xf32, #tpu.memory_space<vmem_shared>>
      tpu.enqueue_dma source(%dma_start3A_153 : memref<128x128xf32, #tpu.memory_space<vmem_shared>>) target(%arg10 : memref<128x128xf32, #tpu.memory_space<vmem>>) target_semaphore(%run_scoped3A_149 : memref<!tpu.dma_semaphore, #tpu.memory_space<semaphore_mem>>)
      %dma_wait3A_154 = arith.constant 0 : i32
      %dma_wait3A_155 = tpu.memref_slice %arg7[%mul3A_2, %dma_wait3A_154] : memref<10240x128xf32, #tpu.memory_space<vmem_shared>> -> memref<128x128xf32, #tpu.memory_space<vmem_shared>>
      %dma_wait3A_156 = arith.constant 0 : i32
      %dma_wait3A_157 = tpu.memref_slice %arg7[%mul3A_2, %dma_wait3A_156] : memref<10240x128xf32, #tpu.memory_space<vmem_shared>> -> memref<128x128xf32, #tpu.memory_space<vmem_shared>>
      tpu.wait_dma2 semaphore(%run_scoped3A_149 : memref<!tpu.dma_semaphore, #tpu.memory_space<semaphore_mem>>) src(%dma_wait3A_157 : memref<128x128xf32, #tpu.memory_space<vmem_shared>>) dst(%arg10 : memref<128x128xf32, #tpu.memory_space<vmem>>)
      tpu.yield
    }) : () -> ()
    %add3A_76 = arith.constant 128 : i32
    %add3A_77 = arith.addi %mul3A_2, %add3A_76 : i32
    %dma_start3A_78 = arith.constant 0 : i32
    %dma_start3A_79 = tpu.memref_slice %arg7[%add3A_77, %dma_start3A_78] : memref<10240x128xf32, #tpu.memory_space<vmem_shared>> -> memref<128x128xf32, #tpu.memory_space<vmem_shared>>
    %dma_start3A_80 = arith.constant 0 : i32
    %dma_start3A_81 = tpu.memref_slice %arg7[%add3A_77, %dma_start3A_80] : memref<10240x128xf32, #tpu.memory_space<vmem_shared>> -> memref<128x128xf32, #tpu.memory_space<vmem_shared>>
    tpu.enqueue_dma source(%dma_start3A_81 : memref<128x128xf32, #tpu.memory_space<vmem_shared>>) target(%arg11 : memref<128x128xf32, #tpu.memory_space<vmem>>) target_semaphore(%arg14 : memref<!tpu.dma_semaphore, #tpu.memory_space<semaphore_mem>>)
    %mul3A_82 = arith.constant 10240 : i32
    %mul3A_83 = arith.muli %arg0, %mul3A_82 : i32
    %add3A_84 = arith.addi %mul3A_83, %mul3A_2 : i32
    %add3A_85 = arith.constant 0 : i32
    %add3A_86 = arith.addi %add3A_84, %add3A_85 : i32
    "tpu.region"() ({
      %run_scoped3A_149 = tpu.sem_alloc : memref<!tpu.dma_semaphore, #tpu.memory_space<semaphore_mem>>
      %dma_start3A_150 = arith.constant 0 : i32
      %dma_start3A_151 = tpu.memref_slice %arg6[%add3A_86, %dma_start3A_150] : memref<20480x128xf32, #tpu.memory_space<hbm>> -> memref<128x128xf32, #tpu.memory_space<hbm>>
      %dma_start3A_152 = arith.constant 0 : i32
      %dma_start3A_153 = tpu.memref_slice %arg6[%add3A_86, %dma_start3A_152] : memref<20480x128xf32, #tpu.memory_space<hbm>> -> memref<128x128xf32, #tpu.memory_space<hbm>>
      tpu.enqueue_dma source(%arg10 : memref<128x128xf32, #tpu.memory_space<vmem>>) target(%dma_start3A_153 : memref<128x128xf32, #tpu.memory_space<hbm>>) target_semaphore(%run_scoped3A_149 : memref<!tpu.dma_semaphore, #tpu.memory_space<semaphore_mem>>)
      %dma_wait3A_154 = arith.constant 0 : i32
      %dma_wait3A_155 = tpu.memref_slice %arg6[%add3A_86, %dma_wait3A_154] : memref<20480x128xf32, #tpu.memory_space<hbm>> -> memref<128x128xf32, #tpu.memory_space<hbm>>
      %dma_wait3A_156 = arith.constant 0 : i32
      %dma_wait3A_157 = tpu.memref_slice %arg6[%add3A_86, %dma_wait3A_156] : memref<20480x128xf32, #tpu.memory_space<hbm>> -> memref<128x128xf32, #tpu.memory_space<hbm>>
      tpu.wait_dma2 semaphore(%run_scoped3A_149 : memref<!tpu.dma_semaphore, #tpu.memory_space<semaphore_mem>>) src(%arg10 : memref<128x128xf32, #tpu.memory_space<vmem>>) dst(%dma_wait3A_157 : memref<128x128xf32, #tpu.memory_space<hbm>>)
      tpu.yield
    }) : () -> ()
    %add3A_87 = arith.constant 128 : i32
    %add3A_88 = arith.addi %mul3A_2, %add3A_87 : i32
    %dma_wait3A_89 = arith.constant 0 : i32
    %dma_wait3A_90 = tpu.memref_slice %arg7[%add3A_88, %dma_wait3A_89] : memref<10240x128xf32, #tpu.memory_space<vmem_shared>> -> memref<128x128xf32, #tpu.memory_space<vmem_shared>>
    %dma_wait3A_91 = arith.constant 0 : i32
    %dma_wait3A_92 = tpu.memref_slice %arg7[%add3A_88, %dma_wait3A_91] : memref<10240x128xf32, #tpu.memory_space<vmem_shared>> -> memref<128x128xf32, #tpu.memory_space<vmem_shared>>
    tpu.wait_dma2 semaphore(%arg14 : memref<!tpu.dma_semaphore, #tpu.memory_space<semaphore_mem>>) src(%dma_wait3A_92 : memref<128x128xf32, #tpu.memory_space<vmem_shared>>) dst(%arg11 : memref<128x128xf32, #tpu.memory_space<vmem>>)
    %add3A_93 = arith.constant 256 : i32
    %add3A_94 = arith.addi %mul3A_2, %add3A_93 : i32
    %dma_start3A_95 = arith.constant 0 : i32
    %dma_start3A_96 = tpu.memref_slice %arg7[%add3A_94, %dma_start3A_95] : memref<10240x128xf32, #tpu.memory_space<vmem_shared>> -> memref<128x128xf32, #tpu.memory_space<vmem_shared>>
    %dma_start3A_97 = arith.constant 0 : i32
    %dma_start3A_98 = tpu.memref_slice %arg7[%add3A_94, %dma_start3A_97] : memref<10240x128xf32, #tpu.memory_space<vmem_shared>> -> memref<128x128xf32, #tpu.memory_space<vmem_shared>>
    tpu.enqueue_dma source(%dma_start3A_98 : memref<128x128xf32, #tpu.memory_space<vmem_shared>>) target(%arg10 : memref<128x128xf32, #tpu.memory_space<vmem>>) target_semaphore(%arg14 : memref<!tpu.dma_semaphore, #tpu.memory_space<semaphore_mem>>)
    %mul3A_99 = arith.constant 10240 : i32
    %mul3A_100 = arith.muli %arg0, %mul3A_99 : i32
    %add3A_101 = arith.addi %mul3A_100, %mul3A_2 : i32
    %add3A_102 = arith.constant 128 : i32
    %add3A_103 = arith.addi %add3A_101, %add3A_102 : i32
    "tpu.region"() ({
      %run_scoped3A_149 = tpu.sem_alloc : memref<!tpu.dma_semaphore, #tpu.memory_space<semaphore_mem>>
      %dma_start3A_150 = arith.constant 0 : i32
      %dma_start3A_151 = tpu.memref_slice %arg6[%add3A_103, %dma_start3A_150] : memref<20480x128xf32, #tpu.memory_space<hbm>> -> memref<128x128xf32, #tpu.memory_space<hbm>>
      %dma_start3A_152 = arith.constant 0 : i32
      %dma_start3A_153 = tpu.memref_slice %arg6[%add3A_103, %dma_start3A_152] : memref<20480x128xf32, #tpu.memory_space<hbm>> -> memref<128x128xf32, #tpu.memory_space<hbm>>
      tpu.enqueue_dma source(%arg11 : memref<128x128xf32, #tpu.memory_space<vmem>>) target(%dma_start3A_153 : memref<128x128xf32, #tpu.memory_space<hbm>>) target_semaphore(%run_scoped3A_149 : memref<!tpu.dma_semaphore, #tpu.memory_space<semaphore_mem>>)
      %dma_wait3A_154 = arith.constant 0 : i32
      %dma_wait3A_155 = tpu.memref_slice %arg6[%add3A_103, %dma_wait3A_154] : memref<20480x128xf32, #tpu.memory_space<hbm>> -> memref<128x128xf32, #tpu.memory_space<hbm>>
      %dma_wait3A_156 = arith.constant 0 : i32
      %dma_wait3A_157 = tpu.memref_slice %arg6[%add3A_103, %dma_wait3A_156] : memref<20480x128xf32, #tpu.memory_space<hbm>> -> memref<128x128xf32, #tpu.memory_space<hbm>>
      tpu.wait_dma2 semaphore(%run_scoped3A_149 : memref<!tpu.dma_semaphore, #tpu.memory_space<semaphore_mem>>) src(%arg11 : memref<128x128xf32, #tpu.memory_space<vmem>>) dst(%dma_wait3A_157 : memref<128x128xf32, #tpu.memory_space<hbm>>)
      tpu.yield
    }) : () -> ()
    %add3A_104 = arith.constant 256 : i32
    %add3A_105 = arith.addi %mul3A_2, %add3A_104 : i32
    %dma_wait3A_106 = arith.constant 0 : i32
    %dma_wait3A_107 = tpu.memref_slice %arg7[%add3A_105, %dma_wait3A_106] : memref<10240x128xf32, #tpu.memory_space<vmem_shared>> -> memref<128x128xf32, #tpu.memory_space<vmem_shared>>
    %dma_wait3A_108 = arith.constant 0 : i32
    %dma_wait3A_109 = tpu.memref_slice %arg7[%add3A_105, %dma_wait3A_108] : memref<10240x128xf32, #tpu.memory_space<vmem_shared>> -> memref<128x128xf32, #tpu.memory_space<vmem_shared>>
    tpu.wait_dma2 semaphore(%arg14 : memref<!tpu.dma_semaphore, #tpu.memory_space<semaphore_mem>>) src(%dma_wait3A_109 : memref<128x128xf32, #tpu.memory_space<vmem_shared>>) dst(%arg10 : memref<128x128xf32, #tpu.memory_space<vmem>>)
    %add3A_110 = arith.constant 384 : i32
    %add3A_111 = arith.addi %mul3A_2, %add3A_110 : i32
    %dma_start3A_112 = arith.constant 0 : i32
    %dma_start3A_113 = tpu.memref_slice %arg7[%add3A_111, %dma_start3A_112] : memref<10240x128xf32, #tpu.memory_space<vmem_shared>> -> memref<128x128xf32, #tpu.memory_space<vmem_shared>>
    %dma_start3A_114 = arith.constant 0 : i32
    %dma_start3A_115 = tpu.memref_slice %arg7[%add3A_111, %dma_start3A_114] : memref<10240x128xf32, #tpu.memory_space<vmem_shared>> -> memref<128x128xf32, #tpu.memory_space<vmem_shared>>
    tpu.enqueue_dma source(%dma_start3A_115 : memref<128x128xf32, #tpu.memory_space<vmem_shared>>) target(%arg11 : memref<128x128xf32, #tpu.memory_space<vmem>>) target_semaphore(%arg14 : memref<!tpu.dma_semaphore, #tpu.memory_space<semaphore_mem>>)
    %mul3A_116 = arith.constant 10240 : i32
    %mul3A_117 = arith.muli %arg0, %mul3A_116 : i32
    %add3A_118 = arith.addi %mul3A_117, %mul3A_2 : i32
    %add3A_119 = arith.constant 256 : i32
    %add3A_120 = arith.addi %add3A_118, %add3A_119 : i32
    "tpu.region"() ({
      %run_scoped3A_149 = tpu.sem_alloc : memref<!tpu.dma_semaphore, #tpu.memory_space<semaphore_mem>>
      %dma_start3A_150 = arith.constant 0 : i32
      %dma_start3A_151 = tpu.memref_slice %arg6[%add3A_120, %dma_start3A_150] : memref<20480x128xf32, #tpu.memory_space<hbm>> -> memref<128x128xf32, #tpu.memory_space<hbm>>
      %dma_start3A_152 = arith.constant 0 : i32
      %dma_start3A_153 = tpu.memref_slice %arg6[%add3A_120, %dma_start3A_152] : memref<20480x128xf32, #tpu.memory_space<hbm>> -> memref<128x128xf32, #tpu.memory_space<hbm>>
      tpu.enqueue_dma source(%arg10 : memref<128x128xf32, #tpu.memory_space<vmem>>) target(%dma_start3A_153 : memref<128x128xf32, #tpu.memory_space<hbm>>) target_semaphore(%run_scoped3A_149 : memref<!tpu.dma_semaphore, #tpu.memory_space<semaphore_mem>>)
      %dma_wait3A_154 = arith.constant 0 : i32
      %dma_wait3A_155 = tpu.memref_slice %arg6[%add3A_120, %dma_wait3A_154] : memref<20480x128xf32, #tpu.memory_space<hbm>> -> memref<128x128xf32, #tpu.memory_space<hbm>>
      %dma_wait3A_156 = arith.constant 0 : i32
      %dma_wait3A_157 = tpu.memref_slice %arg6[%add3A_120, %dma_wait3A_156] : memref<20480x128xf32, #tpu.memory_space<hbm>> -> memref<128x128xf32, #tpu.memory_space<hbm>>
      tpu.wait_dma2 semaphore(%run_scoped3A_149 : memref<!tpu.dma_semaphore, #tpu.memory_space<semaphore_mem>>) src(%arg10 : memref<128x128xf32, #tpu.memory_space<vmem>>) dst(%dma_wait3A_157 : memref<128x128xf32, #tpu.memory_space<hbm>>)
      tpu.yield
    }) : () -> ()
    %add3A_121 = arith.constant 384 : i32
    %add3A_122 = arith.addi %mul3A_2, %add3A_121 : i32
    %dma_wait3A_123 = arith.constant 0 : i32
    %dma_wait3A_124 = tpu.memref_slice %arg7[%add3A_122, %dma_wait3A_123] : memref<10240x128xf32, #tpu.memory_space<vmem_shared>> -> memref<128x128xf32, #tpu.memory_space<vmem_shared>>
    %dma_wait3A_125 = arith.constant 0 : i32
    %dma_wait3A_126 = tpu.memref_slice %arg7[%add3A_122, %dma_wait3A_125] : memref<10240x128xf32, #tpu.memory_space<vmem_shared>> -> memref<128x128xf32, #tpu.memory_space<vmem_shared>>
    tpu.wait_dma2 semaphore(%arg14 : memref<!tpu.dma_semaphore, #tpu.memory_space<semaphore_mem>>) src(%dma_wait3A_126 : memref<128x128xf32, #tpu.memory_space<vmem_shared>>) dst(%arg11 : memref<128x128xf32, #tpu.memory_space<vmem>>)
    %add3A_127 = arith.constant 512 : i32
    %add3A_128 = arith.addi %mul3A_2, %add3A_127 : i32
    %dma_start3A_129 = arith.constant 0 : i32
    %dma_start3A_130 = tpu.memref_slice %arg7[%add3A_128, %dma_start3A_129] : memref<10240x128xf32, #tpu.memory_space<vmem_shared>> -> memref<128x128xf32, #tpu.memory_space<vmem_shared>>
    %dma_start3A_131 = arith.constant 0 : i32
    %dma_start3A_132 = tpu.memref_slice %arg7[%add3A_128, %dma_start3A_131] : memref<10240x128xf32, #tpu.memory_space<vmem_shared>> -> memref<128x128xf32, #tpu.memory_space<vmem_shared>>
    tpu.enqueue_dma source(%dma_start3A_132 : memref<128x128xf32, #tpu.memory_space<vmem_shared>>) target(%arg10 : memref<128x128xf32, #tpu.memory_space<vmem>>) target_semaphore(%arg14 : memref<!tpu.dma_semaphore, #tpu.memory_space<semaphore_mem>>)
    %mul3A_133 = arith.constant 10240 : i32
    %mul3A_134 = arith.muli %arg0, %mul3A_133 : i32
    %add3A_135 = arith.addi %mul3A_134, %mul3A_2 : i32
    %add3A_136 = arith.constant 384 : i32
    %add3A_137 = arith.addi %add3A_135, %add3A_136 : i32
    "tpu.region"() ({
      %run_scoped3A_149 = tpu.sem_alloc : memref<!tpu.dma_semaphore, #tpu.memory_space<semaphore_mem>>
      %dma_start3A_150 = arith.constant 0 : i32
      %dma_start3A_151 = tpu.memref_slice %arg6[%add3A_137, %dma_start3A_150] : memref<20480x128xf32, #tpu.memory_space<hbm>> -> memref<128x128xf32, #tpu.memory_space<hbm>>
      %dma_start3A_152 = arith.constant 0 : i32
      %dma_start3A_153 = tpu.memref_slice %arg6[%add3A_137, %dma_start3A_152] : memref<20480x128xf32, #tpu.memory_space<hbm>> -> memref<128x128xf32, #tpu.memory_space<hbm>>
      tpu.enqueue_dma source(%arg11 : memref<128x128xf32, #tpu.memory_space<vmem>>) target(%dma_start3A_153 : memref<128x128xf32, #tpu.memory_space<hbm>>) target_semaphore(%run_scoped3A_149 : memref<!tpu.dma_semaphore, #tpu.memory_space<semaphore_mem>>)
      %dma_wait3A_154 = arith.constant 0 : i32
      %dma_wait3A_155 = tpu.memref_slice %arg6[%add3A_137, %dma_wait3A_154] : memref<20480x128xf32, #tpu.memory_space<hbm>> -> memref<128x128xf32, #tpu.memory_space<hbm>>
      %dma_wait3A_156 = arith.constant 0 : i32
      %dma_wait3A_157 = tpu.memref_slice %arg6[%add3A_137, %dma_wait3A_156] : memref<20480x128xf32, #tpu.memory_space<hbm>> -> memref<128x128xf32, #tpu.memory_space<hbm>>
      tpu.wait_dma2 semaphore(%run_scoped3A_149 : memref<!tpu.dma_semaphore, #tpu.memory_space<semaphore_mem>>) src(%arg11 : memref<128x128xf32, #tpu.memory_space<vmem>>) dst(%dma_wait3A_157 : memref<128x128xf32, #tpu.memory_space<hbm>>)
      tpu.yield
    }) : () -> ()
    %add3A_138 = arith.constant 512 : i32
    %add3A_139 = arith.addi %mul3A_2, %add3A_138 : i32
    %dma_wait3A_140 = arith.constant 0 : i32
    %dma_wait3A_141 = tpu.memref_slice %arg7[%add3A_139, %dma_wait3A_140] : memref<10240x128xf32, #tpu.memory_space<vmem_shared>> -> memref<128x128xf32, #tpu.memory_space<vmem_shared>>
    %dma_wait3A_142 = arith.constant 0 : i32
    %dma_wait3A_143 = tpu.memref_slice %arg7[%add3A_139, %dma_wait3A_142] : memref<10240x128xf32, #tpu.memory_space<vmem_shared>> -> memref<128x128xf32, #tpu.memory_space<vmem_shared>>
    tpu.wait_dma2 semaphore(%arg14 : memref<!tpu.dma_semaphore, #tpu.memory_space<semaphore_mem>>) src(%dma_wait3A_143 : memref<128x128xf32, #tpu.memory_space<vmem_shared>>) dst(%arg10 : memref<128x128xf32, #tpu.memory_space<vmem>>)
    %mul3A_144 = arith.constant 10240 : i32
    %mul3A_145 = arith.muli %arg0, %mul3A_144 : i32
    %add3A_146 = arith.addi %mul3A_145, %mul3A_2 : i32
    %add3A_147 = arith.constant 512 : i32
    %add3A_148 = arith.addi %add3A_146, %add3A_147 : i32
    "tpu.region"() ({
      %run_scoped3A_149 = tpu.sem_alloc : memref<!tpu.dma_semaphore, #tpu.memory_space<semaphore_mem>>
      %dma_start3A_150 = arith.constant 0 : i32
      %dma_start3A_151 = tpu.memref_slice %arg6[%add3A_148, %dma_start3A_150] : memref<20480x128xf32, #tpu.memory_space<hbm>> -> memref<128x128xf32, #tpu.memory_space<hbm>>
      %dma_start3A_152 = arith.constant 0 : i32
      %dma_start3A_153 = tpu.memref_slice %arg6[%add3A_148, %dma_start3A_152] : memref<20480x128xf32, #tpu.memory_space<hbm>> -> memref<128x128xf32, #tpu.memory_space<hbm>>
      tpu.enqueue_dma source(%arg10 : memref<128x128xf32, #tpu.memory_space<vmem>>) target(%dma_start3A_153 : memref<128x128xf32, #tpu.memory_space<hbm>>) target_semaphore(%run_scoped3A_149 : memref<!tpu.dma_semaphore, #tpu.memory_space<semaphore_mem>>)
      %dma_wait3A_154 = arith.constant 0 : i32
      %dma_wait3A_155 = tpu.memref_slice %arg6[%add3A_148, %dma_wait3A_154] : memref<20480x128xf32, #tpu.memory_space<hbm>> -> memref<128x128xf32, #tpu.memory_space<hbm>>
      %dma_wait3A_156 = arith.constant 0 : i32
      %dma_wait3A_157 = tpu.memref_slice %arg6[%add3A_148, %dma_wait3A_156] : memref<20480x128xf32, #tpu.memory_space<hbm>> -> memref<128x128xf32, #tpu.memory_space<hbm>>
      tpu.wait_dma2 semaphore(%run_scoped3A_149 : memref<!tpu.dma_semaphore, #tpu.memory_space<semaphore_mem>>) src(%arg10 : memref<128x128xf32, #tpu.memory_space<vmem>>) dst(%dma_wait3A_157 : memref<128x128xf32, #tpu.memory_space<hbm>>)
      tpu.yield
    }) : () -> ()
    return
  }
}

module attributes {stable_mosaic.version = 14 : i64} {
  func.func @_proj_body(%arg0: i32, %arg1: memref<1000x128xf32, #tpu.memory_space<vmem>>, %arg2: memref<128x128xf32, #tpu.memory_space<vmem>>, %arg3: memref<1000x128xf32, #tpu.memory_space<vmem>>) attributes {dimension_semantics = [#tpu.dimension_semantics<arbitrary>], iteration_bounds = array<i64: 10>, scalar_prefetch = 0 : i64, scratch_operands = 0 : i64, tpu.core_type = #tpu.core_type<tc>, window_params = [{transform_indices = @transform_0, window_bounds = array<i64: 1000, 128>}, {pipeline_mode = #tpu.pipeline_mode<synchronous>, transform_indices = @transform_1, window_bounds = array<i64: 128, 128>}, {transform_indices = @transform_2, window_bounds = array<i64: 1000, 128>}]} {
    %get3A = arith.constant 0 : index
    %get3A_0 = arith.constant 0 : index
    %get3A_1 = vector.load %arg1[%get3A, %get3A_0] : memref<1000x128xf32, #tpu.memory_space<vmem>>, vector<1000x128xf32>
    %get3A_2 = arith.constant 0 : index
    %get3A_3 = arith.constant 0 : index
    %get3A_4 = vector.load %arg2[%get3A_2, %get3A_3] : memref<128x128xf32, #tpu.memory_space<vmem>>, vector<128x128xf32>
    %dot_general3A = arith.constant dense<0.000000e+00> : vector<1000x128xf32>
    %dot_general3A_5 = tpu.matmul %get3A_1, %get3A_4, %dot_general3A {dimension_numbers = #tpu.dot_dimension_numbers<[1], [0], [0], [1], [0, 0, 1, 1], [], []>, transpose_lhs_hint = false} : vector<1000x128xf32>, vector<128x128xf32>, vector<1000x128xf32> -> vector<1000x128xf32>
    %swap3A = arith.constant 0 : index
    %swap3A_6 = arith.constant 0 : index
    %swap3A_7 = vector.load %arg3[%swap3A, %swap3A_6] : memref<1000x128xf32, #tpu.memory_space<vmem>>, vector<1000x128xf32>
    tpu.vector_store %arg3[%swap3A, %swap3A_6], %dot_general3A_5 {strides = array<i32>} : memref<1000x128xf32, #tpu.memory_space<vmem>>, vector<1000x128xf32>,
    return
  }
  func.func @transform_0(%arg0: i32) -> (i32, i32) {
    %c0_i32 = arith.constant 0 : i32
    %c0_i32_0 = arith.constant 0 : i32
    return %arg0, %c0_i32 : i32, i32
  }
  func.func @transform_1(%arg0: i32) -> (i32, i32) {
    %c0_i32 = arith.constant 0 : i32
    %c0_i32_0 = arith.constant 0 : i32
    %c0_i32_1 = arith.constant 0 : i32
    return %c0_i32, %c0_i32_0 : i32, i32
  }
  func.func @transform_2(%arg0: i32) -> (i32, i32) {
    %c0_i32 = arith.constant 0 : i32
    %c0_i32_0 = arith.constant 0 : i32
    return %arg0, %c0_i32 : i32, i32
  }
}

module attributes {stable_mosaic.version = 14 : i64} {
  func.func @_fuse_body(%arg0: i32, %arg1: memref<1024x128xf32, #tpu.memory_space<vmem>>, %arg2: memref<1024x128xf32, #tpu.memory_space<vmem>>, %arg3: memref<1024x1xf32, #tpu.memory_space<vmem>>, %arg4: memref<128xf32, #tpu.memory_space<vmem>>, %arg5: memref<128x128xf32, #tpu.memory_space<vmem>>, %arg6: memref<1024x128xf32, #tpu.memory_space<vmem>>) attributes {dimension_semantics = [#tpu.dimension_semantics<arbitrary>], iteration_bounds = array<i64: 10>, scalar_prefetch = 0 : i64, scratch_operands = 0 : i64, tpu.core_type = #tpu.core_type<tc>, window_params = [{transform_indices = @transform_0, window_bounds = array<i64: 1024, 128>}, {transform_indices = @transform_1, window_bounds = array<i64: 1024, 128>}, {transform_indices = @transform_2, window_bounds = array<i64: 1024, 1>}, {pipeline_mode = #tpu.pipeline_mode<synchronous>, transform_indices = @transform_3, window_bounds = array<i64: 128>}, {pipeline_mode = #tpu.pipeline_mode<synchronous>, transform_indices = @transform_4, window_bounds = array<i64: 128, 128>}, {transform_indices = @transform_5, window_bounds = array<i64: 1024, 128>}]} {
    %get3A = arith.constant 0 : index
    %get3A_0 = arith.constant 0 : index
    %get3A_1 = vector.load %arg1[%get3A, %get3A_0] : memref<1024x128xf32, #tpu.memory_space<vmem>>, vector<1024x128xf32>
    %get3A_2 = arith.constant 0 : index
    %get3A_3 = arith.constant 0 : index
    %get3A_4 = vector.load %arg2[%get3A_2, %get3A_3] : memref<1024x128xf32, #tpu.memory_space<vmem>>, vector<1024x128xf32>
    %add3A = arith.addf %get3A_1, %get3A_4 : vector<1024x128xf32>
    %get3A_5 = arith.constant 0 : index
    %get3A_6 = arith.constant 0 : index
    %get3A_7 = vector.load %arg3[%get3A_5, %get3A_6] : memref<1024x1xf32, #tpu.memory_space<vmem>>, vector<1024x1xf32>
    %mul3A = vector.broadcast %get3A_7 : vector<1024x1xf32> to vector<1024x128xf32>
    %mul3A_8 = arith.mulf %add3A, %mul3A : vector<1024x128xf32>
    %get3A_9 = arith.constant 0 : index
    %get3A_10 = vector.load %arg4[%get3A_9] : memref<128xf32, #tpu.memory_space<vmem>>, vector<128xf32>
    %broadcast_in_dim3A = vector.shape_cast %get3A_10 : vector<128xf32> to vector<1x128xf32>
    %add3A_11 = vector.broadcast %broadcast_in_dim3A : vector<1x128xf32> to vector<1024x128xf32>
    %add3A_12 = arith.addf %mul3A_8, %add3A_11 : vector<1024x128xf32>
    %max3A = arith.constant 0.000000e+00 : f32
    %max3A_13 = vector.broadcast %max3A : f32 to vector<1024x128xf32>
    %max3A_14 = arith.maximumf %add3A_12, %max3A_13 : vector<1024x128xf32>
    %get3A_15 = arith.constant 0 : index
    %get3A_16 = arith.constant 0 : index
    %get3A_17 = vector.load %arg5[%get3A_15, %get3A_16] : memref<128x128xf32, #tpu.memory_space<vmem>>, vector<128x128xf32>
    %dot_general3A = arith.constant dense<0.000000e+00> : vector<1024x128xf32>
    %dot_general3A_18 = tpu.matmul %max3A_14, %get3A_17, %dot_general3A {dimension_numbers = #tpu.dot_dimension_numbers<[1], [0], [0], [1], [0, 0, 1, 1], [], []>, transpose_lhs_hint = false} : vector<1024x128xf32>, vector<128x128xf32>, vector<1024x128xf32> -> vector<1024x128xf32>
    %swap3A = arith.constant 0 : index
    %swap3A_19 = arith.constant 0 : index
    %swap3A_20 = vector.load %arg6[%swap3A, %swap3A_19] : memref<1024x128xf32, #tpu.memory_space<vmem>>, vector<1024x128xf32>
    tpu.vector_store %arg6[%swap3A, %swap3A_19], %dot_general3A_18 {strides = array<i32>} : memref<1024x128xf32, #tpu.memory_space<vmem>>, vector<1024x128xf32>,
    return
  }
  func.func @transform_0(%arg0: i32) -> (i32, i32) {
    %c0_i32 = arith.constant 0 : i32
    %c0_i32_0 = arith.constant 0 : i32
    return %arg0, %c0_i32 : i32, i32
  }
  func.func @transform_1(%arg0: i32) -> (i32, i32) {
    %add3A = arith.constant 10 : i32
    %add3A_0 = arith.addi %add3A, %arg0 : i32
    %c0_i32 = arith.constant 0 : i32
    %c0_i32_1 = arith.constant 0 : i32
    return %add3A_0, %c0_i32 : i32, i32
  }
  func.func @transform_2(%arg0: i32) -> (i32, i32) {
    %c0_i32 = arith.constant 0 : i32
    %c0_i32_0 = arith.constant 0 : i32
    return %arg0, %c0_i32 : i32, i32
  }
  func.func @transform_3(%arg0: i32) -> i32 {
    %c0_i32 = arith.constant 0 : i32
    %c0_i32_0 = arith.constant 0 : i32
    return %c0_i32 : i32
  }
  func.func @transform_4(%arg0: i32) -> (i32, i32) {
    %c0_i32 = arith.constant 0 : i32
    %c0_i32_0 = arith.constant 0 : i32
    %c0_i32_1 = arith.constant 0 : i32
    return %c0_i32, %c0_i32_0 : i32, i32
  }
  func.func @transform_5(%arg0: i32) -> (i32, i32) {
    %c0_i32 = arith.constant 0 : i32
    %c0_i32_0 = arith.constant 0 : i32
    return %arg0, %c0_i32 : i32, i32
  }
}

module attributes {stable_mosaic.version = 14 : i64} {
  func.func @_fuse_body(%arg0: i32, %arg1: memref<1024x128xf32, #tpu.memory_space<vmem>>, %arg2: memref<1024x128xf32, #tpu.memory_space<vmem>>, %arg3: memref<1024x1xf32, #tpu.memory_space<vmem>>, %arg4: memref<128xf32, #tpu.memory_space<vmem>>, %arg5: memref<128x40xf32, #tpu.memory_space<vmem>>, %arg6: memref<1024x40xf32, #tpu.memory_space<vmem>>) attributes {dimension_semantics = [#tpu.dimension_semantics<arbitrary>], iteration_bounds = array<i64: 10>, scalar_prefetch = 0 : i64, scratch_operands = 0 : i64, tpu.core_type = #tpu.core_type<tc>, window_params = [{transform_indices = @transform_0, window_bounds = array<i64: 1024, 128>}, {transform_indices = @transform_1, window_bounds = array<i64: 1024, 128>}, {transform_indices = @transform_2, window_bounds = array<i64: 1024, 1>}, {pipeline_mode = #tpu.pipeline_mode<synchronous>, transform_indices = @transform_3, window_bounds = array<i64: 128>}, {pipeline_mode = #tpu.pipeline_mode<synchronous>, transform_indices = @transform_4, window_bounds = array<i64: 128, 40>}, {transform_indices = @transform_5, window_bounds = array<i64: 1024, 40>}]} {
    %get3A = arith.constant 0 : index
    %get3A_0 = arith.constant 0 : index
    %get3A_1 = vector.load %arg1[%get3A, %get3A_0] : memref<1024x128xf32, #tpu.memory_space<vmem>>, vector<1024x128xf32>
    %get3A_2 = arith.constant 0 : index
    %get3A_3 = arith.constant 0 : index
    %get3A_4 = vector.load %arg2[%get3A_2, %get3A_3] : memref<1024x128xf32, #tpu.memory_space<vmem>>, vector<1024x128xf32>
    %add3A = arith.addf %get3A_1, %get3A_4 : vector<1024x128xf32>
    %get3A_5 = arith.constant 0 : index
    %get3A_6 = arith.constant 0 : index
    %get3A_7 = vector.load %arg3[%get3A_5, %get3A_6] : memref<1024x1xf32, #tpu.memory_space<vmem>>, vector<1024x1xf32>
    %mul3A = vector.broadcast %get3A_7 : vector<1024x1xf32> to vector<1024x128xf32>
    %mul3A_8 = arith.mulf %add3A, %mul3A : vector<1024x128xf32>
    %get3A_9 = arith.constant 0 : index
    %get3A_10 = vector.load %arg4[%get3A_9] : memref<128xf32, #tpu.memory_space<vmem>>, vector<128xf32>
    %broadcast_in_dim3A = vector.shape_cast %get3A_10 : vector<128xf32> to vector<1x128xf32>
    %add3A_11 = vector.broadcast %broadcast_in_dim3A : vector<1x128xf32> to vector<1024x128xf32>
    %add3A_12 = arith.addf %mul3A_8, %add3A_11 : vector<1024x128xf32>
    %max3A = arith.constant 0.000000e+00 : f32
    %max3A_13 = vector.broadcast %max3A : f32 to vector<1024x128xf32>
    %max3A_14 = arith.maximumf %add3A_12, %max3A_13 : vector<1024x128xf32>
    %get3A_15 = arith.constant 0 : index
    %get3A_16 = arith.constant 0 : index
    %get3A_17 = vector.load %arg5[%get3A_15, %get3A_16] : memref<128x40xf32, #tpu.memory_space<vmem>>, vector<128x40xf32>
    %dot_general3A = arith.constant dense<0.000000e+00> : vector<1024x40xf32>
    %dot_general3A_18 = tpu.matmul %max3A_14, %get3A_17, %dot_general3A {dimension_numbers = #tpu.dot_dimension_numbers<[1], [0], [0], [1], [0, 0, 1, 1], [], []>, transpose_lhs_hint = false} : vector<1024x128xf32>, vector<128x40xf32>, vector<1024x40xf32> -> vector<1024x40xf32>
    %swap3A = arith.constant 0 : index
    %swap3A_19 = arith.constant 0 : index
    %swap3A_20 = vector.load %arg6[%swap3A, %swap3A_19] : memref<1024x40xf32, #tpu.memory_space<vmem>>, vector<1024x40xf32>
    tpu.vector_store %arg6[%swap3A, %swap3A_19], %dot_general3A_18 {strides = array<i32>} : memref<1024x40xf32, #tpu.memory_space<vmem>>, vector<1024x40xf32>,
    return
  }
  func.func @transform_0(%arg0: i32) -> (i32, i32) {
    %c0_i32 = arith.constant 0 : i32
    %c0_i32_0 = arith.constant 0 : i32
    return %arg0, %c0_i32 : i32, i32
  }
  func.func @transform_1(%arg0: i32) -> (i32, i32) {
    %add3A = arith.constant 10 : i32
    %add3A_0 = arith.addi %add3A, %arg0 : i32
    %c0_i32 = arith.constant 0 : i32
    %c0_i32_1 = arith.constant 0 : i32
    return %add3A_0, %c0_i32 : i32, i32
  }
  func.func @transform_2(%arg0: i32) -> (i32, i32) {
    %c0_i32 = arith.constant 0 : i32
    %c0_i32_0 = arith.constant 0 : i32
    return %arg0, %c0_i32 : i32, i32
  }
  func.func @transform_3(%arg0: i32) -> i32 {
    %c0_i32 = arith.constant 0 : i32
    %c0_i32_0 = arith.constant 0 : i32
    return %c0_i32 : i32
  }
  func.func @transform_4(%arg0: i32) -> (i32, i32) {
    %c0_i32 = arith.constant 0 : i32
    %c0_i32_0 = arith.constant 0 : i32
    %c0_i32_1 = arith.constant 0 : i32
    return %c0_i32, %c0_i32_0 : i32, i32
  }
  func.func @transform_5(%arg0: i32) -> (i32, i32) {
    %c0_i32 = arith.constant 0 : i32
    %c0_i32_0 = arith.constant 0 : i32
    return %arg0, %c0_i32 : i32, i32
  }
}

module attributes {stable_mosaic.version = 14 : i64} {
  func.func @_final_body(%arg0: i32, %arg1: memref<1024x40xf32, #tpu.memory_space<vmem>>, %arg2: memref<1024x40xf32, #tpu.memory_space<vmem>>, %arg3: memref<1024x1xf32, #tpu.memory_space<vmem>>, %arg4: memref<40xf32, #tpu.memory_space<vmem>>, %arg5: memref<1024x40xf32, #tpu.memory_space<vmem>>) attributes {dimension_semantics = [#tpu.dimension_semantics<arbitrary>], iteration_bounds = array<i64: 10>, scalar_prefetch = 0 : i64, scratch_operands = 0 : i64, tpu.core_type = #tpu.core_type<tc>, window_params = [{transform_indices = @transform_0, window_bounds = array<i64: 1024, 40>}, {transform_indices = @transform_1, window_bounds = array<i64: 1024, 40>}, {transform_indices = @transform_2, window_bounds = array<i64: 1024, 1>}, {pipeline_mode = #tpu.pipeline_mode<synchronous>, transform_indices = @transform_3, window_bounds = array<i64: 40>}, {transform_indices = @transform_4, window_bounds = array<i64: 1024, 40>}]} {
    %get3A = arith.constant 0 : index
    %get3A_0 = arith.constant 0 : index
    %get3A_1 = vector.load %arg1[%get3A, %get3A_0] : memref<1024x40xf32, #tpu.memory_space<vmem>>, vector<1024x40xf32>
    %get3A_2 = arith.constant 0 : index
    %get3A_3 = arith.constant 0 : index
    %get3A_4 = vector.load %arg2[%get3A_2, %get3A_3] : memref<1024x40xf32, #tpu.memory_space<vmem>>, vector<1024x40xf32>
    %add3A = arith.addf %get3A_1, %get3A_4 : vector<1024x40xf32>
    %get3A_5 = arith.constant 0 : index
    %get3A_6 = arith.constant 0 : index
    %get3A_7 = vector.load %arg3[%get3A_5, %get3A_6] : memref<1024x1xf32, #tpu.memory_space<vmem>>, vector<1024x1xf32>
    %mul3A = vector.broadcast %get3A_7 : vector<1024x1xf32> to vector<1024x40xf32>
    %mul3A_8 = arith.mulf %add3A, %mul3A : vector<1024x40xf32>
    %get3A_9 = arith.constant 0 : index
    %get3A_10 = vector.load %arg4[%get3A_9] : memref<40xf32, #tpu.memory_space<vmem>>, vector<40xf32>
    %broadcast_in_dim3A = vector.shape_cast %get3A_10 : vector<40xf32> to vector<1x40xf32>
    %add3A_11 = vector.broadcast %broadcast_in_dim3A : vector<1x40xf32> to vector<1024x40xf32>
    %add3A_12 = arith.addf %mul3A_8, %add3A_11 : vector<1024x40xf32>
    %swap3A = arith.constant 0 : index
    %swap3A_13 = arith.constant 0 : index
    %swap3A_14 = vector.load %arg5[%swap3A, %swap3A_13] : memref<1024x40xf32, #tpu.memory_space<vmem>>, vector<1024x40xf32>
    tpu.vector_store %arg5[%swap3A, %swap3A_13], %add3A_12 {strides = array<i32>} : memref<1024x40xf32, #tpu.memory_space<vmem>>, vector<1024x40xf32>,
    return
  }
  func.func @transform_0(%arg0: i32) -> (i32, i32) {
    %c0_i32 = arith.constant 0 : i32
    %c0_i32_0 = arith.constant 0 : i32
    return %arg0, %c0_i32 : i32, i32
  }
  func.func @transform_1(%arg0: i32) -> (i32, i32) {
    %add3A = arith.constant 10 : i32
    %add3A_0 = arith.addi %add3A, %arg0 : i32
    %c0_i32 = arith.constant 0 : i32
    %c0_i32_1 = arith.constant 0 : i32
    return %add3A_0, %c0_i32 : i32, i32
  }
  func.func @transform_2(%arg0: i32) -> (i32, i32) {
    %c0_i32 = arith.constant 0 : i32
    %c0_i32_0 = arith.constant 0 : i32
    return %arg0, %c0_i32 : i32, i32
  }
  func.func @transform_3(%arg0: i32) -> i32 {
    %c0_i32 = arith.constant 0 : i32
    %c0_i32_0 = arith.constant 0 : i32
    return %c0_i32 : i32
  }
  func.func @transform_4(%arg0: i32) -> (i32, i32) {
    %c0_i32 = arith.constant 0 : i32
    %c0_i32_0 = arith.constant 0 : i32
    return %arg0, %c0_i32 : i32, i32
  }
}

</mosaic_0001>

<sc_bundles>
// kernel: kernel.12.cloned.1.call-start
scs
__scs_entry_jumppad:
0x0: {  	(pc) =	sbr.rel $0x88, $3  }
0x1: {  	(tag) =	ssettag $0x0;
	lr =	simm.s32 $0x1  }
0x2: {  	[smem:$0x3F98] =	sst lr;
	_ =	strace $0xD0000000  }
0x3: {  	_ = 	snop  }
0x4: {  	_ = 	snop  }
0x5: {  	_ = 	snop  }
0x6: {  	_ = 	snop  }
0x7: {  	_ = 	snop  }
__scs_overlays_trampoline_lowered:
0x8: {  	[smem:$0x3FA7] =	sst s0  }
0x9: {  	[smem:$0x3FA8] =	sst s1  }
0xa: {  	[smem:$0x3FA9] =	sst s2  }
0xb: {  	[smem:$0x3FAA] =	sst s3  }
0xc: {  	[smem:$0x3FAB] =	sst s4  }
0xd: {  	[smem:$0x3FAC] =	sst s5  }
0xe: {  	[smem:$0x3FAD] =	sst s6  }
0xf: {  	[smem:$0x3FAE] =	sst s7  }
0x10: {  	[smem:$0x3FAF] =	sst s8  }
0x11: {  	[smem:$0x3FB0] =	sst s9;
	s0 =	simm.s32 @!p0 $0x0  }
0x12: {  	s1 =	sld [smem:$0x3F96];
	s0 =	simm.s32 @p0 $0x1  }
0x13: {  	[smem:$0x3FB1] =	sst s0;
	s0 =	simm.s32 @!p1 $0x0  }
0x14: {  	s2 =	sld [smem:$0x3F95];
	s0 =	simm.s32 @p1 $0x1  }
0x15: {  	[smem:$0x3FB2] =	sst s0;
	s0 =	simm.s32 @!p2 $0x0  }
0x16: {  	s3 =	sld [smem:$0x3FDB];
	s0 =	simm.s32 @p2 $0x1  }
0x17: {  	s4 =	simm.s32 $0x1BF5;
	[smem:$0x3FB4] =	sst s0  }
0x18: {  	s0 =	sld [smem:$0x3F97];
	_ =	swait.ge [sflag:s4], $0x0  }
0x19: {  	s7 =	sld [smem:$0x3F98]  }
0x1a: {  	s8 =	sadd.s32 $0xFFFFE003, lr  }
0x1b: {  	s9 =	sadd.s32 $0xFFFFFEF7, lr;
	s5 =	simm.s32 $0xFFFFFFFF;
	p2 =	slt.u32 s8, $0xFFFFF086  }
0x1c: {  	p1 =	slt.u32 s9, $0xF7A;
	s5 =	simm.s32 @!p2 $0x0  }
0x1d: {  	s5 =	simm.s32 @p1 $0x1;
	p0 =	seq.s32 s7, s2  }
0x1e: {  	s7 =	smul.u32 @!p0 $0xF7A, s2;
	p2 =	seq.s32 @!p0 s5, $0x0  }
0x1f: {  	s9 =	smul.u32 $0xF7A, s1;
	s8 =	simm.s32 @!p0 $0x1BF5;
	p2 =	por !p2, p0  }
0x20: {  	[sflag:s8] =	ssyncset.s32 @!p0 $0xFFFFF086;
	s6 =	sadd.s32 @!p0 s3, s7;
	s7 =	simm.s32 @!p0 $0x108  }
0x21: {  	s3 =	sadd.s32 s3, s9;
	s6 =	sadd.s32 @!p0 $0x88, s6;
	s7 =	simm.s32 @p2 $0x1082  }
0x22: {  	[simem:s7], [sflag:s8] =	dma.local @!p0 [hbm:s6], $0xF7A  }
0x23: {  	s9 =	sor.u32 $0xD0000000, s2;
	s6 =	simm.s32 $0x108;
	_ =	swait.ge @!p0 [sflag:s8], $0x0  }
0x24: {  	s3 =	sadd.s32 $0x88, s3;
	s6 =	simm.s32 @!p1 $0x1082;
	[sflag:s4] =	ssyncset.s32 $0xFFFFF086  }
0x25: {  	[simem:s6], [sflag:s4] =	dma.local [hbm:s3], $0xF7A  }
0x26: {  	[smem:$0x3F98] =	sst s1;
	(tag) =	ssettag s2;
	_ =	strace s9  }
0x27: {  	s1 =	sld [smem:$0x3FA8]  }
0x28: {  	s2 =	sld [smem:$0x3FA9]  }
0x29: {  	s4 =	sld [smem:$0x3FAB]  }
0x2a: {  	p0 =	seq.s32 s5, $0x0;
	s5 =	sld [smem:$0x3FAC]  }
0x2b: {  	s6 =	sld [smem:$0x3FAD]  }
0x2c: {  	s7 =	sld [smem:$0x3FAE]  }
0x2d: {  	s3 =	simm.s32 $0x108;
	s8 =	sld [smem:$0x3FAF]  }
0x2e: {  	s3 =	simm.s32 @!p0 $0x1082;
	s9 =	sld [smem:$0x3FB0]  }
0x2f: {  	lr =	sadd.s32 s0, s3;
	s0 =	sld [smem:$0x3FA7]  }
0x30: {  	s3 =	sld [smem:$0x3FAA]  }
0x31: {  	[smem:$0x3FB3] =	sst s10  }
0x32: {  	s10 =	sld [smem:$0x3FB1];
	_ =	sdelay $0x3  }
0x33: {  	p0 =	seq.s32 s10, $0x1;
	s10 =	sld [smem:$0x3FB3];
	_ =	sdelay $0x3  }
0x34: {  	[smem:$0x3FB3] =	sst s10  }
0x35: {  	s10 =	sld [smem:$0x3FB2];
	_ =	sdelay $0x3  }
0x36: {  	p1 =	seq.s32 s10, $0x1;
	s10 =	sld [smem:$0x3FB3];
	_ =	sdelay $0x3  }
0x37: {  	[smem:$0x3FB3] =	sst s10  }
0x38: {  	s10 =	sld [smem:$0x3FB4]  }
0x39: {  	_ = 	snop;
	(pc) =	sbr.ind lr, $3  }
0x3a: {  	_ = 	snop  }
0x3b: {  	_ = 	snop  }
0x3c: {  	p2 =	seq.s32 s10, $0x1;
	s10 =	sld [smem:$0x3FB3]  }
0x3d: {  	_ =	shalt  }
0x3e: {  	_ =	shalt  }
0x3f: {  	_ =	shalt  }
0x40: {  	_ =	shalt  }
0x41: {  	_ =	shalt  }
0x42: {  	_ =	shalt  }
0x43: {  	_ =	shalt  }
0x44: {  	_ =	shalt  }
0x45: {  	_ =	shalt  }
0x46: {  	_ =	shalt  }
0x47: {  	_ =	shalt  }
0x48: {  	_ =	shalt  }
0x49: {  	_ =	shalt  }
0x4a: {  	_ =	shalt  }
0x4b: {  	_ =	shalt  }
0x4c: {  	_ =	shalt  }
0x4d: {  	_ =	shalt  }
0x4e: {  	_ =	shalt  }
0x4f: {  	_ =	shalt  }
0x50: {  	_ =	shalt  }
0x51: {  	_ =	shalt  }
0x52: {  	_ =	shalt  }
0x53: {  	_ =	shalt  }
0x54: {  	_ =	shalt  }
0x55: {  	_ =	shalt  }
0x56: {  	_ =	shalt  }
0x57: {  	_ =	shalt  }
0x58: {  	_ =	shalt  }
0x59: {  	_ =	shalt  }
0x5a: {  	_ =	shalt  }
0x5b: {  	_ =	shalt  }
0x5c: {  	_ =	shalt  }
0x5d: {  	_ =	shalt  }
0x5e: {  	_ =	shalt  }
0x5f: {  	_ =	shalt  }
0x60: {  	_ =	shalt  }
0x61: {  	_ =	shalt  }
0x62: {  	_ =	shalt  }
0x63: {  	_ =	shalt  }
0x64: {  	_ =	shalt  }
0x65: {  	_ =	shalt  }
0x66: {  	_ =	shalt  }
0x67: {  	_ =	shalt  }
0x68: {  	_ =	shalt  }
0x69: {  	_ =	shalt  }
0x6a: {  	_ =	shalt  }
0x6b: {  	_ =	shalt  }
0x6c: {  	_ =	shalt  }
0x6d: {  	_ =	shalt  }
0x6e: {  	_ =	shalt  }
0x6f: {  	_ =	shalt  }
0x70: {  	_ =	shalt  }
0x71: {  	_ =	shalt  }
0x72: {  	_ =	shalt  }
0x73: {  	_ =	shalt  }
0x74: {  	_ =	shalt  }
0x75: {  	_ =	shalt  }
0x76: {  	_ =	shalt  }
0x77: {  	_ =	shalt  }
0x78: {  	_ =	shalt  }
0x79: {  	_ =	shalt  }
0x7a: {  	_ =	shalt  }
0x7b: {  	_ =	shalt  }
0x7c: {  	_ =	shalt  }
0x7d: {  	_ =	shalt  }
0x7e: {  	_ =	shalt  }
0x7f: {  	_ =	shalt  }
0x80: {  	_ =	shalt  }
0x81: {  	_ =	shalt  }
0x82: {  	_ =	shalt  }
0x83: {  	_ =	shalt  }
0x84: {  	_ =	shalt  }
0x85: {  	_ =	shalt  }
0x86: {  	_ =	shalt  }
0x87: {  	_ =	shalt  }
.Lfunc_end0:
.L_simem_size_0:
called_computation.1_lowered:
.L_overlay_start_0:
0x88: {  	s2 =	sld [smem:$0x3FD9]  }
0x89: {  	s3 =	sld [smem:$0x3FFE];
	_ =	sdelay $0x1  }
0x8a: {  	s1 =	srdreg.scid  }
0x8b: {  	s0 =	sand.u32 $0x1, s1  }
0x8c: {  	s17 =	sshll.u32 s0, $0xA;
	s2 =	sadd.s32 s3, s2  }
0x8d: {  	s2 =	sadd.s32 s2, s17  }
0x8e: {  	[smem:$0x3FBF] =	sst s2  }
0x8f: {  	_ = 	snop  }
0x90: {  	s2 =	sld [smem:$0x3FD0];
	(tm) =	ssettm $0x1  }
0x91: {  	s18 =	sld [smem:$0x3FFB];
	_ =	sdelay $0x3  }
0x92: {  	_ =	strace s18  }
0x93: {  	s3 =	sld [smem:$0x3FFC];
	_ =	sdelay $0x3  }
0x94: {  	_ =	strace s3  }
0x95: {  	s3 =	sld [smem:$0x3FFD];
	_ =	sdelay $0x3  }
0x96: {  	_ =	strace s3  }
0x97: {  	_ =	strace $0x8FFFFFFF  }
0x98: {  	s19 =	sld [smem:$0x3FDB];
	_ =	sdelay $0x1  }
0x99: {  	s4 =	simm.s32 $_scs_section_size  }
0x9a: {  	s5 =	simm.s32 $_size__tile_overlayer_lowered;
	s6 =	simm.s32 $_tile_overlayer_lowered  }
0x9b: {  	s22 =	simm.s32 $0x1BFF;
	s21 =	sshll.u32 s6, $0x1;
	s3 =	sadd.s32 s4, s19  }
0x9c: {  	s7 =	simm.s32 $0x0;
	s20 =	sshll.u32 s5, $0x1;
	s5 =	sadd.s32 s21, s3  }
0x9d: {  	[timem:s7], [sflag:s22] =	dma.local [hbm:s5], s20  }
0x9e: {  	_ =	swait.ge [sflag:s22], s20  }
0x9f: {  	s4 =	ssub.s32 $0x0, s20;
	[sflag:s22] =	ssyncset.done $0x0  }
0xa0: {  	[sflag:s22] =	ssyncadd.s32 s4;
	_ =	sdelay $0x1  }
0xa1: {  	s23 =	simm.s32 $0x1B8B  }
0xa2: {  	_ =	swait.ge [sflag:s23], $0x1  }
0xa3: {  	[sflag:s23] =	ssyncset.done $0x0  }
0xa4: {  	s25 =	simm.s32 $0x1B8E;
	s24 =	sld [smem:$0x3FFE];
	[sflag:s23] =	ssyncadd.s32 $0xFFFFFFFF  }
0xa5: {  	s26 =	simm.s32 $execute0_lowered;
	[smem:$0x3FD2] =	sst s25  }
0xa6: {  	s5 =	sshll.u32 s26, $0x1;
	_ =	strace $0x80000049;
	[dreg:$0x1] =	wrdreg $0xFFFFFFFF  }
0xa7: {  	s28 =	simm.s32 $_size_execute0_lowered;
	s3 =	sadd.s32 s3, s5;
	[dreg:$0x0] =	wrdreg $0x0  }
0xa8: {  	s5 =	sshll.u32 s28, $0x1;
	[dreg:$0x2] =	wrdreg s3  }
0xa9: {  	[dreg:$0x3] =	wrdreg s5  }
0xaa: {  	[dreg:$0x4] =	wrdreg $0xC0  }
0xab: {  	_ =	task [dreg:s7], $0x5FFFF  }
0xac: {  	[dreg:$0x1] =	wrdreg $0xFFFFFFFF  }
0xad: {  	[dreg:$0x0] =	wrdreg $0x60  }
0xae: {  	[dreg:$0x2] =	wrdreg s24  }
0xaf: {  	[dreg:$0x3] =	wrdreg s2  }
0xb0: {  	[dreg:$0x4] =	wrdreg $0x0  }
0xb1: {  	[dreg:$0x5] =	wrdreg $0x9  }
0xb2: {  	_ =	task.clear_ibuf [dreg:s7], $0x6FFFF;
	_ =	strace $0x90000049  }
0xb3: {  	s29 =	simm.s32 $0x9;
	_ =	strace $0x8000004B  }
0xb4: {  	_ =	swait.ge [sflag:s29], $0x1  }
0xb5: {  	[sflag:s29] =	ssyncadd.s32 $0xFFFFFFFF  }
0xb6: {  	_ =	strace $0x9000004B  }
0xb7: {  	_ =	sfence  }
0xb8: {  	s30 =	sld [smem:$0x0];
	_ =	sdelay $0x2  }
0xb9: {  	s31 =	sshll.u32 s1, $0xD;
	s1 =	sshrl.u32 s1, $0x2  }
0xba: {  	s3 =	sand.u32 $0x4000, s31;
	s1 =	sadd.s32 s1, s30  }
0xbb: {  	s0 =	sor.u32 s3, s0;
	s1 =	sshll.u32 s1, $0x11  }
0xbc: {  	s0 =	sor.u32 s1, s0  }
0xbd: {  	s0 =	sadd.s32 $0x8F2B, s0  }
0xbe: {  	[sflag:s0] =	ssyncadd.remote.s32 $0x1  }
0xbf: {  	_ =	sfence.sel $0xFFFF  }
0xc0: {  	[dreg:$0x0] =	wrdreg $0xFFFFFFFF;
	(pc) =	sbr.abs _section_cstart, $3  }
0xc1: {  	[dreg:$0x1] =	wrdreg $0xFFFFFFFF  }
0xc2: {  	_ =	task.clear_ibuf [dreg:s7], $0x2FFFF;
	_ =	strace $0x9FFFFFFF  }
0xc3: {  	(tm) =	ssettm $0x7FFFFFFF  }
tec
execute0_lowered:
.L_overlay_start_1:
0x0: {  	(tag) =	ssettag $0x1  }
0x1: {  	s0 =	rddreg [dreg:$0x0]  }
0x2: {  	s1 =	rddreg [dreg:$0x1]  }
0x3: {  	s2 =	rddreg [dreg:$0x2];
	s4 =	srdreg.scid  }
0x4: {  	s14 =	stileid.u32;
	s3 =	simm.s32 $0x0;
	s28 =	simm.s32 $0x19000  }
0x5: {  	s29 =	simm.s32 $0x1;
	s30 =	simm.s32 $0x2;
	s31 =	simm.s32 $0x0  }
0x6: {  	s5 =	sand.u32 $0x1, s4;
	s6 =	smul.u32 $0x280, s14;
	[smem:$0x7FF] =	sst s3  }
0x7: {  	s4 =	sadd.s32 $0x34200, s0;
	s11 =	sadd.s32 $0x2800, s0;
	s21 =	smul.u32 $0x50000, s14  }
0x8: {  	s20 =	sadd.s32 $0x33A00, s0;
	s7 =	smul.u32 $0x2800, s5;
	_ =	strace $0x8000004A  }
0x9: {  	[dreg:$0x4] =	wrdreg s20;
	s22 =	ssub.s32 $0x2, s5;
	s8 =	sshll.u32 s5, $0x4  }
0xa: {  	s5 =	smul.u32 $0x28000, s5;
	s9 =	sshrl.u32 s22, $0x1;
	s8 =	sor.u32 s14, s8  }
0xb: {  	s14 =	smul.u32 $0x2800, s14;
	s6 =	sadd.s32 s6, s7;
	s7 =	sshrl.u32 s21, $0x2  }
0xc: {  	s12 =	ssub.s32 s22, s9;
	s10 =	smul.u32 $0x2800, s8;
	s21 =	simm.s32 $0x15000  }
0xd: {  	s22 =	simm.s32 $0x4;
	s6 =	sshll.u32 s6, $0x4;
	s5 =	sadd.s32 s14, s5  }
0xe: {  	s18 =	smax.u32 s12, $0x1;
	s0 =	sadd.s32 s6, s0;
	s6 =	sadd.s32 s7, s2  }
0xf: {  	s13 =	sshrl.u32 s10, $0x3;
	s5 =	sor.u32 $0x400, s5;
	s7 =	sadd.s32 $0x4000, s6  }
0x10: {  	s8 =	sadd.s32 $0x8000, s6;
	s9 =	sadd.s32 $0xC000, s6;
	s15 =	sadd.s32 s1, s13  }
0x11: {  	s10 =	sadd.s32 $0x10000, s6;
	s13 =	sadd.s32 s11, s13;
	[dreg:$0x5] =	wrdreg s15  }
0x12: {  	s23 =	sadd.s32 $0x5C200, s0;
	s24 =	sadd.s32 $0x5CA00, s0;
	[dreg:$0x6] =	wrdreg s13  }
0x13: {  	s25 =	sadd.s32 $0x5D200, s0;
	s16 =	sadd.s32 $0x5DA00, s0;
	[dreg:$0x7] =	wrdreg s23  }
0x14: {  	s17 =	sadd.s32 $0x5E200, s0;
	s26 =	sshrl.u32 s5, $0x3;
	[dreg:$0x8] =	wrdreg s24  }
0x15: {  	[dreg:$0x9] =	wrdreg s25;
	s19 =	sadd.s32 s26, s11;
	s20 =	sadd.s32 s26, s1  }
0x16: {  	s23 =	simm.s32 $0x14000;
	s25 =	simm.s32 $0x3;
	s26 =	simm.s32 $0x80  }
.LBB2_1:
0x17: {  	s0 =	rddreg [dreg:$0x4]  }
0x18: {  	[tilespmem:s21], [sflag:$0x4] =	stream.linear.gather [hbm4b:s0+s3], $0x4000, $0x38;
	[tilespmem:$0x1D000] =	vst v63  }
0x19: {  	_ =	swait.ge [sflag:s22], $0x4000  }
0x1a: {  	[sflag:s22] =	ssyncset.done $0x0  }
0x1b: {  	[sflag:s22] =	ssyncadd.s32 $0xFFFFC000  }
0x1c: {  	[spmem:s6] =	stream.linear.scatter [tilespmem:s21], [sflag:$0x3], $0x4000, $0x38;
	[tilespmem:$0x1D000] =	vst v63  }
0x1d: {  	_ = 	snop  }
0x1e: {  	[spmem:s7] =	stream.linear.scatter [tilespmem:s21], [sflag:$0x3], $0x4000, $0x38;
	[tilespmem:$0x1D000] =	vst v63  }
0x1f: {  	_ = 	snop  }
0x20: {  	[spmem:s8] =	stream.linear.scatter [tilespmem:s21], [sflag:$0x3], $0x4000, $0x38;
	[tilespmem:$0x1D000] =	vst v63  }
0x21: {  	_ = 	snop  }
0x22: {  	[spmem:s9] =	stream.linear.scatter [tilespmem:s21], [sflag:$0x3], $0x4000, $0x38;
	[tilespmem:$0x1D000] =	vst v63  }
0x23: {  	_ = 	snop  }
0x24: {  	[spmem:s10] =	stream.linear.scatter [tilespmem:s21], [sflag:$0x3], $0x4000, $0x38;
	[tilespmem:$0x1D000] =	vst v63  }
0x25: {  	s14 =	rddreg [dreg:$0x5]  }
0x26: {  	[tilespmem:s23], [sflag:$0x4] =	stream.linear.gather [hbm4b:s14+s3], $0x400, $0x38;
	[tilespmem:$0x1D000] =	vst v63  }
0x27: {  	_ =	swait.ge [sflag:s22], $0x400  }
0x28: {  	[sflag:s22] =	ssyncset.done $0x0  }
0x29: {  	s1 =	simm.s32 $0x14800;
	s15 =	rddreg [dreg:$0x6];
	[sflag:s22] =	ssyncadd.s32 $0xFFFFFC00  }
0x2a: {  	[tilespmem:s1], [sflag:$0x4] =	stream.linear.gather [hbm4b:s15+s3], $0x400, $0x38;
	[tilespmem:$0x1D000] =	vst v63  }
0x2b: {  	_ =	swait.ge [sflag:s22], $0x400  }
0x2c: {  	[sflag:s22] =	ssyncset.done $0x0  }
0x2d: {  	[sflag:s22] =	ssyncadd.s32 $0xFFFFFC00  }
0x2e: {  	_ =	swait.ge [sflag:s25], $0x4000  }
0x2f: {  	[sflag:s25] =	ssyncset.done $0x0  }
0x30: {  	[sflag:s25] =	ssyncadd.s32 $0xFFFFC000  }
0x31: {  	_ =	swait.ge [sflag:s25], $0x4000  }
0x32: {  	[sflag:s25] =	ssyncset.done $0x0  }
0x33: {  	[sflag:s25] =	ssyncadd.s32 $0xFFFFC000  }
0x34: {  	_ =	swait.ge [sflag:s25], $0x4000  }
0x35: {  	[sflag:s25] =	ssyncset.done $0x0  }
0x36: {  	[sflag:s25] =	ssyncadd.s32 $0xFFFFC000  }
0x37: {  	_ =	swait.ge [sflag:s25], $0x4000  }
0x38: {  	[sflag:s25] =	ssyncset.done $0x0  }
0x39: {  	[sflag:s25] =	ssyncadd.s32 $0xFFFFC000  }
0x3a: {  	_ =	swait.ge [sflag:s25], $0x4000  }
0x3b: {  	s24 =	sand.u32 $0x1, s3;
	[sflag:s25] =	ssyncset.done $0x0  }
0x3c: {  	p0 =	por $0x0, $0x0;
	s0 =	sxor.u32 $0x1, s24;
	[sflag:s25] =	ssyncadd.s32 $0xFFFFC000  }
0x3d: {  	s5 =	sshll.u32 @!p0 s0, $0xA;
	[bflag:$0x0] =	sbarrier.arrive $0xFFFF  }
0x3e: {  	[tilespmem:s21], [sflag:$0x1] =	stream.indirect.gather [hbm4b:s4+s26], $0x80, s23, s26, $0xb8;
	[tilespmem:$0x1D000] =	vst v63  }
0x3f: {  	s11 =	simm.s32 @!p0 $0x0;
	s0 =	sor.u32 @!p0 $0x14000, s5  }
0x40: {  	[tilespmem:s0], [sflag:$0x3] =	stream.linear.gather @!p0 [hbm4b:s20+s11], $0x400, $0x38;
	[tilespmem:$0x1D000] =	vst v63  }
0x41: {  	s5 =	sor.u32 @!p0 $0x14800, s5;
	s1 =	sshll.u32 s24, $0xA  }
0x42: {  	[tilespmem:s5], [sflag:$0x3] =	stream.linear.gather @!p0 [hbm4b:s19+s11], $0x400, $0x38;
	[tilespmem:$0x1D000] =	vst v63  }
0x43: {  	s12 =	sor.u32 $0x14080, s1  }
0x44: {  	[tilespmem:s28], [sflag:$0x2] =	stream.indirect.gather [hbm4b:s4+s26], $0x80, s12, s26, $0xb8;
	[tilespmem:$0x1D000] =	vst v63  }
0x45: {  	_ =	swait.ge [sflag:s29], $0x4000  }
0x46: {  	[sflag:s29] =	ssyncset.done $0x0  }
0x47: {  	s13 =	sor.u32 $0x14800, s1;
	[sflag:s29] =	ssyncadd.s32 $0xFFFFC000  }
0x48: {  	[spmem:s2] =	stream.indirect.scatter.add.f32 [tilespmem:s21], [sflag:$0x4], $0x80, s13, s26, $0xb8;
	[tilespmem:$0x1D000] =	vst v63  }
0x49: {  	_ =	swait.ge [sflag:s22], $0x4000  }
0x4a: {  	[sflag:s22] =	ssyncset.done $0x0  }
0x4b: {  	s14 =	sor.u32 $0x14100, s1;
	[sflag:s22] =	ssyncadd.s32 $0xFFFFC000  }
0x4c: {  	[tilespmem:s21], [sflag:$0x1] =	stream.indirect.gather [hbm4b:s4+s26], $0x80, s14, s26, $0xb8;
	[tilespmem:$0x1D000] =	vst v63  }
0x4d: {  	_ =	swait.ge [sflag:s30], $0x4000  }
0x4e: {  	[sflag:s30] =	ssyncset.done $0x0  }
0x4f: {  	s15 =	sor.u32 $0x14880, s1;
	[sflag:s30] =	ssyncadd.s32 $0xFFFFC000  }
0x50: {  	[spmem:s2] =	stream.indirect.scatter.add.f32 [tilespmem:s28], [sflag:$0x4], $0x80, s15, s26, $0xb8;
	[tilespmem:$0x1D000] =	vst v63  }
0x51: {  	_ =	swait.ge [sflag:s22], $0x4000  }
0x52: {  	[sflag:s22] =	ssyncset.done $0x0  }
0x53: {  	s24 =	sor.u32 $0x14180, s1;
	[sflag:s22] =	ssyncadd.s32 $0xFFFFC000  }
0x54: {  	[tilespmem:s28], [sflag:$0x2] =	stream.indirect.gather [hbm4b:s4+s26], $0x80, s24, s26, $0xb8;
	[tilespmem:$0x1D000] =	vst v63  }
0x55: {  	_ =	swait.ge [sflag:s29], $0x4000  }
0x56: {  	[sflag:s29] =	ssyncset.done $0x0  }
0x57: {  	s11 =	sor.u32 $0x14900, s1;
	[sflag:s29] =	ssyncadd.s32 $0xFFFFC000  }
0x58: {  	[spmem:s2] =	stream.indirect.scatter.add.f32 [tilespmem:s21], [sflag:$0x4], $0x80, s11, s26, $0xb8;
	[tilespmem:$0x1D000] =	vst v63  }
0x59: {  	_ =	swait.ge [sflag:s22], $0x4000  }
0x5a: {  	[sflag:s22] =	ssyncset.done $0x0  }
0x5b: {  	s12 =	sor.u32 $0x14200, s1;
	[sflag:s22] =	ssyncadd.s32 $0xFFFFC000  }
0x5c: {  	[tilespmem:s21], [sflag:$0x1] =	stream.indirect.gather [hbm4b:s4+s26], $0x80, s12, s26, $0xb8;
	[tilespmem:$0x1D000] =	vst v63  }
0x5d: {  	_ =	swait.ge [sflag:s30], $0x4000  }
0x5e: {  	[sflag:s30] =	ssyncset.done $0x0  }
0x5f: {  	s13 =	sor.u32 $0x14980, s1;
	[sflag:s30] =	ssyncadd.s32 $0xFFFFC000  }
0x60: {  	[spmem:s2] =	stream.indirect.scatter.add.f32 [tilespmem:s28], [sflag:$0x4], $0x80, s13, s26, $0xb8;
	[tilespmem:$0x1D000] =	vst v63  }
0x61: {  	_ =	swait.ge [sflag:s22], $0x4000  }
0x62: {  	[sflag:s22] =	ssyncset.done $0x0  }
0x63: {  	s14 =	sor.u32 $0x14280, s1;
	[sflag:s22] =	ssyncadd.s32 $0xFFFFC000  }
0x64: {  	[tilespmem:s28], [sflag:$0x2] =	stream.indirect.gather [hbm4b:s4+s26], $0x80, s14, s26, $0xb8;
	[tilespmem:$0x1D000] =	vst v63  }
0x65: {  	_ =	swait.ge [sflag:s29], $0x4000  }
0x66: {  	[sflag:s29] =	ssyncset.done $0x0  }
0x67: {  	s15 =	sor.u32 $0x14A00, s1;
	[sflag:s29] =	ssyncadd.s32 $0xFFFFC000  }
0x68: {  	[spmem:s2] =	stream.indirect.scatter.add.f32 [tilespmem:s21], [sflag:$0x4], $0x80, s15, s26, $0xb8;
	[tilespmem:$0x1D000] =	vst v63  }
0x69: {  	_ =	swait.ge [sflag:s22], $0x4000  }
0x6a: {  	[sflag:s22] =	ssyncset.done $0x0  }
0x6b: {  	s24 =	sor.u32 $0x14300, s1;
	[sflag:s22] =	ssyncadd.s32 $0xFFFFC000  }
0x6c: {  	[tilespmem:s21], [sflag:$0x1] =	stream.indirect.gather [hbm4b:s4+s26], $0x80, s24, s26, $0xb8;
	[tilespmem:$0x1D000] =	vst v63  }
0x6d: {  	_ =	swait.ge [sflag:s30], $0x4000  }
0x6e: {  	[sflag:s30] =	ssyncset.done $0x0  }
0x6f: {  	s11 =	sor.u32 $0x14A80, s1;
	[sflag:s30] =	ssyncadd.s32 $0xFFFFC000  }
0x70: {  	[spmem:s2] =	stream.indirect.scatter.add.f32 [tilespmem:s28], [sflag:$0x4], $0x80, s11, s26, $0xb8;
	[tilespmem:$0x1D000] =	vst v63  }
0x71: {  	_ =	swait.ge [sflag:s22], $0x4000  }
0x72: {  	[sflag:s22] =	ssyncset.done $0x0  }
0x73: {  	s12 =	sor.u32 $0x14380, s1;
	[sflag:s22] =	ssyncadd.s32 $0xFFFFC000  }
0x74: {  	[tilespmem:s28], [sflag:$0x2] =	stream.indirect.gather [hbm4b:s4+s26], $0x80, s12, s26, $0xb8;
	[tilespmem:$0x1D000] =	vst v63  }
0x75: {  	_ =	swait.ge [sflag:s29], $0x4000  }
0x76: {  	[sflag:s29] =	ssyncset.done $0x0  }
0x77: {  	s13 =	sor.u32 $0x14B00, s1;
	[sflag:s29] =	ssyncadd.s32 $0xFFFFC000  }
0x78: {  	[spmem:s2] =	stream.indirect.scatter.add.f32 [tilespmem:s21], [sflag:$0x4], $0x80, s13, s26, $0xb8;
	[tilespmem:$0x1D000] =	vst v63  }
0x79: {  	_ =	swait.ge [sflag:s22], $0x4000  }
0x7a: {  	[sflag:s22] =	ssyncset.done $0x0  }
0x7b: {  	s5 =	simm.s32 @!p0 $0x3;
	[sflag:s22] =	ssyncadd.s32 $0xFFFFC000  }
0x7c: {  	_ =	swait.ge @!p0 [sflag:s5], $0x400  }
0x7d: {  	[sflag:s5] =	ssyncset.done @!p0 $0x0  }
0x7e: {  	[sflag:s5] =	ssyncadd.s32 @!p0 $0xFFFFFC00  }
0x7f: {  	_ =	swait.ge @!p0 [sflag:s5], $0x400  }
0x80: {  	s14 =	simm.s32 $0x1;
	[sflag:s5] =	ssyncset.done @!p0 $0x0  }
0x81: {  	s12 =	simm.s32 @!p0 $0x15000;
	[sflag:s5] =	ssyncadd.s32 @!p0 $0xFFFFFC00;
	s5 =	simm.s32 @!p0 $0x80  }
0x82: {  	[tilespmem:s12], [sflag:$0x1] =	stream.indirect.gather @!p0 [hbm4b:s4+s5], $0x80, s0, s5, $0xb8;
	[tilespmem:$0x1D000] =	vst v63  }
0x83: {  	s15 =	sor.u32 $0x380, s1;
	s1 =	sadd.s32 $0x80, s19;
	_ =	swait.ge [sflag:s30], $0x4000  }
0x84: {  	s24 =	simm.s32 $0x2;
	s13 =	sand.u32 $0x1, s14;
	[sflag:s30] =	ssyncset.done $0x0  }
0x85: {  	s0 =	sadd.s32 $0x80, s20;
	s5 =	sor.u32 $0x14800, s15;
	[sflag:s30] =	ssyncadd.s32 $0xFFFFC000  }
0x86: {  	[spmem:s2] =	stream.indirect.scatter.add.f32 [tilespmem:s28], [sflag:$0x4], $0x80, s5, s26, $0xb8;
	[tilespmem:$0x1D000] =	vst v63  }
0x87: {  	p0 =	por $0x0, $0x0;
	s5 =	sxor.u32 $0x1, s13;
	_ =	swait.ge [sflag:s22], $0x4000  }
0x88: {  	s14 =	simm.s32 @!p0 $0x0;
	s11 =	sshll.u32 @!p0 s5, $0xA;
	[sflag:s22] =	ssyncset.done $0x0  }
.LBB2_2:
0x89: {  	s12 =	sor.u32 @!p0 $0x14000, s11  }
0x8a: {  	s13 =	sshll.u32 s13, $0xA;
	[sflag:s22] =	ssyncadd.s32 $0xFFFFC000;
	s5 =	smov.u32 s24  }
0x8b: {  	[tilespmem:s12], [sflag:$0x3] =	stream.linear.gather @!p0 [hbm4b:s0+s14], $0x400, $0x38;
	[tilespmem:$0x1D000] =	vst v63  }
0x8c: {  	s24 =	sadd.s32 $0x1, s24;
	s15 =	sor.u32 @!p0 $0x14800, s11;
	s11 =	sor.u32 $0x380, s13  }
0x8d: {  	[tilespmem:s15], [sflag:$0x3] =	stream.linear.gather @!p0 [hbm4b:s1+s14], $0x400, $0x38;
	[tilespmem:$0x1D000] =	vst v63  }
0x8e: {  	p1 =	sne.s32 s24, $0xA;
	s14 =	sor.u32 $0x14080, s13  }
0x8f: {  	[tilespmem:s28], [sflag:$0x2] =	stream.indirect.gather [hbm4b:s4+s26], $0x80, s14, s26, $0xb8;
	[tilespmem:$0x1D000] =	vst v63  }
0x90: {  	_ =	swait.ge [sflag:s29], $0x4000  }
0x91: {  	[sflag:s29] =	ssyncset.done $0x0  }
0x92: {  	s14 =	sor.u32 $0x14800, s13;
	[sflag:s29] =	ssyncadd.s32 $0xFFFFC000  }
0x93: {  	[spmem:s2] =	stream.indirect.scatter.add.f32 [tilespmem:s21], [sflag:$0x4], $0x80, s14, s26, $0xb8;
	[tilespmem:$0x1D000] =	vst v63  }
0x94: {  	_ =	swait.ge [sflag:s22], $0x4000  }
0x95: {  	[sflag:s22] =	ssyncset.done $0x0  }
0x96: {  	s14 =	sor.u32 $0x14100, s13;
	[sflag:s22] =	ssyncadd.s32 $0xFFFFC000  }
0x97: {  	[tilespmem:s21], [sflag:$0x1] =	stream.indirect.gather [hbm4b:s4+s26], $0x80, s14, s26, $0xb8;
	[tilespmem:$0x1D000] =	vst v63  }
0x98: {  	_ =	swait.ge [sflag:s30], $0x4000  }
0x99: {  	[sflag:s30] =	ssyncset.done $0x0  }
0x9a: {  	s14 =	sor.u32 $0x14880, s13;
	[sflag:s30] =	ssyncadd.s32 $0xFFFFC000  }
0x9b: {  	[spmem:s2] =	stream.indirect.scatter.add.f32 [tilespmem:s28], [sflag:$0x4], $0x80, s14, s26, $0xb8;
	[tilespmem:$0x1D000] =	vst v63  }
0x9c: {  	_ =	swait.ge [sflag:s22], $0x4000  }
0x9d: {  	[sflag:s22] =	ssyncset.done $0x0  }
0x9e: {  	s14 =	sor.u32 $0x14180, s13;
	[sflag:s22] =	ssyncadd.s32 $0xFFFFC000  }
0x9f: {  	[tilespmem:s28], [sflag:$0x2] =	stream.indirect.gather [hbm4b:s4+s26], $0x80, s14, s26, $0xb8;
	[tilespmem:$0x1D000] =	vst v63  }
0xa0: {  	_ =	swait.ge [sflag:s29], $0x4000  }
0xa1: {  	[sflag:s29] =	ssyncset.done $0x0  }
0xa2: {  	s14 =	sor.u32 $0x14900, s13;
	[sflag:s29] =	ssyncadd.s32 $0xFFFFC000  }
0xa3: {  	[spmem:s2] =	stream.indirect.scatter.add.f32 [tilespmem:s21], [sflag:$0x4], $0x80, s14, s26, $0xb8;
	[tilespmem:$0x1D000] =	vst v63  }
0xa4: {  	_ =	swait.ge [sflag:s22], $0x4000  }
0xa5: {  	[sflag:s22] =	ssyncset.done $0x0  }
0xa6: {  	s14 =	sor.u32 $0x14200, s13;
	[sflag:s22] =	ssyncadd.s32 $0xFFFFC000  }
0xa7: {  	[tilespmem:s21], [sflag:$0x1] =	stream.indirect.gather [hbm4b:s4+s26], $0x80, s14, s26, $0xb8;
	[tilespmem:$0x1D000] =	vst v63  }
0xa8: {  	_ =	swait.ge [sflag:s30], $0x4000  }
0xa9: {  	[sflag:s30] =	ssyncset.done $0x0  }
0xaa: {  	s14 =	sor.u32 $0x14980, s13;
	[sflag:s30] =	ssyncadd.s32 $0xFFFFC000  }
0xab: {  	[spmem:s2] =	stream.indirect.scatter.add.f32 [tilespmem:s28], [sflag:$0x4], $0x80, s14, s26, $0xb8;
	[tilespmem:$0x1D000] =	vst v63  }
0xac: {  	_ =	swait.ge [sflag:s22], $0x4000  }
0xad: {  	[sflag:s22] =	ssyncset.done $0x0  }
0xae: {  	s14 =	sor.u32 $0x14280, s13;
	[sflag:s22] =	ssyncadd.s32 $0xFFFFC000  }
0xaf: {  	[tilespmem:s28], [sflag:$0x2] =	stream.indirect.gather [hbm4b:s4+s26], $0x80, s14, s26, $0xb8;
	[tilespmem:$0x1D000] =	vst v63  }
0xb0: {  	_ =	swait.ge [sflag:s29], $0x4000  }
0xb1: {  	[sflag:s29] =	ssyncset.done $0x0  }
0xb2: {  	s14 =	sor.u32 $0x14A00, s13;
	[sflag:s29] =	ssyncadd.s32 $0xFFFFC000  }
0xb3: {  	[spmem:s2] =	stream.indirect.scatter.add.f32 [tilespmem:s21], [sflag:$0x4], $0x80, s14, s26, $0xb8;
	[tilespmem:$0x1D000] =	vst v63  }
0xb4: {  	_ =	swait.ge [sflag:s22], $0x4000  }
0xb5: {  	[sflag:s22] =	ssyncset.done $0x0  }
0xb6: {  	s14 =	sor.u32 $0x14300, s13;
	[sflag:s22] =	ssyncadd.s32 $0xFFFFC000  }
0xb7: {  	[tilespmem:s21], [sflag:$0x1] =	stream.indirect.gather [hbm4b:s4+s26], $0x80, s14, s26, $0xb8;
	[tilespmem:$0x1D000] =	vst v63  }
0xb8: {  	_ =	swait.ge [sflag:s30], $0x4000  }
0xb9: {  	[sflag:s30] =	ssyncset.done $0x0  }
0xba: {  	s14 =	sor.u32 $0x14A80, s13;
	[sflag:s30] =	ssyncadd.s32 $0xFFFFC000  }
0xbb: {  	[spmem:s2] =	stream.indirect.scatter.add.f32 [tilespmem:s28], [sflag:$0x4], $0x80, s14, s26, $0xb8;
	[tilespmem:$0x1D000] =	vst v63  }
0xbc: {  	_ =	swait.ge [sflag:s22], $0x4000  }
0xbd: {  	[sflag:s22] =	ssyncset.done $0x0  }
0xbe: {  	s14 =	sor.u32 $0x14380, s13;
	[sflag:s22] =	ssyncadd.s32 $0xFFFFC000  }
0xbf: {  	[tilespmem:s28], [sflag:$0x2] =	stream.indirect.gather [hbm4b:s4+s26], $0x80, s14, s26, $0xb8;
	[tilespmem:$0x1D000] =	vst v63  }
0xc0: {  	_ =	swait.ge [sflag:s29], $0x4000  }
0xc1: {  	[sflag:s29] =	ssyncset.done $0x0  }
0xc2: {  	s13 =	sor.u32 $0x14B00, s13;
	[sflag:s29] =	ssyncadd.s32 $0xFFFFC000  }
0xc3: {  	[spmem:s2] =	stream.indirect.scatter.add.f32 [tilespmem:s21], [sflag:$0x4], $0x80, s13, s26, $0xb8;
	[tilespmem:$0x1D000] =	vst v63  }
0xc4: {  	_ =	swait.ge [sflag:s22], $0x4000  }
0xc5: {  	[sflag:s22] =	ssyncset.done $0x0  }
0xc6: {  	s13 =	simm.s32 @!p0 $0x3;
	[sflag:s22] =	ssyncadd.s32 $0xFFFFC000  }
0xc7: {  	_ =	swait.ge @!p0 [sflag:s13], $0x400  }
0xc8: {  	[sflag:s13] =	ssyncset.done @!p0 $0x0  }
0xc9: {  	[sflag:s13] =	ssyncadd.s32 @!p0 $0xFFFFFC00  }
0xca: {  	_ =	swait.ge @!p0 [sflag:s13], $0x400  }
0xcb: {  	[sflag:s13] =	ssyncset.done @!p0 $0x0  }
0xcc: {  	s14 =	simm.s32 @!p0 $0x15000;
	[sflag:s13] =	ssyncadd.s32 @!p0 $0xFFFFFC00;
	s13 =	simm.s32 @!p0 $0x80  }
0xcd: {  	[tilespmem:s14], [sflag:$0x1] =	stream.indirect.gather @!p0 [hbm4b:s4+s13], $0x80, s12, s13, $0xb8;
	[tilespmem:$0x1D000] =	vst v63  }
0xce: {  	s0 =	sadd.s32 $0x80, s0;
	_ =	swait.ge [sflag:s30], $0x4000  }
.Ltmp0:
0xcf: {  	s1 =	sadd.s32 $0x80, s1;
	[sflag:s30] =	ssyncset.done $0x0;
	(pc) =	sbr.rel @p1 .LBB2_2-.Ltmp0, $4  }
0xd0: {  	s11 =	sor.u32 $0x14800, s11;
	s13 =	sand.u32 $0x1, s5;
	[sflag:s30] =	ssyncadd.s32 $0xFFFFC000  }
0xd1: {  	[spmem:s2] =	stream.indirect.scatter.add.f32 [tilespmem:s28], [sflag:$0x4], $0x80, s11, s26, $0xb8;
	[tilespmem:$0x1D000] =	vst v63  }
0xd2: {  	p0 =	seq.s32 s5, $0x9;
	s11 =	sxor.u32 $0x1, s13;
	_ =	swait.ge [sflag:s22], $0x4000  }
0xd3: {  	s14 =	simm.s32 @!p0 $0x0;
	s11 =	sshll.u32 @!p0 s11, $0xA;
	[sflag:s22] =	ssyncset.done $0x0  }
0xd4: {  	s5 =	sor.u32 @!p0 $0x14000, s11;
	[sflag:s22] =	ssyncadd.s32 $0xFFFFC000  }
0xd5: {  	[tilespmem:s5], [sflag:$0x3] =	stream.linear.gather @!p0 [hbm4b:s0+s14], $0x400, $0x38;
	[tilespmem:$0x1D000] =	vst v63  }
0xd6: {  	s0 =	sor.u32 @!p0 $0x14800, s11  }
0xd7: {  	[tilespmem:s0], [sflag:$0x3] =	stream.linear.gather @!p0 [hbm4b:s1+s14], $0x400, $0x38;
	[tilespmem:$0x1D000] =	vst v63  }
0xd8: {  	s0 =	sshll.u32 s13, $0xA  }
0xd9: {  	s12 =	sor.u32 $0x14080, s0  }
0xda: {  	[tilespmem:s28], [sflag:$0x2] =	stream.indirect.gather [hbm4b:s4+s26], $0x80, s12, s26, $0xb8;
	[tilespmem:$0x1D000] =	vst v63  }
0xdb: {  	_ =	swait.ge [sflag:s29], $0x4000  }
0xdc: {  	[sflag:s29] =	ssyncset.done $0x0  }
0xdd: {  	s13 =	sor.u32 $0x14800, s0;
	[sflag:s29] =	ssyncadd.s32 $0xFFFFC000  }
0xde: {  	[spmem:s2] =	stream.indirect.scatter.add.f32 [tilespmem:s21], [sflag:$0x4], $0x80, s13, s26, $0xb8;
	[tilespmem:$0x1D000] =	vst v63  }
0xdf: {  	_ =	swait.ge [sflag:s22], $0x4000  }
0xe0: {  	[sflag:s22] =	ssyncset.done $0x0  }
0xe1: {  	s14 =	sor.u32 $0x14100, s0;
	[sflag:s22] =	ssyncadd.s32 $0xFFFFC000  }
0xe2: {  	[tilespmem:s21], [sflag:$0x1] =	stream.indirect.gather [hbm4b:s4+s26], $0x80, s14, s26, $0xb8;
	[tilespmem:$0x1D000] =	vst v63  }
0xe3: {  	_ =	swait.ge [sflag:s30], $0x4000  }
0xe4: {  	[sflag:s30] =	ssyncset.done $0x0  }
0xe5: {  	s15 =	sor.u32 $0x14880, s0;
	[sflag:s30] =	ssyncadd.s32 $0xFFFFC000  }
0xe6: {  	[spmem:s2] =	stream.indirect.scatter.add.f32 [tilespmem:s28], [sflag:$0x4], $0x80, s15, s26, $0xb8;
	[tilespmem:$0x1D000] =	vst v63  }
0xe7: {  	_ =	swait.ge [sflag:s22], $0x4000  }
0xe8: {  	[sflag:s22] =	ssyncset.done $0x0  }
0xe9: {  	s24 =	sor.u32 $0x14180, s0;
	[sflag:s22] =	ssyncadd.s32 $0xFFFFC000  }
0xea: {  	[tilespmem:s28], [sflag:$0x2] =	stream.indirect.gather [hbm4b:s4+s26], $0x80, s24, s26, $0xb8;
	[tilespmem:$0x1D000] =	vst v63  }
0xeb: {  	_ =	swait.ge [sflag:s29], $0x4000  }
0xec: {  	[sflag:s29] =	ssyncset.done $0x0  }
0xed: {  	s11 =	sor.u32 $0x14900, s0;
	[sflag:s29] =	ssyncadd.s32 $0xFFFFC000  }
0xee: {  	[spmem:s2] =	stream.indirect.scatter.add.f32 [tilespmem:s21], [sflag:$0x4], $0x80, s11, s26, $0xb8;
	[tilespmem:$0x1D000] =	vst v63  }
0xef: {  	_ =	swait.ge [sflag:s22], $0x4000  }
0xf0: {  	[sflag:s22] =	ssyncset.done $0x0  }
0xf1: {  	s12 =	sor.u32 $0x14200, s0;
	[sflag:s22] =	ssyncadd.s32 $0xFFFFC000  }
0xf2: {  	[tilespmem:s21], [sflag:$0x1] =	stream.indirect.gather [hbm4b:s4+s26], $0x80, s12, s26, $0xb8;
	[tilespmem:$0x1D000] =	vst v63  }
0xf3: {  	_ =	swait.ge [sflag:s30], $0x4000  }
0xf4: {  	[sflag:s30] =	ssyncset.done $0x0  }
0xf5: {  	s13 =	sor.u32 $0x14980, s0;
	[sflag:s30] =	ssyncadd.s32 $0xFFFFC000  }
0xf6: {  	[spmem:s2] =	stream.indirect.scatter.add.f32 [tilespmem:s28], [sflag:$0x4], $0x80, s13, s26, $0xb8;
	[tilespmem:$0x1D000] =	vst v63  }
0xf7: {  	_ =	swait.ge [sflag:s22], $0x4000  }
0xf8: {  	[sflag:s22] =	ssyncset.done $0x0  }
0xf9: {  	s14 =	sor.u32 $0x14280, s0;
	[sflag:s22] =	ssyncadd.s32 $0xFFFFC000  }
0xfa: {  	[tilespmem:s28], [sflag:$0x2] =	stream.indirect.gather [hbm4b:s4+s26], $0x80, s14, s26, $0xb8;
	[tilespmem:$0x1D000] =	vst v63  }
0xfb: {  	_ =	swait.ge [sflag:s29], $0x4000  }
0xfc: {  	[sflag:s29] =	ssyncset.done $0x0  }
0xfd: {  	s15 =	sor.u32 $0x14A00, s0;
	[sflag:s29] =	ssyncadd.s32 $0xFFFFC000  }
0xfe: {  	[spmem:s2] =	stream.indirect.scatter.add.f32 [tilespmem:s21], [sflag:$0x4], $0x80, s15, s26, $0xb8;
	[tilespmem:$0x1D000] =	vst v63  }
0xff: {  	_ =	swait.ge [sflag:s22], $0x4000  }
0x100: {  	[sflag:s22] =	ssyncset.done $0x0  }
0x101: {  	s24 =	sor.u32 $0x14300, s0;
	[sflag:s22] =	ssyncadd.s32 $0xFFFFC000  }
0x102: {  	[tilespmem:s21], [sflag:$0x1] =	stream.indirect.gather [hbm4b:s4+s26], $0x80, s24, s26, $0xb8;
	[tilespmem:$0x1D000] =	vst v63  }
0x103: {  	_ =	swait.ge [sflag:s30], $0x4000  }
0x104: {  	[sflag:s30] =	ssyncset.done $0x0  }
0x105: {  	s11 =	sor.u32 $0x14A80, s0;
	[sflag:s30] =	ssyncadd.s32 $0xFFFFC000  }
0x106: {  	[spmem:s2] =	stream.indirect.scatter.add.f32 [tilespmem:s28], [sflag:$0x4], $0x80, s11, s26, $0xb8;
	[tilespmem:$0x1D000] =	vst v63  }
0x107: {  	_ =	swait.ge [sflag:s22], $0x4000  }
0x108: {  	[sflag:s22] =	ssyncset.done $0x0  }
0x109: {  	s12 =	sor.u32 $0x14380, s0;
	[sflag:s22] =	ssyncadd.s32 $0xFFFFC000  }
0x10a: {  	[tilespmem:s28], [sflag:$0x2] =	stream.indirect.gather [hbm4b:s4+s26], $0x80, s12, s26, $0xb8;
	[tilespmem:$0x1D000] =	vst v63  }
0x10b: {  	_ =	swait.ge [sflag:s29], $0x4000  }
0x10c: {  	[sflag:s29] =	ssyncset.done $0x0  }
0x10d: {  	s13 =	sor.u32 $0x14B00, s0;
	[sflag:s29] =	ssyncadd.s32 $0xFFFFC000  }
0x10e: {  	[spmem:s2] =	stream.indirect.scatter.add.f32 [tilespmem:s21], [sflag:$0x4], $0x80, s13, s26, $0xb8;
	[tilespmem:$0x1D000] =	vst v63  }
0x10f: {  	_ =	swait.ge [sflag:s22], $0x4000  }
0x110: {  	[sflag:s22] =	ssyncset.done $0x0  }
0x111: {  	s1 =	simm.s32 @!p0 $0x3;
	[sflag:s22] =	ssyncadd.s32 $0xFFFFC000  }
0x112: {  	_ =	swait.ge @!p0 [sflag:s1], $0x400  }
0x113: {  	[sflag:s1] =	ssyncset.done @!p0 $0x0  }
0x114: {  	[sflag:s1] =	ssyncadd.s32 @!p0 $0xFFFFFC00  }
0x115: {  	_ =	swait.ge @!p0 [sflag:s1], $0x400  }
0x116: {  	[sflag:s1] =	ssyncset.done @!p0 $0x0  }
0x117: {  	s11 =	simm.s32 @!p0 $0x15000;
	[sflag:s1] =	ssyncadd.s32 @!p0 $0xFFFFFC00;
	s1 =	simm.s32 @!p0 $0x80  }
0x118: {  	[tilespmem:s11], [sflag:$0x1] =	stream.indirect.gather @!p0 [hbm4b:s4+s1], $0x80, s5, s1, $0xb8;
	[tilespmem:$0x1D000] =	vst v63  }
0x119: {  	_ =	swait.ge [sflag:s30], $0x4000  }
0x11a: {  	s0 =	sor.u32 $0x380, s0;
	[sflag:s30] =	ssyncset.done $0x0  }
0x11b: {  	s0 =	sor.u32 $0x14800, s0;
	[sflag:s30] =	ssyncadd.s32 $0xFFFFC000  }
0x11c: {  	[spmem:s2] =	stream.indirect.scatter.add.f32 [tilespmem:s28], [sflag:$0x4], $0x80, s0, s26, $0xb8;
	[tilespmem:$0x1D000] =	vst v63  }
0x11d: {  	_ =	swait.ge [sflag:s22], $0x4000  }
0x11e: {  	[sflag:s22] =	ssyncset.done $0x0  }
0x11f: {  	[sflag:s22] =	ssyncadd.s32 $0xFFFFC000  }
0x120: {  	[bflag:$0x0] =	sbarrier.arrive $0xFFFF  }
0x121: {  	[tilespmem:s21], [sflag:$0x4] =	stream.linear.gather [spmem:s6], $0x4000, $0x38;
	[tilespmem:$0x1D000] =	vst v63  }
0x122: {  	_ =	swait.ge [sflag:s22], $0x4000  }
0x123: {  	[sflag:s22] =	ssyncset.done $0x0  }
0x124: {  	[sflag:s22] =	ssyncadd.s32 $0xFFFFC000  }
0x125: {  	[tilespmem:s28], [sflag:$0x3] =	stream.linear.gather [spmem:s7], $0x4000, $0x38;
	[tilespmem:$0x1D000] =	vst v63  }
0x126: {  	s14 =	rddreg [dreg:$0x7]  }
0x127: {  	[hbm4b:s14+s3] =	stream.linear.scatter [tilespmem:s21], [sflag:$0x4], $0x4000, $0x38;
	[tilespmem:$0x1D000] =	vst v63  }
0x128: {  	_ =	swait.ge [sflag:s22], $0x4000  }
0x129: {  	[sflag:s22] =	ssyncset.done $0x0  }
0x12a: {  	[sflag:s22] =	ssyncadd.s32 $0xFFFFC000  }
0x12b: {  	_ =	swait.ge [sflag:s25], $0x4000  }
0x12c: {  	[sflag:s25] =	ssyncset.done $0x0  }
0x12d: {  	[sflag:s25] =	ssyncadd.s32 $0xFFFFC000  }
0x12e: {  	[tilespmem:s21], [sflag:$0x3] =	stream.linear.gather [spmem:s8], $0x4000, $0x38;
	[tilespmem:$0x1D000] =	vst v63  }
0x12f: {  	s15 =	rddreg [dreg:$0x8]  }
0x130: {  	[hbm4b:s15+s3] =	stream.linear.scatter [tilespmem:s28], [sflag:$0x4], $0x4000, $0x38;
	[tilespmem:$0x1D000] =	vst v63  }
0x131: {  	_ =	swait.ge [sflag:s22], $0x4000  }
0x132: {  	[sflag:s22] =	ssyncset.done $0x0  }
0x133: {  	[sflag:s22] =	ssyncadd.s32 $0xFFFFC000  }
0x134: {  	_ =	swait.ge [sflag:s25], $0x4000  }
0x135: {  	[sflag:s25] =	ssyncset.done $0x0  }
0x136: {  	[sflag:s25] =	ssyncadd.s32 $0xFFFFC000  }
0x137: {  	[tilespmem:s28], [sflag:$0x3] =	stream.linear.gather [spmem:s9], $0x4000, $0x38;
	[tilespmem:$0x1D000] =	vst v63  }
0x138: {  	s24 =	rddreg [dreg:$0x9]  }
0x139: {  	[hbm4b:s24+s3] =	stream.linear.scatter [tilespmem:s21], [sflag:$0x4], $0x4000, $0x38;
	[tilespmem:$0x1D000] =	vst v63  }
0x13a: {  	_ =	swait.ge [sflag:s22], $0x4000  }
0x13b: {  	[sflag:s22] =	ssyncset.done $0x0  }
0x13c: {  	[sflag:s22] =	ssyncadd.s32 $0xFFFFC000  }
0x13d: {  	_ =	swait.ge [sflag:s25], $0x4000  }
0x13e: {  	[sflag:s25] =	ssyncset.done $0x0  }
0x13f: {  	[sflag:s25] =	ssyncadd.s32 $0xFFFFC000  }
0x140: {  	[tilespmem:s21], [sflag:$0x3] =	stream.linear.gather [spmem:s10], $0x4000, $0x38;
	[tilespmem:$0x1D000] =	vst v63  }
0x141: {  	_ = 	snop  }
0x142: {  	[hbm4b:s16+s3] =	stream.linear.scatter [tilespmem:s28], [sflag:$0x4], $0x4000, $0x38;
	[tilespmem:$0x1D000] =	vst v63  }
0x143: {  	_ =	swait.ge [sflag:s22], $0x4000  }
0x144: {  	[sflag:s22] =	ssyncset.done $0x0  }
0x145: {  	[sflag:s22] =	ssyncadd.s32 $0xFFFFC000  }
0x146: {  	s31 =	sadd.s32 $0x1, s31;
	_ =	swait.ge [sflag:s25], $0x4000  }
0x147: {  	p0 =	sne.s32 s31, s18;
	[sflag:s25] =	ssyncset.done $0x0  }
.Ltmp1:
0x148: {  	[sflag:s25] =	ssyncadd.s32 $0xFFFFC000;
	(pc) =	sbr.rel @p0 .LBB2_1-.Ltmp1, $4  }
0x149: {  	[hbm4b:s17+s3] =	stream.linear.scatter [tilespmem:s21], [sflag:$0x4], $0x4000, $0x38;
	[tilespmem:$0x1D000] =	vst v63  }
0x14a: {  	_ =	swait.ge [sflag:s22], $0x4000  }
0x14b: {  	[sflag:s22] =	ssyncset.done $0x0  }
0x14c: {  	[sflag:s22] =	ssyncadd.s32 $0xFFFFC000  }
0x14d: {  	_ =	sfence.sel $0x180000  }
0x14e: {  	[bflag:$0x0] =	sbarrier.arrive $0xFFFF  }
0x14f: {  	_ =	strace $0x9000004A  }
0x150: {  	s0 =	stileid.u32;
	[bflag:$0x2] =	sbarrier.arrive $0xFFFF  }
0x151: {  	p0 =	sne.s32 s0, $0x0;
	s0 =	rddreg [dreg:$0x3]  }
0x152: {  	s0 =	sadd.s32 @!p0 $0x100000, s0  }
0x153: {  	[sflag:s0] =	ssyncadd.tile.s32 @!p0 $0x1;
	_ =	shalt  }
.Lfunc_end2:
_tile_overlayer_lowered:
.L_overlay_start_2:
0x154: {  	(tag) =	ssettag $0x2  }
0x155: {  	s0 =	rddreg [dreg:$0x0];
	s2 =	stileid.u32  }
0x156: {  	s1 =	rddreg [dreg:$0x1];
	p0 =	sne.s32 s2, $0x0  }
0x157: {  	s3 =	rddreg [dreg:$0x2];
	[bflag:$0x3] =	sbarrier.arrive $0xFFFF;
	s2 =	simm.s32 @!p0 $0x1C04  }
0x158: {  	[timem:s3], [sflag:s2] =	dma.local @!p0 [hbm:s0], s1  }
0x159: {  	s0 =	simm.s32 @!p0 $0x4  }
0x15a: {  	_ =	swait.ge @!p0 [sflag:s0], s1  }
0x15b: {  	s1 =	ssub.s32 @!p0 $0x0, s1;
	[sflag:s0] =	ssyncset.done @!p0 $0x0  }
0x15c: {  	[sflag:s0] =	ssyncadd.s32 @!p0 s1  }
0x15d: {  	[bflag:$0x3] =	sbarrier.arrive $0xFFFF  }
0x15e: {  	_ =	shalt  }

// kernel: kernel.15.cloned.1.call-start
scs
__scs_entry_jumppad:
0x0: {  	(pc) =	sbr.rel $0x88, $3  }
0x1: {  	(tag) =	ssettag $0x0;
	lr =	simm.s32 $0x1  }
0x2: {  	[smem:$0x3F98] =	sst lr;
	_ =	strace $0xD0000000  }
0x3: {  	_ = 	snop  }
0x4: {  	_ = 	snop  }
0x5: {  	_ = 	snop  }
0x6: {  	_ = 	snop  }
0x7: {  	_ = 	snop  }
__scs_overlays_trampoline_lowered:
0x8: {  	[smem:$0x3FA7] =	sst s0  }
0x9: {  	[smem:$0x3FA8] =	sst s1  }
0xa: {  	[smem:$0x3FA9] =	sst s2  }
0xb: {  	[smem:$0x3FAA] =	sst s3  }
0xc: {  	[smem:$0x3FAB] =	sst s4  }
0xd: {  	[smem:$0x3FAC] =	sst s5  }
0xe: {  	[smem:$0x3FAD] =	sst s6  }
0xf: {  	[smem:$0x3FAE] =	sst s7  }
0x10: {  	[smem:$0x3FAF] =	sst s8  }
0x11: {  	[smem:$0x3FB0] =	sst s9;
	s0 =	simm.s32 @!p0 $0x0  }
0x12: {  	s1 =	sld [smem:$0x3F96];
	s0 =	simm.s32 @p0 $0x1  }
0x13: {  	[smem:$0x3FB1] =	sst s0;
	s0 =	simm.s32 @!p1 $0x0  }
0x14: {  	s2 =	sld [smem:$0x3F95];
	s0 =	simm.s32 @p1 $0x1  }
0x15: {  	[smem:$0x3FB2] =	sst s0;
	s0 =	simm.s32 @!p2 $0x0  }
0x16: {  	s3 =	sld [smem:$0x3FDB];
	s0 =	simm.s32 @p2 $0x1  }
0x17: {  	s4 =	simm.s32 $0x1BF5;
	[smem:$0x3FB4] =	sst s0  }
0x18: {  	s0 =	sld [smem:$0x3F97];
	_ =	swait.ge [sflag:s4], $0x0  }
0x19: {  	s7 =	sld [smem:$0x3F98]  }
0x1a: {  	s8 =	sadd.s32 $0xFFFFE003, lr  }
0x1b: {  	s9 =	sadd.s32 $0xFFFFFEF7, lr;
	s5 =	simm.s32 $0xFFFFFFFF;
	p2 =	slt.u32 s8, $0xFFFFF086  }
0x1c: {  	p1 =	slt.u32 s9, $0xF7A;
	s5 =	simm.s32 @!p2 $0x0  }
0x1d: {  	s5 =	simm.s32 @p1 $0x1;
	p0 =	seq.s32 s7, s2  }
0x1e: {  	s7 =	smul.u32 @!p0 $0xF7A, s2;
	p2 =	seq.s32 @!p0 s5, $0x0  }
0x1f: {  	s9 =	smul.u32 $0xF7A, s1;
	s8 =	simm.s32 @!p0 $0x1BF5;
	p2 =	por !p2, p0  }
0x20: {  	[sflag:s8] =	ssyncset.s32 @!p0 $0xFFFFF086;
	s6 =	sadd.s32 @!p0 s3, s7;
	s7 =	simm.s32 @!p0 $0x108  }
0x21: {  	s3 =	sadd.s32 s3, s9;
	s6 =	sadd.s32 @!p0 $0x88, s6;
	s7 =	simm.s32 @p2 $0x1082  }
0x22: {  	[simem:s7], [sflag:s8] =	dma.local @!p0 [hbm:s6], $0xF7A  }
0x23: {  	s9 =	sor.u32 $0xD0000000, s2;
	s6 =	simm.s32 $0x108;
	_ =	swait.ge @!p0 [sflag:s8], $0x0  }
0x24: {  	s3 =	sadd.s32 $0x88, s3;
	s6 =	simm.s32 @!p1 $0x1082;
	[sflag:s4] =	ssyncset.s32 $0xFFFFF086  }
0x25: {  	[simem:s6], [sflag:s4] =	dma.local [hbm:s3], $0xF7A  }
0x26: {  	[smem:$0x3F98] =	sst s1;
	(tag) =	ssettag s2;
	_ =	strace s9  }
0x27: {  	s1 =	sld [smem:$0x3FA8]  }
0x28: {  	s2 =	sld [smem:$0x3FA9]  }
0x29: {  	s4 =	sld [smem:$0x3FAB]  }
0x2a: {  	p0 =	seq.s32 s5, $0x0;
	s5 =	sld [smem:$0x3FAC]  }
0x2b: {  	s6 =	sld [smem:$0x3FAD]  }
0x2c: {  	s7 =	sld [smem:$0x3FAE]  }
0x2d: {  	s3 =	simm.s32 $0x108;
	s8 =	sld [smem:$0x3FAF]  }
0x2e: {  	s3 =	simm.s32 @!p0 $0x1082;
	s9 =	sld [smem:$0x3FB0]  }
0x2f: {  	lr =	sadd.s32 s0, s3;
	s0 =	sld [smem:$0x3FA7]  }
0x30: {  	s3 =	sld [smem:$0x3FAA]  }
0x31: {  	[smem:$0x3FB3] =	sst s10  }
0x32: {  	s10 =	sld [smem:$0x3FB1];
	_ =	sdelay $0x3  }
0x33: {  	p0 =	seq.s32 s10, $0x1;
	s10 =	sld [smem:$0x3FB3];
	_ =	sdelay $0x3  }
0x34: {  	[smem:$0x3FB3] =	sst s10  }
0x35: {  	s10 =	sld [smem:$0x3FB2];
	_ =	sdelay $0x3  }
0x36: {  	p1 =	seq.s32 s10, $0x1;
	s10 =	sld [smem:$0x3FB3];
	_ =	sdelay $0x3  }
0x37: {  	[smem:$0x3FB3] =	sst s10  }
0x38: {  	s10 =	sld [smem:$0x3FB4]  }
0x39: {  	_ = 	snop;
	(pc) =	sbr.ind lr, $3  }
0x3a: {  	_ = 	snop  }
0x3b: {  	_ = 	snop  }
0x3c: {  	p2 =	seq.s32 s10, $0x1;
	s10 =	sld [smem:$0x3FB3]  }
0x3d: {  	_ =	shalt  }
0x3e: {  	_ =	shalt  }
0x3f: {  	_ =	shalt  }
0x40: {  	_ =	shalt  }
0x41: {  	_ =	shalt  }
0x42: {  	_ =	shalt  }
0x43: {  	_ =	shalt  }
0x44: {  	_ =	shalt  }
0x45: {  	_ =	shalt  }
0x46: {  	_ =	shalt  }
0x47: {  	_ =	shalt  }
0x48: {  	_ =	shalt  }
0x49: {  	_ =	shalt  }
0x4a: {  	_ =	shalt  }
0x4b: {  	_ =	shalt  }
0x4c: {  	_ =	shalt  }
0x4d: {  	_ =	shalt  }
0x4e: {  	_ =	shalt  }
0x4f: {  	_ =	shalt  }
0x50: {  	_ =	shalt  }
0x51: {  	_ =	shalt  }
0x52: {  	_ =	shalt  }
0x53: {  	_ =	shalt  }
0x54: {  	_ =	shalt  }
0x55: {  	_ =	shalt  }
0x56: {  	_ =	shalt  }
0x57: {  	_ =	shalt  }
0x58: {  	_ =	shalt  }
0x59: {  	_ =	shalt  }
0x5a: {  	_ =	shalt  }
0x5b: {  	_ =	shalt  }
0x5c: {  	_ =	shalt  }
0x5d: {  	_ =	shalt  }
0x5e: {  	_ =	shalt  }
0x5f: {  	_ =	shalt  }
0x60: {  	_ =	shalt  }
0x61: {  	_ =	shalt  }
0x62: {  	_ =	shalt  }
0x63: {  	_ =	shalt  }
0x64: {  	_ =	shalt  }
0x65: {  	_ =	shalt  }
0x66: {  	_ =	shalt  }
0x67: {  	_ =	shalt  }
0x68: {  	_ =	shalt  }
0x69: {  	_ =	shalt  }
0x6a: {  	_ =	shalt  }
0x6b: {  	_ =	shalt  }
0x6c: {  	_ =	shalt  }
0x6d: {  	_ =	shalt  }
0x6e: {  	_ =	shalt  }
0x6f: {  	_ =	shalt  }
0x70: {  	_ =	shalt  }
0x71: {  	_ =	shalt  }
0x72: {  	_ =	shalt  }
0x73: {  	_ =	shalt  }
0x74: {  	_ =	shalt  }
0x75: {  	_ =	shalt  }
0x76: {  	_ =	shalt  }
0x77: {  	_ =	shalt  }
0x78: {  	_ =	shalt  }
0x79: {  	_ =	shalt  }
0x7a: {  	_ =	shalt  }
0x7b: {  	_ =	shalt  }
0x7c: {  	_ =	shalt  }
0x7d: {  	_ =	shalt  }
0x7e: {  	_ =	shalt  }
0x7f: {  	_ =	shalt  }
0x80: {  	_ =	shalt  }
0x81: {  	_ =	shalt  }
0x82: {  	_ =	shalt  }
0x83: {  	_ =	shalt  }
0x84: {  	_ =	shalt  }
0x85: {  	_ =	shalt  }
0x86: {  	_ =	shalt  }
0x87: {  	_ =	shalt  }
.Lfunc_end0:
.L_simem_size_0:
called_computation.2_lowered:
.L_overlay_start_0:
0x88: {  	s2 =	sld [smem:$0x3FD9]  }
0x89: {  	s3 =	sld [smem:$0x3FFE];
	_ =	sdelay $0x1  }
0x8a: {  	s1 =	srdreg.scid  }
0x8b: {  	s0 =	sand.u32 $0x1, s1  }
0x8c: {  	s17 =	sshll.u32 s0, $0xA;
	s2 =	sadd.s32 s3, s2  }
0x8d: {  	s2 =	sadd.s32 s2, s17  }
0x8e: {  	[smem:$0x3FBF] =	sst s2  }
0x8f: {  	_ = 	snop  }
0x90: {  	s2 =	sld [smem:$0x3FD0];
	(tm) =	ssettm $0x1  }
0x91: {  	s18 =	sld [smem:$0x3FFB];
	_ =	sdelay $0x3  }
0x92: {  	_ =	strace s18  }
0x93: {  	s3 =	sld [smem:$0x3FFC];
	_ =	sdelay $0x3  }
0x94: {  	_ =	strace s3  }
0x95: {  	s3 =	sld [smem:$0x3FFD];
	_ =	sdelay $0x3  }
0x96: {  	_ =	strace s3  }
0x97: {  	_ =	strace $0x8FFFFFFF  }
0x98: {  	s19 =	sld [smem:$0x3FDB];
	_ =	sdelay $0x1  }
0x99: {  	s4 =	simm.s32 $_scs_section_size  }
0x9a: {  	s5 =	simm.s32 $_size__tile_overlayer_lowered;
	s6 =	simm.s32 $_tile_overlayer_lowered  }
0x9b: {  	s22 =	simm.s32 $0x1BFF;
	s21 =	sshll.u32 s6, $0x1;
	s3 =	sadd.s32 s4, s19  }
0x9c: {  	s7 =	simm.s32 $0x0;
	s20 =	sshll.u32 s5, $0x1;
	s5 =	sadd.s32 s21, s3  }
0x9d: {  	[timem:s7], [sflag:s22] =	dma.local [hbm:s5], s20  }
0x9e: {  	_ =	swait.ge [sflag:s22], s20  }
0x9f: {  	s4 =	ssub.s32 $0x0, s20;
	[sflag:s22] =	ssyncset.done $0x0  }
0xa0: {  	[sflag:s22] =	ssyncadd.s32 s4;
	_ =	sdelay $0x1  }
0xa1: {  	s23 =	simm.s32 $0x1B8B  }
0xa2: {  	_ =	swait.ge [sflag:s23], $0x1  }
0xa3: {  	[sflag:s23] =	ssyncset.done $0x0  }
0xa4: {  	s25 =	simm.s32 $0x1B8E;
	s24 =	sld [smem:$0x3FFE];
	[sflag:s23] =	ssyncadd.s32 $0xFFFFFFFF  }
0xa5: {  	s26 =	simm.s32 $execute0_lowered;
	[smem:$0x3FD2] =	sst s25  }
0xa6: {  	s5 =	sshll.u32 s26, $0x1;
	_ =	strace $0x8000004C;
	[dreg:$0x1] =	wrdreg $0xFFFFFFFF  }
0xa7: {  	s28 =	simm.s32 $_size_execute0_lowered;
	s3 =	sadd.s32 s3, s5;
	[dreg:$0x0] =	wrdreg $0x0  }
0xa8: {  	s5 =	sshll.u32 s28, $0x1;
	[dreg:$0x2] =	wrdreg s3  }
0xa9: {  	[dreg:$0x3] =	wrdreg s5  }
0xaa: {  	[dreg:$0x4] =	wrdreg $0xC0  }
0xab: {  	_ =	task [dreg:s7], $0x5FFFF  }
0xac: {  	[dreg:$0x1] =	wrdreg $0xFFFFFFFF  }
0xad: {  	[dreg:$0x0] =	wrdreg $0x60  }
0xae: {  	[dreg:$0x2] =	wrdreg s24  }
0xaf: {  	[dreg:$0x3] =	wrdreg s2  }
0xb0: {  	[dreg:$0x4] =	wrdreg $0x0  }
0xb1: {  	[dreg:$0x5] =	wrdreg $0x9  }
0xb2: {  	_ =	task.clear_ibuf [dreg:s7], $0x6FFFF;
	_ =	strace $0x9000004C  }
0xb3: {  	s29 =	simm.s32 $0x9;
	_ =	strace $0x8000004E  }
0xb4: {  	_ =	swait.ge [sflag:s29], $0x1  }
0xb5: {  	[sflag:s29] =	ssyncadd.s32 $0xFFFFFFFF  }
0xb6: {  	_ =	strace $0x9000004E  }
0xb7: {  	_ =	sfence  }
0xb8: {  	s30 =	sld [smem:$0x0];
	_ =	sdelay $0x2  }
0xb9: {  	s31 =	sshll.u32 s1, $0xD;
	s1 =	sshrl.u32 s1, $0x2  }
0xba: {  	s3 =	sand.u32 $0x4000, s31;
	s1 =	sadd.s32 s1, s30  }
0xbb: {  	s0 =	sor.u32 s3, s0;
	s1 =	sshll.u32 s1, $0x11  }
0xbc: {  	s0 =	sor.u32 s1, s0  }
0xbd: {  	s0 =	sadd.s32 $0x8F2B, s0  }
0xbe: {  	[sflag:s0] =	ssyncadd.remote.s32 $0x1  }
0xbf: {  	_ =	sfence.sel $0xFFFF  }
0xc0: {  	[dreg:$0x0] =	wrdreg $0xFFFFFFFF;
	(pc) =	sbr.abs _section_cstart, $3  }
0xc1: {  	[dreg:$0x1] =	wrdreg $0xFFFFFFFF  }
0xc2: {  	_ =	task.clear_ibuf [dreg:s7], $0x2FFFF;
	_ =	strace $0x9FFFFFFF  }
0xc3: {  	(tm) =	ssettm $0x7FFFFFFF  }
tec
execute0_lowered:
.L_overlay_start_1:
0x0: {  	(tag) =	ssettag $0x1  }
0x1: {  	s0 =	rddreg [dreg:$0x0]  }
0x2: {  	s2 =	rddreg [dreg:$0x2]  }
0x3: {  	s4 =	simm.s32 $0x0;
	s16 =	stileid.u32;
	s3 =	srdreg.scid  }
0x4: {  	s21 =	simm.s32 $0x7400;
	s28 =	simm.s32 $0x8800;
	s29 =	simm.s32 $0x1  }
0x5: {  	s30 =	simm.s32 $0x2;
	s31 =	simm.s32 $0x0;
	[smem:$0x7FF] =	sst s4  }
0x6: {  	s5 =	sadd.s32 $0x20800, s0;
	s1 =	sadd.s32 $0xC800, s0;
	s6 =	smul.u32 $0x280, s16  }
0x7: {  	s11 =	sadd.s32 $0x16800, s0;
	s3 =	sand.u32 $0x1, s3;
	s7 =	smul.u32 $0x19000, s16  }
0x8: {  	s0 =	sadd.s32 $0x2D000, s0;
	_ =	strace $0x8000004D;
	s10 =	smul.u32 $0x2800, s3  }
0x9: {  	s8 =	ssub.s32 $0x2, s3;
	s9 =	sshll.u32 s3, $0x4;
	s3 =	smul.u32 $0x28000, s3  }
0xa: {  	s12 =	sshrl.u32 s8, $0x1;
	s9 =	sor.u32 s16, s9;
	s16 =	smul.u32 $0x2800, s16  }
0xb: {  	s7 =	sshrl.u32 s7, $0x2;
	s13 =	smul.u32 $0x2800, s9;
	s22 =	sadd.s32 s6, s10  }
0xc: {  	s12 =	ssub.s32 s8, s12;
	s6 =	sadd.s32 s7, s2;
	s14 =	smul.u32 $0x5, s22  }
0xd: {  	s7 =	sadd.s32 $0x1400, s6;
	s8 =	sadd.s32 $0x2800, s6;
	s15 =	smul.u32 $0x28, s22  }
0xe: {  	s9 =	sadd.s32 $0x3C00, s6;
	s10 =	sadd.s32 $0x5000, s6;
	s13 =	sshrl.u32 s13, $0x3  }
0xf: {  	s25 =	sadd.s32 s16, s3;
	s18 =	smax.u32 s12, $0x1;
	s17 =	sadd.s32 s1, s13  }
0x10: {  	s15 =	sshrl.u32 s15, $0x3;
	s13 =	sadd.s32 s11, s13;
	[dreg:$0x4] =	wrdreg s17  }
0x11: {  	[dreg:$0x5] =	wrdreg s13;
	s23 =	sadd.s32 s0, s15;
	s0 =	sadd.s32 s0, s14  }
0x12: {  	s22 =	simm.s32 $0x4;
	[dreg:$0x6] =	wrdreg s0;
	s24 =	sadd.s32 $0x280, s23  }
0x13: {  	s26 =	sadd.s32 $0x500, s23;
	s16 =	sadd.s32 $0x780, s23;
	s0 =	sor.u32 $0x400, s25  }
0x14: {  	s17 =	sadd.s32 $0xA00, s23;
	s23 =	simm.s32 $0x6400;
	[dreg:$0x7] =	wrdreg s24  }
0x15: {  	s25 =	simm.s32 $0x3;
	[dreg:$0x8] =	wrdreg s26;
	s0 =	sshrl.u32 s0, $0x3  }
0x16: {  	s26 =	simm.s32 $0x80;
	s19 =	sadd.s32 s0, s11;
	s20 =	sadd.s32 s0, s1  }
.LBB2_1:
0x17: {  	s0 =	rddreg [dreg:$0x1]  }
0x18: {  	[tilespmem:s21], [sflag:$0x4] =	stream.linear.gather [hbm4b:s0+s4], $0x1400, $0x38;
	[tilespmem:$0x9C00] =	vst v63  }
0x19: {  	_ =	swait.ge [sflag:s22], $0x1400  }
0x1a: {  	[sflag:s22] =	ssyncset.done $0x0  }
0x1b: {  	[sflag:s22] =	ssyncadd.s32 $0xFFFFEC00  }
0x1c: {  	[spmem:s6] =	stream.linear.scatter [tilespmem:s21], [sflag:$0x3], $0x1400, $0x38;
	[tilespmem:$0x9C00] =	vst v63  }
0x1d: {  	_ = 	snop  }
0x1e: {  	[spmem:s7] =	stream.linear.scatter [tilespmem:s21], [sflag:$0x3], $0x1400, $0x38;
	[tilespmem:$0x9C00] =	vst v63  }
0x1f: {  	_ = 	snop  }
0x20: {  	[spmem:s8] =	stream.linear.scatter [tilespmem:s21], [sflag:$0x3], $0x1400, $0x38;
	[tilespmem:$0x9C00] =	vst v63  }
0x21: {  	_ = 	snop  }
0x22: {  	[spmem:s9] =	stream.linear.scatter [tilespmem:s21], [sflag:$0x3], $0x1400, $0x38;
	[tilespmem:$0x9C00] =	vst v63  }
0x23: {  	_ = 	snop  }
0x24: {  	[spmem:s10] =	stream.linear.scatter [tilespmem:s21], [sflag:$0x3], $0x1400, $0x38;
	[tilespmem:$0x9C00] =	vst v63  }
0x25: {  	s15 =	rddreg [dreg:$0x4]  }
0x26: {  	[tilespmem:s23], [sflag:$0x4] =	stream.linear.gather [hbm4b:s15+s4], $0x400, $0x38;
	[tilespmem:$0x9C00] =	vst v63  }
0x27: {  	_ =	swait.ge [sflag:s22], $0x400  }
0x28: {  	[sflag:s22] =	ssyncset.done $0x0  }
0x29: {  	s1 =	simm.s32 $0x6C00;
	s24 =	rddreg [dreg:$0x5];
	[sflag:s22] =	ssyncadd.s32 $0xFFFFFC00  }
0x2a: {  	[tilespmem:s1], [sflag:$0x4] =	stream.linear.gather [hbm4b:s24+s4], $0x400, $0x38;
	[tilespmem:$0x9C00] =	vst v63  }
0x2b: {  	_ =	swait.ge [sflag:s22], $0x400  }
0x2c: {  	[sflag:s22] =	ssyncset.done $0x0  }
0x2d: {  	[sflag:s22] =	ssyncadd.s32 $0xFFFFFC00  }
0x2e: {  	_ =	swait.ge [sflag:s25], $0x1400  }
0x2f: {  	[sflag:s25] =	ssyncset.done $0x0  }
0x30: {  	[sflag:s25] =	ssyncadd.s32 $0xFFFFEC00  }
0x31: {  	_ =	swait.ge [sflag:s25], $0x1400  }
0x32: {  	[sflag:s25] =	ssyncset.done $0x0  }
0x33: {  	[sflag:s25] =	ssyncadd.s32 $0xFFFFEC00  }
0x34: {  	_ =	swait.ge [sflag:s25], $0x1400  }
0x35: {  	[sflag:s25] =	ssyncset.done $0x0  }
0x36: {  	[sflag:s25] =	ssyncadd.s32 $0xFFFFEC00  }
0x37: {  	_ =	swait.ge [sflag:s25], $0x1400  }
0x38: {  	[sflag:s25] =	ssyncset.done $0x0  }
0x39: {  	[sflag:s25] =	ssyncadd.s32 $0xFFFFEC00  }
0x3a: {  	_ =	swait.ge [sflag:s25], $0x1400  }
0x3b: {  	s3 =	sand.u32 $0x1, s4;
	[sflag:s25] =	ssyncset.done $0x0  }
0x3c: {  	p0 =	por $0x0, $0x0;
	s0 =	sxor.u32 $0x1, s3;
	[sflag:s25] =	ssyncadd.s32 $0xFFFFEC00  }
0x3d: {  	s11 =	sshll.u32 @!p0 s0, $0xA;
	[bflag:$0x0] =	sbarrier.arrive $0xFFFF  }
0x3e: {  	[tilespmem:s21], [sflag:$0x1] =	stream.indirect.gather [hbm4b:s5+s26], $0x28, s23, s26, $0xb8;
	[tilespmem:$0x9C00] =	vst v63  }
0x3f: {  	s12 =	simm.s32 @!p0 $0x0;
	s0 =	sadd.s32 @!p0 $0x6400, s11  }
0x40: {  	[tilespmem:s0], [sflag:$0x3] =	stream.linear.gather @!p0 [hbm4b:s20+s12], $0x400, $0x38;
	[tilespmem:$0x9C00] =	vst v63  }
0x41: {  	s3 =	sshll.u32 s3, $0xA;
	s1 =	sadd.s32 @!p0 $0x6C00, s11  }
0x42: {  	[tilespmem:s1], [sflag:$0x3] =	stream.linear.gather @!p0 [hbm4b:s19+s12], $0x400, $0x38;
	[tilespmem:$0x9C00] =	vst v63  }
0x43: {  	s12 =	sadd.s32 $0x6480, s3  }
0x44: {  	[tilespmem:s28], [sflag:$0x2] =	stream.indirect.gather [hbm4b:s5+s26], $0x28, s12, s26, $0xb8;
	[tilespmem:$0x9C00] =	vst v63  }
0x45: {  	_ =	swait.ge [sflag:s29], $0x1400  }
0x46: {  	[sflag:s29] =	ssyncset.done $0x0  }
0x47: {  	s13 =	sadd.s32 $0x6C00, s3;
	[sflag:s29] =	ssyncadd.s32 $0xFFFFEC00  }
0x48: {  	[spmem:s2] =	stream.indirect.scatter.add.f32 [tilespmem:s21], [sflag:$0x4], $0x28, s13, s26, $0xb8;
	[tilespmem:$0x9C00] =	vst v63  }
0x49: {  	_ =	swait.ge [sflag:s22], $0x1400  }
0x4a: {  	[sflag:s22] =	ssyncset.done $0x0  }
0x4b: {  	s14 =	sadd.s32 $0x6500, s3;
	[sflag:s22] =	ssyncadd.s32 $0xFFFFEC00  }
0x4c: {  	[tilespmem:s21], [sflag:$0x1] =	stream.indirect.gather [hbm4b:s5+s26], $0x28, s14, s26, $0xb8;
	[tilespmem:$0x9C00] =	vst v63  }
0x4d: {  	_ =	swait.ge [sflag:s30], $0x1400  }
0x4e: {  	[sflag:s30] =	ssyncset.done $0x0  }
0x4f: {  	s15 =	sadd.s32 $0x6C80, s3;
	[sflag:s30] =	ssyncadd.s32 $0xFFFFEC00  }
0x50: {  	[spmem:s2] =	stream.indirect.scatter.add.f32 [tilespmem:s28], [sflag:$0x4], $0x28, s15, s26, $0xb8;
	[tilespmem:$0x9C00] =	vst v63  }
0x51: {  	_ =	swait.ge [sflag:s22], $0x1400  }
0x52: {  	[sflag:s22] =	ssyncset.done $0x0  }
0x53: {  	s24 =	sadd.s32 $0x6580, s3;
	[sflag:s22] =	ssyncadd.s32 $0xFFFFEC00  }
0x54: {  	[tilespmem:s28], [sflag:$0x2] =	stream.indirect.gather [hbm4b:s5+s26], $0x28, s24, s26, $0xb8;
	[tilespmem:$0x9C00] =	vst v63  }
0x55: {  	_ =	swait.ge [sflag:s29], $0x1400  }
0x56: {  	[sflag:s29] =	ssyncset.done $0x0  }
0x57: {  	s11 =	sadd.s32 $0x6D00, s3;
	[sflag:s29] =	ssyncadd.s32 $0xFFFFEC00  }
0x58: {  	[spmem:s2] =	stream.indirect.scatter.add.f32 [tilespmem:s21], [sflag:$0x4], $0x28, s11, s26, $0xb8;
	[tilespmem:$0x9C00] =	vst v63  }
0x59: {  	_ =	swait.ge [sflag:s22], $0x1400  }
0x5a: {  	[sflag:s22] =	ssyncset.done $0x0  }
0x5b: {  	s12 =	sadd.s32 $0x6600, s3;
	[sflag:s22] =	ssyncadd.s32 $0xFFFFEC00  }
0x5c: {  	[tilespmem:s21], [sflag:$0x1] =	stream.indirect.gather [hbm4b:s5+s26], $0x28, s12, s26, $0xb8;
	[tilespmem:$0x9C00] =	vst v63  }
0x5d: {  	_ =	swait.ge [sflag:s30], $0x1400  }
0x5e: {  	[sflag:s30] =	ssyncset.done $0x0  }
0x5f: {  	s13 =	sadd.s32 $0x6D80, s3;
	[sflag:s30] =	ssyncadd.s32 $0xFFFFEC00  }
0x60: {  	[spmem:s2] =	stream.indirect.scatter.add.f32 [tilespmem:s28], [sflag:$0x4], $0x28, s13, s26, $0xb8;
	[tilespmem:$0x9C00] =	vst v63  }
0x61: {  	_ =	swait.ge [sflag:s22], $0x1400  }
0x62: {  	[sflag:s22] =	ssyncset.done $0x0  }
0x63: {  	s14 =	sadd.s32 $0x6680, s3;
	[sflag:s22] =	ssyncadd.s32 $0xFFFFEC00  }
0x64: {  	[tilespmem:s28], [sflag:$0x2] =	stream.indirect.gather [hbm4b:s5+s26], $0x28, s14, s26, $0xb8;
	[tilespmem:$0x9C00] =	vst v63  }
0x65: {  	_ =	swait.ge [sflag:s29], $0x1400  }
0x66: {  	[sflag:s29] =	ssyncset.done $0x0  }
0x67: {  	s15 =	sadd.s32 $0x6E00, s3;
	[sflag:s29] =	ssyncadd.s32 $0xFFFFEC00  }
0x68: {  	[spmem:s2] =	stream.indirect.scatter.add.f32 [tilespmem:s21], [sflag:$0x4], $0x28, s15, s26, $0xb8;
	[tilespmem:$0x9C00] =	vst v63  }
0x69: {  	_ =	swait.ge [sflag:s22], $0x1400  }
0x6a: {  	[sflag:s22] =	ssyncset.done $0x0  }
0x6b: {  	s24 =	sadd.s32 $0x6700, s3;
	[sflag:s22] =	ssyncadd.s32 $0xFFFFEC00  }
0x6c: {  	[tilespmem:s21], [sflag:$0x1] =	stream.indirect.gather [hbm4b:s5+s26], $0x28, s24, s26, $0xb8;
	[tilespmem:$0x9C00] =	vst v63  }
0x6d: {  	_ =	swait.ge [sflag:s30], $0x1400  }
0x6e: {  	[sflag:s30] =	ssyncset.done $0x0  }
0x6f: {  	s11 =	sadd.s32 $0x6E80, s3;
	[sflag:s30] =	ssyncadd.s32 $0xFFFFEC00  }
0x70: {  	[spmem:s2] =	stream.indirect.scatter.add.f32 [tilespmem:s28], [sflag:$0x4], $0x28, s11, s26, $0xb8;
	[tilespmem:$0x9C00] =	vst v63  }
0x71: {  	_ =	swait.ge [sflag:s22], $0x1400  }
0x72: {  	[sflag:s22] =	ssyncset.done $0x0  }
0x73: {  	s12 =	sadd.s32 $0x6780, s3;
	[sflag:s22] =	ssyncadd.s32 $0xFFFFEC00  }
0x74: {  	[tilespmem:s28], [sflag:$0x2] =	stream.indirect.gather [hbm4b:s5+s26], $0x28, s12, s26, $0xb8;
	[tilespmem:$0x9C00] =	vst v63  }
0x75: {  	_ =	swait.ge [sflag:s29], $0x1400  }
0x76: {  	[sflag:s29] =	ssyncset.done $0x0  }
0x77: {  	s13 =	sadd.s32 $0x6F00, s3;
	[sflag:s29] =	ssyncadd.s32 $0xFFFFEC00  }
0x78: {  	[spmem:s2] =	stream.indirect.scatter.add.f32 [tilespmem:s21], [sflag:$0x4], $0x28, s13, s26, $0xb8;
	[tilespmem:$0x9C00] =	vst v63  }
0x79: {  	_ =	swait.ge [sflag:s22], $0x1400  }
0x7a: {  	[sflag:s22] =	ssyncset.done $0x0  }
0x7b: {  	s1 =	simm.s32 @!p0 $0x3;
	[sflag:s22] =	ssyncadd.s32 $0xFFFFEC00  }
0x7c: {  	_ =	swait.ge @!p0 [sflag:s1], $0x400  }
0x7d: {  	[sflag:s1] =	ssyncset.done @!p0 $0x0  }
0x7e: {  	[sflag:s1] =	ssyncadd.s32 @!p0 $0xFFFFFC00  }
0x7f: {  	_ =	swait.ge @!p0 [sflag:s1], $0x400  }
0x80: {  	s14 =	simm.s32 $0x1;
	[sflag:s1] =	ssyncset.done @!p0 $0x0  }
0x81: {  	s12 =	simm.s32 @!p0 $0x7400;
	[sflag:s1] =	ssyncadd.s32 @!p0 $0xFFFFFC00;
	s1 =	simm.s32 @!p0 $0x80  }
0x82: {  	[tilespmem:s12], [sflag:$0x1] =	stream.indirect.gather @!p0 [hbm4b:s5+s1], $0x28, s0, s1, $0xb8;
	[tilespmem:$0x9C00] =	vst v63  }
0x83: {  	s15 =	sor.u32 $0x380, s3;
	s3 =	sadd.s32 $0x80, s19;
	_ =	swait.ge [sflag:s30], $0x1400  }
0x84: {  	s24 =	sadd.s32 $0x6C00, s15;
	s13 =	sand.u32 $0x1, s14;
	[sflag:s30] =	ssyncset.done $0x0  }
0x85: {  	s11 =	sxor.u32 $0x1, s13;
	s1 =	simm.s32 $0x2;
	[sflag:s30] =	ssyncadd.s32 $0xFFFFEC00  }
0x86: {  	[spmem:s2] =	stream.indirect.scatter.add.f32 [tilespmem:s28], [sflag:$0x4], $0x28, s24, s26, $0xb8;
	[tilespmem:$0x9C00] =	vst v63  }
0x87: {  	s0 =	sadd.s32 $0x80, s20;
	p0 =	por $0x0, $0x0;
	_ =	swait.ge [sflag:s22], $0x1400  }
0x88: {  	s11 =	sshll.u32 @!p0 s11, $0xA;
	s14 =	simm.s32 @!p0 $0x0;
	[sflag:s22] =	ssyncset.done $0x0  }
.LBB2_2:
0x89: {  	s12 =	sadd.s32 @!p0 $0x6400, s11  }
0x8a: {  	s13 =	sshll.u32 s13, $0xA;
	[sflag:s22] =	ssyncadd.s32 $0xFFFFEC00;
	s24 =	smov.u32 s1  }
0x8b: {  	[tilespmem:s12], [sflag:$0x3] =	stream.linear.gather @!p0 [hbm4b:s0+s14], $0x400, $0x38;
	[tilespmem:$0x9C00] =	vst v63  }
0x8c: {  	s1 =	sadd.s32 $0x1, s1;
	s15 =	sadd.s32 @!p0 $0x6C00, s11;
	s11 =	sor.u32 $0x380, s13  }
0x8d: {  	[tilespmem:s15], [sflag:$0x3] =	stream.linear.gather @!p0 [hbm4b:s3+s14], $0x400, $0x38;
	[tilespmem:$0x9C00] =	vst v63  }
0x8e: {  	p1 =	sne.s32 s1, $0xA;
	s14 =	sadd.s32 $0x6480, s13  }
0x8f: {  	[tilespmem:s28], [sflag:$0x2] =	stream.indirect.gather [hbm4b:s5+s26], $0x28, s14, s26, $0xb8;
	[tilespmem:$0x9C00] =	vst v63  }
0x90: {  	_ =	swait.ge [sflag:s29], $0x1400  }
0x91: {  	[sflag:s29] =	ssyncset.done $0x0  }
0x92: {  	s14 =	sadd.s32 $0x6C00, s13;
	[sflag:s29] =	ssyncadd.s32 $0xFFFFEC00  }
0x93: {  	[spmem:s2] =	stream.indirect.scatter.add.f32 [tilespmem:s21], [sflag:$0x4], $0x28, s14, s26, $0xb8;
	[tilespmem:$0x9C00] =	vst v63  }
0x94: {  	_ =	swait.ge [sflag:s22], $0x1400  }
0x95: {  	[sflag:s22] =	ssyncset.done $0x0  }
0x96: {  	s14 =	sadd.s32 $0x6500, s13;
	[sflag:s22] =	ssyncadd.s32 $0xFFFFEC00  }
0x97: {  	[tilespmem:s21], [sflag:$0x1] =	stream.indirect.gather [hbm4b:s5+s26], $0x28, s14, s26, $0xb8;
	[tilespmem:$0x9C00] =	vst v63  }
0x98: {  	_ =	swait.ge [sflag:s30], $0x1400  }
0x99: {  	[sflag:s30] =	ssyncset.done $0x0  }
0x9a: {  	s14 =	sadd.s32 $0x6C80, s13;
	[sflag:s30] =	ssyncadd.s32 $0xFFFFEC00  }
0x9b: {  	[spmem:s2] =	stream.indirect.scatter.add.f32 [tilespmem:s28], [sflag:$0x4], $0x28, s14, s26, $0xb8;
	[tilespmem:$0x9C00] =	vst v63  }
0x9c: {  	_ =	swait.ge [sflag:s22], $0x1400  }
0x9d: {  	[sflag:s22] =	ssyncset.done $0x0  }
0x9e: {  	s14 =	sadd.s32 $0x6580, s13;
	[sflag:s22] =	ssyncadd.s32 $0xFFFFEC00  }
0x9f: {  	[tilespmem:s28], [sflag:$0x2] =	stream.indirect.gather [hbm4b:s5+s26], $0x28, s14, s26, $0xb8;
	[tilespmem:$0x9C00] =	vst v63  }
0xa0: {  	_ =	swait.ge [sflag:s29], $0x1400  }
0xa1: {  	[sflag:s29] =	ssyncset.done $0x0  }
0xa2: {  	s14 =	sadd.s32 $0x6D00, s13;
	[sflag:s29] =	ssyncadd.s32 $0xFFFFEC00  }
0xa3: {  	[spmem:s2] =	stream.indirect.scatter.add.f32 [tilespmem:s21], [sflag:$0x4], $0x28, s14, s26, $0xb8;
	[tilespmem:$0x9C00] =	vst v63  }
0xa4: {  	_ =	swait.ge [sflag:s22], $0x1400  }
0xa5: {  	[sflag:s22] =	ssyncset.done $0x0  }
0xa6: {  	s14 =	sadd.s32 $0x6600, s13;
	[sflag:s22] =	ssyncadd.s32 $0xFFFFEC00  }
0xa7: {  	[tilespmem:s21], [sflag:$0x1] =	stream.indirect.gather [hbm4b:s5+s26], $0x28, s14, s26, $0xb8;
	[tilespmem:$0x9C00] =	vst v63  }
0xa8: {  	_ =	swait.ge [sflag:s30], $0x1400  }
0xa9: {  	[sflag:s30] =	ssyncset.done $0x0  }
0xaa: {  	s14 =	sadd.s32 $0x6D80, s13;
	[sflag:s30] =	ssyncadd.s32 $0xFFFFEC00  }
0xab: {  	[spmem:s2] =	stream.indirect.scatter.add.f32 [tilespmem:s28], [sflag:$0x4], $0x28, s14, s26, $0xb8;
	[tilespmem:$0x9C00] =	vst v63  }
0xac: {  	_ =	swait.ge [sflag:s22], $0x1400  }
0xad: {  	[sflag:s22] =	ssyncset.done $0x0  }
0xae: {  	s14 =	sadd.s32 $0x6680, s13;
	[sflag:s22] =	ssyncadd.s32 $0xFFFFEC00  }
0xaf: {  	[tilespmem:s28], [sflag:$0x2] =	stream.indirect.gather [hbm4b:s5+s26], $0x28, s14, s26, $0xb8;
	[tilespmem:$0x9C00] =	vst v63  }
0xb0: {  	_ =	swait.ge [sflag:s29], $0x1400  }
0xb1: {  	[sflag:s29] =	ssyncset.done $0x0  }
0xb2: {  	s14 =	sadd.s32 $0x6E00, s13;
	[sflag:s29] =	ssyncadd.s32 $0xFFFFEC00  }
0xb3: {  	[spmem:s2] =	stream.indirect.scatter.add.f32 [tilespmem:s21], [sflag:$0x4], $0x28, s14, s26, $0xb8;
	[tilespmem:$0x9C00] =	vst v63  }
0xb4: {  	_ =	swait.ge [sflag:s22], $0x1400  }
0xb5: {  	[sflag:s22] =	ssyncset.done $0x0  }
0xb6: {  	s14 =	sadd.s32 $0x6700, s13;
	[sflag:s22] =	ssyncadd.s32 $0xFFFFEC00  }
0xb7: {  	[tilespmem:s21], [sflag:$0x1] =	stream.indirect.gather [hbm4b:s5+s26], $0x28, s14, s26, $0xb8;
	[tilespmem:$0x9C00] =	vst v63  }
0xb8: {  	_ =	swait.ge [sflag:s30], $0x1400  }
0xb9: {  	[sflag:s30] =	ssyncset.done $0x0  }
0xba: {  	s14 =	sadd.s32 $0x6E80, s13;
	[sflag:s30] =	ssyncadd.s32 $0xFFFFEC00  }
0xbb: {  	[spmem:s2] =	stream.indirect.scatter.add.f32 [tilespmem:s28], [sflag:$0x4], $0x28, s14, s26, $0xb8;
	[tilespmem:$0x9C00] =	vst v63  }
0xbc: {  	_ =	swait.ge [sflag:s22], $0x1400  }
0xbd: {  	[sflag:s22] =	ssyncset.done $0x0  }
0xbe: {  	s14 =	sadd.s32 $0x6780, s13;
	[sflag:s22] =	ssyncadd.s32 $0xFFFFEC00  }
0xbf: {  	[tilespmem:s28], [sflag:$0x2] =	stream.indirect.gather [hbm4b:s5+s26], $0x28, s14, s26, $0xb8;
	[tilespmem:$0x9C00] =	vst v63  }
0xc0: {  	_ =	swait.ge [sflag:s29], $0x1400  }
0xc1: {  	[sflag:s29] =	ssyncset.done $0x0  }
0xc2: {  	s13 =	sadd.s32 $0x6F00, s13;
	[sflag:s29] =	ssyncadd.s32 $0xFFFFEC00  }
0xc3: {  	[spmem:s2] =	stream.indirect.scatter.add.f32 [tilespmem:s21], [sflag:$0x4], $0x28, s13, s26, $0xb8;
	[tilespmem:$0x9C00] =	vst v63  }
0xc4: {  	_ =	swait.ge [sflag:s22], $0x1400  }
0xc5: {  	[sflag:s22] =	ssyncset.done $0x0  }
0xc6: {  	s13 =	simm.s32 @!p0 $0x3;
	[sflag:s22] =	ssyncadd.s32 $0xFFFFEC00  }
0xc7: {  	_ =	swait.ge @!p0 [sflag:s13], $0x400  }
0xc8: {  	[sflag:s13] =	ssyncset.done @!p0 $0x0  }
0xc9: {  	[sflag:s13] =	ssyncadd.s32 @!p0 $0xFFFFFC00  }
0xca: {  	_ =	swait.ge @!p0 [sflag:s13], $0x400  }
0xcb: {  	[sflag:s13] =	ssyncset.done @!p0 $0x0  }
0xcc: {  	s14 =	simm.s32 @!p0 $0x7400;
	[sflag:s13] =	ssyncadd.s32 @!p0 $0xFFFFFC00;
	s13 =	simm.s32 @!p0 $0x80  }
0xcd: {  	[tilespmem:s14], [sflag:$0x1] =	stream.indirect.gather @!p0 [hbm4b:s5+s13], $0x28, s12, s13, $0xb8;
	[tilespmem:$0x9C00] =	vst v63  }
0xce: {  	s0 =	sadd.s32 $0x80, s0;
	_ =	swait.ge [sflag:s30], $0x1400  }
.Ltmp0:
0xcf: {  	s3 =	sadd.s32 $0x80, s3;
	[sflag:s30] =	ssyncset.done $0x0;
	(pc) =	sbr.rel @p1 .LBB2_2-.Ltmp0, $4  }
0xd0: {  	s11 =	sadd.s32 $0x6C00, s11;
	s13 =	sand.u32 $0x1, s24;
	[sflag:s30] =	ssyncadd.s32 $0xFFFFEC00  }
0xd1: {  	[spmem:s2] =	stream.indirect.scatter.add.f32 [tilespmem:s28], [sflag:$0x4], $0x28, s11, s26, $0xb8;
	[tilespmem:$0x9C00] =	vst v63  }
0xd2: {  	p0 =	seq.s32 s24, $0x9;
	s11 =	sxor.u32 $0x1, s13;
	_ =	swait.ge [sflag:s22], $0x1400  }
0xd3: {  	s14 =	simm.s32 @!p0 $0x0;
	s11 =	sshll.u32 @!p0 s11, $0xA;
	[sflag:s22] =	ssyncset.done $0x0  }
0xd4: {  	s1 =	sadd.s32 @!p0 $0x6400, s11;
	[sflag:s22] =	ssyncadd.s32 $0xFFFFEC00  }
0xd5: {  	[tilespmem:s1], [sflag:$0x3] =	stream.linear.gather @!p0 [hbm4b:s0+s14], $0x400, $0x38;
	[tilespmem:$0x9C00] =	vst v63  }
0xd6: {  	s0 =	sadd.s32 @!p0 $0x6C00, s11  }
0xd7: {  	[tilespmem:s0], [sflag:$0x3] =	stream.linear.gather @!p0 [hbm4b:s3+s14], $0x400, $0x38;
	[tilespmem:$0x9C00] =	vst v63  }
0xd8: {  	s0 =	sshll.u32 s13, $0xA  }
0xd9: {  	s12 =	sadd.s32 $0x6480, s0  }
0xda: {  	[tilespmem:s28], [sflag:$0x2] =	stream.indirect.gather [hbm4b:s5+s26], $0x28, s12, s26, $0xb8;
	[tilespmem:$0x9C00] =	vst v63  }
0xdb: {  	_ =	swait.ge [sflag:s29], $0x1400  }
0xdc: {  	[sflag:s29] =	ssyncset.done $0x0  }
0xdd: {  	s13 =	sadd.s32 $0x6C00, s0;
	[sflag:s29] =	ssyncadd.s32 $0xFFFFEC00  }
0xde: {  	[spmem:s2] =	stream.indirect.scatter.add.f32 [tilespmem:s21], [sflag:$0x4], $0x28, s13, s26, $0xb8;
	[tilespmem:$0x9C00] =	vst v63  }
0xdf: {  	_ =	swait.ge [sflag:s22], $0x1400  }
0xe0: {  	[sflag:s22] =	ssyncset.done $0x0  }
0xe1: {  	s14 =	sadd.s32 $0x6500, s0;
	[sflag:s22] =	ssyncadd.s32 $0xFFFFEC00  }
0xe2: {  	[tilespmem:s21], [sflag:$0x1] =	stream.indirect.gather [hbm4b:s5+s26], $0x28, s14, s26, $0xb8;
	[tilespmem:$0x9C00] =	vst v63  }
0xe3: {  	_ =	swait.ge [sflag:s30], $0x1400  }
0xe4: {  	[sflag:s30] =	ssyncset.done $0x0  }
0xe5: {  	s15 =	sadd.s32 $0x6C80, s0;
	[sflag:s30] =	ssyncadd.s32 $0xFFFFEC00  }
0xe6: {  	[spmem:s2] =	stream.indirect.scatter.add.f32 [tilespmem:s28], [sflag:$0x4], $0x28, s15, s26, $0xb8;
	[tilespmem:$0x9C00] =	vst v63  }
0xe7: {  	_ =	swait.ge [sflag:s22], $0x1400  }
0xe8: {  	[sflag:s22] =	ssyncset.done $0x0  }
0xe9: {  	s24 =	sadd.s32 $0x6580, s0;
	[sflag:s22] =	ssyncadd.s32 $0xFFFFEC00  }
0xea: {  	[tilespmem:s28], [sflag:$0x2] =	stream.indirect.gather [hbm4b:s5+s26], $0x28, s24, s26, $0xb8;
	[tilespmem:$0x9C00] =	vst v63  }
0xeb: {  	_ =	swait.ge [sflag:s29], $0x1400  }
0xec: {  	[sflag:s29] =	ssyncset.done $0x0  }
0xed: {  	s11 =	sadd.s32 $0x6D00, s0;
	[sflag:s29] =	ssyncadd.s32 $0xFFFFEC00  }
0xee: {  	[spmem:s2] =	stream.indirect.scatter.add.f32 [tilespmem:s21], [sflag:$0x4], $0x28, s11, s26, $0xb8;
	[tilespmem:$0x9C00] =	vst v63  }
0xef: {  	_ =	swait.ge [sflag:s22], $0x1400  }
0xf0: {  	[sflag:s22] =	ssyncset.done $0x0  }
0xf1: {  	s12 =	sadd.s32 $0x6600, s0;
	[sflag:s22] =	ssyncadd.s32 $0xFFFFEC00  }
0xf2: {  	[tilespmem:s21], [sflag:$0x1] =	stream.indirect.gather [hbm4b:s5+s26], $0x28, s12, s26, $0xb8;
	[tilespmem:$0x9C00] =	vst v63  }
0xf3: {  	_ =	swait.ge [sflag:s30], $0x1400  }
0xf4: {  	[sflag:s30] =	ssyncset.done $0x0  }
0xf5: {  	s13 =	sadd.s32 $0x6D80, s0;
	[sflag:s30] =	ssyncadd.s32 $0xFFFFEC00  }
0xf6: {  	[spmem:s2] =	stream.indirect.scatter.add.f32 [tilespmem:s28], [sflag:$0x4], $0x28, s13, s26, $0xb8;
	[tilespmem:$0x9C00] =	vst v63  }
0xf7: {  	_ =	swait.ge [sflag:s22], $0x1400  }
0xf8: {  	[sflag:s22] =	ssyncset.done $0x0  }
0xf9: {  	s14 =	sadd.s32 $0x6680, s0;
	[sflag:s22] =	ssyncadd.s32 $0xFFFFEC00  }
0xfa: {  	[tilespmem:s28], [sflag:$0x2] =	stream.indirect.gather [hbm4b:s5+s26], $0x28, s14, s26, $0xb8;
	[tilespmem:$0x9C00] =	vst v63  }
0xfb: {  	_ =	swait.ge [sflag:s29], $0x1400  }
0xfc: {  	[sflag:s29] =	ssyncset.done $0x0  }
0xfd: {  	s15 =	sadd.s32 $0x6E00, s0;
	[sflag:s29] =	ssyncadd.s32 $0xFFFFEC00  }
0xfe: {  	[spmem:s2] =	stream.indirect.scatter.add.f32 [tilespmem:s21], [sflag:$0x4], $0x28, s15, s26, $0xb8;
	[tilespmem:$0x9C00] =	vst v63  }
0xff: {  	_ =	swait.ge [sflag:s22], $0x1400  }
0x100: {  	[sflag:s22] =	ssyncset.done $0x0  }
0x101: {  	s24 =	sadd.s32 $0x6700, s0;
	[sflag:s22] =	ssyncadd.s32 $0xFFFFEC00  }
0x102: {  	[tilespmem:s21], [sflag:$0x1] =	stream.indirect.gather [hbm4b:s5+s26], $0x28, s24, s26, $0xb8;
	[tilespmem:$0x9C00] =	vst v63  }
0x103: {  	_ =	swait.ge [sflag:s30], $0x1400  }
0x104: {  	[sflag:s30] =	ssyncset.done $0x0  }
0x105: {  	s11 =	sadd.s32 $0x6E80, s0;
	[sflag:s30] =	ssyncadd.s32 $0xFFFFEC00  }
0x106: {  	[spmem:s2] =	stream.indirect.scatter.add.f32 [tilespmem:s28], [sflag:$0x4], $0x28, s11, s26, $0xb8;
	[tilespmem:$0x9C00] =	vst v63  }
0x107: {  	_ =	swait.ge [sflag:s22], $0x1400  }
0x108: {  	[sflag:s22] =	ssyncset.done $0x0  }
0x109: {  	s12 =	sadd.s32 $0x6780, s0;
	[sflag:s22] =	ssyncadd.s32 $0xFFFFEC00  }
0x10a: {  	[tilespmem:s28], [sflag:$0x2] =	stream.indirect.gather [hbm4b:s5+s26], $0x28, s12, s26, $0xb8;
	[tilespmem:$0x9C00] =	vst v63  }
0x10b: {  	_ =	swait.ge [sflag:s29], $0x1400  }
0x10c: {  	[sflag:s29] =	ssyncset.done $0x0  }
0x10d: {  	s13 =	sadd.s32 $0x6F00, s0;
	[sflag:s29] =	ssyncadd.s32 $0xFFFFEC00  }
0x10e: {  	[spmem:s2] =	stream.indirect.scatter.add.f32 [tilespmem:s21], [sflag:$0x4], $0x28, s13, s26, $0xb8;
	[tilespmem:$0x9C00] =	vst v63  }
0x10f: {  	_ =	swait.ge [sflag:s22], $0x1400  }
0x110: {  	[sflag:s22] =	ssyncset.done $0x0  }
0x111: {  	s3 =	simm.s32 @!p0 $0x3;
	[sflag:s22] =	ssyncadd.s32 $0xFFFFEC00  }
0x112: {  	_ =	swait.ge @!p0 [sflag:s3], $0x400  }
0x113: {  	[sflag:s3] =	ssyncset.done @!p0 $0x0  }
0x114: {  	[sflag:s3] =	ssyncadd.s32 @!p0 $0xFFFFFC00  }
0x115: {  	_ =	swait.ge @!p0 [sflag:s3], $0x400  }
0x116: {  	[sflag:s3] =	ssyncset.done @!p0 $0x0  }
0x117: {  	s11 =	simm.s32 @!p0 $0x7400;
	[sflag:s3] =	ssyncadd.s32 @!p0 $0xFFFFFC00;
	s3 =	simm.s32 @!p0 $0x80  }
0x118: {  	[tilespmem:s11], [sflag:$0x1] =	stream.indirect.gather @!p0 [hbm4b:s5+s3], $0x28, s1, s3, $0xb8;
	[tilespmem:$0x9C00] =	vst v63  }
0x119: {  	_ =	swait.ge [sflag:s30], $0x1400  }
0x11a: {  	s0 =	sor.u32 $0x380, s0;
	[sflag:s30] =	ssyncset.done $0x0  }
0x11b: {  	s0 =	sadd.s32 $0x6C00, s0;
	[sflag:s30] =	ssyncadd.s32 $0xFFFFEC00  }
0x11c: {  	[spmem:s2] =	stream.indirect.scatter.add.f32 [tilespmem:s28], [sflag:$0x4], $0x28, s0, s26, $0xb8;
	[tilespmem:$0x9C00] =	vst v63  }
0x11d: {  	_ =	swait.ge [sflag:s22], $0x1400  }
0x11e: {  	[sflag:s22] =	ssyncset.done $0x0  }
0x11f: {  	[sflag:s22] =	ssyncadd.s32 $0xFFFFEC00  }
0x120: {  	[bflag:$0x0] =	sbarrier.arrive $0xFFFF  }
0x121: {  	[tilespmem:s21], [sflag:$0x4] =	stream.linear.gather [spmem:s6], $0x1400, $0x38;
	[tilespmem:$0x9C00] =	vst v63  }
0x122: {  	_ =	swait.ge [sflag:s22], $0x1400  }
0x123: {  	[sflag:s22] =	ssyncset.done $0x0  }
0x124: {  	[sflag:s22] =	ssyncadd.s32 $0xFFFFEC00  }
0x125: {  	[tilespmem:s28], [sflag:$0x3] =	stream.linear.gather [spmem:s7], $0x1400, $0x38;
	[tilespmem:$0x9C00] =	vst v63  }
0x126: {  	s14 =	rddreg [dreg:$0x6]  }
0x127: {  	[hbm4b:s14+s4] =	stream.linear.scatter [tilespmem:s21], [sflag:$0x4], $0x1400, $0x38;
	[tilespmem:$0x9C00] =	vst v63  }
0x128: {  	_ =	swait.ge [sflag:s22], $0x1400  }
0x129: {  	[sflag:s22] =	ssyncset.done $0x0  }
0x12a: {  	[sflag:s22] =	ssyncadd.s32 $0xFFFFEC00  }
0x12b: {  	_ =	swait.ge [sflag:s25], $0x1400  }
0x12c: {  	[sflag:s25] =	ssyncset.done $0x0  }
0x12d: {  	[sflag:s25] =	ssyncadd.s32 $0xFFFFEC00  }
0x12e: {  	[tilespmem:s21], [sflag:$0x3] =	stream.linear.gather [spmem:s8], $0x1400, $0x38;
	[tilespmem:$0x9C00] =	vst v63  }
0x12f: {  	s15 =	rddreg [dreg:$0x7]  }
0x130: {  	[hbm4b:s15+s4] =	stream.linear.scatter [tilespmem:s28], [sflag:$0x4], $0x1400, $0x38;
	[tilespmem:$0x9C00] =	vst v63  }
0x131: {  	_ =	swait.ge [sflag:s22], $0x1400  }
0x132: {  	[sflag:s22] =	ssyncset.done $0x0  }
0x133: {  	[sflag:s22] =	ssyncadd.s32 $0xFFFFEC00  }
0x134: {  	_ =	swait.ge [sflag:s25], $0x1400  }
0x135: {  	[sflag:s25] =	ssyncset.done $0x0  }
0x136: {  	[sflag:s25] =	ssyncadd.s32 $0xFFFFEC00  }
0x137: {  	[tilespmem:s28], [sflag:$0x3] =	stream.linear.gather [spmem:s9], $0x1400, $0x38;
	[tilespmem:$0x9C00] =	vst v63  }
0x138: {  	s24 =	rddreg [dreg:$0x8]  }
0x139: {  	[hbm4b:s24+s4] =	stream.linear.scatter [tilespmem:s21], [sflag:$0x4], $0x1400, $0x38;
	[tilespmem:$0x9C00] =	vst v63  }
0x13a: {  	_ =	swait.ge [sflag:s22], $0x1400  }
0x13b: {  	[sflag:s22] =	ssyncset.done $0x0  }
0x13c: {  	[sflag:s22] =	ssyncadd.s32 $0xFFFFEC00  }
0x13d: {  	_ =	swait.ge [sflag:s25], $0x1400  }
0x13e: {  	[sflag:s25] =	ssyncset.done $0x0  }
0x13f: {  	[sflag:s25] =	ssyncadd.s32 $0xFFFFEC00  }
0x140: {  	[tilespmem:s21], [sflag:$0x3] =	stream.linear.gather [spmem:s10], $0x1400, $0x38;
	[tilespmem:$0x9C00] =	vst v63  }
0x141: {  	_ = 	snop  }
0x142: {  	[hbm4b:s16+s4] =	stream.linear.scatter [tilespmem:s28], [sflag:$0x4], $0x1400, $0x38;
	[tilespmem:$0x9C00] =	vst v63  }
0x143: {  	_ =	swait.ge [sflag:s22], $0x1400  }
0x144: {  	[sflag:s22] =	ssyncset.done $0x0  }
0x145: {  	[sflag:s22] =	ssyncadd.s32 $0xFFFFEC00  }
0x146: {  	s31 =	sadd.s32 $0x1, s31;
	_ =	swait.ge [sflag:s25], $0x1400  }
0x147: {  	p0 =	sne.s32 s31, s18;
	[sflag:s25] =	ssyncset.done $0x0  }
.Ltmp1:
0x148: {  	[sflag:s25] =	ssyncadd.s32 $0xFFFFEC00;
	(pc) =	sbr.rel @p0 .LBB2_1-.Ltmp1, $4  }
0x149: {  	[hbm4b:s17+s4] =	stream.linear.scatter [tilespmem:s21], [sflag:$0x4], $0x1400, $0x38;
	[tilespmem:$0x9C00] =	vst v63  }
0x14a: {  	_ =	swait.ge [sflag:s22], $0x1400  }
0x14b: {  	[sflag:s22] =	ssyncset.done $0x0  }
0x14c: {  	[sflag:s22] =	ssyncadd.s32 $0xFFFFEC00  }
0x14d: {  	_ =	sfence.sel $0x180000  }
0x14e: {  	[bflag:$0x0] =	sbarrier.arrive $0xFFFF  }
0x14f: {  	_ =	strace $0x9000004D  }
0x150: {  	s0 =	stileid.u32;
	[bflag:$0x2] =	sbarrier.arrive $0xFFFF  }
0x151: {  	p0 =	sne.s32 s0, $0x0;
	s0 =	rddreg [dreg:$0x3]  }
0x152: {  	s0 =	sadd.s32 @!p0 $0x100000, s0  }
0x153: {  	[sflag:s0] =	ssyncadd.tile.s32 @!p0 $0x1;
	_ =	shalt  }
.Lfunc_end2:
_tile_overlayer_lowered:
.L_overlay_start_2:
0x154: {  	(tag) =	ssettag $0x2  }
0x155: {  	s0 =	rddreg [dreg:$0x0];
	s2 =	stileid.u32  }
0x156: {  	s1 =	rddreg [dreg:$0x1];
	p0 =	sne.s32 s2, $0x0  }
0x157: {  	s3 =	rddreg [dreg:$0x2];
	[bflag:$0x3] =	sbarrier.arrive $0xFFFF;
	s2 =	simm.s32 @!p0 $0x1C04  }
0x158: {  	[timem:s3], [sflag:s2] =	dma.local @!p0 [hbm:s0], s1  }
0x159: {  	s0 =	simm.s32 @!p0 $0x4  }
0x15a: {  	_ =	swait.ge @!p0 [sflag:s0], s1  }
0x15b: {  	s1 =	ssub.s32 @!p0 $0x0, s1;
	[sflag:s0] =	ssyncset.done @!p0 $0x0  }
0x15c: {  	[sflag:s0] =	ssyncadd.s32 @!p0 s1  }
0x15d: {  	[bflag:$0x3] =	sbarrier.arrive $0xFFFF  }
0x15e: {  	_ =	shalt  }

// kernel: kernel.9.cloned.1.call-start
scs
__scs_entry_jumppad:
0x0: {  	(pc) =	sbr.rel $0x88, $3  }
0x1: {  	(tag) =	ssettag $0x0;
	lr =	simm.s32 $0x1  }
0x2: {  	[smem:$0x3F98] =	sst lr;
	_ =	strace $0xD0000000  }
0x3: {  	_ = 	snop  }
0x4: {  	_ = 	snop  }
0x5: {  	_ = 	snop  }
0x6: {  	_ = 	snop  }
0x7: {  	_ = 	snop  }
__scs_overlays_trampoline_lowered:
0x8: {  	[smem:$0x3FA7] =	sst s0  }
0x9: {  	[smem:$0x3FA8] =	sst s1  }
0xa: {  	[smem:$0x3FA9] =	sst s2  }
0xb: {  	[smem:$0x3FAA] =	sst s3  }
0xc: {  	[smem:$0x3FAB] =	sst s4  }
0xd: {  	[smem:$0x3FAC] =	sst s5  }
0xe: {  	[smem:$0x3FAD] =	sst s6  }
0xf: {  	[smem:$0x3FAE] =	sst s7  }
0x10: {  	[smem:$0x3FAF] =	sst s8  }
0x11: {  	[smem:$0x3FB0] =	sst s9;
	s0 =	simm.s32 @!p0 $0x0  }
0x12: {  	s1 =	sld [smem:$0x3F96];
	s0 =	simm.s32 @p0 $0x1  }
0x13: {  	[smem:$0x3FB1] =	sst s0;
	s0 =	simm.s32 @!p1 $0x0  }
0x14: {  	s2 =	sld [smem:$0x3F95];
	s0 =	simm.s32 @p1 $0x1  }
0x15: {  	[smem:$0x3FB2] =	sst s0;
	s0 =	simm.s32 @!p2 $0x0  }
0x16: {  	s3 =	sld [smem:$0x3FDB];
	s0 =	simm.s32 @p2 $0x1  }
0x17: {  	s4 =	simm.s32 $0x1BF5;
	[smem:$0x3FB4] =	sst s0  }
0x18: {  	s0 =	sld [smem:$0x3F97];
	_ =	swait.ge [sflag:s4], $0x0  }
0x19: {  	s7 =	sld [smem:$0x3F98]  }
0x1a: {  	s8 =	sadd.s32 $0xFFFFE003, lr  }
0x1b: {  	s9 =	sadd.s32 $0xFFFFFEF7, lr;
	s5 =	simm.s32 $0xFFFFFFFF;
	p2 =	slt.u32 s8, $0xFFFFF086  }
0x1c: {  	p1 =	slt.u32 s9, $0xF7A;
	s5 =	simm.s32 @!p2 $0x0  }
0x1d: {  	s5 =	simm.s32 @p1 $0x1;
	p0 =	seq.s32 s7, s2  }
0x1e: {  	s7 =	smul.u32 @!p0 $0xF7A, s2;
	p2 =	seq.s32 @!p0 s5, $0x0  }
0x1f: {  	s9 =	smul.u32 $0xF7A, s1;
	s8 =	simm.s32 @!p0 $0x1BF5;
	p2 =	por !p2, p0  }
0x20: {  	[sflag:s8] =	ssyncset.s32 @!p0 $0xFFFFF086;
	s6 =	sadd.s32 @!p0 s3, s7;
	s7 =	simm.s32 @!p0 $0x108  }
0x21: {  	s3 =	sadd.s32 s3, s9;
	s6 =	sadd.s32 @!p0 $0x88, s6;
	s7 =	simm.s32 @p2 $0x1082  }
0x22: {  	[simem:s7], [sflag:s8] =	dma.local @!p0 [hbm:s6], $0xF7A  }
0x23: {  	s9 =	sor.u32 $0xD0000000, s2;
	s6 =	simm.s32 $0x108;
	_ =	swait.ge @!p0 [sflag:s8], $0x0  }
0x24: {  	s3 =	sadd.s32 $0x88, s3;
	s6 =	simm.s32 @!p1 $0x1082;
	[sflag:s4] =	ssyncset.s32 $0xFFFFF086  }
0x25: {  	[simem:s6], [sflag:s4] =	dma.local [hbm:s3], $0xF7A  }
0x26: {  	[smem:$0x3F98] =	sst s1;
	(tag) =	ssettag s2;
	_ =	strace s9  }
0x27: {  	s1 =	sld [smem:$0x3FA8]  }
0x28: {  	s2 =	sld [smem:$0x3FA9]  }
0x29: {  	s4 =	sld [smem:$0x3FAB]  }
0x2a: {  	p0 =	seq.s32 s5, $0x0;
	s5 =	sld [smem:$0x3FAC]  }
0x2b: {  	s6 =	sld [smem:$0x3FAD]  }
0x2c: {  	s7 =	sld [smem:$0x3FAE]  }
0x2d: {  	s3 =	simm.s32 $0x108;
	s8 =	sld [smem:$0x3FAF]  }
0x2e: {  	s3 =	simm.s32 @!p0 $0x1082;
	s9 =	sld [smem:$0x3FB0]  }
0x2f: {  	lr =	sadd.s32 s0, s3;
	s0 =	sld [smem:$0x3FA7]  }
0x30: {  	s3 =	sld [smem:$0x3FAA]  }
0x31: {  	[smem:$0x3FB3] =	sst s10  }
0x32: {  	s10 =	sld [smem:$0x3FB1];
	_ =	sdelay $0x3  }
0x33: {  	p0 =	seq.s32 s10, $0x1;
	s10 =	sld [smem:$0x3FB3];
	_ =	sdelay $0x3  }
0x34: {  	[smem:$0x3FB3] =	sst s10  }
0x35: {  	s10 =	sld [smem:$0x3FB2];
	_ =	sdelay $0x3  }
0x36: {  	p1 =	seq.s32 s10, $0x1;
	s10 =	sld [smem:$0x3FB3];
	_ =	sdelay $0x3  }
0x37: {  	[smem:$0x3FB3] =	sst s10  }
0x38: {  	s10 =	sld [smem:$0x3FB4]  }
0x39: {  	_ = 	snop;
	(pc) =	sbr.ind lr, $3  }
0x3a: {  	_ = 	snop  }
0x3b: {  	_ = 	snop  }
0x3c: {  	p2 =	seq.s32 s10, $0x1;
	s10 =	sld [smem:$0x3FB3]  }
0x3d: {  	_ =	shalt  }
0x3e: {  	_ =	shalt  }
0x3f: {  	_ =	shalt  }
0x40: {  	_ =	shalt  }
0x41: {  	_ =	shalt  }
0x42: {  	_ =	shalt  }
0x43: {  	_ =	shalt  }
0x44: {  	_ =	shalt  }
0x45: {  	_ =	shalt  }
0x46: {  	_ =	shalt  }
0x47: {  	_ =	shalt  }
0x48: {  	_ =	shalt  }
0x49: {  	_ =	shalt  }
0x4a: {  	_ =	shalt  }
0x4b: {  	_ =	shalt  }
0x4c: {  	_ =	shalt  }
0x4d: {  	_ =	shalt  }
0x4e: {  	_ =	shalt  }
0x4f: {  	_ =	shalt  }
0x50: {  	_ =	shalt  }
0x51: {  	_ =	shalt  }
0x52: {  	_ =	shalt  }
0x53: {  	_ =	shalt  }
0x54: {  	_ =	shalt  }
0x55: {  	_ =	shalt  }
0x56: {  	_ =	shalt  }
0x57: {  	_ =	shalt  }
0x58: {  	_ =	shalt  }
0x59: {  	_ =	shalt  }
0x5a: {  	_ =	shalt  }
0x5b: {  	_ =	shalt  }
0x5c: {  	_ =	shalt  }
0x5d: {  	_ =	shalt  }
0x5e: {  	_ =	shalt  }
0x5f: {  	_ =	shalt  }
0x60: {  	_ =	shalt  }
0x61: {  	_ =	shalt  }
0x62: {  	_ =	shalt  }
0x63: {  	_ =	shalt  }
0x64: {  	_ =	shalt  }
0x65: {  	_ =	shalt  }
0x66: {  	_ =	shalt  }
0x67: {  	_ =	shalt  }
0x68: {  	_ =	shalt  }
0x69: {  	_ =	shalt  }
0x6a: {  	_ =	shalt  }
0x6b: {  	_ =	shalt  }
0x6c: {  	_ =	shalt  }
0x6d: {  	_ =	shalt  }
0x6e: {  	_ =	shalt  }
0x6f: {  	_ =	shalt  }
0x70: {  	_ =	shalt  }
0x71: {  	_ =	shalt  }
0x72: {  	_ =	shalt  }
0x73: {  	_ =	shalt  }
0x74: {  	_ =	shalt  }
0x75: {  	_ =	shalt  }
0x76: {  	_ =	shalt  }
0x77: {  	_ =	shalt  }
0x78: {  	_ =	shalt  }
0x79: {  	_ =	shalt  }
0x7a: {  	_ =	shalt  }
0x7b: {  	_ =	shalt  }
0x7c: {  	_ =	shalt  }
0x7d: {  	_ =	shalt  }
0x7e: {  	_ =	shalt  }
0x7f: {  	_ =	shalt  }
0x80: {  	_ =	shalt  }
0x81: {  	_ =	shalt  }
0x82: {  	_ =	shalt  }
0x83: {  	_ =	shalt  }
0x84: {  	_ =	shalt  }
0x85: {  	_ =	shalt  }
0x86: {  	_ =	shalt  }
0x87: {  	_ =	shalt  }
.Lfunc_end0:
.L_simem_size_0:
called_computation_lowered:
.L_overlay_start_0:
0x88: {  	s2 =	sld [smem:$0x3FD9]  }
0x89: {  	s3 =	sld [smem:$0x3FFE];
	_ =	sdelay $0x1  }
0x8a: {  	s1 =	srdreg.scid  }
0x8b: {  	s0 =	sand.u32 $0x1, s1  }
0x8c: {  	s17 =	sshll.u32 s0, $0xA;
	s2 =	sadd.s32 s3, s2  }
0x8d: {  	s2 =	sadd.s32 s2, s17  }
0x8e: {  	[smem:$0x3FBF] =	sst s2  }
0x8f: {  	_ = 	snop  }
0x90: {  	s2 =	sld [smem:$0x3FD0];
	(tm) =	ssettm $0x1  }
0x91: {  	s18 =	sld [smem:$0x3FFB];
	_ =	sdelay $0x3  }
0x92: {  	_ =	strace s18  }
0x93: {  	s3 =	sld [smem:$0x3FFC];
	_ =	sdelay $0x3  }
0x94: {  	_ =	strace s3  }
0x95: {  	s3 =	sld [smem:$0x3FFD];
	_ =	sdelay $0x3  }
0x96: {  	_ =	strace s3  }
0x97: {  	_ =	strace $0x8FFFFFFF  }
0x98: {  	s19 =	sld [smem:$0x3FDB];
	_ =	sdelay $0x1  }
0x99: {  	s4 =	simm.s32 $_scs_section_size  }
0x9a: {  	s5 =	simm.s32 $_size__tile_overlayer_lowered;
	s6 =	simm.s32 $_tile_overlayer_lowered  }
0x9b: {  	s22 =	simm.s32 $0x1BFF;
	s21 =	sshll.u32 s6, $0x1;
	s3 =	sadd.s32 s4, s19  }
0x9c: {  	s7 =	simm.s32 $0x0;
	s20 =	sshll.u32 s5, $0x1;
	s5 =	sadd.s32 s21, s3  }
0x9d: {  	[timem:s7], [sflag:s22] =	dma.local [hbm:s5], s20  }
0x9e: {  	_ =	swait.ge [sflag:s22], s20  }
0x9f: {  	s4 =	ssub.s32 $0x0, s20;
	[sflag:s22] =	ssyncset.done $0x0  }
0xa0: {  	[sflag:s22] =	ssyncadd.s32 s4;
	_ =	sdelay $0x1  }
0xa1: {  	s23 =	simm.s32 $0x1B8B  }
0xa2: {  	_ =	swait.ge [sflag:s23], $0x1  }
0xa3: {  	[sflag:s23] =	ssyncset.done $0x0  }
0xa4: {  	s25 =	simm.s32 $0x1B8E;
	s24 =	sld [smem:$0x3FFE];
	[sflag:s23] =	ssyncadd.s32 $0xFFFFFFFF  }
0xa5: {  	s26 =	simm.s32 $execute0_lowered;
	[smem:$0x3FD2] =	sst s25  }
0xa6: {  	s5 =	sshll.u32 s26, $0x1;
	_ =	strace $0x80000046;
	[dreg:$0x1] =	wrdreg $0xFFFFFFFF  }
0xa7: {  	s28 =	simm.s32 $_size_execute0_lowered;
	s3 =	sadd.s32 s3, s5;
	[dreg:$0x0] =	wrdreg $0x0  }
0xa8: {  	s5 =	sshll.u32 s28, $0x1;
	[dreg:$0x2] =	wrdreg s3  }
0xa9: {  	[dreg:$0x3] =	wrdreg s5  }
0xaa: {  	[dreg:$0x4] =	wrdreg $0xC0  }
0xab: {  	_ =	task [dreg:s7], $0x5FFFF  }
0xac: {  	[dreg:$0x1] =	wrdreg $0xFFFFFFFF  }
0xad: {  	[dreg:$0x0] =	wrdreg $0x60  }
0xae: {  	[dreg:$0x2] =	wrdreg s24  }
0xaf: {  	[dreg:$0x3] =	wrdreg s2  }
0xb0: {  	[dreg:$0x4] =	wrdreg $0x0  }
0xb1: {  	[dreg:$0x5] =	wrdreg $0x9  }
0xb2: {  	_ =	task.clear_ibuf [dreg:s7], $0x6FFFF;
	_ =	strace $0x90000046  }
0xb3: {  	s29 =	simm.s32 $0x9;
	_ =	strace $0x80000048  }
0xb4: {  	_ =	swait.ge [sflag:s29], $0x1  }
0xb5: {  	[sflag:s29] =	ssyncadd.s32 $0xFFFFFFFF  }
0xb6: {  	_ =	strace $0x90000048  }
0xb7: {  	_ =	sfence  }
0xb8: {  	s30 =	sld [smem:$0x0];
	_ =	sdelay $0x2  }
0xb9: {  	s31 =	sshll.u32 s1, $0xD;
	s1 =	sshrl.u32 s1, $0x2  }
0xba: {  	s3 =	sand.u32 $0x4000, s31;
	s1 =	sadd.s32 s1, s30  }
0xbb: {  	s0 =	sor.u32 s3, s0;
	s1 =	sshll.u32 s1, $0x11  }
0xbc: {  	s0 =	sor.u32 s1, s0  }
0xbd: {  	s0 =	sadd.s32 $0x8F2B, s0  }
0xbe: {  	[sflag:s0] =	ssyncadd.remote.s32 $0x1  }
0xbf: {  	_ =	sfence.sel $0xFFFF  }
0xc0: {  	[dreg:$0x0] =	wrdreg $0xFFFFFFFF;
	(pc) =	sbr.abs _section_cstart, $3  }
0xc1: {  	[dreg:$0x1] =	wrdreg $0xFFFFFFFF  }
0xc2: {  	_ =	task.clear_ibuf [dreg:s7], $0x2FFFF;
	_ =	strace $0x9FFFFFFF  }
0xc3: {  	(tm) =	ssettm $0x7FFFFFFF  }
tec
execute0_lowered:
.L_overlay_start_1:
0x0: {  	(tag) =	ssettag $0x1  }
0x1: {  	s0 =	rddreg [dreg:$0x0]  }
0x2: {  	s1 =	rddreg [dreg:$0x1]  }
0x3: {  	s2 =	rddreg [dreg:$0x2];
	s4 =	srdreg.scid  }
0x4: {  	s14 =	stileid.u32;
	s3 =	simm.s32 $0x0;
	s28 =	simm.s32 $0x19000  }
0x5: {  	s29 =	simm.s32 $0x1;
	s30 =	simm.s32 $0x2;
	s31 =	simm.s32 $0x0  }
0x6: {  	s5 =	sand.u32 $0x1, s4;
	s6 =	smul.u32 $0x280, s14;
	[smem:$0x7FF] =	sst s3  }
0x7: {  	s4 =	sadd.s32 $0xC800, s0;
	s11 =	sadd.s32 $0x2800, s0;
	s21 =	smul.u32 $0x50000, s14  }
0x8: {  	s20 =	sadd.s32 $0x33A00, s0;
	s7 =	smul.u32 $0x2800, s5;
	_ =	strace $0x80000047  }
0x9: {  	[dreg:$0x4] =	wrdreg s20;
	s22 =	ssub.s32 $0x2, s5;
	s8 =	sshll.u32 s5, $0x4  }
0xa: {  	s5 =	smul.u32 $0x28000, s5;
	s9 =	sshrl.u32 s22, $0x1;
	s8 =	sor.u32 s14, s8  }
0xb: {  	s14 =	smul.u32 $0x2800, s14;
	s6 =	sadd.s32 s6, s7;
	s7 =	sshrl.u32 s21, $0x2  }
0xc: {  	s12 =	ssub.s32 s22, s9;
	s10 =	smul.u32 $0x2800, s8;
	s21 =	simm.s32 $0x15000  }
0xd: {  	s22 =	simm.s32 $0x4;
	s6 =	sshll.u32 s6, $0x4;
	s5 =	sadd.s32 s14, s5  }
0xe: {  	s18 =	smax.u32 s12, $0x1;
	s0 =	sadd.s32 s6, s0;
	s6 =	sadd.s32 s7, s2  }
0xf: {  	s13 =	sshrl.u32 s10, $0x3;
	s5 =	sor.u32 $0x400, s5;
	s7 =	sadd.s32 $0x4000, s6  }
0x10: {  	s8 =	sadd.s32 $0x8000, s6;
	s9 =	sadd.s32 $0xC000, s6;
	s15 =	sadd.s32 s1, s13  }
0x11: {  	s10 =	sadd.s32 $0x10000, s6;
	s13 =	sadd.s32 s11, s13;
	[dreg:$0x5] =	wrdreg s15  }
0x12: {  	s23 =	sadd.s32 $0x34200, s0;
	s24 =	sadd.s32 $0x34A00, s0;
	[dreg:$0x6] =	wrdreg s13  }
0x13: {  	s25 =	sadd.s32 $0x35200, s0;
	s16 =	sadd.s32 $0x35A00, s0;
	[dreg:$0x7] =	wrdreg s23  }
0x14: {  	s17 =	sadd.s32 $0x36200, s0;
	s26 =	sshrl.u32 s5, $0x3;
	[dreg:$0x8] =	wrdreg s24  }
0x15: {  	[dreg:$0x9] =	wrdreg s25;
	s19 =	sadd.s32 s26, s11;
	s20 =	sadd.s32 s26, s1  }
0x16: {  	s23 =	simm.s32 $0x14000;
	s25 =	simm.s32 $0x3;
	s26 =	simm.s32 $0x80  }
.LBB2_1:
0x17: {  	s0 =	rddreg [dreg:$0x4]  }
0x18: {  	[tilespmem:s21], [sflag:$0x4] =	stream.linear.gather [hbm4b:s0+s3], $0x4000, $0x38;
	[tilespmem:$0x1D000] =	vst v63  }
0x19: {  	_ =	swait.ge [sflag:s22], $0x4000  }
0x1a: {  	[sflag:s22] =	ssyncset.done $0x0  }
0x1b: {  	[sflag:s22] =	ssyncadd.s32 $0xFFFFC000  }
0x1c: {  	[spmem:s6] =	stream.linear.scatter [tilespmem:s21], [sflag:$0x3], $0x4000, $0x38;
	[tilespmem:$0x1D000] =	vst v63  }
0x1d: {  	_ = 	snop  }
0x1e: {  	[spmem:s7] =	stream.linear.scatter [tilespmem:s21], [sflag:$0x3], $0x4000, $0x38;
	[tilespmem:$0x1D000] =	vst v63  }
0x1f: {  	_ = 	snop  }
0x20: {  	[spmem:s8] =	stream.linear.scatter [tilespmem:s21], [sflag:$0x3], $0x4000, $0x38;
	[tilespmem:$0x1D000] =	vst v63  }
0x21: {  	_ = 	snop  }
0x22: {  	[spmem:s9] =	stream.linear.scatter [tilespmem:s21], [sflag:$0x3], $0x4000, $0x38;
	[tilespmem:$0x1D000] =	vst v63  }
0x23: {  	_ = 	snop  }
0x24: {  	[spmem:s10] =	stream.linear.scatter [tilespmem:s21], [sflag:$0x3], $0x4000, $0x38;
	[tilespmem:$0x1D000] =	vst v63  }
0x25: {  	s14 =	rddreg [dreg:$0x5]  }
0x26: {  	[tilespmem:s23], [sflag:$0x4] =	stream.linear.gather [hbm4b:s14+s3], $0x400, $0x38;
	[tilespmem:$0x1D000] =	vst v63  }
0x27: {  	_ =	swait.ge [sflag:s22], $0x400  }
0x28: {  	[sflag:s22] =	ssyncset.done $0x0  }
0x29: {  	s1 =	simm.s32 $0x14800;
	s15 =	rddreg [dreg:$0x6];
	[sflag:s22] =	ssyncadd.s32 $0xFFFFFC00  }
0x2a: {  	[tilespmem:s1], [sflag:$0x4] =	stream.linear.gather [hbm4b:s15+s3], $0x400, $0x38;
	[tilespmem:$0x1D000] =	vst v63  }
0x2b: {  	_ =	swait.ge [sflag:s22], $0x400  }
0x2c: {  	[sflag:s22] =	ssyncset.done $0x0  }
0x2d: {  	[sflag:s22] =	ssyncadd.s32 $0xFFFFFC00  }
0x2e: {  	_ =	swait.ge [sflag:s25], $0x4000  }
0x2f: {  	[sflag:s25] =	ssyncset.done $0x0  }
0x30: {  	[sflag:s25] =	ssyncadd.s32 $0xFFFFC000  }
0x31: {  	_ =	swait.ge [sflag:s25], $0x4000  }
0x32: {  	[sflag:s25] =	ssyncset.done $0x0  }
0x33: {  	[sflag:s25] =	ssyncadd.s32 $0xFFFFC000  }
0x34: {  	_ =	swait.ge [sflag:s25], $0x4000  }
0x35: {  	[sflag:s25] =	ssyncset.done $0x0  }
0x36: {  	[sflag:s25] =	ssyncadd.s32 $0xFFFFC000  }
0x37: {  	_ =	swait.ge [sflag:s25], $0x4000  }
0x38: {  	[sflag:s25] =	ssyncset.done $0x0  }
0x39: {  	[sflag:s25] =	ssyncadd.s32 $0xFFFFC000  }
0x3a: {  	_ =	swait.ge [sflag:s25], $0x4000  }
0x3b: {  	s24 =	sand.u32 $0x1, s3;
	[sflag:s25] =	ssyncset.done $0x0  }
0x3c: {  	p0 =	por $0x0, $0x0;
	s0 =	sxor.u32 $0x1, s24;
	[sflag:s25] =	ssyncadd.s32 $0xFFFFC000  }
0x3d: {  	s5 =	sshll.u32 @!p0 s0, $0xA;
	[bflag:$0x0] =	sbarrier.arrive $0xFFFF  }
0x3e: {  	[tilespmem:s21], [sflag:$0x1] =	stream.indirect.gather [hbm4b:s4+s26], $0x80, s23, s26, $0xb8;
	[tilespmem:$0x1D000] =	vst v63  }
0x3f: {  	s11 =	simm.s32 @!p0 $0x0;
	s0 =	sor.u32 @!p0 $0x14000, s5  }
0x40: {  	[tilespmem:s0], [sflag:$0x3] =	stream.linear.gather @!p0 [hbm4b:s20+s11], $0x400, $0x38;
	[tilespmem:$0x1D000] =	vst v63  }
0x41: {  	s5 =	sor.u32 @!p0 $0x14800, s5;
	s1 =	sshll.u32 s24, $0xA  }
0x42: {  	[tilespmem:s5], [sflag:$0x3] =	stream.linear.gather @!p0 [hbm4b:s19+s11], $0x400, $0x38;
	[tilespmem:$0x1D000] =	vst v63  }
0x43: {  	s12 =	sor.u32 $0x14080, s1  }
0x44: {  	[tilespmem:s28], [sflag:$0x2] =	stream.indirect.gather [hbm4b:s4+s26], $0x80, s12, s26, $0xb8;
	[tilespmem:$0x1D000] =	vst v63  }
0x45: {  	_ =	swait.ge [sflag:s29], $0x4000  }
0x46: {  	[sflag:s29] =	ssyncset.done $0x0  }
0x47: {  	s13 =	sor.u32 $0x14800, s1;
	[sflag:s29] =	ssyncadd.s32 $0xFFFFC000  }
0x48: {  	[spmem:s2] =	stream.indirect.scatter.add.f32 [tilespmem:s21], [sflag:$0x4], $0x80, s13, s26, $0xb8;
	[tilespmem:$0x1D000] =	vst v63  }
0x49: {  	_ =	swait.ge [sflag:s22], $0x4000  }
0x4a: {  	[sflag:s22] =	ssyncset.done $0x0  }
0x4b: {  	s14 =	sor.u32 $0x14100, s1;
	[sflag:s22] =	ssyncadd.s32 $0xFFFFC000  }
0x4c: {  	[tilespmem:s21], [sflag:$0x1] =	stream.indirect.gather [hbm4b:s4+s26], $0x80, s14, s26, $0xb8;
	[tilespmem:$0x1D000] =	vst v63  }
0x4d: {  	_ =	swait.ge [sflag:s30], $0x4000  }
0x4e: {  	[sflag:s30] =	ssyncset.done $0x0  }
0x4f: {  	s15 =	sor.u32 $0x14880, s1;
	[sflag:s30] =	ssyncadd.s32 $0xFFFFC000  }
0x50: {  	[spmem:s2] =	stream.indirect.scatter.add.f32 [tilespmem:s28], [sflag:$0x4], $0x80, s15, s26, $0xb8;
	[tilespmem:$0x1D000] =	vst v63  }
0x51: {  	_ =	swait.ge [sflag:s22], $0x4000  }
0x52: {  	[sflag:s22] =	ssyncset.done $0x0  }
0x53: {  	s24 =	sor.u32 $0x14180, s1;
	[sflag:s22] =	ssyncadd.s32 $0xFFFFC000  }
0x54: {  	[tilespmem:s28], [sflag:$0x2] =	stream.indirect.gather [hbm4b:s4+s26], $0x80, s24, s26, $0xb8;
	[tilespmem:$0x1D000] =	vst v63  }
0x55: {  	_ =	swait.ge [sflag:s29], $0x4000  }
0x56: {  	[sflag:s29] =	ssyncset.done $0x0  }
0x57: {  	s11 =	sor.u32 $0x14900, s1;
	[sflag:s29] =	ssyncadd.s32 $0xFFFFC000  }
0x58: {  	[spmem:s2] =	stream.indirect.scatter.add.f32 [tilespmem:s21], [sflag:$0x4], $0x80, s11, s26, $0xb8;
	[tilespmem:$0x1D000] =	vst v63  }
0x59: {  	_ =	swait.ge [sflag:s22], $0x4000  }
0x5a: {  	[sflag:s22] =	ssyncset.done $0x0  }
0x5b: {  	s12 =	sor.u32 $0x14200, s1;
	[sflag:s22] =	ssyncadd.s32 $0xFFFFC000  }
0x5c: {  	[tilespmem:s21], [sflag:$0x1] =	stream.indirect.gather [hbm4b:s4+s26], $0x80, s12, s26, $0xb8;
	[tilespmem:$0x1D000] =	vst v63  }
0x5d: {  	_ =	swait.ge [sflag:s30], $0x4000  }
0x5e: {  	[sflag:s30] =	ssyncset.done $0x0  }
0x5f: {  	s13 =	sor.u32 $0x14980, s1;
	[sflag:s30] =	ssyncadd.s32 $0xFFFFC000  }
0x60: {  	[spmem:s2] =	stream.indirect.scatter.add.f32 [tilespmem:s28], [sflag:$0x4], $0x80, s13, s26, $0xb8;
	[tilespmem:$0x1D000] =	vst v63  }
0x61: {  	_ =	swait.ge [sflag:s22], $0x4000  }
0x62: {  	[sflag:s22] =	ssyncset.done $0x0  }
0x63: {  	s14 =	sor.u32 $0x14280, s1;
	[sflag:s22] =	ssyncadd.s32 $0xFFFFC000  }
0x64: {  	[tilespmem:s28], [sflag:$0x2] =	stream.indirect.gather [hbm4b:s4+s26], $0x80, s14, s26, $0xb8;
	[tilespmem:$0x1D000] =	vst v63  }
0x65: {  	_ =	swait.ge [sflag:s29], $0x4000  }
0x66: {  	[sflag:s29] =	ssyncset.done $0x0  }
0x67: {  	s15 =	sor.u32 $0x14A00, s1;
	[sflag:s29] =	ssyncadd.s32 $0xFFFFC000  }
0x68: {  	[spmem:s2] =	stream.indirect.scatter.add.f32 [tilespmem:s21], [sflag:$0x4], $0x80, s15, s26, $0xb8;
	[tilespmem:$0x1D000] =	vst v63  }
0x69: {  	_ =	swait.ge [sflag:s22], $0x4000  }
0x6a: {  	[sflag:s22] =	ssyncset.done $0x0  }
0x6b: {  	s24 =	sor.u32 $0x14300, s1;
	[sflag:s22] =	ssyncadd.s32 $0xFFFFC000  }
0x6c: {  	[tilespmem:s21], [sflag:$0x1] =	stream.indirect.gather [hbm4b:s4+s26], $0x80, s24, s26, $0xb8;
	[tilespmem:$0x1D000] =	vst v63  }
0x6d: {  	_ =	swait.ge [sflag:s30], $0x4000  }
0x6e: {  	[sflag:s30] =	ssyncset.done $0x0  }
0x6f: {  	s11 =	sor.u32 $0x14A80, s1;
	[sflag:s30] =	ssyncadd.s32 $0xFFFFC000  }
0x70: {  	[spmem:s2] =	stream.indirect.scatter.add.f32 [tilespmem:s28], [sflag:$0x4], $0x80, s11, s26, $0xb8;
	[tilespmem:$0x1D000] =	vst v63  }
0x71: {  	_ =	swait.ge [sflag:s22], $0x4000  }
0x72: {  	[sflag:s22] =	ssyncset.done $0x0  }
0x73: {  	s12 =	sor.u32 $0x14380, s1;
	[sflag:s22] =	ssyncadd.s32 $0xFFFFC000  }
0x74: {  	[tilespmem:s28], [sflag:$0x2] =	stream.indirect.gather [hbm4b:s4+s26], $0x80, s12, s26, $0xb8;
	[tilespmem:$0x1D000] =	vst v63  }
0x75: {  	_ =	swait.ge [sflag:s29], $0x4000  }
0x76: {  	[sflag:s29] =	ssyncset.done $0x0  }
0x77: {  	s13 =	sor.u32 $0x14B00, s1;
	[sflag:s29] =	ssyncadd.s32 $0xFFFFC000  }
0x78: {  	[spmem:s2] =	stream.indirect.scatter.add.f32 [tilespmem:s21], [sflag:$0x4], $0x80, s13, s26, $0xb8;
	[tilespmem:$0x1D000] =	vst v63  }
0x79: {  	_ =	swait.ge [sflag:s22], $0x4000  }
0x7a: {  	[sflag:s22] =	ssyncset.done $0x0  }
0x7b: {  	s5 =	simm.s32 @!p0 $0x3;
	[sflag:s22] =	ssyncadd.s32 $0xFFFFC000  }
0x7c: {  	_ =	swait.ge @!p0 [sflag:s5], $0x400  }
0x7d: {  	[sflag:s5] =	ssyncset.done @!p0 $0x0  }
0x7e: {  	[sflag:s5] =	ssyncadd.s32 @!p0 $0xFFFFFC00  }
0x7f: {  	_ =	swait.ge @!p0 [sflag:s5], $0x400  }
0x80: {  	s14 =	simm.s32 $0x1;
	[sflag:s5] =	ssyncset.done @!p0 $0x0  }
0x81: {  	s12 =	simm.s32 @!p0 $0x15000;
	[sflag:s5] =	ssyncadd.s32 @!p0 $0xFFFFFC00;
	s5 =	simm.s32 @!p0 $0x80  }
0x82: {  	[tilespmem:s12], [sflag:$0x1] =	stream.indirect.gather @!p0 [hbm4b:s4+s5], $0x80, s0, s5, $0xb8;
	[tilespmem:$0x1D000] =	vst v63  }
0x83: {  	s15 =	sor.u32 $0x380, s1;
	s1 =	sadd.s32 $0x80, s19;
	_ =	swait.ge [sflag:s30], $0x4000  }
0x84: {  	s24 =	simm.s32 $0x2;
	s13 =	sand.u32 $0x1, s14;
	[sflag:s30] =	ssyncset.done $0x0  }
0x85: {  	s0 =	sadd.s32 $0x80, s20;
	s5 =	sor.u32 $0x14800, s15;
	[sflag:s30] =	ssyncadd.s32 $0xFFFFC000  }
0x86: {  	[spmem:s2] =	stream.indirect.scatter.add.f32 [tilespmem:s28], [sflag:$0x4], $0x80, s5, s26, $0xb8;
	[tilespmem:$0x1D000] =	vst v63  }
0x87: {  	p0 =	por $0x0, $0x0;
	s5 =	sxor.u32 $0x1, s13;
	_ =	swait.ge [sflag:s22], $0x4000  }
0x88: {  	s14 =	simm.s32 @!p0 $0x0;
	s11 =	sshll.u32 @!p0 s5, $0xA;
	[sflag:s22] =	ssyncset.done $0x0  }
.LBB2_2:
0x89: {  	s12 =	sor.u32 @!p0 $0x14000, s11  }
0x8a: {  	s13 =	sshll.u32 s13, $0xA;
	[sflag:s22] =	ssyncadd.s32 $0xFFFFC000;
	s5 =	smov.u32 s24  }
0x8b: {  	[tilespmem:s12], [sflag:$0x3] =	stream.linear.gather @!p0 [hbm4b:s0+s14], $0x400, $0x38;
	[tilespmem:$0x1D000] =	vst v63  }
0x8c: {  	s24 =	sadd.s32 $0x1, s24;
	s15 =	sor.u32 @!p0 $0x14800, s11;
	s11 =	sor.u32 $0x380, s13  }
0x8d: {  	[tilespmem:s15], [sflag:$0x3] =	stream.linear.gather @!p0 [hbm4b:s1+s14], $0x400, $0x38;
	[tilespmem:$0x1D000] =	vst v63  }
0x8e: {  	p1 =	sne.s32 s24, $0xA;
	s14 =	sor.u32 $0x14080, s13  }
0x8f: {  	[tilespmem:s28], [sflag:$0x2] =	stream.indirect.gather [hbm4b:s4+s26], $0x80, s14, s26, $0xb8;
	[tilespmem:$0x1D000] =	vst v63  }
0x90: {  	_ =	swait.ge [sflag:s29], $0x4000  }
0x91: {  	[sflag:s29] =	ssyncset.done $0x0  }
0x92: {  	s14 =	sor.u32 $0x14800, s13;
	[sflag:s29] =	ssyncadd.s32 $0xFFFFC000  }
0x93: {  	[spmem:s2] =	stream.indirect.scatter.add.f32 [tilespmem:s21], [sflag:$0x4], $0x80, s14, s26, $0xb8;
	[tilespmem:$0x1D000] =	vst v63  }
0x94: {  	_ =	swait.ge [sflag:s22], $0x4000  }
0x95: {  	[sflag:s22] =	ssyncset.done $0x0  }
0x96: {  	s14 =	sor.u32 $0x14100, s13;
	[sflag:s22] =	ssyncadd.s32 $0xFFFFC000  }
0x97: {  	[tilespmem:s21], [sflag:$0x1] =	stream.indirect.gather [hbm4b:s4+s26], $0x80, s14, s26, $0xb8;
	[tilespmem:$0x1D000] =	vst v63  }
0x98: {  	_ =	swait.ge [sflag:s30], $0x4000  }
0x99: {  	[sflag:s30] =	ssyncset.done $0x0  }
0x9a: {  	s14 =	sor.u32 $0x14880, s13;
	[sflag:s30] =	ssyncadd.s32 $0xFFFFC000  }
0x9b: {  	[spmem:s2] =	stream.indirect.scatter.add.f32 [tilespmem:s28], [sflag:$0x4], $0x80, s14, s26, $0xb8;
	[tilespmem:$0x1D000] =	vst v63  }
0x9c: {  	_ =	swait.ge [sflag:s22], $0x4000  }
0x9d: {  	[sflag:s22] =	ssyncset.done $0x0  }
0x9e: {  	s14 =	sor.u32 $0x14180, s13;
	[sflag:s22] =	ssyncadd.s32 $0xFFFFC000  }
0x9f: {  	[tilespmem:s28], [sflag:$0x2] =	stream.indirect.gather [hbm4b:s4+s26], $0x80, s14, s26, $0xb8;
	[tilespmem:$0x1D000] =	vst v63  }
0xa0: {  	_ =	swait.ge [sflag:s29], $0x4000  }
0xa1: {  	[sflag:s29] =	ssyncset.done $0x0  }
0xa2: {  	s14 =	sor.u32 $0x14900, s13;
	[sflag:s29] =	ssyncadd.s32 $0xFFFFC000  }
0xa3: {  	[spmem:s2] =	stream.indirect.scatter.add.f32 [tilespmem:s21], [sflag:$0x4], $0x80, s14, s26, $0xb8;
	[tilespmem:$0x1D000] =	vst v63  }
0xa4: {  	_ =	swait.ge [sflag:s22], $0x4000  }
0xa5: {  	[sflag:s22] =	ssyncset.done $0x0  }
0xa6: {  	s14 =	sor.u32 $0x14200, s13;
	[sflag:s22] =	ssyncadd.s32 $0xFFFFC000  }
0xa7: {  	[tilespmem:s21], [sflag:$0x1] =	stream.indirect.gather [hbm4b:s4+s26], $0x80, s14, s26, $0xb8;
	[tilespmem:$0x1D000] =	vst v63  }
0xa8: {  	_ =	swait.ge [sflag:s30], $0x4000  }
0xa9: {  	[sflag:s30] =	ssyncset.done $0x0  }
0xaa: {  	s14 =	sor.u32 $0x14980, s13;
	[sflag:s30] =	ssyncadd.s32 $0xFFFFC000  }
0xab: {  	[spmem:s2] =	stream.indirect.scatter.add.f32 [tilespmem:s28], [sflag:$0x4], $0x80, s14, s26, $0xb8;
	[tilespmem:$0x1D000] =	vst v63  }
0xac: {  	_ =	swait.ge [sflag:s22], $0x4000  }
0xad: {  	[sflag:s22] =	ssyncset.done $0x0  }
0xae: {  	s14 =	sor.u32 $0x14280, s13;
	[sflag:s22] =	ssyncadd.s32 $0xFFFFC000  }
0xaf: {  	[tilespmem:s28], [sflag:$0x2] =	stream.indirect.gather [hbm4b:s4+s26], $0x80, s14, s26, $0xb8;
	[tilespmem:$0x1D000] =	vst v63  }
0xb0: {  	_ =	swait.ge [sflag:s29], $0x4000  }
0xb1: {  	[sflag:s29] =	ssyncset.done $0x0  }
0xb2: {  	s14 =	sor.u32 $0x14A00, s13;
	[sflag:s29] =	ssyncadd.s32 $0xFFFFC000  }
0xb3: {  	[spmem:s2] =	stream.indirect.scatter.add.f32 [tilespmem:s21], [sflag:$0x4], $0x80, s14, s26, $0xb8;
	[tilespmem:$0x1D000] =	vst v63  }
0xb4: {  	_ =	swait.ge [sflag:s22], $0x4000  }
0xb5: {  	[sflag:s22] =	ssyncset.done $0x0  }
0xb6: {  	s14 =	sor.u32 $0x14300, s13;
	[sflag:s22] =	ssyncadd.s32 $0xFFFFC000  }
0xb7: {  	[tilespmem:s21], [sflag:$0x1] =	stream.indirect.gather [hbm4b:s4+s26], $0x80, s14, s26, $0xb8;
	[tilespmem:$0x1D000] =	vst v63  }
0xb8: {  	_ =	swait.ge [sflag:s30], $0x4000  }
0xb9: {  	[sflag:s30] =	ssyncset.done $0x0  }
0xba: {  	s14 =	sor.u32 $0x14A80, s13;
	[sflag:s30] =	ssyncadd.s32 $0xFFFFC000  }
0xbb: {  	[spmem:s2] =	stream.indirect.scatter.add.f32 [tilespmem:s28], [sflag:$0x4], $0x80, s14, s26, $0xb8;
	[tilespmem:$0x1D000] =	vst v63  }
0xbc: {  	_ =	swait.ge [sflag:s22], $0x4000  }
0xbd: {  	[sflag:s22] =	ssyncset.done $0x0  }
0xbe: {  	s14 =	sor.u32 $0x14380, s13;
	[sflag:s22] =	ssyncadd.s32 $0xFFFFC000  }
0xbf: {  	[tilespmem:s28], [sflag:$0x2] =	stream.indirect.gather [hbm4b:s4+s26], $0x80, s14, s26, $0xb8;
	[tilespmem:$0x1D000] =	vst v63  }
0xc0: {  	_ =	swait.ge [sflag:s29], $0x4000  }
0xc1: {  	[sflag:s29] =	ssyncset.done $0x0  }
0xc2: {  	s13 =	sor.u32 $0x14B00, s13;
	[sflag:s29] =	ssyncadd.s32 $0xFFFFC000  }
0xc3: {  	[spmem:s2] =	stream.indirect.scatter.add.f32 [tilespmem:s21], [sflag:$0x4], $0x80, s13, s26, $0xb8;
	[tilespmem:$0x1D000] =	vst v63  }
0xc4: {  	_ =	swait.ge [sflag:s22], $0x4000  }
0xc5: {  	[sflag:s22] =	ssyncset.done $0x0  }
0xc6: {  	s13 =	simm.s32 @!p0 $0x3;
	[sflag:s22] =	ssyncadd.s32 $0xFFFFC000  }
0xc7: {  	_ =	swait.ge @!p0 [sflag:s13], $0x400  }
0xc8: {  	[sflag:s13] =	ssyncset.done @!p0 $0x0  }
0xc9: {  	[sflag:s13] =	ssyncadd.s32 @!p0 $0xFFFFFC00  }
0xca: {  	_ =	swait.ge @!p0 [sflag:s13], $0x400  }
0xcb: {  	[sflag:s13] =	ssyncset.done @!p0 $0x0  }
0xcc: {  	s14 =	simm.s32 @!p0 $0x15000;
	[sflag:s13] =	ssyncadd.s32 @!p0 $0xFFFFFC00;
	s13 =	simm.s32 @!p0 $0x80  }
0xcd: {  	[tilespmem:s14], [sflag:$0x1] =	stream.indirect.gather @!p0 [hbm4b:s4+s13], $0x80, s12, s13, $0xb8;
	[tilespmem:$0x1D000] =	vst v63  }
0xce: {  	s0 =	sadd.s32 $0x80, s0;
	_ =	swait.ge [sflag:s30], $0x4000  }
.Ltmp0:
0xcf: {  	s1 =	sadd.s32 $0x80, s1;
	[sflag:s30] =	ssyncset.done $0x0;
	(pc) =	sbr.rel @p1 .LBB2_2-.Ltmp0, $4  }
0xd0: {  	s11 =	sor.u32 $0x14800, s11;
	s13 =	sand.u32 $0x1, s5;
	[sflag:s30] =	ssyncadd.s32 $0xFFFFC000  }
0xd1: {  	[spmem:s2] =	stream.indirect.scatter.add.f32 [tilespmem:s28], [sflag:$0x4], $0x80, s11, s26, $0xb8;
	[tilespmem:$0x1D000] =	vst v63  }
0xd2: {  	p0 =	seq.s32 s5, $0x9;
	s11 =	sxor.u32 $0x1, s13;
	_ =	swait.ge [sflag:s22], $0x4000  }
0xd3: {  	s14 =	simm.s32 @!p0 $0x0;
	s11 =	sshll.u32 @!p0 s11, $0xA;
	[sflag:s22] =	ssyncset.done $0x0  }
0xd4: {  	s5 =	sor.u32 @!p0 $0x14000, s11;
	[sflag:s22] =	ssyncadd.s32 $0xFFFFC000  }
0xd5: {  	[tilespmem:s5], [sflag:$0x3] =	stream.linear.gather @!p0 [hbm4b:s0+s14], $0x400, $0x38;
	[tilespmem:$0x1D000] =	vst v63  }
0xd6: {  	s0 =	sor.u32 @!p0 $0x14800, s11  }
0xd7: {  	[tilespmem:s0], [sflag:$0x3] =	stream.linear.gather @!p0 [hbm4b:s1+s14], $0x400, $0x38;
	[tilespmem:$0x1D000] =	vst v63  }
0xd8: {  	s0 =	sshll.u32 s13, $0xA  }
0xd9: {  	s12 =	sor.u32 $0x14080, s0  }
0xda: {  	[tilespmem:s28], [sflag:$0x2] =	stream.indirect.gather [hbm4b:s4+s26], $0x80, s12, s26, $0xb8;
	[tilespmem:$0x1D000] =	vst v63  }
0xdb: {  	_ =	swait.ge [sflag:s29], $0x4000  }
0xdc: {  	[sflag:s29] =	ssyncset.done $0x0  }
0xdd: {  	s13 =	sor.u32 $0x14800, s0;
	[sflag:s29] =	ssyncadd.s32 $0xFFFFC000  }
0xde: {  	[spmem:s2] =	stream.indirect.scatter.add.f32 [tilespmem:s21], [sflag:$0x4], $0x80, s13, s26, $0xb8;
	[tilespmem:$0x1D000] =	vst v63  }
0xdf: {  	_ =	swait.ge [sflag:s22], $0x4000  }
0xe0: {  	[sflag:s22] =	ssyncset.done $0x0  }
0xe1: {  	s14 =	sor.u32 $0x14100, s0;
	[sflag:s22] =	ssyncadd.s32 $0xFFFFC000  }
0xe2: {  	[tilespmem:s21], [sflag:$0x1] =	stream.indirect.gather [hbm4b:s4+s26], $0x80, s14, s26, $0xb8;
	[tilespmem:$0x1D000] =	vst v63  }
0xe3: {  	_ =	swait.ge [sflag:s30], $0x4000  }
0xe4: {  	[sflag:s30] =	ssyncset.done $0x0  }
0xe5: {  	s15 =	sor.u32 $0x14880, s0;
	[sflag:s30] =	ssyncadd.s32 $0xFFFFC000  }
0xe6: {  	[spmem:s2] =	stream.indirect.scatter.add.f32 [tilespmem:s28], [sflag:$0x4], $0x80, s15, s26, $0xb8;
	[tilespmem:$0x1D000] =	vst v63  }
0xe7: {  	_ =	swait.ge [sflag:s22], $0x4000  }
0xe8: {  	[sflag:s22] =	ssyncset.done $0x0  }
0xe9: {  	s24 =	sor.u32 $0x14180, s0;
	[sflag:s22] =	ssyncadd.s32 $0xFFFFC000  }
0xea: {  	[tilespmem:s28], [sflag:$0x2] =	stream.indirect.gather [hbm4b:s4+s26], $0x80, s24, s26, $0xb8;
	[tilespmem:$0x1D000] =	vst v63  }
0xeb: {  	_ =	swait.ge [sflag:s29], $0x4000  }
0xec: {  	[sflag:s29] =	ssyncset.done $0x0  }
0xed: {  	s11 =	sor.u32 $0x14900, s0;
	[sflag:s29] =	ssyncadd.s32 $0xFFFFC000  }
0xee: {  	[spmem:s2] =	stream.indirect.scatter.add.f32 [tilespmem:s21], [sflag:$0x4], $0x80, s11, s26, $0xb8;
	[tilespmem:$0x1D000] =	vst v63  }
0xef: {  	_ =	swait.ge [sflag:s22], $0x4000  }
0xf0: {  	[sflag:s22] =	ssyncset.done $0x0  }
0xf1: {  	s12 =	sor.u32 $0x14200, s0;
	[sflag:s22] =	ssyncadd.s32 $0xFFFFC000  }
0xf2: {  	[tilespmem:s21], [sflag:$0x1] =	stream.indirect.gather [hbm4b:s4+s26], $0x80, s12, s26, $0xb8;
	[tilespmem:$0x1D000] =	vst v63  }
0xf3: {  	_ =	swait.ge [sflag:s30], $0x4000  }
0xf4: {  	[sflag:s30] =	ssyncset.done $0x0  }
0xf5: {  	s13 =	sor.u32 $0x14980, s0;
	[sflag:s30] =	ssyncadd.s32 $0xFFFFC000  }
0xf6: {  	[spmem:s2] =	stream.indirect.scatter.add.f32 [tilespmem:s28], [sflag:$0x4], $0x80, s13, s26, $0xb8;
	[tilespmem:$0x1D000] =	vst v63  }
0xf7: {  	_ =	swait.ge [sflag:s22], $0x4000  }
0xf8: {  	[sflag:s22] =	ssyncset.done $0x0  }
0xf9: {  	s14 =	sor.u32 $0x14280, s0;
	[sflag:s22] =	ssyncadd.s32 $0xFFFFC000  }
0xfa: {  	[tilespmem:s28], [sflag:$0x2] =	stream.indirect.gather [hbm4b:s4+s26], $0x80, s14, s26, $0xb8;
	[tilespmem:$0x1D000] =	vst v63  }
0xfb: {  	_ =	swait.ge [sflag:s29], $0x4000  }
0xfc: {  	[sflag:s29] =	ssyncset.done $0x0  }
0xfd: {  	s15 =	sor.u32 $0x14A00, s0;
	[sflag:s29] =	ssyncadd.s32 $0xFFFFC000  }
0xfe: {  	[spmem:s2] =	stream.indirect.scatter.add.f32 [tilespmem:s21], [sflag:$0x4], $0x80, s15, s26, $0xb8;
	[tilespmem:$0x1D000] =	vst v63  }
0xff: {  	_ =	swait.ge [sflag:s22], $0x4000  }
0x100: {  	[sflag:s22] =	ssyncset.done $0x0  }
0x101: {  	s24 =	sor.u32 $0x14300, s0;
	[sflag:s22] =	ssyncadd.s32 $0xFFFFC000  }
0x102: {  	[tilespmem:s21], [sflag:$0x1] =	stream.indirect.gather [hbm4b:s4+s26], $0x80, s24, s26, $0xb8;
	[tilespmem:$0x1D000] =	vst v63  }
0x103: {  	_ =	swait.ge [sflag:s30], $0x4000  }
0x104: {  	[sflag:s30] =	ssyncset.done $0x0  }
0x105: {  	s11 =	sor.u32 $0x14A80, s0;
	[sflag:s30] =	ssyncadd.s32 $0xFFFFC000  }
0x106: {  	[spmem:s2] =	stream.indirect.scatter.add.f32 [tilespmem:s28], [sflag:$0x4], $0x80, s11, s26, $0xb8;
	[tilespmem:$0x1D000] =	vst v63  }
0x107: {  	_ =	swait.ge [sflag:s22], $0x4000  }
0x108: {  	[sflag:s22] =	ssyncset.done $0x0  }
0x109: {  	s12 =	sor.u32 $0x14380, s0;
	[sflag:s22] =	ssyncadd.s32 $0xFFFFC000  }
0x10a: {  	[tilespmem:s28], [sflag:$0x2] =	stream.indirect.gather [hbm4b:s4+s26], $0x80, s12, s26, $0xb8;
	[tilespmem:$0x1D000] =	vst v63  }
0x10b: {  	_ =	swait.ge [sflag:s29], $0x4000  }
0x10c: {  	[sflag:s29] =	ssyncset.done $0x0  }
0x10d: {  	s13 =	sor.u32 $0x14B00, s0;
	[sflag:s29] =	ssyncadd.s32 $0xFFFFC000  }
0x10e: {  	[spmem:s2] =	stream.indirect.scatter.add.f32 [tilespmem:s21], [sflag:$0x4], $0x80, s13, s26, $0xb8;
	[tilespmem:$0x1D000] =	vst v63  }
0x10f: {  	_ =	swait.ge [sflag:s22], $0x4000  }
0x110: {  	[sflag:s22] =	ssyncset.done $0x0  }
0x111: {  	s1 =	simm.s32 @!p0 $0x3;
	[sflag:s22] =	ssyncadd.s32 $0xFFFFC000  }
0x112: {  	_ =	swait.ge @!p0 [sflag:s1], $0x400  }
0x113: {  	[sflag:s1] =	ssyncset.done @!p0 $0x0  }
0x114: {  	[sflag:s1] =	ssyncadd.s32 @!p0 $0xFFFFFC00  }
0x115: {  	_ =	swait.ge @!p0 [sflag:s1], $0x400  }
0x116: {  	[sflag:s1] =	ssyncset.done @!p0 $0x0  }
0x117: {  	s11 =	simm.s32 @!p0 $0x15000;
	[sflag:s1] =	ssyncadd.s32 @!p0 $0xFFFFFC00;
	s1 =	simm.s32 @!p0 $0x80  }
0x118: {  	[tilespmem:s11], [sflag:$0x1] =	stream.indirect.gather @!p0 [hbm4b:s4+s1], $0x80, s5, s1, $0xb8;
	[tilespmem:$0x1D000] =	vst v63  }
0x119: {  	_ =	swait.ge [sflag:s30], $0x4000  }
0x11a: {  	s0 =	sor.u32 $0x380, s0;
	[sflag:s30] =	ssyncset.done $0x0  }
0x11b: {  	s0 =	sor.u32 $0x14800, s0;
	[sflag:s30] =	ssyncadd.s32 $0xFFFFC000  }
0x11c: {  	[spmem:s2] =	stream.indirect.scatter.add.f32 [tilespmem:s28], [sflag:$0x4], $0x80, s0, s26, $0xb8;
	[tilespmem:$0x1D000] =	vst v63  }
0x11d: {  	_ =	swait.ge [sflag:s22], $0x4000  }
0x11e: {  	[sflag:s22] =	ssyncset.done $0x0  }
0x11f: {  	[sflag:s22] =	ssyncadd.s32 $0xFFFFC000  }
0x120: {  	[bflag:$0x0] =	sbarrier.arrive $0xFFFF  }
0x121: {  	[tilespmem:s21], [sflag:$0x4] =	stream.linear.gather [spmem:s6], $0x4000, $0x38;
	[tilespmem:$0x1D000] =	vst v63  }
0x122: {  	_ =	swait.ge [sflag:s22], $0x4000  }
0x123: {  	[sflag:s22] =	ssyncset.done $0x0  }
0x124: {  	[sflag:s22] =	ssyncadd.s32 $0xFFFFC000  }
0x125: {  	[tilespmem:s28], [sflag:$0x3] =	stream.linear.gather [spmem:s7], $0x4000, $0x38;
	[tilespmem:$0x1D000] =	vst v63  }
0x126: {  	s14 =	rddreg [dreg:$0x7]  }
0x127: {  	[hbm4b:s14+s3] =	stream.linear.scatter [tilespmem:s21], [sflag:$0x4], $0x4000, $0x38;
	[tilespmem:$0x1D000] =	vst v63  }
0x128: {  	_ =	swait.ge [sflag:s22], $0x4000  }
0x129: {  	[sflag:s22] =	ssyncset.done $0x0  }
0x12a: {  	[sflag:s22] =	ssyncadd.s32 $0xFFFFC000  }
0x12b: {  	_ =	swait.ge [sflag:s25], $0x4000  }
0x12c: {  	[sflag:s25] =	ssyncset.done $0x0  }
0x12d: {  	[sflag:s25] =	ssyncadd.s32 $0xFFFFC000  }
0x12e: {  	[tilespmem:s21], [sflag:$0x3] =	stream.linear.gather [spmem:s8], $0x4000, $0x38;
	[tilespmem:$0x1D000] =	vst v63  }
0x12f: {  	s15 =	rddreg [dreg:$0x8]  }
0x130: {  	[hbm4b:s15+s3] =	stream.linear.scatter [tilespmem:s28], [sflag:$0x4], $0x4000, $0x38;
	[tilespmem:$0x1D000] =	vst v63  }
0x131: {  	_ =	swait.ge [sflag:s22], $0x4000  }
0x132: {  	[sflag:s22] =	ssyncset.done $0x0  }
0x133: {  	[sflag:s22] =	ssyncadd.s32 $0xFFFFC000  }
0x134: {  	_ =	swait.ge [sflag:s25], $0x4000  }
0x135: {  	[sflag:s25] =	ssyncset.done $0x0  }
0x136: {  	[sflag:s25] =	ssyncadd.s32 $0xFFFFC000  }
0x137: {  	[tilespmem:s28], [sflag:$0x3] =	stream.linear.gather [spmem:s9], $0x4000, $0x38;
	[tilespmem:$0x1D000] =	vst v63  }
0x138: {  	s24 =	rddreg [dreg:$0x9]  }
0x139: {  	[hbm4b:s24+s3] =	stream.linear.scatter [tilespmem:s21], [sflag:$0x4], $0x4000, $0x38;
	[tilespmem:$0x1D000] =	vst v63  }
0x13a: {  	_ =	swait.ge [sflag:s22], $0x4000  }
0x13b: {  	[sflag:s22] =	ssyncset.done $0x0  }
0x13c: {  	[sflag:s22] =	ssyncadd.s32 $0xFFFFC000  }
0x13d: {  	_ =	swait.ge [sflag:s25], $0x4000  }
0x13e: {  	[sflag:s25] =	ssyncset.done $0x0  }
0x13f: {  	[sflag:s25] =	ssyncadd.s32 $0xFFFFC000  }
0x140: {  	[tilespmem:s21], [sflag:$0x3] =	stream.linear.gather [spmem:s10], $0x4000, $0x38;
	[tilespmem:$0x1D000] =	vst v63  }
0x141: {  	_ = 	snop  }
0x142: {  	[hbm4b:s16+s3] =	stream.linear.scatter [tilespmem:s28], [sflag:$0x4], $0x4000, $0x38;
	[tilespmem:$0x1D000] =	vst v63  }
0x143: {  	_ =	swait.ge [sflag:s22], $0x4000  }
0x144: {  	[sflag:s22] =	ssyncset.done $0x0  }
0x145: {  	[sflag:s22] =	ssyncadd.s32 $0xFFFFC000  }
0x146: {  	s31 =	sadd.s32 $0x1, s31;
	_ =	swait.ge [sflag:s25], $0x4000  }
0x147: {  	p0 =	sne.s32 s31, s18;
	[sflag:s25] =	ssyncset.done $0x0  }
.Ltmp1:
0x148: {  	[sflag:s25] =	ssyncadd.s32 $0xFFFFC000;
	(pc) =	sbr.rel @p0 .LBB2_1-.Ltmp1, $4  }
0x149: {  	[hbm4b:s17+s3] =	stream.linear.scatter [tilespmem:s21], [sflag:$0x4], $0x4000, $0x38;
	[tilespmem:$0x1D000] =	vst v63  }
0x14a: {  	_ =	swait.ge [sflag:s22], $0x4000  }
0x14b: {  	[sflag:s22] =	ssyncset.done $0x0  }
0x14c: {  	[sflag:s22] =	ssyncadd.s32 $0xFFFFC000  }
0x14d: {  	_ =	sfence.sel $0x180000  }
0x14e: {  	[bflag:$0x0] =	sbarrier.arrive $0xFFFF  }
0x14f: {  	_ =	strace $0x90000047  }
0x150: {  	s0 =	stileid.u32;
	[bflag:$0x2] =	sbarrier.arrive $0xFFFF  }
0x151: {  	p0 =	sne.s32 s0, $0x0;
	s0 =	rddreg [dreg:$0x3]  }
0x152: {  	s0 =	sadd.s32 @!p0 $0x100000, s0  }
0x153: {  	[sflag:s0] =	ssyncadd.tile.s32 @!p0 $0x1;
	_ =	shalt  }
.Lfunc_end2:
_tile_overlayer_lowered:
.L_overlay_start_2:
0x154: {  	(tag) =	ssettag $0x2  }
0x155: {  	s0 =	rddreg [dreg:$0x0];
	s2 =	stileid.u32  }
0x156: {  	s1 =	rddreg [dreg:$0x1];
	p0 =	sne.s32 s2, $0x0  }
0x157: {  	s3 =	rddreg [dreg:$0x2];
	[bflag:$0x3] =	sbarrier.arrive $0xFFFF;
	s2 =	simm.s32 @!p0 $0x1C04  }
0x158: {  	[timem:s3], [sflag:s2] =	dma.local @!p0 [hbm:s0], s1  }
0x159: {  	s0 =	simm.s32 @!p0 $0x4  }
0x15a: {  	_ =	swait.ge @!p0 [sflag:s0], s1  }
0x15b: {  	s1 =	ssub.s32 @!p0 $0x0, s1;
	[sflag:s0] =	ssyncset.done @!p0 $0x0  }
0x15c: {  	[sflag:s0] =	ssyncadd.s32 @!p0 s1  }
0x15d: {  	[bflag:$0x3] =	sbarrier.arrive $0xFFFF  }
0x15e: {  	_ =	shalt  }

</sc_bundles>
